<compile_context>
chip_gen: v7x
topology: tpu7x:2x2x1
jax: 0.10.2.dev20260603
libtpu: 0.0.44.dev20260713+nightly
codegen_flags: <defaults>
</compile_context>

<pallas_src>
import functools

import jax
import jax.numpy as jnp
from jax import lax
from jax.experimental import pallas as pl
from jax.experimental.pallas import tpu as pltpu
from jax.experimental.pallas import tpu_sc as plsc

_NC = 2
_NS = 16
_NW = _NC * _NS
_CS = 8
_NBUF = 3


def _sc_body(x_hbm, emb_hbm, out_hbm, *refs):
    S, B, D = x_hbm.shape
    rows_per_w = S // _NW
    n_chunks = rows_per_w // _CS
    nd = D // 16

    xbufs = refs[0:_NBUF]
    ebufs = refs[_NBUF:2 * _NBUF]
    sxs = refs[2 * _NBUF:3 * _NBUF]
    ses = refs[3 * _NBUF:4 * _NBUF]
    sos = refs[4 * _NBUF:5 * _NBUF]

    c = lax.axis_index("c")
    s = lax.axis_index("s")
    wid = s * _NC + c
    row0 = wid * rows_per_w

    def start_in(k, b):
        r = row0 + k * _CS
        cx = pltpu.make_async_copy(x_hbm.at[pl.ds(r, _CS)], xbufs[b], sxs[b])
        ce = pltpu.make_async_copy(emb_hbm.at[pl.ds(r, _CS)], ebufs[b], ses[b])
        cx.start()
        ce.start()
        return cx, ce

    def start_out(k, b):
        r = row0 + k * _CS
        co = pltpu.make_async_copy(xbufs[b], out_hbm.at[pl.ds(r, _CS)], sos[b])
        co.start()
        return co

    pending_in = [None] * _NBUF
    pending_out = [None] * _NBUF
    for b in range(_NBUF - 1):
        pending_in[b] = start_in(b, b)

    for k in range(n_chunks):
        b = k % _NBUF
        cx, ce = pending_in[b]
        pending_in[b] = None
        cx.wait()
        ce.wait()

        kn = k + _NBUF - 1
        if kn < n_chunks:
            nb = kn % _NBUF
            if pending_out[nb] is not None:
                pending_out[nb].wait()
                pending_out[nb] = None
            pending_in[nb] = start_in(kn, nb)

        xbuf = xbufs[b]
        ebuf = ebufs[b]

        @plsc.parallel_loop(0, _CS * nd, unroll=4)
        def _(t, xbuf=xbuf, ebuf=ebuf):
            si = t // nd
            o = (t % nd) * 16
            e = ebuf[si, pl.ds(o, 16)]
            for bb in range(B):
                plsc.addupdate(xbuf.at[si, bb, pl.ds(o, 16)], e)

        pending_out[b] = start_out(k, b)

    for b in range(_NBUF):
        if pending_out[b] is not None:
            pending_out[b].wait()


def kernel(x, emb_table):
    S, B, D = x.shape
    mesh = plsc.VectorSubcoreMesh(core_axis_name="c", subcore_axis_name="s")
    scratch = (
        [pltpu.VMEM((_CS, B, D), jnp.float32) for _ in range(_NBUF)]
        + [pltpu.VMEM((_CS, D), jnp.float32) for _ in range(_NBUF)]
        + [pltpu.SemaphoreType.DMA for _ in range(3 * _NBUF)]
    )
    f = functools.partial(
        pl.kernel,
        out_type=jax.ShapeDtypeStruct((S, B, D), x.dtype),
        mesh=mesh,
        scratch_types=scratch,
    )(_sc_body)
    return f(x, emb_table)

# --- scband reference (transcript-rebuilt; emitter-appended) ---
"""Pipeline reference for scband-learned-positional-encoding-76192719831102 (READ-ONLY COPY).

The authoritative reference and input builder live on the scoring server;
editing this copy changes nothing except your own understanding.
"""

import jax, jax.numpy as jnp
import numpy as np

SEQ_LEN = 4096
BATCH = 4
D_MODEL = 1024
MAX_LEN = 8192


def setup_inputs(seed: int = 0) -> dict:
    key = jax.random.key(seed)
    k_x, k_emb = jax.random.split(key)
    x = jax.random.normal(k_x, (SEQ_LEN, BATCH, D_MODEL), dtype=jnp.float32)
    # learned positional embedding table (nn.Embedding weight), N(0,1) init like torch default
    emb_table = jax.random.normal(k_emb, (MAX_LEN, D_MODEL), dtype=jnp.float32)
    return {"x": x, "emb_table": emb_table}


def reference(x, emb_table):
    # positions: (seq_len, 1)
    seq_len = x.shape[0]
    positions = jnp.arange(seq_len)[:, None]
    # embedding lookup -> (seq_len, 1, d_model)
    pos_emb = jnp.take(emb_table, positions, axis=0)
    # dropout is identity in eval/inference mode
    return x + pos_emb

if __name__ == "__main__":
    import jax
    _d = setup_inputs()
    print(jax.jit(kernel)(*tuple(_d.values())))

</pallas_src>

<mosaic_0001>
#map = affine_map<(d0, d1) -> (0, 0, 0)>
#map1 = affine_map<(d0, d1) -> (0, 0)>
module attributes {stable_mosaic.version = 14 : i64} {
  func.func @_sc_body(%arg0: i32, %arg1: i32, %arg2: memref<4096x4x1024xf32, #tpu.memory_space<hbm>>, %arg3: memref<8192x1024xf32, #tpu.memory_space<hbm>>, %arg4: memref<4096x4x1024xf32, #tpu.memory_space<hbm>>, %arg5: memref<8x4x1024xf32, #tpu.memory_space<vmem>>, %arg6: memref<8x4x1024xf32, #tpu.memory_space<vmem>>, %arg7: memref<8x4x1024xf32, #tpu.memory_space<vmem>>, %arg8: memref<8x1024xf32, #tpu.memory_space<vmem>>, %arg9: memref<8x1024xf32, #tpu.memory_space<vmem>>, %arg10: memref<8x1024xf32, #tpu.memory_space<vmem>>, %arg11: memref<!tpu.dma_semaphore, #tpu.memory_space<semaphore_mem>>, %arg12: memref<!tpu.dma_semaphore, #tpu.memory_space<semaphore_mem>>, %arg13: memref<!tpu.dma_semaphore, #tpu.memory_space<semaphore_mem>>, %arg14: memref<!tpu.dma_semaphore, #tpu.memory_space<semaphore_mem>>, %arg15: memref<!tpu.dma_semaphore, #tpu.memory_space<semaphore_mem>>, %arg16: memref<!tpu.dma_semaphore, #tpu.memory_space<semaphore_mem>>, %arg17: memref<!tpu.dma_semaphore, #tpu.memory_space<semaphore_mem>>, %arg18: memref<!tpu.dma_semaphore, #tpu.memory_space<semaphore_mem>>, %arg19: memref<!tpu.dma_semaphore, #tpu.memory_space<semaphore_mem>>) attributes {dimension_semantics = [#tpu.dimension_semantics<core_parallel>, #tpu.dimension_semantics<subcore_parallel>], iteration_bounds = array<i64: 2, 16>, scalar_prefetch = 0 : i64, scratch_operands = 15 : i64, tpu.core_type = #tpu.core_type<sc_vector_subcore>, window_params = [{transform_indices = #map}, {transform_indices = #map1}, {transform_indices = #map}]} {
    %mul3A = arith.constant 2 : i32
    %mul3A_0 = arith.muli %arg1, %mul3A : i32
    %add3A = arith.addi %mul3A_0, %arg0 : i32
    %mul3A_1 = arith.constant 128 : i32
    %mul3A_2 = arith.muli %add3A, %mul3A_1 : i32
    %add3A_3 = arith.constant 0 : i32
    %add3A_4 = arith.addi %mul3A_2, %add3A_3 : i32
    %dma_start3A = arith.constant 0 : i32
    %dma_start3A_5 = arith.constant 0 : i32
    %dma_start3A_6 = tpu.memref_slice %arg2[%add3A_4, %dma_start3A, %dma_start3A_5] : memref<4096x4x1024xf32, #tpu.memory_space<hbm>> -> memref<8x4x1024xf32, #tpu.memory_space<hbm>>
    %dma_start3A_7 = arith.constant 0 : i32
    %dma_start3A_8 = arith.constant 0 : i32
    %dma_start3A_9 = tpu.memref_slice %arg2[%add3A_4, %dma_start3A_7, %dma_start3A_8] : memref<4096x4x1024xf32, #tpu.memory_space<hbm>> -> memref<8x4x1024xf32, #tpu.memory_space<hbm>>
    tpu.enqueue_dma source(%dma_start3A_9 : memref<8x4x1024xf32, #tpu.memory_space<hbm>>) target(%arg5 : memref<8x4x1024xf32, #tpu.memory_space<vmem>>) target_semaphore(%arg11 : memref<!tpu.dma_semaphore, #tpu.memory_space<semaphore_mem>>)
    %dma_start3A_10 = arith.constant 0 : i32
    %dma_start3A_11 = tpu.memref_slice %arg3[%add3A_4, %dma_start3A_10] : memref<8192x1024xf32, #tpu.memory_space<hbm>> -> memref<8x1024xf32, #tpu.memory_space<hbm>>
    %dma_start3A_12 = arith.constant 0 : i32
    %dma_start3A_13 = tpu.memref_slice %arg3[%add3A_4, %dma_start3A_12] : memref<8192x1024xf32, #tpu.memory_space<hbm>> -> memref<8x1024xf32, #tpu.memory_space<hbm>>
    tpu.enqueue_dma source(%dma_start3A_13 : memref<8x1024xf32, #tpu.memory_space<hbm>>) target(%arg8 : memref<8x1024xf32, #tpu.memory_space<vmem>>) target_semaphore(%arg14 : memref<!tpu.dma_semaphore, #tpu.memory_space<semaphore_mem>>)
    %add3A_14 = arith.constant 8 : i32
    %add3A_15 = arith.addi %mul3A_2, %add3A_14 : i32
    %dma_start3A_16 = arith.constant 0 : i32
    %dma_start3A_17 = arith.constant 0 : i32
    %dma_start3A_18 = tpu.memref_slice %arg2[%add3A_15, %dma_start3A_16, %dma_start3A_17] : memref<4096x4x1024xf32, #tpu.memory_space<hbm>> -> memref<8x4x1024xf32, #tpu.memory_space<hbm>>
    %dma_start3A_19 = arith.constant 0 : i32
    %dma_start3A_20 = arith.constant 0 : i32
    %dma_start3A_21 = tpu.memref_slice %arg2[%add3A_15, %dma_start3A_19, %dma_start3A_20] : memref<4096x4x1024xf32, #tpu.memory_space<hbm>> -> memref<8x4x1024xf32, #tpu.memory_space<hbm>>
    tpu.enqueue_dma source(%dma_start3A_21 : memref<8x4x1024xf32, #tpu.memory_space<hbm>>) target(%arg6 : memref<8x4x1024xf32, #tpu.memory_space<vmem>>) target_semaphore(%arg12 : memref<!tpu.dma_semaphore, #tpu.memory_space<semaphore_mem>>)
    %dma_start3A_22 = arith.constant 0 : i32
    %dma_start3A_23 = tpu.memref_slice %arg3[%add3A_15, %dma_start3A_22] : memref<8192x1024xf32, #tpu.memory_space<hbm>> -> memref<8x1024xf32, #tpu.memory_space<hbm>>
    %dma_start3A_24 = arith.constant 0 : i32
    %dma_start3A_25 = tpu.memref_slice %arg3[%add3A_15, %dma_start3A_24] : memref<8192x1024xf32, #tpu.memory_space<hbm>> -> memref<8x1024xf32, #tpu.memory_space<hbm>>
    tpu.enqueue_dma source(%dma_start3A_25 : memref<8x1024xf32, #tpu.memory_space<hbm>>) target(%arg9 : memref<8x1024xf32, #tpu.memory_space<vmem>>) target_semaphore(%arg15 : memref<!tpu.dma_semaphore, #tpu.memory_space<semaphore_mem>>)
    %dma_wait3A = arith.constant 0 : i32
    %dma_wait3A_26 = arith.constant 0 : i32
    %dma_wait3A_27 = tpu.memref_slice %arg2[%add3A_4, %dma_wait3A, %dma_wait3A_26] : memref<4096x4x1024xf32, #tpu.memory_space<hbm>> -> memref<8x4x1024xf32, #tpu.memory_space<hbm>>
    %dma_wait3A_28 = arith.constant 0 : i32
    %dma_wait3A_29 = arith.constant 0 : i32
    %dma_wait3A_30 = tpu.memref_slice %arg2[%add3A_4, %dma_wait3A_28, %dma_wait3A_29] : memref<4096x4x1024xf32, #tpu.memory_space<hbm>> -> memref<8x4x1024xf32, #tpu.memory_space<hbm>>
    tpu.wait_dma2 semaphore(%arg11 : memref<!tpu.dma_semaphore, #tpu.memory_space<semaphore_mem>>) src(%dma_wait3A_30 : memref<8x4x1024xf32, #tpu.memory_space<hbm>>) dst(%arg5 : memref<8x4x1024xf32, #tpu.memory_space<vmem>>)
    %dma_wait3A_31 = arith.constant 0 : i32
    %dma_wait3A_32 = tpu.memref_slice %arg3[%add3A_4, %dma_wait3A_31] : memref<8192x1024xf32, #tpu.memory_space<hbm>> -> memref<8x1024xf32, #tpu.memory_space<hbm>>
    %dma_wait3A_33 = arith.constant 0 : i32
    %dma_wait3A_34 = tpu.memref_slice %arg3[%add3A_4, %dma_wait3A_33] : memref<8192x1024xf32, #tpu.memory_space<hbm>> -> memref<8x1024xf32, #tpu.memory_space<hbm>>
    tpu.wait_dma2 semaphore(%arg14 : memref<!tpu.dma_semaphore, #tpu.memory_space<semaphore_mem>>) src(%dma_wait3A_34 : memref<8x1024xf32, #tpu.memory_space<hbm>>) dst(%arg8 : memref<8x1024xf32, #tpu.memory_space<vmem>>)
    %add3A_35 = arith.constant 16 : i32
    %add3A_36 = arith.addi %mul3A_2, %add3A_35 : i32
    %dma_start3A_37 = arith.constant 0 : i32
    %dma_start3A_38 = arith.constant 0 : i32
    %dma_start3A_39 = tpu.memref_slice %arg2[%add3A_36, %dma_start3A_37, %dma_start3A_38] : memref<4096x4x1024xf32, #tpu.memory_space<hbm>> -> memref<8x4x1024xf32, #tpu.memory_space<hbm>>
    %dma_start3A_40 = arith.constant 0 : i32
    %dma_start3A_41 = arith.constant 0 : i32
    %dma_start3A_42 = tpu.memref_slice %arg2[%add3A_36, %dma_start3A_40, %dma_start3A_41] : memref<4096x4x1024xf32, #tpu.memory_space<hbm>> -> memref<8x4x1024xf32, #tpu.memory_space<hbm>>
    tpu.enqueue_dma source(%dma_start3A_42 : memref<8x4x1024xf32, #tpu.memory_space<hbm>>) target(%arg7 : memref<8x4x1024xf32, #tpu.memory_space<vmem>>) target_semaphore(%arg13 : memref<!tpu.dma_semaphore, #tpu.memory_space<semaphore_mem>>)
    %dma_start3A_43 = arith.constant 0 : i32
    %dma_start3A_44 = tpu.memref_slice %arg3[%add3A_36, %dma_start3A_43] : memref<8192x1024xf32, #tpu.memory_space<hbm>> -> memref<8x1024xf32, #tpu.memory_space<hbm>>
    %dma_start3A_45 = arith.constant 0 : i32
    %dma_start3A_46 = tpu.memref_slice %arg3[%add3A_36, %dma_start3A_45] : memref<8192x1024xf32, #tpu.memory_space<hbm>> -> memref<8x1024xf32, #tpu.memory_space<hbm>>
    tpu.enqueue_dma source(%dma_start3A_46 : memref<8x1024xf32, #tpu.memory_space<hbm>>) target(%arg10 : memref<8x1024xf32, #tpu.memory_space<vmem>>) target_semaphore(%arg16 : memref<!tpu.dma_semaphore, #tpu.memory_space<semaphore_mem>>)
    %parallel_loop3A = arith.constant 0 : i32
    %parallel_loop3A_47 = arith.constant 512 : i32
    %parallel_loop3A_48 = arith.constant 1 : i32
    scf.for %parallel_loop3A_624 = %parallel_loop3A to %parallel_loop3A_47 step %parallel_loop3A_48  : i32 {
      %parallel_loop3A_625 = arith.constant 64 : i32
      %parallel_loop3A_626 = arith.divsi %parallel_loop3A_624, %parallel_loop3A_625 : i32
      %parallel_loop3A_627 = arith.constant 0 : i32
      %parallel_loop3A_628 = arith.cmpi sgt, %parallel_loop3A_624, %parallel_loop3A_627 : i32
      %parallel_loop3A_629 = arith.extui %parallel_loop3A_628 : i1 to i32
      %parallel_loop3A_630 = arith.constant 0 : i32
      %parallel_loop3A_631 = arith.cmpi slt, %parallel_loop3A_624, %parallel_loop3A_630 : i32
      %parallel_loop3A_632 = arith.extui %parallel_loop3A_631 : i1 to i32
      %parallel_loop3A_633 = arith.subi %parallel_loop3A_629, %parallel_loop3A_632 : i32
      %parallel_loop3A_634 = arith.constant 0 : i32
      %parallel_loop3A_635 = arith.cmpi sgt, %parallel_loop3A_625, %parallel_loop3A_634 : i32
      %parallel_loop3A_636 = arith.extui %parallel_loop3A_635 : i1 to i32
      %parallel_loop3A_637 = arith.constant 0 : i32
      %parallel_loop3A_638 = arith.cmpi slt, %parallel_loop3A_625, %parallel_loop3A_637 : i32
      %parallel_loop3A_639 = arith.extui %parallel_loop3A_638 : i1 to i32
      %parallel_loop3A_640 = arith.subi %parallel_loop3A_636, %parallel_loop3A_639 : i32
      %parallel_loop3A_641 = arith.cmpi ne, %parallel_loop3A_633, %parallel_loop3A_640 : i32
      %parallel_loop3A_642 = arith.remsi %parallel_loop3A_624, %parallel_loop3A_625 : i32
      %parallel_loop3A_643 = arith.constant 0 : i32
      %parallel_loop3A_644 = arith.cmpi ne, %parallel_loop3A_642, %parallel_loop3A_643 : i32
      %parallel_loop3A_645 = arith.andi %parallel_loop3A_641, %parallel_loop3A_644 : i1
      %parallel_loop3A_646 = arith.constant 1 : i32
      %parallel_loop3A_647 = arith.subi %parallel_loop3A_626, %parallel_loop3A_646 : i32
      %parallel_loop3A_648 = arith.select %parallel_loop3A_645, %parallel_loop3A_647, %parallel_loop3A_626 : i32
      %parallel_loop3A_649 = arith.constant 64 : i32
      %parallel_loop3A_650 = arith.constant 0 : i32
      %parallel_loop3A_651 = arith.cmpi eq, %parallel_loop3A_649, %parallel_loop3A_650 : i32
      %parallel_loop3A_652 = arith.constant 1 : i32
      %parallel_loop3A_653 = arith.select %parallel_loop3A_651, %parallel_loop3A_652, %parallel_loop3A_649 : i32
      %parallel_loop3A_654 = arith.remsi %parallel_loop3A_624, %parallel_loop3A_653 : i32
      %parallel_loop3A_655 = arith.constant 0 : i32
      %parallel_loop3A_656 = arith.cmpi ne, %parallel_loop3A_654, %parallel_loop3A_655 : i32
      %parallel_loop3A_657 = arith.constant 0 : i32
      %parallel_loop3A_658 = arith.cmpi slt, %parallel_loop3A_654, %parallel_loop3A_657 : i32
      %parallel_loop3A_659 = arith.constant 0 : i32
      %parallel_loop3A_660 = arith.cmpi slt, %parallel_loop3A_653, %parallel_loop3A_659 : i32
      %parallel_loop3A_661 = arith.xori %parallel_loop3A_658, %parallel_loop3A_660 : i1
      %parallel_loop3A_662 = arith.andi %parallel_loop3A_661, %parallel_loop3A_656 : i1
      %parallel_loop3A_663 = arith.addi %parallel_loop3A_654, %parallel_loop3A_653 : i32
      %parallel_loop3A_664 = arith.select %parallel_loop3A_662, %parallel_loop3A_663, %parallel_loop3A_654 : i32
      %parallel_loop3A_665 = arith.constant 16 : i32
      %parallel_loop3A_666 = arith.muli %parallel_loop3A_664, %parallel_loop3A_665 : i32
      %parallel_loop3A_667 = arith.index_cast %parallel_loop3A_648 : i32 to index
      %parallel_loop3A_668 = arith.index_cast %parallel_loop3A_666 : i32 to index
      %parallel_loop3A_669 = tpu.vector_load %arg8[%parallel_loop3A_667, %parallel_loop3A_668] {strides = array<i32>} : memref<8x1024xf32, #tpu.memory_space<vmem>>, vector<1x16xf32>,
      %parallel_loop3A_670 = vector.shape_cast %parallel_loop3A_669 : vector<1x16xf32> to vector<16xf32>
      %parallel_loop3A_671 = arith.constant 0 : i32
      %parallel_loop3A_672 = arith.index_cast %parallel_loop3A_648 : i32 to index
      %parallel_loop3A_673 = arith.index_cast %parallel_loop3A_671 : i32 to index
      %parallel_loop3A_674 = arith.index_cast %parallel_loop3A_666 : i32 to index
      %parallel_loop3A_675 = tpu.vector_load %arg5[%parallel_loop3A_672, %parallel_loop3A_673, %parallel_loop3A_674] {strides = array<i32>} : memref<8x4x1024xf32, #tpu.memory_space<vmem>>, vector<1x1x16xf32>,
      %parallel_loop3A_676 = vector.shape_cast %parallel_loop3A_675 : vector<1x1x16xf32> to vector<16xf32>
      %parallel_loop3A_677 = vector.shape_cast %parallel_loop3A_670 : vector<16xf32> to vector<1x1x16xf32>
      tpu.vector_store %arg5[%parallel_loop3A_672, %parallel_loop3A_673, %parallel_loop3A_674], %parallel_loop3A_677 {add = true, strides = array<i32>} : memref<8x4x1024xf32, #tpu.memory_space<vmem>>, vector<1x1x16xf32>,
      %parallel_loop3A_678 = arith.constant 1 : i32
      %parallel_loop3A_679 = arith.index_cast %parallel_loop3A_648 : i32 to index
      %parallel_loop3A_680 = arith.index_cast %parallel_loop3A_678 : i32 to index
      %parallel_loop3A_681 = arith.index_cast %parallel_loop3A_666 : i32 to index
      %parallel_loop3A_682 = tpu.vector_load %arg5[%parallel_loop3A_679, %parallel_loop3A_680, %parallel_loop3A_681] {strides = array<i32>} : memref<8x4x1024xf32, #tpu.memory_space<vmem>>, vector<1x1x16xf32>,
      %parallel_loop3A_683 = vector.shape_cast %parallel_loop3A_682 : vector<1x1x16xf32> to vector<16xf32>
      %parallel_loop3A_684 = vector.shape_cast %parallel_loop3A_670 : vector<16xf32> to vector<1x1x16xf32>
      tpu.vector_store %arg5[%parallel_loop3A_679, %parallel_loop3A_680, %parallel_loop3A_681], %parallel_loop3A_684 {add = true, strides = array<i32>} : memref<8x4x1024xf32, #tpu.memory_space<vmem>>, vector<1x1x16xf32>,
      %parallel_loop3A_685 = arith.constant 2 : i32
      %parallel_loop3A_686 = arith.index_cast %parallel_loop3A_648 : i32 to index
      %parallel_loop3A_687 = arith.index_cast %parallel_loop3A_685 : i32 to index
      %parallel_loop3A_688 = arith.index_cast %parallel_loop3A_666 : i32 to index
      %parallel_loop3A_689 = tpu.vector_load %arg5[%parallel_loop3A_686, %parallel_loop3A_687, %parallel_loop3A_688] {strides = array<i32>} : memref<8x4x1024xf32, #tpu.memory_space<vmem>>, vector<1x1x16xf32>,
      %parallel_loop3A_690 = vector.shape_cast %parallel_loop3A_689 : vector<1x1x16xf32> to vector<16xf32>
      %parallel_loop3A_691 = vector.shape_cast %parallel_loop3A_670 : vector<16xf32> to vector<1x1x16xf32>
      tpu.vector_store %arg5[%parallel_loop3A_686, %parallel_loop3A_687, %parallel_loop3A_688], %parallel_loop3A_691 {add = true, strides = array<i32>} : memref<8x4x1024xf32, #tpu.memory_space<vmem>>, vector<1x1x16xf32>,
      %parallel_loop3A_692 = arith.constant 3 : i32
      %parallel_loop3A_693 = arith.index_cast %parallel_loop3A_648 : i32 to index
      %parallel_loop3A_694 = arith.index_cast %parallel_loop3A_692 : i32 to index
      %parallel_loop3A_695 = arith.index_cast %parallel_loop3A_666 : i32 to index
      %parallel_loop3A_696 = tpu.vector_load %arg5[%parallel_loop3A_693, %parallel_loop3A_694, %parallel_loop3A_695] {strides = array<i32>} : memref<8x4x1024xf32, #tpu.memory_space<vmem>>, vector<1x1x16xf32>,
      %parallel_loop3A_697 = vector.shape_cast %parallel_loop3A_696 : vector<1x1x16xf32> to vector<16xf32>
      %parallel_loop3A_698 = vector.shape_cast %parallel_loop3A_670 : vector<16xf32> to vector<1x1x16xf32>
      tpu.vector_store %arg5[%parallel_loop3A_693, %parallel_loop3A_694, %parallel_loop3A_695], %parallel_loop3A_698 {add = true, strides = array<i32>} : memref<8x4x1024xf32, #tpu.memory_space<vmem>>, vector<1x1x16xf32>,
    } {sc.loop_unroll_factor = 4 : i64, sc.parallel_access}
    %add3A_49 = arith.constant 0 : i32
    %add3A_50 = arith.addi %mul3A_2, %add3A_49 : i32
    %dma_start3A_51 = arith.constant 0 : i32
    %dma_start3A_52 = arith.constant 0 : i32
    %dma_start3A_53 = tpu.memref_slice %arg4[%add3A_50, %dma_start3A_51, %dma_start3A_52] : memref<4096x4x1024xf32, #tpu.memory_space<hbm>> -> memref<8x4x1024xf32, #tpu.memory_space<hbm>>
    %dma_start3A_54 = arith.constant 0 : i32
    %dma_start3A_55 = arith.constant 0 : i32
    %dma_start3A_56 = tpu.memref_slice %arg4[%add3A_50, %dma_start3A_54, %dma_start3A_55] : memref<4096x4x1024xf32, #tpu.memory_space<hbm>> -> memref<8x4x1024xf32, #tpu.memory_space<hbm>>
    tpu.enqueue_dma source(%arg5 : memref<8x4x1024xf32, #tpu.memory_space<vmem>>) target(%dma_start3A_56 : memref<8x4x1024xf32, #tpu.memory_space<hbm>>) target_semaphore(%arg17 : memref<!tpu.dma_semaphore, #tpu.memory_space<semaphore_mem>>)
    %dma_wait3A_57 = arith.constant 0 : i32
    %dma_wait3A_58 = arith.constant 0 : i32
    %dma_wait3A_59 = tpu.memref_slice %arg2[%add3A_15, %dma_wait3A_57, %dma_wait3A_58] : memref<4096x4x1024xf32, #tpu.memory_space<hbm>> -> memref<8x4x1024xf32, #tpu.memory_space<hbm>>
    %dma_wait3A_60 = arith.constant 0 : i32
    %dma_wait3A_61 = arith.constant 0 : i32
    %dma_wait3A_62 = tpu.memref_slice %arg2[%add3A_15, %dma_wait3A_60, %dma_wait3A_61] : memref<4096x4x1024xf32, #tpu.memory_space<hbm>> -> memref<8x4x1024xf32, #tpu.memory_space<hbm>>
    tpu.wait_dma2 semaphore(%arg12 : memref<!tpu.dma_semaphore, #tpu.memory_space<semaphore_mem>>) src(%dma_wait3A_62 : memref<8x4x1024xf32, #tpu.memory_space<hbm>>) dst(%arg6 : memref<8x4x1024xf32, #tpu.memory_space<vmem>>)
    %dma_wait3A_63 = arith.constant 0 : i32
    %dma_wait3A_64 = tpu.memref_slice %arg3[%add3A_15, %dma_wait3A_63] : memref<8192x1024xf32, #tpu.memory_space<hbm>> -> memref<8x1024xf32, #tpu.memory_space<hbm>>
    %dma_wait3A_65 = arith.constant 0 : i32
    %dma_wait3A_66 = tpu.memref_slice %arg3[%add3A_15, %dma_wait3A_65] : memref<8192x1024xf32, #tpu.memory_space<hbm>> -> memref<8x1024xf32, #tpu.memory_space<hbm>>
    tpu.wait_dma2 semaphore(%arg15 : memref<!tpu.dma_semaphore, #tpu.memory_space<semaphore_mem>>) src(%dma_wait3A_66 : memref<8x1024xf32, #tpu.memory_space<hbm>>) dst(%arg9 : memref<8x1024xf32, #tpu.memory_space<vmem>>)
    %dma_wait3A_67 = arith.constant 0 : i32
    %dma_wait3A_68 = arith.constant 0 : i32
    %dma_wait3A_69 = tpu.memref_slice %arg4[%add3A_50, %dma_wait3A_67, %dma_wait3A_68] : memref<4096x4x1024xf32, #tpu.memory_space<hbm>> -> memref<8x4x1024xf32, #tpu.memory_space<hbm>>
    %dma_wait3A_70 = arith.constant 0 : i32
    %dma_wait3A_71 = arith.constant 0 : i32
    %dma_wait3A_72 = tpu.memref_slice %arg4[%add3A_50, %dma_wait3A_70, %dma_wait3A_71] : memref<4096x4x1024xf32, #tpu.memory_space<hbm>> -> memref<8x4x1024xf32, #tpu.memory_space<hbm>>
    tpu.wait_dma2 semaphore(%arg17 : memref<!tpu.dma_semaphore, #tpu.memory_space<semaphore_mem>>) src(%arg5 : memref<8x4x1024xf32, #tpu.memory_space<vmem>>) dst(%dma_wait3A_72 : memref<8x4x1024xf32, #tpu.memory_space<hbm>>)
    %add3A_73 = arith.constant 24 : i32
    %add3A_74 = arith.addi %mul3A_2, %add3A_73 : i32
    %dma_start3A_75 = arith.constant 0 : i32
    %dma_start3A_76 = arith.constant 0 : i32
    %dma_start3A_77 = tpu.memref_slice %arg2[%add3A_74, %dma_start3A_75, %dma_start3A_76] : memref<4096x4x1024xf32, #tpu.memory_space<hbm>> -> memref<8x4x1024xf32, #tpu.memory_space<hbm>>
    %dma_start3A_78 = arith.constant 0 : i32
    %dma_start3A_79 = arith.constant 0 : i32
    %dma_start3A_80 = tpu.memref_slice %arg2[%add3A_74, %dma_start3A_78, %dma_start3A_79] : memref<4096x4x1024xf32, #tpu.memory_space<hbm>> -> memref<8x4x1024xf32, #tpu.memory_space<hbm>>
    tpu.enqueue_dma source(%dma_start3A_80 : memref<8x4x1024xf32, #tpu.memory_space<hbm>>) target(%arg5 : memref<8x4x1024xf32, #tpu.memory_space<vmem>>) target_semaphore(%arg11 : memref<!tpu.dma_semaphore, #tpu.memory_space<semaphore_mem>>)
    %dma_start3A_81 = arith.constant 0 : i32
    %dma_start3A_82 = tpu.memref_slice %arg3[%add3A_74, %dma_start3A_81] : memref<8192x1024xf32, #tpu.memory_space<hbm>> -> memref<8x1024xf32, #tpu.memory_space<hbm>>
    %dma_start3A_83 = arith.constant 0 : i32
    %dma_start3A_84 = tpu.memref_slice %arg3[%add3A_74, %dma_start3A_83] : memref<8192x1024xf32, #tpu.memory_space<hbm>> -> memref<8x1024xf32, #tpu.memory_space<hbm>>
    tpu.enqueue_dma source(%dma_start3A_84 : memref<8x1024xf32, #tpu.memory_space<hbm>>) target(%arg8 : memref<8x1024xf32, #tpu.memory_space<vmem>>) target_semaphore(%arg14 : memref<!tpu.dma_semaphore, #tpu.memory_space<semaphore_mem>>)
    %parallel_loop3A_85 = arith.constant 0 : i32
    %parallel_loop3A_86 = arith.constant 512 : i32
    %parallel_loop3A_87 = arith.constant 1 : i32
    scf.for %parallel_loop3A_624 = %parallel_loop3A_85 to %parallel_loop3A_86 step %parallel_loop3A_87  : i32 {
      %parallel_loop3A_625 = arith.constant 64 : i32
      %parallel_loop3A_626 = arith.divsi %parallel_loop3A_624, %parallel_loop3A_625 : i32
      %parallel_loop3A_627 = arith.constant 0 : i32
      %parallel_loop3A_628 = arith.cmpi sgt, %parallel_loop3A_624, %parallel_loop3A_627 : i32
      %parallel_loop3A_629 = arith.extui %parallel_loop3A_628 : i1 to i32
      %parallel_loop3A_630 = arith.constant 0 : i32
      %parallel_loop3A_631 = arith.cmpi slt, %parallel_loop3A_624, %parallel_loop3A_630 : i32
      %parallel_loop3A_632 = arith.extui %parallel_loop3A_631 : i1 to i32
      %parallel_loop3A_633 = arith.subi %parallel_loop3A_629, %parallel_loop3A_632 : i32
      %parallel_loop3A_634 = arith.constant 0 : i32
      %parallel_loop3A_635 = arith.cmpi sgt, %parallel_loop3A_625, %parallel_loop3A_634 : i32
      %parallel_loop3A_636 = arith.extui %parallel_loop3A_635 : i1 to i32
      %parallel_loop3A_637 = arith.constant 0 : i32
      %parallel_loop3A_638 = arith.cmpi slt, %parallel_loop3A_625, %parallel_loop3A_637 : i32
      %parallel_loop3A_639 = arith.extui %parallel_loop3A_638 : i1 to i32
      %parallel_loop3A_640 = arith.subi %parallel_loop3A_636, %parallel_loop3A_639 : i32
      %parallel_loop3A_641 = arith.cmpi ne, %parallel_loop3A_633, %parallel_loop3A_640 : i32
      %parallel_loop3A_642 = arith.remsi %parallel_loop3A_624, %parallel_loop3A_625 : i32
      %parallel_loop3A_643 = arith.constant 0 : i32
      %parallel_loop3A_644 = arith.cmpi ne, %parallel_loop3A_642, %parallel_loop3A_643 : i32
      %parallel_loop3A_645 = arith.andi %parallel_loop3A_641, %parallel_loop3A_644 : i1
      %parallel_loop3A_646 = arith.constant 1 : i32
      %parallel_loop3A_647 = arith.subi %parallel_loop3A_626, %parallel_loop3A_646 : i32
      %parallel_loop3A_648 = arith.select %parallel_loop3A_645, %parallel_loop3A_647, %parallel_loop3A_626 : i32
      %parallel_loop3A_649 = arith.constant 64 : i32
      %parallel_loop3A_650 = arith.constant 0 : i32
      %parallel_loop3A_651 = arith.cmpi eq, %parallel_loop3A_649, %parallel_loop3A_650 : i32
      %parallel_loop3A_652 = arith.constant 1 : i32
      %parallel_loop3A_653 = arith.select %parallel_loop3A_651, %parallel_loop3A_652, %parallel_loop3A_649 : i32
      %parallel_loop3A_654 = arith.remsi %parallel_loop3A_624, %parallel_loop3A_653 : i32
      %parallel_loop3A_655 = arith.constant 0 : i32
      %parallel_loop3A_656 = arith.cmpi ne, %parallel_loop3A_654, %parallel_loop3A_655 : i32
      %parallel_loop3A_657 = arith.constant 0 : i32
      %parallel_loop3A_658 = arith.cmpi slt, %parallel_loop3A_654, %parallel_loop3A_657 : i32
      %parallel_loop3A_659 = arith.constant 0 : i32
      %parallel_loop3A_660 = arith.cmpi slt, %parallel_loop3A_653, %parallel_loop3A_659 : i32
      %parallel_loop3A_661 = arith.xori %parallel_loop3A_658, %parallel_loop3A_660 : i1
      %parallel_loop3A_662 = arith.andi %parallel_loop3A_661, %parallel_loop3A_656 : i1
      %parallel_loop3A_663 = arith.addi %parallel_loop3A_654, %parallel_loop3A_653 : i32
      %parallel_loop3A_664 = arith.select %parallel_loop3A_662, %parallel_loop3A_663, %parallel_loop3A_654 : i32
      %parallel_loop3A_665 = arith.constant 16 : i32
      %parallel_loop3A_666 = arith.muli %parallel_loop3A_664, %parallel_loop3A_665 : i32
      %parallel_loop3A_667 = arith.index_cast %parallel_loop3A_648 : i32 to index
      %parallel_loop3A_668 = arith.index_cast %parallel_loop3A_666 : i32 to index
      %parallel_loop3A_669 = tpu.vector_load %arg9[%parallel_loop3A_667, %parallel_loop3A_668] {strides = array<i32>} : memref<8x1024xf32, #tpu.memory_space<vmem>>, vector<1x16xf32>,
      %parallel_loop3A_670 = vector.shape_cast %parallel_loop3A_669 : vector<1x16xf32> to vector<16xf32>
      %parallel_loop3A_671 = arith.constant 0 : i32
      %parallel_loop3A_672 = arith.index_cast %parallel_loop3A_648 : i32 to index
      %parallel_loop3A_673 = arith.index_cast %parallel_loop3A_671 : i32 to index
      %parallel_loop3A_674 = arith.index_cast %parallel_loop3A_666 : i32 to index
      %parallel_loop3A_675 = tpu.vector_load %arg6[%parallel_loop3A_672, %parallel_loop3A_673, %parallel_loop3A_674] {strides = array<i32>} : memref<8x4x1024xf32, #tpu.memory_space<vmem>>, vector<1x1x16xf32>,
      %parallel_loop3A_676 = vector.shape_cast %parallel_loop3A_675 : vector<1x1x16xf32> to vector<16xf32>
      %parallel_loop3A_677 = vector.shape_cast %parallel_loop3A_670 : vector<16xf32> to vector<1x1x16xf32>
      tpu.vector_store %arg6[%parallel_loop3A_672, %parallel_loop3A_673, %parallel_loop3A_674], %parallel_loop3A_677 {add = true, strides = array<i32>} : memref<8x4x1024xf32, #tpu.memory_space<vmem>>, vector<1x1x16xf32>,
      %parallel_loop3A_678 = arith.constant 1 : i32
      %parallel_loop3A_679 = arith.index_cast %parallel_loop3A_648 : i32 to index
      %parallel_loop3A_680 = arith.index_cast %parallel_loop3A_678 : i32 to index
      %parallel_loop3A_681 = arith.index_cast %parallel_loop3A_666 : i32 to index
      %parallel_loop3A_682 = tpu.vector_load %arg6[%parallel_loop3A_679, %parallel_loop3A_680, %parallel_loop3A_681] {strides = array<i32>} : memref<8x4x1024xf32, #tpu.memory_space<vmem>>, vector<1x1x16xf32>,
      %parallel_loop3A_683 = vector.shape_cast %parallel_loop3A_682 : vector<1x1x16xf32> to vector<16xf32>
      %parallel_loop3A_684 = vector.shape_cast %parallel_loop3A_670 : vector<16xf32> to vector<1x1x16xf32>
      tpu.vector_store %arg6[%parallel_loop3A_679, %parallel_loop3A_680, %parallel_loop3A_681], %parallel_loop3A_684 {add = true, strides = array<i32>} : memref<8x4x1024xf32, #tpu.memory_space<vmem>>, vector<1x1x16xf32>,
      %parallel_loop3A_685 = arith.constant 2 : i32
      %parallel_loop3A_686 = arith.index_cast %parallel_loop3A_648 : i32 to index
      %parallel_loop3A_687 = arith.index_cast %parallel_loop3A_685 : i32 to index
      %parallel_loop3A_688 = arith.index_cast %parallel_loop3A_666 : i32 to index
      %parallel_loop3A_689 = tpu.vector_load %arg6[%parallel_loop3A_686, %parallel_loop3A_687, %parallel_loop3A_688] {strides = array<i32>} : memref<8x4x1024xf32, #tpu.memory_space<vmem>>, vector<1x1x16xf32>,
      %parallel_loop3A_690 = vector.shape_cast %parallel_loop3A_689 : vector<1x1x16xf32> to vector<16xf32>
      %parallel_loop3A_691 = vector.shape_cast %parallel_loop3A_670 : vector<16xf32> to vector<1x1x16xf32>
      tpu.vector_store %arg6[%parallel_loop3A_686, %parallel_loop3A_687, %parallel_loop3A_688], %parallel_loop3A_691 {add = true, strides = array<i32>} : memref<8x4x1024xf32, #tpu.memory_space<vmem>>, vector<1x1x16xf32>,
      %parallel_loop3A_692 = arith.constant 3 : i32
      %parallel_loop3A_693 = arith.index_cast %parallel_loop3A_648 : i32 to index
      %parallel_loop3A_694 = arith.index_cast %parallel_loop3A_692 : i32 to index
      %parallel_loop3A_695 = arith.index_cast %parallel_loop3A_666 : i32 to index
      %parallel_loop3A_696 = tpu.vector_load %arg6[%parallel_loop3A_693, %parallel_loop3A_694, %parallel_loop3A_695] {strides = array<i32>} : memref<8x4x1024xf32, #tpu.memory_space<vmem>>, vector<1x1x16xf32>,
      %parallel_loop3A_697 = vector.shape_cast %parallel_loop3A_696 : vector<1x1x16xf32> to vector<16xf32>
      %parallel_loop3A_698 = vector.shape_cast %parallel_loop3A_670 : vector<16xf32> to vector<1x1x16xf32>
      tpu.vector_store %arg6[%parallel_loop3A_693, %parallel_loop3A_694, %parallel_loop3A_695], %parallel_loop3A_698 {add = true, strides = array<i32>} : memref<8x4x1024xf32, #tpu.memory_space<vmem>>, vector<1x1x16xf32>,
    } {sc.loop_unroll_factor = 4 : i64, sc.parallel_access}
    %add3A_88 = arith.constant 8 : i32
    %add3A_89 = arith.addi %mul3A_2, %add3A_88 : i32
    %dma_start3A_90 = arith.constant 0 : i32
    %dma_start3A_91 = arith.constant 0 : i32
    %dma_start3A_92 = tpu.memref_slice %arg4[%add3A_89, %dma_start3A_90, %dma_start3A_91] : memref<4096x4x1024xf32, #tpu.memory_space<hbm>> -> memref<8x4x1024xf32, #tpu.memory_space<hbm>>
    %dma_start3A_93 = arith.constant 0 : i32
    %dma_start3A_94 = arith.constant 0 : i32
    %dma_start3A_95 = tpu.memref_slice %arg4[%add3A_89, %dma_start3A_93, %dma_start3A_94] : memref<4096x4x1024xf32, #tpu.memory_space<hbm>> -> memref<8x4x1024xf32, #tpu.memory_space<hbm>>
    tpu.enqueue_dma source(%arg6 : memref<8x4x1024xf32, #tpu.memory_space<vmem>>) target(%dma_start3A_95 : memref<8x4x1024xf32, #tpu.memory_space<hbm>>) target_semaphore(%arg18 : memref<!tpu.dma_semaphore, #tpu.memory_space<semaphore_mem>>)
    %dma_wait3A_96 = arith.constant 0 : i32
    %dma_wait3A_97 = arith.constant 0 : i32
    %dma_wait3A_98 = tpu.memref_slice %arg2[%add3A_36, %dma_wait3A_96, %dma_wait3A_97] : memref<4096x4x1024xf32, #tpu.memory_space<hbm>> -> memref<8x4x1024xf32, #tpu.memory_space<hbm>>
    %dma_wait3A_99 = arith.constant 0 : i32
    %dma_wait3A_100 = arith.constant 0 : i32
    %dma_wait3A_101 = tpu.memref_slice %arg2[%add3A_36, %dma_wait3A_99, %dma_wait3A_100] : memref<4096x4x1024xf32, #tpu.memory_space<hbm>> -> memref<8x4x1024xf32, #tpu.memory_space<hbm>>
    tpu.wait_dma2 semaphore(%arg13 : memref<!tpu.dma_semaphore, #tpu.memory_space<semaphore_mem>>) src(%dma_wait3A_101 : memref<8x4x1024xf32, #tpu.memory_space<hbm>>) dst(%arg7 : memref<8x4x1024xf32, #tpu.memory_space<vmem>>)
    %dma_wait3A_102 = arith.constant 0 : i32
    %dma_wait3A_103 = tpu.memref_slice %arg3[%add3A_36, %dma_wait3A_102] : memref<8192x1024xf32, #tpu.memory_space<hbm>> -> memref<8x1024xf32, #tpu.memory_space<hbm>>
    %dma_wait3A_104 = arith.constant 0 : i32
    %dma_wait3A_105 = tpu.memref_slice %arg3[%add3A_36, %dma_wait3A_104] : memref<8192x1024xf32, #tpu.memory_space<hbm>> -> memref<8x1024xf32, #tpu.memory_space<hbm>>
    tpu.wait_dma2 semaphore(%arg16 : memref<!tpu.dma_semaphore, #tpu.memory_space<semaphore_mem>>) src(%dma_wait3A_105 : memref<8x1024xf32, #tpu.memory_space<hbm>>) dst(%arg10 : memref<8x1024xf32, #tpu.memory_space<vmem>>)
    %dma_wait3A_106 = arith.constant 0 : i32
    %dma_wait3A_107 = arith.constant 0 : i32
    %dma_wait3A_108 = tpu.memref_slice %arg4[%add3A_89, %dma_wait3A_106, %dma_wait3A_107] : memref<4096x4x1024xf32, #tpu.memory_space<hbm>> -> memref<8x4x1024xf32, #tpu.memory_space<hbm>>
    %dma_wait3A_109 = arith.constant 0 : i32
    %dma_wait3A_110 = arith.constant 0 : i32
    %dma_wait3A_111 = tpu.memref_slice %arg4[%add3A_89, %dma_wait3A_109, %dma_wait3A_110] : memref<4096x4x1024xf32, #tpu.memory_space<hbm>> -> memref<8x4x1024xf32, #tpu.memory_space<hbm>>
    tpu.wait_dma2 semaphore(%arg18 : memref<!tpu.dma_semaphore, #tpu.memory_space<semaphore_mem>>) src(%arg6 : memref<8x4x1024xf32, #tpu.memory_space<vmem>>) dst(%dma_wait3A_111 : memref<8x4x1024xf32, #tpu.memory_space<hbm>>)
    %add3A_112 = arith.constant 32 : i32
    %add3A_113 = arith.addi %mul3A_2, %add3A_112 : i32
    %dma_start3A_114 = arith.constant 0 : i32
    %dma_start3A_115 = arith.constant 0 : i32
    %dma_start3A_116 = tpu.memref_slice %arg2[%add3A_113, %dma_start3A_114, %dma_start3A_115] : memref<4096x4x1024xf32, #tpu.memory_space<hbm>> -> memref<8x4x1024xf32, #tpu.memory_space<hbm>>
    %dma_start3A_117 = arith.constant 0 : i32
    %dma_start3A_118 = arith.constant 0 : i32
    %dma_start3A_119 = tpu.memref_slice %arg2[%add3A_113, %dma_start3A_117, %dma_start3A_118] : memref<4096x4x1024xf32, #tpu.memory_space<hbm>> -> memref<8x4x1024xf32, #tpu.memory_space<hbm>>
    tpu.enqueue_dma source(%dma_start3A_119 : memref<8x4x1024xf32, #tpu.memory_space<hbm>>) target(%arg6 : memref<8x4x1024xf32, #tpu.memory_space<vmem>>) target_semaphore(%arg12 : memref<!tpu.dma_semaphore, #tpu.memory_space<semaphore_mem>>)
    %dma_start3A_120 = arith.constant 0 : i32
    %dma_start3A_121 = tpu.memref_slice %arg3[%add3A_113, %dma_start3A_120] : memref<8192x1024xf32, #tpu.memory_space<hbm>> -> memref<8x1024xf32, #tpu.memory_space<hbm>>
    %dma_start3A_122 = arith.constant 0 : i32
    %dma_start3A_123 = tpu.memref_slice %arg3[%add3A_113, %dma_start3A_122] : memref<8192x1024xf32, #tpu.memory_space<hbm>> -> memref<8x1024xf32, #tpu.memory_space<hbm>>
    tpu.enqueue_dma source(%dma_start3A_123 : memref<8x1024xf32, #tpu.memory_space<hbm>>) target(%arg9 : memref<8x1024xf32, #tpu.memory_space<vmem>>) target_semaphore(%arg15 : memref<!tpu.dma_semaphore, #tpu.memory_space<semaphore_mem>>)
    %parallel_loop3A_124 = arith.constant 0 : i32
    %parallel_loop3A_125 = arith.constant 512 : i32
    %parallel_loop3A_126 = arith.constant 1 : i32
    scf.for %parallel_loop3A_624 = %parallel_loop3A_124 to %parallel_loop3A_125 step %parallel_loop3A_126  : i32 {
      %parallel_loop3A_625 = arith.constant 64 : i32
      %parallel_loop3A_626 = arith.divsi %parallel_loop3A_624, %parallel_loop3A_625 : i32
      %parallel_loop3A_627 = arith.constant 0 : i32
      %parallel_loop3A_628 = arith.cmpi sgt, %parallel_loop3A_624, %parallel_loop3A_627 : i32
      %parallel_loop3A_629 = arith.extui %parallel_loop3A_628 : i1 to i32
      %parallel_loop3A_630 = arith.constant 0 : i32
      %parallel_loop3A_631 = arith.cmpi slt, %parallel_loop3A_624, %parallel_loop3A_630 : i32
      %parallel_loop3A_632 = arith.extui %parallel_loop3A_631 : i1 to i32
      %parallel_loop3A_633 = arith.subi %parallel_loop3A_629, %parallel_loop3A_632 : i32
      %parallel_loop3A_634 = arith.constant 0 : i32
      %parallel_loop3A_635 = arith.cmpi sgt, %parallel_loop3A_625, %parallel_loop3A_634 : i32
      %parallel_loop3A_636 = arith.extui %parallel_loop3A_635 : i1 to i32
      %parallel_loop3A_637 = arith.constant 0 : i32
      %parallel_loop3A_638 = arith.cmpi slt, %parallel_loop3A_625, %parallel_loop3A_637 : i32
      %parallel_loop3A_639 = arith.extui %parallel_loop3A_638 : i1 to i32
      %parallel_loop3A_640 = arith.subi %parallel_loop3A_636, %parallel_loop3A_639 : i32
      %parallel_loop3A_641 = arith.cmpi ne, %parallel_loop3A_633, %parallel_loop3A_640 : i32
      %parallel_loop3A_642 = arith.remsi %parallel_loop3A_624, %parallel_loop3A_625 : i32
      %parallel_loop3A_643 = arith.constant 0 : i32
      %parallel_loop3A_644 = arith.cmpi ne, %parallel_loop3A_642, %parallel_loop3A_643 : i32
      %parallel_loop3A_645 = arith.andi %parallel_loop3A_641, %parallel_loop3A_644 : i1
      %parallel_loop3A_646 = arith.constant 1 : i32
      %parallel_loop3A_647 = arith.subi %parallel_loop3A_626, %parallel_loop3A_646 : i32
      %parallel_loop3A_648 = arith.select %parallel_loop3A_645, %parallel_loop3A_647, %parallel_loop3A_626 : i32
      %parallel_loop3A_649 = arith.constant 64 : i32
      %parallel_loop3A_650 = arith.constant 0 : i32
      %parallel_loop3A_651 = arith.cmpi eq, %parallel_loop3A_649, %parallel_loop3A_650 : i32
      %parallel_loop3A_652 = arith.constant 1 : i32
      %parallel_loop3A_653 = arith.select %parallel_loop3A_651, %parallel_loop3A_652, %parallel_loop3A_649 : i32
      %parallel_loop3A_654 = arith.remsi %parallel_loop3A_624, %parallel_loop3A_653 : i32
      %parallel_loop3A_655 = arith.constant 0 : i32
      %parallel_loop3A_656 = arith.cmpi ne, %parallel_loop3A_654, %parallel_loop3A_655 : i32
      %parallel_loop3A_657 = arith.constant 0 : i32
      %parallel_loop3A_658 = arith.cmpi slt, %parallel_loop3A_654, %parallel_loop3A_657 : i32
      %parallel_loop3A_659 = arith.constant 0 : i32
      %parallel_loop3A_660 = arith.cmpi slt, %parallel_loop3A_653, %parallel_loop3A_659 : i32
      %parallel_loop3A_661 = arith.xori %parallel_loop3A_658, %parallel_loop3A_660 : i1
      %parallel_loop3A_662 = arith.andi %parallel_loop3A_661, %parallel_loop3A_656 : i1
      %parallel_loop3A_663 = arith.addi %parallel_loop3A_654, %parallel_loop3A_653 : i32
      %parallel_loop3A_664 = arith.select %parallel_loop3A_662, %parallel_loop3A_663, %parallel_loop3A_654 : i32
      %parallel_loop3A_665 = arith.constant 16 : i32
      %parallel_loop3A_666 = arith.muli %parallel_loop3A_664, %parallel_loop3A_665 : i32
      %parallel_loop3A_667 = arith.index_cast %parallel_loop3A_648 : i32 to index
      %parallel_loop3A_668 = arith.index_cast %parallel_loop3A_666 : i32 to index
      %parallel_loop3A_669 = tpu.vector_load %arg10[%parallel_loop3A_667, %parallel_loop3A_668] {strides = array<i32>} : memref<8x1024xf32, #tpu.memory_space<vmem>>, vector<1x16xf32>,
      %parallel_loop3A_670 = vector.shape_cast %parallel_loop3A_669 : vector<1x16xf32> to vector<16xf32>
      %parallel_loop3A_671 = arith.constant 0 : i32
      %parallel_loop3A_672 = arith.index_cast %parallel_loop3A_648 : i32 to index
      %parallel_loop3A_673 = arith.index_cast %parallel_loop3A_671 : i32 to index
      %parallel_loop3A_674 = arith.index_cast %parallel_loop3A_666 : i32 to index
      %parallel_loop3A_675 = tpu.vector_load %arg7[%parallel_loop3A_672, %parallel_loop3A_673, %parallel_loop3A_674] {strides = array<i32>} : memref<8x4x1024xf32, #tpu.memory_space<vmem>>, vector<1x1x16xf32>,
      %parallel_loop3A_676 = vector.shape_cast %parallel_loop3A_675 : vector<1x1x16xf32> to vector<16xf32>
      %parallel_loop3A_677 = vector.shape_cast %parallel_loop3A_670 : vector<16xf32> to vector<1x1x16xf32>
      tpu.vector_store %arg7[%parallel_loop3A_672, %parallel_loop3A_673, %parallel_loop3A_674], %parallel_loop3A_677 {add = true, strides = array<i32>} : memref<8x4x1024xf32, #tpu.memory_space<vmem>>, vector<1x1x16xf32>,
      %parallel_loop3A_678 = arith.constant 1 : i32
      %parallel_loop3A_679 = arith.index_cast %parallel_loop3A_648 : i32 to index
      %parallel_loop3A_680 = arith.index_cast %parallel_loop3A_678 : i32 to index
      %parallel_loop3A_681 = arith.index_cast %parallel_loop3A_666 : i32 to index
      %parallel_loop3A_682 = tpu.vector_load %arg7[%parallel_loop3A_679, %parallel_loop3A_680, %parallel_loop3A_681] {strides = array<i32>} : memref<8x4x1024xf32, #tpu.memory_space<vmem>>, vector<1x1x16xf32>,
      %parallel_loop3A_683 = vector.shape_cast %parallel_loop3A_682 : vector<1x1x16xf32> to vector<16xf32>
      %parallel_loop3A_684 = vector.shape_cast %parallel_loop3A_670 : vector<16xf32> to vector<1x1x16xf32>
      tpu.vector_store %arg7[%parallel_loop3A_679, %parallel_loop3A_680, %parallel_loop3A_681], %parallel_loop3A_684 {add = true, strides = array<i32>} : memref<8x4x1024xf32, #tpu.memory_space<vmem>>, vector<1x1x16xf32>,
      %parallel_loop3A_685 = arith.constant 2 : i32
      %parallel_loop3A_686 = arith.index_cast %parallel_loop3A_648 : i32 to index
      %parallel_loop3A_687 = arith.index_cast %parallel_loop3A_685 : i32 to index
      %parallel_loop3A_688 = arith.index_cast %parallel_loop3A_666 : i32 to index
      %parallel_loop3A_689 = tpu.vector_load %arg7[%parallel_loop3A_686, %parallel_loop3A_687, %parallel_loop3A_688] {strides = array<i32>} : memref<8x4x1024xf32, #tpu.memory_space<vmem>>, vector<1x1x16xf32>,
      %parallel_loop3A_690 = vector.shape_cast %parallel_loop3A_689 : vector<1x1x16xf32> to vector<16xf32>
      %parallel_loop3A_691 = vector.shape_cast %parallel_loop3A_670 : vector<16xf32> to vector<1x1x16xf32>
      tpu.vector_store %arg7[%parallel_loop3A_686, %parallel_loop3A_687, %parallel_loop3A_688], %parallel_loop3A_691 {add = true, strides = array<i32>} : memref<8x4x1024xf32, #tpu.memory_space<vmem>>, vector<1x1x16xf32>,
      %parallel_loop3A_692 = arith.constant 3 : i32
      %parallel_loop3A_693 = arith.index_cast %parallel_loop3A_648 : i32 to index
      %parallel_loop3A_694 = arith.index_cast %parallel_loop3A_692 : i32 to index
      %parallel_loop3A_695 = arith.index_cast %parallel_loop3A_666 : i32 to index
      %parallel_loop3A_696 = tpu.vector_load %arg7[%parallel_loop3A_693, %parallel_loop3A_694, %parallel_loop3A_695] {strides = array<i32>} : memref<8x4x1024xf32, #tpu.memory_space<vmem>>, vector<1x1x16xf32>,
      %parallel_loop3A_697 = vector.shape_cast %parallel_loop3A_696 : vector<1x1x16xf32> to vector<16xf32>
      %parallel_loop3A_698 = vector.shape_cast %parallel_loop3A_670 : vector<16xf32> to vector<1x1x16xf32>
      tpu.vector_store %arg7[%parallel_loop3A_693, %parallel_loop3A_694, %parallel_loop3A_695], %parallel_loop3A_698 {add = true, strides = array<i32>} : memref<8x4x1024xf32, #tpu.memory_space<vmem>>, vector<1x1x16xf32>,
    } {sc.loop_unroll_factor = 4 : i64, sc.parallel_access}
    %add3A_127 = arith.constant 16 : i32
    %add3A_128 = arith.addi %mul3A_2, %add3A_127 : i32
    %dma_start3A_129 = arith.constant 0 : i32
    %dma_start3A_130 = arith.constant 0 : i32
    %dma_start3A_131 = tpu.memref_slice %arg4[%add3A_128, %dma_start3A_129, %dma_start3A_130] : memref<4096x4x1024xf32, #tpu.memory_space<hbm>> -> memref<8x4x1024xf32, #tpu.memory_space<hbm>>
    %dma_start3A_132 = arith.constant 0 : i32
    %dma_start3A_133 = arith.constant 0 : i32
    %dma_start3A_134 = tpu.memref_slice %arg4[%add3A_128, %dma_start3A_132, %dma_start3A_133] : memref<4096x4x1024xf32, #tpu.memory_space<hbm>> -> memref<8x4x1024xf32, #tpu.memory_space<hbm>>
    tpu.enqueue_dma source(%arg7 : memref<8x4x1024xf32, #tpu.memory_space<vmem>>) target(%dma_start3A_134 : memref<8x4x1024xf32, #tpu.memory_space<hbm>>) target_semaphore(%arg19 : memref<!tpu.dma_semaphore, #tpu.memory_space<semaphore_mem>>)
    %dma_wait3A_135 = arith.constant 0 : i32
    %dma_wait3A_136 = arith.constant 0 : i32
    %dma_wait3A_137 = tpu.memref_slice %arg2[%add3A_74, %dma_wait3A_135, %dma_wait3A_136] : memref<4096x4x1024xf32, #tpu.memory_space<hbm>> -> memref<8x4x1024xf32, #tpu.memory_space<hbm>>
    %dma_wait3A_138 = arith.constant 0 : i32
    %dma_wait3A_139 = arith.constant 0 : i32
    %dma_wait3A_140 = tpu.memref_slice %arg2[%add3A_74, %dma_wait3A_138, %dma_wait3A_139] : memref<4096x4x1024xf32, #tpu.memory_space<hbm>> -> memref<8x4x1024xf32, #tpu.memory_space<hbm>>
    tpu.wait_dma2 semaphore(%arg11 : memref<!tpu.dma_semaphore, #tpu.memory_space<semaphore_mem>>) src(%dma_wait3A_140 : memref<8x4x1024xf32, #tpu.memory_space<hbm>>) dst(%arg5 : memref<8x4x1024xf32, #tpu.memory_space<vmem>>)
    %dma_wait3A_141 = arith.constant 0 : i32
    %dma_wait3A_142 = tpu.memref_slice %arg3[%add3A_74, %dma_wait3A_141] : memref<8192x1024xf32, #tpu.memory_space<hbm>> -> memref<8x1024xf32, #tpu.memory_space<hbm>>
    %dma_wait3A_143 = arith.constant 0 : i32
    %dma_wait3A_144 = tpu.memref_slice %arg3[%add3A_74, %dma_wait3A_143] : memref<8192x1024xf32, #tpu.memory_space<hbm>> -> memref<8x1024xf32, #tpu.memory_space<hbm>>
    tpu.wait_dma2 semaphore(%arg14 : memref<!tpu.dma_semaphore, #tpu.memory_space<semaphore_mem>>) src(%dma_wait3A_144 : memref<8x1024xf32, #tpu.memory_space<hbm>>) dst(%arg8 : memref<8x1024xf32, #tpu.memory_space<vmem>>)
    %dma_wait3A_145 = arith.constant 0 : i32
    %dma_wait3A_146 = arith.constant 0 : i32
    %dma_wait3A_147 = tpu.memref_slice %arg4[%add3A_128, %dma_wait3A_145, %dma_wait3A_146] : memref<4096x4x1024xf32, #tpu.memory_space<hbm>> -> memref<8x4x1024xf32, #tpu.memory_space<hbm>>
    %dma_wait3A_148 = arith.constant 0 : i32
    %dma_wait3A_149 = arith.constant 0 : i32
    %dma_wait3A_150 = tpu.memref_slice %arg4[%add3A_128, %dma_wait3A_148, %dma_wait3A_149] : memref<4096x4x1024xf32, #tpu.memory_space<hbm>> -> memref<8x4x1024xf32, #tpu.memory_space<hbm>>
    tpu.wait_dma2 semaphore(%arg19 : memref<!tpu.dma_semaphore, #tpu.memory_space<semaphore_mem>>) src(%arg7 : memref<8x4x1024xf32, #tpu.memory_space<vmem>>) dst(%dma_wait3A_150 : memref<8x4x1024xf32, #tpu.memory_space<hbm>>)
    %add3A_151 = arith.constant 40 : i32
    %add3A_152 = arith.addi %mul3A_2, %add3A_151 : i32
    %dma_start3A_153 = arith.constant 0 : i32
    %dma_start3A_154 = arith.constant 0 : i32
    %dma_start3A_155 = tpu.memref_slice %arg2[%add3A_152, %dma_start3A_153, %dma_start3A_154] : memref<4096x4x1024xf32, #tpu.memory_space<hbm>> -> memref<8x4x1024xf32, #tpu.memory_space<hbm>>
    %dma_start3A_156 = arith.constant 0 : i32
    %dma_start3A_157 = arith.constant 0 : i32
    %dma_start3A_158 = tpu.memref_slice %arg2[%add3A_152, %dma_start3A_156, %dma_start3A_157] : memref<4096x4x1024xf32, #tpu.memory_space<hbm>> -> memref<8x4x1024xf32, #tpu.memory_space<hbm>>
    tpu.enqueue_dma source(%dma_start3A_158 : memref<8x4x1024xf32, #tpu.memory_space<hbm>>) target(%arg7 : memref<8x4x1024xf32, #tpu.memory_space<vmem>>) target_semaphore(%arg13 : memref<!tpu.dma_semaphore, #tpu.memory_space<semaphore_mem>>)
    %dma_start3A_159 = arith.constant 0 : i32
    %dma_start3A_160 = tpu.memref_slice %arg3[%add3A_152, %dma_start3A_159] : memref<8192x1024xf32, #tpu.memory_space<hbm>> -> memref<8x1024xf32, #tpu.memory_space<hbm>>
    %dma_start3A_161 = arith.constant 0 : i32
    %dma_start3A_162 = tpu.memref_slice %arg3[%add3A_152, %dma_start3A_161] : memref<8192x1024xf32, #tpu.memory_space<hbm>> -> memref<8x1024xf32, #tpu.memory_space<hbm>>
    tpu.enqueue_dma source(%dma_start3A_162 : memref<8x1024xf32, #tpu.memory_space<hbm>>) target(%arg10 : memref<8x1024xf32, #tpu.memory_space<vmem>>) target_semaphore(%arg16 : memref<!tpu.dma_semaphore, #tpu.memory_space<semaphore_mem>>)
    %parallel_loop3A_163 = arith.constant 0 : i32
    %parallel_loop3A_164 = arith.constant 512 : i32
    %parallel_loop3A_165 = arith.constant 1 : i32
    scf.for %parallel_loop3A_624 = %parallel_loop3A_163 to %parallel_loop3A_164 step %parallel_loop3A_165  : i32 {
      %parallel_loop3A_625 = arith.constant 64 : i32
      %parallel_loop3A_626 = arith.divsi %parallel_loop3A_624, %parallel_loop3A_625 : i32
      %parallel_loop3A_627 = arith.constant 0 : i32
      %parallel_loop3A_628 = arith.cmpi sgt, %parallel_loop3A_624, %parallel_loop3A_627 : i32
      %parallel_loop3A_629 = arith.extui %parallel_loop3A_628 : i1 to i32
      %parallel_loop3A_630 = arith.constant 0 : i32
      %parallel_loop3A_631 = arith.cmpi slt, %parallel_loop3A_624, %parallel_loop3A_630 : i32
      %parallel_loop3A_632 = arith.extui %parallel_loop3A_631 : i1 to i32
      %parallel_loop3A_633 = arith.subi %parallel_loop3A_629, %parallel_loop3A_632 : i32
      %parallel_loop3A_634 = arith.constant 0 : i32
      %parallel_loop3A_635 = arith.cmpi sgt, %parallel_loop3A_625, %parallel_loop3A_634 : i32
      %parallel_loop3A_636 = arith.extui %parallel_loop3A_635 : i1 to i32
      %parallel_loop3A_637 = arith.constant 0 : i32
      %parallel_loop3A_638 = arith.cmpi slt, %parallel_loop3A_625, %parallel_loop3A_637 : i32
      %parallel_loop3A_639 = arith.extui %parallel_loop3A_638 : i1 to i32
      %parallel_loop3A_640 = arith.subi %parallel_loop3A_636, %parallel_loop3A_639 : i32
      %parallel_loop3A_641 = arith.cmpi ne, %parallel_loop3A_633, %parallel_loop3A_640 : i32
      %parallel_loop3A_642 = arith.remsi %parallel_loop3A_624, %parallel_loop3A_625 : i32
      %parallel_loop3A_643 = arith.constant 0 : i32
      %parallel_loop3A_644 = arith.cmpi ne, %parallel_loop3A_642, %parallel_loop3A_643 : i32
      %parallel_loop3A_645 = arith.andi %parallel_loop3A_641, %parallel_loop3A_644 : i1
      %parallel_loop3A_646 = arith.constant 1 : i32
      %parallel_loop3A_647 = arith.subi %parallel_loop3A_626, %parallel_loop3A_646 : i32
      %parallel_loop3A_648 = arith.select %parallel_loop3A_645, %parallel_loop3A_647, %parallel_loop3A_626 : i32
      %parallel_loop3A_649 = arith.constant 64 : i32
      %parallel_loop3A_650 = arith.constant 0 : i32
      %parallel_loop3A_651 = arith.cmpi eq, %parallel_loop3A_649, %parallel_loop3A_650 : i32
      %parallel_loop3A_652 = arith.constant 1 : i32
      %parallel_loop3A_653 = arith.select %parallel_loop3A_651, %parallel_loop3A_652, %parallel_loop3A_649 : i32
      %parallel_loop3A_654 = arith.remsi %parallel_loop3A_624, %parallel_loop3A_653 : i32
      %parallel_loop3A_655 = arith.constant 0 : i32
      %parallel_loop3A_656 = arith.cmpi ne, %parallel_loop3A_654, %parallel_loop3A_655 : i32
      %parallel_loop3A_657 = arith.constant 0 : i32
      %parallel_loop3A_658 = arith.cmpi slt, %parallel_loop3A_654, %parallel_loop3A_657 : i32
      %parallel_loop3A_659 = arith.constant 0 : i32
      %parallel_loop3A_660 = arith.cmpi slt, %parallel_loop3A_653, %parallel_loop3A_659 : i32
      %parallel_loop3A_661 = arith.xori %parallel_loop3A_658, %parallel_loop3A_660 : i1
      %parallel_loop3A_662 = arith.andi %parallel_loop3A_661, %parallel_loop3A_656 : i1
      %parallel_loop3A_663 = arith.addi %parallel_loop3A_654, %parallel_loop3A_653 : i32
      %parallel_loop3A_664 = arith.select %parallel_loop3A_662, %parallel_loop3A_663, %parallel_loop3A_654 : i32
      %parallel_loop3A_665 = arith.constant 16 : i32
      %parallel_loop3A_666 = arith.muli %parallel_loop3A_664, %parallel_loop3A_665 : i32
      %parallel_loop3A_667 = arith.index_cast %parallel_loop3A_648 : i32 to index
      %parallel_loop3A_668 = arith.index_cast %parallel_loop3A_666 : i32 to index
      %parallel_loop3A_669 = tpu.vector_load %arg8[%parallel_loop3A_667, %parallel_loop3A_668] {strides = array<i32>} : memref<8x1024xf32, #tpu.memory_space<vmem>>, vector<1x16xf32>,
      %parallel_loop3A_670 = vector.shape_cast %parallel_loop3A_669 : vector<1x16xf32> to vector<16xf32>
      %parallel_loop3A_671 = arith.constant 0 : i32
      %parallel_loop3A_672 = arith.index_cast %parallel_loop3A_648 : i32 to index
      %parallel_loop3A_673 = arith.index_cast %parallel_loop3A_671 : i32 to index
      %parallel_loop3A_674 = arith.index_cast %parallel_loop3A_666 : i32 to index
      %parallel_loop3A_675 = tpu.vector_load %arg5[%parallel_loop3A_672, %parallel_loop3A_673, %parallel_loop3A_674] {strides = array<i32>} : memref<8x4x1024xf32, #tpu.memory_space<vmem>>, vector<1x1x16xf32>,
      %parallel_loop3A_676 = vector.shape_cast %parallel_loop3A_675 : vector<1x1x16xf32> to vector<16xf32>
      %parallel_loop3A_677 = vector.shape_cast %parallel_loop3A_670 : vector<16xf32> to vector<1x1x16xf32>
      tpu.vector_store %arg5[%parallel_loop3A_672, %parallel_loop3A_673, %parallel_loop3A_674], %parallel_loop3A_677 {add = true, strides = array<i32>} : memref<8x4x1024xf32, #tpu.memory_space<vmem>>, vector<1x1x16xf32>,
      %parallel_loop3A_678 = arith.constant 1 : i32
      %parallel_loop3A_679 = arith.index_cast %parallel_loop3A_648 : i32 to index
      %parallel_loop3A_680 = arith.index_cast %parallel_loop3A_678 : i32 to index
      %parallel_loop3A_681 = arith.index_cast %parallel_loop3A_666 : i32 to index
      %parallel_loop3A_682 = tpu.vector_load %arg5[%parallel_loop3A_679, %parallel_loop3A_680, %parallel_loop3A_681] {strides = array<i32>} : memref<8x4x1024xf32, #tpu.memory_space<vmem>>, vector<1x1x16xf32>,
      %parallel_loop3A_683 = vector.shape_cast %parallel_loop3A_682 : vector<1x1x16xf32> to vector<16xf32>
      %parallel_loop3A_684 = vector.shape_cast %parallel_loop3A_670 : vector<16xf32> to vector<1x1x16xf32>
      tpu.vector_store %arg5[%parallel_loop3A_679, %parallel_loop3A_680, %parallel_loop3A_681], %parallel_loop3A_684 {add = true, strides = array<i32>} : memref<8x4x1024xf32, #tpu.memory_space<vmem>>, vector<1x1x16xf32>,
      %parallel_loop3A_685 = arith.constant 2 : i32
      %parallel_loop3A_686 = arith.index_cast %parallel_loop3A_648 : i32 to index
      %parallel_loop3A_687 = arith.index_cast %parallel_loop3A_685 : i32 to index
      %parallel_loop3A_688 = arith.index_cast %parallel_loop3A_666 : i32 to index
      %parallel_loop3A_689 = tpu.vector_load %arg5[%parallel_loop3A_686, %parallel_loop3A_687, %parallel_loop3A_688] {strides = array<i32>} : memref<8x4x1024xf32, #tpu.memory_space<vmem>>, vector<1x1x16xf32>,
      %parallel_loop3A_690 = vector.shape_cast %parallel_loop3A_689 : vector<1x1x16xf32> to vector<16xf32>
      %parallel_loop3A_691 = vector.shape_cast %parallel_loop3A_670 : vector<16xf32> to vector<1x1x16xf32>
      tpu.vector_store %arg5[%parallel_loop3A_686, %parallel_loop3A_687, %parallel_loop3A_688], %parallel_loop3A_691 {add = true, strides = array<i32>} : memref<8x4x1024xf32, #tpu.memory_space<vmem>>, vector<1x1x16xf32>,
      %parallel_loop3A_692 = arith.constant 3 : i32
      %parallel_loop3A_693 = arith.index_cast %parallel_loop3A_648 : i32 to index
      %parallel_loop3A_694 = arith.index_cast %parallel_loop3A_692 : i32 to index
      %parallel_loop3A_695 = arith.index_cast %parallel_loop3A_666 : i32 to index
      %parallel_loop3A_696 = tpu.vector_load %arg5[%parallel_loop3A_693, %parallel_loop3A_694, %parallel_loop3A_695] {strides = array<i32>} : memref<8x4x1024xf32, #tpu.memory_space<vmem>>, vector<1x1x16xf32>,
      %parallel_loop3A_697 = vector.shape_cast %parallel_loop3A_696 : vector<1x1x16xf32> to vector<16xf32>
      %parallel_loop3A_698 = vector.shape_cast %parallel_loop3A_670 : vector<16xf32> to vector<1x1x16xf32>
      tpu.vector_store %arg5[%parallel_loop3A_693, %parallel_loop3A_694, %parallel_loop3A_695], %parallel_loop3A_698 {add = true, strides = array<i32>} : memref<8x4x1024xf32, #tpu.memory_space<vmem>>, vector<1x1x16xf32>,
    } {sc.loop_unroll_factor = 4 : i64, sc.parallel_access}
    %add3A_166 = arith.constant 24 : i32
    %add3A_167 = arith.addi %mul3A_2, %add3A_166 : i32
    %dma_start3A_168 = arith.constant 0 : i32
    %dma_start3A_169 = arith.constant 0 : i32
    %dma_start3A_170 = tpu.memref_slice %arg4[%add3A_167, %dma_start3A_168, %dma_start3A_169] : memref<4096x4x1024xf32, #tpu.memory_space<hbm>> -> memref<8x4x1024xf32, #tpu.memory_space<hbm>>
    %dma_start3A_171 = arith.constant 0 : i32
    %dma_start3A_172 = arith.constant 0 : i32
    %dma_start3A_173 = tpu.memref_slice %arg4[%add3A_167, %dma_start3A_171, %dma_start3A_172] : memref<4096x4x1024xf32, #tpu.memory_space<hbm>> -> memref<8x4x1024xf32, #tpu.memory_space<hbm>>
    tpu.enqueue_dma source(%arg5 : memref<8x4x1024xf32, #tpu.memory_space<vmem>>) target(%dma_start3A_173 : memref<8x4x1024xf32, #tpu.memory_space<hbm>>) target_semaphore(%arg17 : memref<!tpu.dma_semaphore, #tpu.memory_space<semaphore_mem>>)
    %dma_wait3A_174 = arith.constant 0 : i32
    %dma_wait3A_175 = arith.constant 0 : i32
    %dma_wait3A_176 = tpu.memref_slice %arg2[%add3A_113, %dma_wait3A_174, %dma_wait3A_175] : memref<4096x4x1024xf32, #tpu.memory_space<hbm>> -> memref<8x4x1024xf32, #tpu.memory_space<hbm>>
    %dma_wait3A_177 = arith.constant 0 : i32
    %dma_wait3A_178 = arith.constant 0 : i32
    %dma_wait3A_179 = tpu.memref_slice %arg2[%add3A_113, %dma_wait3A_177, %dma_wait3A_178] : memref<4096x4x1024xf32, #tpu.memory_space<hbm>> -> memref<8x4x1024xf32, #tpu.memory_space<hbm>>
    tpu.wait_dma2 semaphore(%arg12 : memref<!tpu.dma_semaphore, #tpu.memory_space<semaphore_mem>>) src(%dma_wait3A_179 : memref<8x4x1024xf32, #tpu.memory_space<hbm>>) dst(%arg6 : memref<8x4x1024xf32, #tpu.memory_space<vmem>>)
    %dma_wait3A_180 = arith.constant 0 : i32
    %dma_wait3A_181 = tpu.memref_slice %arg3[%add3A_113, %dma_wait3A_180] : memref<8192x1024xf32, #tpu.memory_space<hbm>> -> memref<8x1024xf32, #tpu.memory_space<hbm>>
    %dma_wait3A_182 = arith.constant 0 : i32
    %dma_wait3A_183 = tpu.memref_slice %arg3[%add3A_113, %dma_wait3A_182] : memref<8192x1024xf32, #tpu.memory_space<hbm>> -> memref<8x1024xf32, #tpu.memory_space<hbm>>
    tpu.wait_dma2 semaphore(%arg15 : memref<!tpu.dma_semaphore, #tpu.memory_space<semaphore_mem>>) src(%dma_wait3A_183 : memref<8x1024xf32, #tpu.memory_space<hbm>>) dst(%arg9 : memref<8x1024xf32, #tpu.memory_space<vmem>>)
    %dma_wait3A_184 = arith.constant 0 : i32
    %dma_wait3A_185 = arith.constant 0 : i32
    %dma_wait3A_186 = tpu.memref_slice %arg4[%add3A_167, %dma_wait3A_184, %dma_wait3A_185] : memref<4096x4x1024xf32, #tpu.memory_space<hbm>> -> memref<8x4x1024xf32, #tpu.memory_space<hbm>>
    %dma_wait3A_187 = arith.constant 0 : i32
    %dma_wait3A_188 = arith.constant 0 : i32
    %dma_wait3A_189 = tpu.memref_slice %arg4[%add3A_167, %dma_wait3A_187, %dma_wait3A_188] : memref<4096x4x1024xf32, #tpu.memory_space<hbm>> -> memref<8x4x1024xf32, #tpu.memory_space<hbm>>
    tpu.wait_dma2 semaphore(%arg17 : memref<!tpu.dma_semaphore, #tpu.memory_space<semaphore_mem>>) src(%arg5 : memref<8x4x1024xf32, #tpu.memory_space<vmem>>) dst(%dma_wait3A_189 : memref<8x4x1024xf32, #tpu.memory_space<hbm>>)
    %add3A_190 = arith.constant 48 : i32
    %add3A_191 = arith.addi %mul3A_2, %add3A_190 : i32
    %dma_start3A_192 = arith.constant 0 : i32
    %dma_start3A_193 = arith.constant 0 : i32
    %dma_start3A_194 = tpu.memref_slice %arg2[%add3A_191, %dma_start3A_192, %dma_start3A_193] : memref<4096x4x1024xf32, #tpu.memory_space<hbm>> -> memref<8x4x1024xf32, #tpu.memory_space<hbm>>
    %dma_start3A_195 = arith.constant 0 : i32
    %dma_start3A_196 = arith.constant 0 : i32
    %dma_start3A_197 = tpu.memref_slice %arg2[%add3A_191, %dma_start3A_195, %dma_start3A_196] : memref<4096x4x1024xf32, #tpu.memory_space<hbm>> -> memref<8x4x1024xf32, #tpu.memory_space<hbm>>
    tpu.enqueue_dma source(%dma_start3A_197 : memref<8x4x1024xf32, #tpu.memory_space<hbm>>) target(%arg5 : memref<8x4x1024xf32, #tpu.memory_space<vmem>>) target_semaphore(%arg11 : memref<!tpu.dma_semaphore, #tpu.memory_space<semaphore_mem>>)
    %dma_start3A_198 = arith.constant 0 : i32
    %dma_start3A_199 = tpu.memref_slice %arg3[%add3A_191, %dma_start3A_198] : memref<8192x1024xf32, #tpu.memory_space<hbm>> -> memref<8x1024xf32, #tpu.memory_space<hbm>>
    %dma_start3A_200 = arith.constant 0 : i32
    %dma_start3A_201 = tpu.memref_slice %arg3[%add3A_191, %dma_start3A_200] : memref<8192x1024xf32, #tpu.memory_space<hbm>> -> memref<8x1024xf32, #tpu.memory_space<hbm>>
    tpu.enqueue_dma source(%dma_start3A_201 : memref<8x1024xf32, #tpu.memory_space<hbm>>) target(%arg8 : memref<8x1024xf32, #tpu.memory_space<vmem>>) target_semaphore(%arg14 : memref<!tpu.dma_semaphore, #tpu.memory_space<semaphore_mem>>)
    %parallel_loop3A_202 = arith.constant 0 : i32
    %parallel_loop3A_203 = arith.constant 512 : i32
    %parallel_loop3A_204 = arith.constant 1 : i32
    scf.for %parallel_loop3A_624 = %parallel_loop3A_202 to %parallel_loop3A_203 step %parallel_loop3A_204  : i32 {
      %parallel_loop3A_625 = arith.constant 64 : i32
      %parallel_loop3A_626 = arith.divsi %parallel_loop3A_624, %parallel_loop3A_625 : i32
      %parallel_loop3A_627 = arith.constant 0 : i32
      %parallel_loop3A_628 = arith.cmpi sgt, %parallel_loop3A_624, %parallel_loop3A_627 : i32
      %parallel_loop3A_629 = arith.extui %parallel_loop3A_628 : i1 to i32
      %parallel_loop3A_630 = arith.constant 0 : i32
      %parallel_loop3A_631 = arith.cmpi slt, %parallel_loop3A_624, %parallel_loop3A_630 : i32
      %parallel_loop3A_632 = arith.extui %parallel_loop3A_631 : i1 to i32
      %parallel_loop3A_633 = arith.subi %parallel_loop3A_629, %parallel_loop3A_632 : i32
      %parallel_loop3A_634 = arith.constant 0 : i32
      %parallel_loop3A_635 = arith.cmpi sgt, %parallel_loop3A_625, %parallel_loop3A_634 : i32
      %parallel_loop3A_636 = arith.extui %parallel_loop3A_635 : i1 to i32
      %parallel_loop3A_637 = arith.constant 0 : i32
      %parallel_loop3A_638 = arith.cmpi slt, %parallel_loop3A_625, %parallel_loop3A_637 : i32
      %parallel_loop3A_639 = arith.extui %parallel_loop3A_638 : i1 to i32
      %parallel_loop3A_640 = arith.subi %parallel_loop3A_636, %parallel_loop3A_639 : i32
      %parallel_loop3A_641 = arith.cmpi ne, %parallel_loop3A_633, %parallel_loop3A_640 : i32
      %parallel_loop3A_642 = arith.remsi %parallel_loop3A_624, %parallel_loop3A_625 : i32
      %parallel_loop3A_643 = arith.constant 0 : i32
      %parallel_loop3A_644 = arith.cmpi ne, %parallel_loop3A_642, %parallel_loop3A_643 : i32
      %parallel_loop3A_645 = arith.andi %parallel_loop3A_641, %parallel_loop3A_644 : i1
      %parallel_loop3A_646 = arith.constant 1 : i32
      %parallel_loop3A_647 = arith.subi %parallel_loop3A_626, %parallel_loop3A_646 : i32
      %parallel_loop3A_648 = arith.select %parallel_loop3A_645, %parallel_loop3A_647, %parallel_loop3A_626 : i32
      %parallel_loop3A_649 = arith.constant 64 : i32
      %parallel_loop3A_650 = arith.constant 0 : i32
      %parallel_loop3A_651 = arith.cmpi eq, %parallel_loop3A_649, %parallel_loop3A_650 : i32
      %parallel_loop3A_652 = arith.constant 1 : i32
      %parallel_loop3A_653 = arith.select %parallel_loop3A_651, %parallel_loop3A_652, %parallel_loop3A_649 : i32
      %parallel_loop3A_654 = arith.remsi %parallel_loop3A_624, %parallel_loop3A_653 : i32
      %parallel_loop3A_655 = arith.constant 0 : i32
      %parallel_loop3A_656 = arith.cmpi ne, %parallel_loop3A_654, %parallel_loop3A_655 : i32
      %parallel_loop3A_657 = arith.constant 0 : i32
      %parallel_loop3A_658 = arith.cmpi slt, %parallel_loop3A_654, %parallel_loop3A_657 : i32
      %parallel_loop3A_659 = arith.constant 0 : i32
      %parallel_loop3A_660 = arith.cmpi slt, %parallel_loop3A_653, %parallel_loop3A_659 : i32
      %parallel_loop3A_661 = arith.xori %parallel_loop3A_658, %parallel_loop3A_660 : i1
      %parallel_loop3A_662 = arith.andi %parallel_loop3A_661, %parallel_loop3A_656 : i1
      %parallel_loop3A_663 = arith.addi %parallel_loop3A_654, %parallel_loop3A_653 : i32
      %parallel_loop3A_664 = arith.select %parallel_loop3A_662, %parallel_loop3A_663, %parallel_loop3A_654 : i32
      %parallel_loop3A_665 = arith.constant 16 : i32
      %parallel_loop3A_666 = arith.muli %parallel_loop3A_664, %parallel_loop3A_665 : i32
      %parallel_loop3A_667 = arith.index_cast %parallel_loop3A_648 : i32 to index
      %parallel_loop3A_668 = arith.index_cast %parallel_loop3A_666 : i32 to index
      %parallel_loop3A_669 = tpu.vector_load %arg9[%parallel_loop3A_667, %parallel_loop3A_668] {strides = array<i32>} : memref<8x1024xf32, #tpu.memory_space<vmem>>, vector<1x16xf32>,
      %parallel_loop3A_670 = vector.shape_cast %parallel_loop3A_669 : vector<1x16xf32> to vector<16xf32>
      %parallel_loop3A_671 = arith.constant 0 : i32
      %parallel_loop3A_672 = arith.index_cast %parallel_loop3A_648 : i32 to index
      %parallel_loop3A_673 = arith.index_cast %parallel_loop3A_671 : i32 to index
      %parallel_loop3A_674 = arith.index_cast %parallel_loop3A_666 : i32 to index
      %parallel_loop3A_675 = tpu.vector_load %arg6[%parallel_loop3A_672, %parallel_loop3A_673, %parallel_loop3A_674] {strides = array<i32>} : memref<8x4x1024xf32, #tpu.memory_space<vmem>>, vector<1x1x16xf32>,
      %parallel_loop3A_676 = vector.shape_cast %parallel_loop3A_675 : vector<1x1x16xf32> to vector<16xf32>
      %parallel_loop3A_677 = vector.shape_cast %parallel_loop3A_670 : vector<16xf32> to vector<1x1x16xf32>
      tpu.vector_store %arg6[%parallel_loop3A_672, %parallel_loop3A_673, %parallel_loop3A_674], %parallel_loop3A_677 {add = true, strides = array<i32>} : memref<8x4x1024xf32, #tpu.memory_space<vmem>>, vector<1x1x16xf32>,
      %parallel_loop3A_678 = arith.constant 1 : i32
      %parallel_loop3A_679 = arith.index_cast %parallel_loop3A_648 : i32 to index
      %parallel_loop3A_680 = arith.index_cast %parallel_loop3A_678 : i32 to index
      %parallel_loop3A_681 = arith.index_cast %parallel_loop3A_666 : i32 to index
      %parallel_loop3A_682 = tpu.vector_load %arg6[%parallel_loop3A_679, %parallel_loop3A_680, %parallel_loop3A_681] {strides = array<i32>} : memref<8x4x1024xf32, #tpu.memory_space<vmem>>, vector<1x1x16xf32>,
      %parallel_loop3A_683 = vector.shape_cast %parallel_loop3A_682 : vector<1x1x16xf32> to vector<16xf32>
      %parallel_loop3A_684 = vector.shape_cast %parallel_loop3A_670 : vector<16xf32> to vector<1x1x16xf32>
      tpu.vector_store %arg6[%parallel_loop3A_679, %parallel_loop3A_680, %parallel_loop3A_681], %parallel_loop3A_684 {add = true, strides = array<i32>} : memref<8x4x1024xf32, #tpu.memory_space<vmem>>, vector<1x1x16xf32>,
      %parallel_loop3A_685 = arith.constant 2 : i32
      %parallel_loop3A_686 = arith.index_cast %parallel_loop3A_648 : i32 to index
      %parallel_loop3A_687 = arith.index_cast %parallel_loop3A_685 : i32 to index
      %parallel_loop3A_688 = arith.index_cast %parallel_loop3A_666 : i32 to index
      %parallel_loop3A_689 = tpu.vector_load %arg6[%parallel_loop3A_686, %parallel_loop3A_687, %parallel_loop3A_688] {strides = array<i32>} : memref<8x4x1024xf32, #tpu.memory_space<vmem>>, vector<1x1x16xf32>,
      %parallel_loop3A_690 = vector.shape_cast %parallel_loop3A_689 : vector<1x1x16xf32> to vector<16xf32>
      %parallel_loop3A_691 = vector.shape_cast %parallel_loop3A_670 : vector<16xf32> to vector<1x1x16xf32>
      tpu.vector_store %arg6[%parallel_loop3A_686, %parallel_loop3A_687, %parallel_loop3A_688], %parallel_loop3A_691 {add = true, strides = array<i32>} : memref<8x4x1024xf32, #tpu.memory_space<vmem>>, vector<1x1x16xf32>,
      %parallel_loop3A_692 = arith.constant 3 : i32
      %parallel_loop3A_693 = arith.index_cast %parallel_loop3A_648 : i32 to index
      %parallel_loop3A_694 = arith.index_cast %parallel_loop3A_692 : i32 to index
      %parallel_loop3A_695 = arith.index_cast %parallel_loop3A_666 : i32 to index
      %parallel_loop3A_696 = tpu.vector_load %arg6[%parallel_loop3A_693, %parallel_loop3A_694, %parallel_loop3A_695] {strides = array<i32>} : memref<8x4x1024xf32, #tpu.memory_space<vmem>>, vector<1x1x16xf32>,
      %parallel_loop3A_697 = vector.shape_cast %parallel_loop3A_696 : vector<1x1x16xf32> to vector<16xf32>
      %parallel_loop3A_698 = vector.shape_cast %parallel_loop3A_670 : vector<16xf32> to vector<1x1x16xf32>
      tpu.vector_store %arg6[%parallel_loop3A_693, %parallel_loop3A_694, %parallel_loop3A_695], %parallel_loop3A_698 {add = true, strides = array<i32>} : memref<8x4x1024xf32, #tpu.memory_space<vmem>>, vector<1x1x16xf32>,
    } {sc.loop_unroll_factor = 4 : i64, sc.parallel_access}
    %add3A_205 = arith.constant 32 : i32
    %add3A_206 = arith.addi %mul3A_2, %add3A_205 : i32
    %dma_start3A_207 = arith.constant 0 : i32
    %dma_start3A_208 = arith.constant 0 : i32
    %dma_start3A_209 = tpu.memref_slice %arg4[%add3A_206, %dma_start3A_207, %dma_start3A_208] : memref<4096x4x1024xf32, #tpu.memory_space<hbm>> -> memref<8x4x1024xf32, #tpu.memory_space<hbm>>
    %dma_start3A_210 = arith.constant 0 : i32
    %dma_start3A_211 = arith.constant 0 : i32
    %dma_start3A_212 = tpu.memref_slice %arg4[%add3A_206, %dma_start3A_210, %dma_start3A_211] : memref<4096x4x1024xf32, #tpu.memory_space<hbm>> -> memref<8x4x1024xf32, #tpu.memory_space<hbm>>
    tpu.enqueue_dma source(%arg6 : memref<8x4x1024xf32, #tpu.memory_space<vmem>>) target(%dma_start3A_212 : memref<8x4x1024xf32, #tpu.memory_space<hbm>>) target_semaphore(%arg18 : memref<!tpu.dma_semaphore, #tpu.memory_space<semaphore_mem>>)
    %dma_wait3A_213 = arith.constant 0 : i32
    %dma_wait3A_214 = arith.constant 0 : i32
    %dma_wait3A_215 = tpu.memref_slice %arg2[%add3A_152, %dma_wait3A_213, %dma_wait3A_214] : memref<4096x4x1024xf32, #tpu.memory_space<hbm>> -> memref<8x4x1024xf32, #tpu.memory_space<hbm>>
    %dma_wait3A_216 = arith.constant 0 : i32
    %dma_wait3A_217 = arith.constant 0 : i32
    %dma_wait3A_218 = tpu.memref_slice %arg2[%add3A_152, %dma_wait3A_216, %dma_wait3A_217] : memref<4096x4x1024xf32, #tpu.memory_space<hbm>> -> memref<8x4x1024xf32, #tpu.memory_space<hbm>>
    tpu.wait_dma2 semaphore(%arg13 : memref<!tpu.dma_semaphore, #tpu.memory_space<semaphore_mem>>) src(%dma_wait3A_218 : memref<8x4x1024xf32, #tpu.memory_space<hbm>>) dst(%arg7 : memref<8x4x1024xf32, #tpu.memory_space<vmem>>)
    %dma_wait3A_219 = arith.constant 0 : i32
    %dma_wait3A_220 = tpu.memref_slice %arg3[%add3A_152, %dma_wait3A_219] : memref<8192x1024xf32, #tpu.memory_space<hbm>> -> memref<8x1024xf32, #tpu.memory_space<hbm>>
    %dma_wait3A_221 = arith.constant 0 : i32
    %dma_wait3A_222 = tpu.memref_slice %arg3[%add3A_152, %dma_wait3A_221] : memref<8192x1024xf32, #tpu.memory_space<hbm>> -> memref<8x1024xf32, #tpu.memory_space<hbm>>
    tpu.wait_dma2 semaphore(%arg16 : memref<!tpu.dma_semaphore, #tpu.memory_space<semaphore_mem>>) src(%dma_wait3A_222 : memref<8x1024xf32, #tpu.memory_space<hbm>>) dst(%arg10 : memref<8x1024xf32, #tpu.memory_space<vmem>>)
    %dma_wait3A_223 = arith.constant 0 : i32
    %dma_wait3A_224 = arith.constant 0 : i32
    %dma_wait3A_225 = tpu.memref_slice %arg4[%add3A_206, %dma_wait3A_223, %dma_wait3A_224] : memref<4096x4x1024xf32, #tpu.memory_space<hbm>> -> memref<8x4x1024xf32, #tpu.memory_space<hbm>>
    %dma_wait3A_226 = arith.constant 0 : i32
    %dma_wait3A_227 = arith.constant 0 : i32
    %dma_wait3A_228 = tpu.memref_slice %arg4[%add3A_206, %dma_wait3A_226, %dma_wait3A_227] : memref<4096x4x1024xf32, #tpu.memory_space<hbm>> -> memref<8x4x1024xf32, #tpu.memory_space<hbm>>
    tpu.wait_dma2 semaphore(%arg18 : memref<!tpu.dma_semaphore, #tpu.memory_space<semaphore_mem>>) src(%arg6 : memref<8x4x1024xf32, #tpu.memory_space<vmem>>) dst(%dma_wait3A_228 : memref<8x4x1024xf32, #tpu.memory_space<hbm>>)
    %add3A_229 = arith.constant 56 : i32
    %add3A_230 = arith.addi %mul3A_2, %add3A_229 : i32
    %dma_start3A_231 = arith.constant 0 : i32
    %dma_start3A_232 = arith.constant 0 : i32
    %dma_start3A_233 = tpu.memref_slice %arg2[%add3A_230, %dma_start3A_231, %dma_start3A_232] : memref<4096x4x1024xf32, #tpu.memory_space<hbm>> -> memref<8x4x1024xf32, #tpu.memory_space<hbm>>
    %dma_start3A_234 = arith.constant 0 : i32
    %dma_start3A_235 = arith.constant 0 : i32
    %dma_start3A_236 = tpu.memref_slice %arg2[%add3A_230, %dma_start3A_234, %dma_start3A_235] : memref<4096x4x1024xf32, #tpu.memory_space<hbm>> -> memref<8x4x1024xf32, #tpu.memory_space<hbm>>
    tpu.enqueue_dma source(%dma_start3A_236 : memref<8x4x1024xf32, #tpu.memory_space<hbm>>) target(%arg6 : memref<8x4x1024xf32, #tpu.memory_space<vmem>>) target_semaphore(%arg12 : memref<!tpu.dma_semaphore, #tpu.memory_space<semaphore_mem>>)
    %dma_start3A_237 = arith.constant 0 : i32
    %dma_start3A_238 = tpu.memref_slice %arg3[%add3A_230, %dma_start3A_237] : memref<8192x1024xf32, #tpu.memory_space<hbm>> -> memref<8x1024xf32, #tpu.memory_space<hbm>>
    %dma_start3A_239 = arith.constant 0 : i32
    %dma_start3A_240 = tpu.memref_slice %arg3[%add3A_230, %dma_start3A_239] : memref<8192x1024xf32, #tpu.memory_space<hbm>> -> memref<8x1024xf32, #tpu.memory_space<hbm>>
    tpu.enqueue_dma source(%dma_start3A_240 : memref<8x1024xf32, #tpu.memory_space<hbm>>) target(%arg9 : memref<8x1024xf32, #tpu.memory_space<vmem>>) target_semaphore(%arg15 : memref<!tpu.dma_semaphore, #tpu.memory_space<semaphore_mem>>)
    %parallel_loop3A_241 = arith.constant 0 : i32
    %parallel_loop3A_242 = arith.constant 512 : i32
    %parallel_loop3A_243 = arith.constant 1 : i32
    scf.for %parallel_loop3A_624 = %parallel_loop3A_241 to %parallel_loop3A_242 step %parallel_loop3A_243  : i32 {
      %parallel_loop3A_625 = arith.constant 64 : i32
      %parallel_loop3A_626 = arith.divsi %parallel_loop3A_624, %parallel_loop3A_625 : i32
      %parallel_loop3A_627 = arith.constant 0 : i32
      %parallel_loop3A_628 = arith.cmpi sgt, %parallel_loop3A_624, %parallel_loop3A_627 : i32
      %parallel_loop3A_629 = arith.extui %parallel_loop3A_628 : i1 to i32
      %parallel_loop3A_630 = arith.constant 0 : i32
      %parallel_loop3A_631 = arith.cmpi slt, %parallel_loop3A_624, %parallel_loop3A_630 : i32
      %parallel_loop3A_632 = arith.extui %parallel_loop3A_631 : i1 to i32
      %parallel_loop3A_633 = arith.subi %parallel_loop3A_629, %parallel_loop3A_632 : i32
      %parallel_loop3A_634 = arith.constant 0 : i32
      %parallel_loop3A_635 = arith.cmpi sgt, %parallel_loop3A_625, %parallel_loop3A_634 : i32
      %parallel_loop3A_636 = arith.extui %parallel_loop3A_635 : i1 to i32
      %parallel_loop3A_637 = arith.constant 0 : i32
      %parallel_loop3A_638 = arith.cmpi slt, %parallel_loop3A_625, %parallel_loop3A_637 : i32
      %parallel_loop3A_639 = arith.extui %parallel_loop3A_638 : i1 to i32
      %parallel_loop3A_640 = arith.subi %parallel_loop3A_636, %parallel_loop3A_639 : i32
      %parallel_loop3A_641 = arith.cmpi ne, %parallel_loop3A_633, %parallel_loop3A_640 : i32
      %parallel_loop3A_642 = arith.remsi %parallel_loop3A_624, %parallel_loop3A_625 : i32
      %parallel_loop3A_643 = arith.constant 0 : i32
      %parallel_loop3A_644 = arith.cmpi ne, %parallel_loop3A_642, %parallel_loop3A_643 : i32
      %parallel_loop3A_645 = arith.andi %parallel_loop3A_641, %parallel_loop3A_644 : i1
      %parallel_loop3A_646 = arith.constant 1 : i32
      %parallel_loop3A_647 = arith.subi %parallel_loop3A_626, %parallel_loop3A_646 : i32
      %parallel_loop3A_648 = arith.select %parallel_loop3A_645, %parallel_loop3A_647, %parallel_loop3A_626 : i32
      %parallel_loop3A_649 = arith.constant 64 : i32
      %parallel_loop3A_650 = arith.constant 0 : i32
      %parallel_loop3A_651 = arith.cmpi eq, %parallel_loop3A_649, %parallel_loop3A_650 : i32
      %parallel_loop3A_652 = arith.constant 1 : i32
      %parallel_loop3A_653 = arith.select %parallel_loop3A_651, %parallel_loop3A_652, %parallel_loop3A_649 : i32
      %parallel_loop3A_654 = arith.remsi %parallel_loop3A_624, %parallel_loop3A_653 : i32
      %parallel_loop3A_655 = arith.constant 0 : i32
      %parallel_loop3A_656 = arith.cmpi ne, %parallel_loop3A_654, %parallel_loop3A_655 : i32
      %parallel_loop3A_657 = arith.constant 0 : i32
      %parallel_loop3A_658 = arith.cmpi slt, %parallel_loop3A_654, %parallel_loop3A_657 : i32
      %parallel_loop3A_659 = arith.constant 0 : i32
      %parallel_loop3A_660 = arith.cmpi slt, %parallel_loop3A_653, %parallel_loop3A_659 : i32
      %parallel_loop3A_661 = arith.xori %parallel_loop3A_658, %parallel_loop3A_660 : i1
      %parallel_loop3A_662 = arith.andi %parallel_loop3A_661, %parallel_loop3A_656 : i1
      %parallel_loop3A_663 = arith.addi %parallel_loop3A_654, %parallel_loop3A_653 : i32
      %parallel_loop3A_664 = arith.select %parallel_loop3A_662, %parallel_loop3A_663, %parallel_loop3A_654 : i32
      %parallel_loop3A_665 = arith.constant 16 : i32
      %parallel_loop3A_666 = arith.muli %parallel_loop3A_664, %parallel_loop3A_665 : i32
      %parallel_loop3A_667 = arith.index_cast %parallel_loop3A_648 : i32 to index
      %parallel_loop3A_668 = arith.index_cast %parallel_loop3A_666 : i32 to index
      %parallel_loop3A_669 = tpu.vector_load %arg10[%parallel_loop3A_667, %parallel_loop3A_668] {strides = array<i32>} : memref<8x1024xf32, #tpu.memory_space<vmem>>, vector<1x16xf32>,
      %parallel_loop3A_670 = vector.shape_cast %parallel_loop3A_669 : vector<1x16xf32> to vector<16xf32>
      %parallel_loop3A_671 = arith.constant 0 : i32
      %parallel_loop3A_672 = arith.index_cast %parallel_loop3A_648 : i32 to index
      %parallel_loop3A_673 = arith.index_cast %parallel_loop3A_671 : i32 to index
      %parallel_loop3A_674 = arith.index_cast %parallel_loop3A_666 : i32 to index
      %parallel_loop3A_675 = tpu.vector_load %arg7[%parallel_loop3A_672, %parallel_loop3A_673, %parallel_loop3A_674] {strides = array<i32>} : memref<8x4x1024xf32, #tpu.memory_space<vmem>>, vector<1x1x16xf32>,
      %parallel_loop3A_676 = vector.shape_cast %parallel_loop3A_675 : vector<1x1x16xf32> to vector<16xf32>
      %parallel_loop3A_677 = vector.shape_cast %parallel_loop3A_670 : vector<16xf32> to vector<1x1x16xf32>
      tpu.vector_store %arg7[%parallel_loop3A_672, %parallel_loop3A_673, %parallel_loop3A_674], %parallel_loop3A_677 {add = true, strides = array<i32>} : memref<8x4x1024xf32, #tpu.memory_space<vmem>>, vector<1x1x16xf32>,
      %parallel_loop3A_678 = arith.constant 1 : i32
      %parallel_loop3A_679 = arith.index_cast %parallel_loop3A_648 : i32 to index
      %parallel_loop3A_680 = arith.index_cast %parallel_loop3A_678 : i32 to index
      %parallel_loop3A_681 = arith.index_cast %parallel_loop3A_666 : i32 to index
      %parallel_loop3A_682 = tpu.vector_load %arg7[%parallel_loop3A_679, %parallel_loop3A_680, %parallel_loop3A_681] {strides = array<i32>} : memref<8x4x1024xf32, #tpu.memory_space<vmem>>, vector<1x1x16xf32>,
      %parallel_loop3A_683 = vector.shape_cast %parallel_loop3A_682 : vector<1x1x16xf32> to vector<16xf32>
      %parallel_loop3A_684 = vector.shape_cast %parallel_loop3A_670 : vector<16xf32> to vector<1x1x16xf32>
      tpu.vector_store %arg7[%parallel_loop3A_679, %parallel_loop3A_680, %parallel_loop3A_681], %parallel_loop3A_684 {add = true, strides = array<i32>} : memref<8x4x1024xf32, #tpu.memory_space<vmem>>, vector<1x1x16xf32>,
      %parallel_loop3A_685 = arith.constant 2 : i32
      %parallel_loop3A_686 = arith.index_cast %parallel_loop3A_648 : i32 to index
      %parallel_loop3A_687 = arith.index_cast %parallel_loop3A_685 : i32 to index
      %parallel_loop3A_688 = arith.index_cast %parallel_loop3A_666 : i32 to index
      %parallel_loop3A_689 = tpu.vector_load %arg7[%parallel_loop3A_686, %parallel_loop3A_687, %parallel_loop3A_688] {strides = array<i32>} : memref<8x4x1024xf32, #tpu.memory_space<vmem>>, vector<1x1x16xf32>,
      %parallel_loop3A_690 = vector.shape_cast %parallel_loop3A_689 : vector<1x1x16xf32> to vector<16xf32>
      %parallel_loop3A_691 = vector.shape_cast %parallel_loop3A_670 : vector<16xf32> to vector<1x1x16xf32>
      tpu.vector_store %arg7[%parallel_loop3A_686, %parallel_loop3A_687, %parallel_loop3A_688], %parallel_loop3A_691 {add = true, strides = array<i32>} : memref<8x4x1024xf32, #tpu.memory_space<vmem>>, vector<1x1x16xf32>,
      %parallel_loop3A_692 = arith.constant 3 : i32
      %parallel_loop3A_693 = arith.index_cast %parallel_loop3A_648 : i32 to index
      %parallel_loop3A_694 = arith.index_cast %parallel_loop3A_692 : i32 to index
      %parallel_loop3A_695 = arith.index_cast %parallel_loop3A_666 : i32 to index
      %parallel_loop3A_696 = tpu.vector_load %arg7[%parallel_loop3A_693, %parallel_loop3A_694, %parallel_loop3A_695] {strides = array<i32>} : memref<8x4x1024xf32, #tpu.memory_space<vmem>>, vector<1x1x16xf32>,
      %parallel_loop3A_697 = vector.shape_cast %parallel_loop3A_696 : vector<1x1x16xf32> to vector<16xf32>
      %parallel_loop3A_698 = vector.shape_cast %parallel_loop3A_670 : vector<16xf32> to vector<1x1x16xf32>
      tpu.vector_store %arg7[%parallel_loop3A_693, %parallel_loop3A_694, %parallel_loop3A_695], %parallel_loop3A_698 {add = true, strides = array<i32>} : memref<8x4x1024xf32, #tpu.memory_space<vmem>>, vector<1x1x16xf32>,
    } {sc.loop_unroll_factor = 4 : i64, sc.parallel_access}
    %add3A_244 = arith.constant 40 : i32
    %add3A_245 = arith.addi %mul3A_2, %add3A_244 : i32
    %dma_start3A_246 = arith.constant 0 : i32
    %dma_start3A_247 = arith.constant 0 : i32
    %dma_start3A_248 = tpu.memref_slice %arg4[%add3A_245, %dma_start3A_246, %dma_start3A_247] : memref<4096x4x1024xf32, #tpu.memory_space<hbm>> -> memref<8x4x1024xf32, #tpu.memory_space<hbm>>
    %dma_start3A_249 = arith.constant 0 : i32
    %dma_start3A_250 = arith.constant 0 : i32
    %dma_start3A_251 = tpu.memref_slice %arg4[%add3A_245, %dma_start3A_249, %dma_start3A_250] : memref<4096x4x1024xf32, #tpu.memory_space<hbm>> -> memref<8x4x1024xf32, #tpu.memory_space<hbm>>
    tpu.enqueue_dma source(%arg7 : memref<8x4x1024xf32, #tpu.memory_space<vmem>>) target(%dma_start3A_251 : memref<8x4x1024xf32, #tpu.memory_space<hbm>>) target_semaphore(%arg19 : memref<!tpu.dma_semaphore, #tpu.memory_space<semaphore_mem>>)
    %dma_wait3A_252 = arith.constant 0 : i32
    %dma_wait3A_253 = arith.constant 0 : i32
    %dma_wait3A_254 = tpu.memref_slice %arg2[%add3A_191, %dma_wait3A_252, %dma_wait3A_253] : memref<4096x4x1024xf32, #tpu.memory_space<hbm>> -> memref<8x4x1024xf32, #tpu.memory_space<hbm>>
    %dma_wait3A_255 = arith.constant 0 : i32
    %dma_wait3A_256 = arith.constant 0 : i32
    %dma_wait3A_257 = tpu.memref_slice %arg2[%add3A_191, %dma_wait3A_255, %dma_wait3A_256] : memref<4096x4x1024xf32, #tpu.memory_space<hbm>> -> memref<8x4x1024xf32, #tpu.memory_space<hbm>>
    tpu.wait_dma2 semaphore(%arg11 : memref<!tpu.dma_semaphore, #tpu.memory_space<semaphore_mem>>) src(%dma_wait3A_257 : memref<8x4x1024xf32, #tpu.memory_space<hbm>>) dst(%arg5 : memref<8x4x1024xf32, #tpu.memory_space<vmem>>)
    %dma_wait3A_258 = arith.constant 0 : i32
    %dma_wait3A_259 = tpu.memref_slice %arg3[%add3A_191, %dma_wait3A_258] : memref<8192x1024xf32, #tpu.memory_space<hbm>> -> memref<8x1024xf32, #tpu.memory_space<hbm>>
    %dma_wait3A_260 = arith.constant 0 : i32
    %dma_wait3A_261 = tpu.memref_slice %arg3[%add3A_191, %dma_wait3A_260] : memref<8192x1024xf32, #tpu.memory_space<hbm>> -> memref<8x1024xf32, #tpu.memory_space<hbm>>
    tpu.wait_dma2 semaphore(%arg14 : memref<!tpu.dma_semaphore, #tpu.memory_space<semaphore_mem>>) src(%dma_wait3A_261 : memref<8x1024xf32, #tpu.memory_space<hbm>>) dst(%arg8 : memref<8x1024xf32, #tpu.memory_space<vmem>>)
    %dma_wait3A_262 = arith.constant 0 : i32
    %dma_wait3A_263 = arith.constant 0 : i32
    %dma_wait3A_264 = tpu.memref_slice %arg4[%add3A_245, %dma_wait3A_262, %dma_wait3A_263] : memref<4096x4x1024xf32, #tpu.memory_space<hbm>> -> memref<8x4x1024xf32, #tpu.memory_space<hbm>>
    %dma_wait3A_265 = arith.constant 0 : i32
    %dma_wait3A_266 = arith.constant 0 : i32
    %dma_wait3A_267 = tpu.memref_slice %arg4[%add3A_245, %dma_wait3A_265, %dma_wait3A_266] : memref<4096x4x1024xf32, #tpu.memory_space<hbm>> -> memref<8x4x1024xf32, #tpu.memory_space<hbm>>
    tpu.wait_dma2 semaphore(%arg19 : memref<!tpu.dma_semaphore, #tpu.memory_space<semaphore_mem>>) src(%arg7 : memref<8x4x1024xf32, #tpu.memory_space<vmem>>) dst(%dma_wait3A_267 : memref<8x4x1024xf32, #tpu.memory_space<hbm>>)
    %add3A_268 = arith.constant 64 : i32
    %add3A_269 = arith.addi %mul3A_2, %add3A_268 : i32
    %dma_start3A_270 = arith.constant 0 : i32
    %dma_start3A_271 = arith.constant 0 : i32
    %dma_start3A_272 = tpu.memref_slice %arg2[%add3A_269, %dma_start3A_270, %dma_start3A_271] : memref<4096x4x1024xf32, #tpu.memory_space<hbm>> -> memref<8x4x1024xf32, #tpu.memory_space<hbm>>
    %dma_start3A_273 = arith.constant 0 : i32
    %dma_start3A_274 = arith.constant 0 : i32
    %dma_start3A_275 = tpu.memref_slice %arg2[%add3A_269, %dma_start3A_273, %dma_start3A_274] : memref<4096x4x1024xf32, #tpu.memory_space<hbm>> -> memref<8x4x1024xf32, #tpu.memory_space<hbm>>
    tpu.enqueue_dma source(%dma_start3A_275 : memref<8x4x1024xf32, #tpu.memory_space<hbm>>) target(%arg7 : memref<8x4x1024xf32, #tpu.memory_space<vmem>>) target_semaphore(%arg13 : memref<!tpu.dma_semaphore, #tpu.memory_space<semaphore_mem>>)
    %dma_start3A_276 = arith.constant 0 : i32
    %dma_start3A_277 = tpu.memref_slice %arg3[%add3A_269, %dma_start3A_276] : memref<8192x1024xf32, #tpu.memory_space<hbm>> -> memref<8x1024xf32, #tpu.memory_space<hbm>>
    %dma_start3A_278 = arith.constant 0 : i32
    %dma_start3A_279 = tpu.memref_slice %arg3[%add3A_269, %dma_start3A_278] : memref<8192x1024xf32, #tpu.memory_space<hbm>> -> memref<8x1024xf32, #tpu.memory_space<hbm>>
    tpu.enqueue_dma source(%dma_start3A_279 : memref<8x1024xf32, #tpu.memory_space<hbm>>) target(%arg10 : memref<8x1024xf32, #tpu.memory_space<vmem>>) target_semaphore(%arg16 : memref<!tpu.dma_semaphore, #tpu.memory_space<semaphore_mem>>)
    %parallel_loop3A_280 = arith.constant 0 : i32
    %parallel_loop3A_281 = arith.constant 512 : i32
    %parallel_loop3A_282 = arith.constant 1 : i32
    scf.for %parallel_loop3A_624 = %parallel_loop3A_280 to %parallel_loop3A_281 step %parallel_loop3A_282  : i32 {
      %parallel_loop3A_625 = arith.constant 64 : i32
      %parallel_loop3A_626 = arith.divsi %parallel_loop3A_624, %parallel_loop3A_625 : i32
      %parallel_loop3A_627 = arith.constant 0 : i32
      %parallel_loop3A_628 = arith.cmpi sgt, %parallel_loop3A_624, %parallel_loop3A_627 : i32
      %parallel_loop3A_629 = arith.extui %parallel_loop3A_628 : i1 to i32
      %parallel_loop3A_630 = arith.constant 0 : i32
      %parallel_loop3A_631 = arith.cmpi slt, %parallel_loop3A_624, %parallel_loop3A_630 : i32
      %parallel_loop3A_632 = arith.extui %parallel_loop3A_631 : i1 to i32
      %parallel_loop3A_633 = arith.subi %parallel_loop3A_629, %parallel_loop3A_632 : i32
      %parallel_loop3A_634 = arith.constant 0 : i32
      %parallel_loop3A_635 = arith.cmpi sgt, %parallel_loop3A_625, %parallel_loop3A_634 : i32
      %parallel_loop3A_636 = arith.extui %parallel_loop3A_635 : i1 to i32
      %parallel_loop3A_637 = arith.constant 0 : i32
      %parallel_loop3A_638 = arith.cmpi slt, %parallel_loop3A_625, %parallel_loop3A_637 : i32
      %parallel_loop3A_639 = arith.extui %parallel_loop3A_638 : i1 to i32
      %parallel_loop3A_640 = arith.subi %parallel_loop3A_636, %parallel_loop3A_639 : i32
      %parallel_loop3A_641 = arith.cmpi ne, %parallel_loop3A_633, %parallel_loop3A_640 : i32
      %parallel_loop3A_642 = arith.remsi %parallel_loop3A_624, %parallel_loop3A_625 : i32
      %parallel_loop3A_643 = arith.constant 0 : i32
      %parallel_loop3A_644 = arith.cmpi ne, %parallel_loop3A_642, %parallel_loop3A_643 : i32
      %parallel_loop3A_645 = arith.andi %parallel_loop3A_641, %parallel_loop3A_644 : i1
      %parallel_loop3A_646 = arith.constant 1 : i32
      %parallel_loop3A_647 = arith.subi %parallel_loop3A_626, %parallel_loop3A_646 : i32
      %parallel_loop3A_648 = arith.select %parallel_loop3A_645, %parallel_loop3A_647, %parallel_loop3A_626 : i32
      %parallel_loop3A_649 = arith.constant 64 : i32
      %parallel_loop3A_650 = arith.constant 0 : i32
      %parallel_loop3A_651 = arith.cmpi eq, %parallel_loop3A_649, %parallel_loop3A_650 : i32
      %parallel_loop3A_652 = arith.constant 1 : i32
      %parallel_loop3A_653 = arith.select %parallel_loop3A_651, %parallel_loop3A_652, %parallel_loop3A_649 : i32
      %parallel_loop3A_654 = arith.remsi %parallel_loop3A_624, %parallel_loop3A_653 : i32
      %parallel_loop3A_655 = arith.constant 0 : i32
      %parallel_loop3A_656 = arith.cmpi ne, %parallel_loop3A_654, %parallel_loop3A_655 : i32
      %parallel_loop3A_657 = arith.constant 0 : i32
      %parallel_loop3A_658 = arith.cmpi slt, %parallel_loop3A_654, %parallel_loop3A_657 : i32
      %parallel_loop3A_659 = arith.constant 0 : i32
      %parallel_loop3A_660 = arith.cmpi slt, %parallel_loop3A_653, %parallel_loop3A_659 : i32
      %parallel_loop3A_661 = arith.xori %parallel_loop3A_658, %parallel_loop3A_660 : i1
      %parallel_loop3A_662 = arith.andi %parallel_loop3A_661, %parallel_loop3A_656 : i1
      %parallel_loop3A_663 = arith.addi %parallel_loop3A_654, %parallel_loop3A_653 : i32
      %parallel_loop3A_664 = arith.select %parallel_loop3A_662, %parallel_loop3A_663, %parallel_loop3A_654 : i32
      %parallel_loop3A_665 = arith.constant 16 : i32
      %parallel_loop3A_666 = arith.muli %parallel_loop3A_664, %parallel_loop3A_665 : i32
      %parallel_loop3A_667 = arith.index_cast %parallel_loop3A_648 : i32 to index
      %parallel_loop3A_668 = arith.index_cast %parallel_loop3A_666 : i32 to index
      %parallel_loop3A_669 = tpu.vector_load %arg8[%parallel_loop3A_667, %parallel_loop3A_668] {strides = array<i32>} : memref<8x1024xf32, #tpu.memory_space<vmem>>, vector<1x16xf32>,
      %parallel_loop3A_670 = vector.shape_cast %parallel_loop3A_669 : vector<1x16xf32> to vector<16xf32>
      %parallel_loop3A_671 = arith.constant 0 : i32
      %parallel_loop3A_672 = arith.index_cast %parallel_loop3A_648 : i32 to index
      %parallel_loop3A_673 = arith.index_cast %parallel_loop3A_671 : i32 to index
      %parallel_loop3A_674 = arith.index_cast %parallel_loop3A_666 : i32 to index
      %parallel_loop3A_675 = tpu.vector_load %arg5[%parallel_loop3A_672, %parallel_loop3A_673, %parallel_loop3A_674] {strides = array<i32>} : memref<8x4x1024xf32, #tpu.memory_space<vmem>>, vector<1x1x16xf32>,
      %parallel_loop3A_676 = vector.shape_cast %parallel_loop3A_675 : vector<1x1x16xf32> to vector<16xf32>
      %parallel_loop3A_677 = vector.shape_cast %parallel_loop3A_670 : vector<16xf32> to vector<1x1x16xf32>
      tpu.vector_store %arg5[%parallel_loop3A_672, %parallel_loop3A_673, %parallel_loop3A_674], %parallel_loop3A_677 {add = true, strides = array<i32>} : memref<8x4x1024xf32, #tpu.memory_space<vmem>>, vector<1x1x16xf32>,
      %parallel_loop3A_678 = arith.constant 1 : i32
      %parallel_loop3A_679 = arith.index_cast %parallel_loop3A_648 : i32 to index
      %parallel_loop3A_680 = arith.index_cast %parallel_loop3A_678 : i32 to index
      %parallel_loop3A_681 = arith.index_cast %parallel_loop3A_666 : i32 to index
      %parallel_loop3A_682 = tpu.vector_load %arg5[%parallel_loop3A_679, %parallel_loop3A_680, %parallel_loop3A_681] {strides = array<i32>} : memref<8x4x1024xf32, #tpu.memory_space<vmem>>, vector<1x1x16xf32>,
      %parallel_loop3A_683 = vector.shape_cast %parallel_loop3A_682 : vector<1x1x16xf32> to vector<16xf32>
      %parallel_loop3A_684 = vector.shape_cast %parallel_loop3A_670 : vector<16xf32> to vector<1x1x16xf32>
      tpu.vector_store %arg5[%parallel_loop3A_679, %parallel_loop3A_680, %parallel_loop3A_681], %parallel_loop3A_684 {add = true, strides = array<i32>} : memref<8x4x1024xf32, #tpu.memory_space<vmem>>, vector<1x1x16xf32>,
      %parallel_loop3A_685 = arith.constant 2 : i32
      %parallel_loop3A_686 = arith.index_cast %parallel_loop3A_648 : i32 to index
      %parallel_loop3A_687 = arith.index_cast %parallel_loop3A_685 : i32 to index
      %parallel_loop3A_688 = arith.index_cast %parallel_loop3A_666 : i32 to index
      %parallel_loop3A_689 = tpu.vector_load %arg5[%parallel_loop3A_686, %parallel_loop3A_687, %parallel_loop3A_688] {strides = array<i32>} : memref<8x4x1024xf32, #tpu.memory_space<vmem>>, vector<1x1x16xf32>,
      %parallel_loop3A_690 = vector.shape_cast %parallel_loop3A_689 : vector<1x1x16xf32> to vector<16xf32>
      %parallel_loop3A_691 = vector.shape_cast %parallel_loop3A_670 : vector<16xf32> to vector<1x1x16xf32>
      tpu.vector_store %arg5[%parallel_loop3A_686, %parallel_loop3A_687, %parallel_loop3A_688], %parallel_loop3A_691 {add = true, strides = array<i32>} : memref<8x4x1024xf32, #tpu.memory_space<vmem>>, vector<1x1x16xf32>,
      %parallel_loop3A_692 = arith.constant 3 : i32
      %parallel_loop3A_693 = arith.index_cast %parallel_loop3A_648 : i32 to index
      %parallel_loop3A_694 = arith.index_cast %parallel_loop3A_692 : i32 to index
      %parallel_loop3A_695 = arith.index_cast %parallel_loop3A_666 : i32 to index
      %parallel_loop3A_696 = tpu.vector_load %arg5[%parallel_loop3A_693, %parallel_loop3A_694, %parallel_loop3A_695] {strides = array<i32>} : memref<8x4x1024xf32, #tpu.memory_space<vmem>>, vector<1x1x16xf32>,
      %parallel_loop3A_697 = vector.shape_cast %parallel_loop3A_696 : vector<1x1x16xf32> to vector<16xf32>
      %parallel_loop3A_698 = vector.shape_cast %parallel_loop3A_670 : vector<16xf32> to vector<1x1x16xf32>
      tpu.vector_store %arg5[%parallel_loop3A_693, %parallel_loop3A_694, %parallel_loop3A_695], %parallel_loop3A_698 {add = true, strides = array<i32>} : memref<8x4x1024xf32, #tpu.memory_space<vmem>>, vector<1x1x16xf32>,
    } {sc.loop_unroll_factor = 4 : i64, sc.parallel_access}
    %add3A_283 = arith.constant 48 : i32
    %add3A_284 = arith.addi %mul3A_2, %add3A_283 : i32
    %dma_start3A_285 = arith.constant 0 : i32
    %dma_start3A_286 = arith.constant 0 : i32
    %dma_start3A_287 = tpu.memref_slice %arg4[%add3A_284, %dma_start3A_285, %dma_start3A_286] : memref<4096x4x1024xf32, #tpu.memory_space<hbm>> -> memref<8x4x1024xf32, #tpu.memory_space<hbm>>
    %dma_start3A_288 = arith.constant 0 : i32
    %dma_start3A_289 = arith.constant 0 : i32
    %dma_start3A_290 = tpu.memref_slice %arg4[%add3A_284, %dma_start3A_288, %dma_start3A_289] : memref<4096x4x1024xf32, #tpu.memory_space<hbm>> -> memref<8x4x1024xf32, #tpu.memory_space<hbm>>
    tpu.enqueue_dma source(%arg5 : memref<8x4x1024xf32, #tpu.memory_space<vmem>>) target(%dma_start3A_290 : memref<8x4x1024xf32, #tpu.memory_space<hbm>>) target_semaphore(%arg17 : memref<!tpu.dma_semaphore, #tpu.memory_space<semaphore_mem>>)
    %dma_wait3A_291 = arith.constant 0 : i32
    %dma_wait3A_292 = arith.constant 0 : i32
    %dma_wait3A_293 = tpu.memref_slice %arg2[%add3A_230, %dma_wait3A_291, %dma_wait3A_292] : memref<4096x4x1024xf32, #tpu.memory_space<hbm>> -> memref<8x4x1024xf32, #tpu.memory_space<hbm>>
    %dma_wait3A_294 = arith.constant 0 : i32
    %dma_wait3A_295 = arith.constant 0 : i32
    %dma_wait3A_296 = tpu.memref_slice %arg2[%add3A_230, %dma_wait3A_294, %dma_wait3A_295] : memref<4096x4x1024xf32, #tpu.memory_space<hbm>> -> memref<8x4x1024xf32, #tpu.memory_space<hbm>>
    tpu.wait_dma2 semaphore(%arg12 : memref<!tpu.dma_semaphore, #tpu.memory_space<semaphore_mem>>) src(%dma_wait3A_296 : memref<8x4x1024xf32, #tpu.memory_space<hbm>>) dst(%arg6 : memref<8x4x1024xf32, #tpu.memory_space<vmem>>)
    %dma_wait3A_297 = arith.constant 0 : i32
    %dma_wait3A_298 = tpu.memref_slice %arg3[%add3A_230, %dma_wait3A_297] : memref<8192x1024xf32, #tpu.memory_space<hbm>> -> memref<8x1024xf32, #tpu.memory_space<hbm>>
    %dma_wait3A_299 = arith.constant 0 : i32
    %dma_wait3A_300 = tpu.memref_slice %arg3[%add3A_230, %dma_wait3A_299] : memref<8192x1024xf32, #tpu.memory_space<hbm>> -> memref<8x1024xf32, #tpu.memory_space<hbm>>
    tpu.wait_dma2 semaphore(%arg15 : memref<!tpu.dma_semaphore, #tpu.memory_space<semaphore_mem>>) src(%dma_wait3A_300 : memref<8x1024xf32, #tpu.memory_space<hbm>>) dst(%arg9 : memref<8x1024xf32, #tpu.memory_space<vmem>>)
    %dma_wait3A_301 = arith.constant 0 : i32
    %dma_wait3A_302 = arith.constant 0 : i32
    %dma_wait3A_303 = tpu.memref_slice %arg4[%add3A_284, %dma_wait3A_301, %dma_wait3A_302] : memref<4096x4x1024xf32, #tpu.memory_space<hbm>> -> memref<8x4x1024xf32, #tpu.memory_space<hbm>>
    %dma_wait3A_304 = arith.constant 0 : i32
    %dma_wait3A_305 = arith.constant 0 : i32
    %dma_wait3A_306 = tpu.memref_slice %arg4[%add3A_284, %dma_wait3A_304, %dma_wait3A_305] : memref<4096x4x1024xf32, #tpu.memory_space<hbm>> -> memref<8x4x1024xf32, #tpu.memory_space<hbm>>
    tpu.wait_dma2 semaphore(%arg17 : memref<!tpu.dma_semaphore, #tpu.memory_space<semaphore_mem>>) src(%arg5 : memref<8x4x1024xf32, #tpu.memory_space<vmem>>) dst(%dma_wait3A_306 : memref<8x4x1024xf32, #tpu.memory_space<hbm>>)
    %add3A_307 = arith.constant 72 : i32
    %add3A_308 = arith.addi %mul3A_2, %add3A_307 : i32
    %dma_start3A_309 = arith.constant 0 : i32
    %dma_start3A_310 = arith.constant 0 : i32
    %dma_start3A_311 = tpu.memref_slice %arg2[%add3A_308, %dma_start3A_309, %dma_start3A_310] : memref<4096x4x1024xf32, #tpu.memory_space<hbm>> -> memref<8x4x1024xf32, #tpu.memory_space<hbm>>
    %dma_start3A_312 = arith.constant 0 : i32
    %dma_start3A_313 = arith.constant 0 : i32
    %dma_start3A_314 = tpu.memref_slice %arg2[%add3A_308, %dma_start3A_312, %dma_start3A_313] : memref<4096x4x1024xf32, #tpu.memory_space<hbm>> -> memref<8x4x1024xf32, #tpu.memory_space<hbm>>
    tpu.enqueue_dma source(%dma_start3A_314 : memref<8x4x1024xf32, #tpu.memory_space<hbm>>) target(%arg5 : memref<8x4x1024xf32, #tpu.memory_space<vmem>>) target_semaphore(%arg11 : memref<!tpu.dma_semaphore, #tpu.memory_space<semaphore_mem>>)
    %dma_start3A_315 = arith.constant 0 : i32
    %dma_start3A_316 = tpu.memref_slice %arg3[%add3A_308, %dma_start3A_315] : memref<8192x1024xf32, #tpu.memory_space<hbm>> -> memref<8x1024xf32, #tpu.memory_space<hbm>>
    %dma_start3A_317 = arith.constant 0 : i32
    %dma_start3A_318 = tpu.memref_slice %arg3[%add3A_308, %dma_start3A_317] : memref<8192x1024xf32, #tpu.memory_space<hbm>> -> memref<8x1024xf32, #tpu.memory_space<hbm>>
    tpu.enqueue_dma source(%dma_start3A_318 : memref<8x1024xf32, #tpu.memory_space<hbm>>) target(%arg8 : memref<8x1024xf32, #tpu.memory_space<vmem>>) target_semaphore(%arg14 : memref<!tpu.dma_semaphore, #tpu.memory_space<semaphore_mem>>)
    %parallel_loop3A_319 = arith.constant 0 : i32
    %parallel_loop3A_320 = arith.constant 512 : i32
    %parallel_loop3A_321 = arith.constant 1 : i32
    scf.for %parallel_loop3A_624 = %parallel_loop3A_319 to %parallel_loop3A_320 step %parallel_loop3A_321  : i32 {
      %parallel_loop3A_625 = arith.constant 64 : i32
      %parallel_loop3A_626 = arith.divsi %parallel_loop3A_624, %parallel_loop3A_625 : i32
      %parallel_loop3A_627 = arith.constant 0 : i32
      %parallel_loop3A_628 = arith.cmpi sgt, %parallel_loop3A_624, %parallel_loop3A_627 : i32
      %parallel_loop3A_629 = arith.extui %parallel_loop3A_628 : i1 to i32
      %parallel_loop3A_630 = arith.constant 0 : i32
      %parallel_loop3A_631 = arith.cmpi slt, %parallel_loop3A_624, %parallel_loop3A_630 : i32
      %parallel_loop3A_632 = arith.extui %parallel_loop3A_631 : i1 to i32
      %parallel_loop3A_633 = arith.subi %parallel_loop3A_629, %parallel_loop3A_632 : i32
      %parallel_loop3A_634 = arith.constant 0 : i32
      %parallel_loop3A_635 = arith.cmpi sgt, %parallel_loop3A_625, %parallel_loop3A_634 : i32
      %parallel_loop3A_636 = arith.extui %parallel_loop3A_635 : i1 to i32
      %parallel_loop3A_637 = arith.constant 0 : i32
      %parallel_loop3A_638 = arith.cmpi slt, %parallel_loop3A_625, %parallel_loop3A_637 : i32
      %parallel_loop3A_639 = arith.extui %parallel_loop3A_638 : i1 to i32
      %parallel_loop3A_640 = arith.subi %parallel_loop3A_636, %parallel_loop3A_639 : i32
      %parallel_loop3A_641 = arith.cmpi ne, %parallel_loop3A_633, %parallel_loop3A_640 : i32
      %parallel_loop3A_642 = arith.remsi %parallel_loop3A_624, %parallel_loop3A_625 : i32
      %parallel_loop3A_643 = arith.constant 0 : i32
      %parallel_loop3A_644 = arith.cmpi ne, %parallel_loop3A_642, %parallel_loop3A_643 : i32
      %parallel_loop3A_645 = arith.andi %parallel_loop3A_641, %parallel_loop3A_644 : i1
      %parallel_loop3A_646 = arith.constant 1 : i32
      %parallel_loop3A_647 = arith.subi %parallel_loop3A_626, %parallel_loop3A_646 : i32
      %parallel_loop3A_648 = arith.select %parallel_loop3A_645, %parallel_loop3A_647, %parallel_loop3A_626 : i32
      %parallel_loop3A_649 = arith.constant 64 : i32
      %parallel_loop3A_650 = arith.constant 0 : i32
      %parallel_loop3A_651 = arith.cmpi eq, %parallel_loop3A_649, %parallel_loop3A_650 : i32
      %parallel_loop3A_652 = arith.constant 1 : i32
      %parallel_loop3A_653 = arith.select %parallel_loop3A_651, %parallel_loop3A_652, %parallel_loop3A_649 : i32
      %parallel_loop3A_654 = arith.remsi %parallel_loop3A_624, %parallel_loop3A_653 : i32
      %parallel_loop3A_655 = arith.constant 0 : i32
      %parallel_loop3A_656 = arith.cmpi ne, %parallel_loop3A_654, %parallel_loop3A_655 : i32
      %parallel_loop3A_657 = arith.constant 0 : i32
      %parallel_loop3A_658 = arith.cmpi slt, %parallel_loop3A_654, %parallel_loop3A_657 : i32
      %parallel_loop3A_659 = arith.constant 0 : i32
      %parallel_loop3A_660 = arith.cmpi slt, %parallel_loop3A_653, %parallel_loop3A_659 : i32
      %parallel_loop3A_661 = arith.xori %parallel_loop3A_658, %parallel_loop3A_660 : i1
      %parallel_loop3A_662 = arith.andi %parallel_loop3A_661, %parallel_loop3A_656 : i1
      %parallel_loop3A_663 = arith.addi %parallel_loop3A_654, %parallel_loop3A_653 : i32
      %parallel_loop3A_664 = arith.select %parallel_loop3A_662, %parallel_loop3A_663, %parallel_loop3A_654 : i32
      %parallel_loop3A_665 = arith.constant 16 : i32
      %parallel_loop3A_666 = arith.muli %parallel_loop3A_664, %parallel_loop3A_665 : i32
      %parallel_loop3A_667 = arith.index_cast %parallel_loop3A_648 : i32 to index
      %parallel_loop3A_668 = arith.index_cast %parallel_loop3A_666 : i32 to index
      %parallel_loop3A_669 = tpu.vector_load %arg9[%parallel_loop3A_667, %parallel_loop3A_668] {strides = array<i32>} : memref<8x1024xf32, #tpu.memory_space<vmem>>, vector<1x16xf32>,
      %parallel_loop3A_670 = vector.shape_cast %parallel_loop3A_669 : vector<1x16xf32> to vector<16xf32>
      %parallel_loop3A_671 = arith.constant 0 : i32
      %parallel_loop3A_672 = arith.index_cast %parallel_loop3A_648 : i32 to index
      %parallel_loop3A_673 = arith.index_cast %parallel_loop3A_671 : i32 to index
      %parallel_loop3A_674 = arith.index_cast %parallel_loop3A_666 : i32 to index
      %parallel_loop3A_675 = tpu.vector_load %arg6[%parallel_loop3A_672, %parallel_loop3A_673, %parallel_loop3A_674] {strides = array<i32>} : memref<8x4x1024xf32, #tpu.memory_space<vmem>>, vector<1x1x16xf32>,
      %parallel_loop3A_676 = vector.shape_cast %parallel_loop3A_675 : vector<1x1x16xf32> to vector<16xf32>
      %parallel_loop3A_677 = vector.shape_cast %parallel_loop3A_670 : vector<16xf32> to vector<1x1x16xf32>
      tpu.vector_store %arg6[%parallel_loop3A_672, %parallel_loop3A_673, %parallel_loop3A_674], %parallel_loop3A_677 {add = true, strides = array<i32>} : memref<8x4x1024xf32, #tpu.memory_space<vmem>>, vector<1x1x16xf32>,
      %parallel_loop3A_678 = arith.constant 1 : i32
      %parallel_loop3A_679 = arith.index_cast %parallel_loop3A_648 : i32 to index
      %parallel_loop3A_680 = arith.index_cast %parallel_loop3A_678 : i32 to index
      %parallel_loop3A_681 = arith.index_cast %parallel_loop3A_666 : i32 to index
      %parallel_loop3A_682 = tpu.vector_load %arg6[%parallel_loop3A_679, %parallel_loop3A_680, %parallel_loop3A_681] {strides = array<i32>} : memref<8x4x1024xf32, #tpu.memory_space<vmem>>, vector<1x1x16xf32>,
      %parallel_loop3A_683 = vector.shape_cast %parallel_loop3A_682 : vector<1x1x16xf32> to vector<16xf32>
      %parallel_loop3A_684 = vector.shape_cast %parallel_loop3A_670 : vector<16xf32> to vector<1x1x16xf32>
      tpu.vector_store %arg6[%parallel_loop3A_679, %parallel_loop3A_680, %parallel_loop3A_681], %parallel_loop3A_684 {add = true, strides = array<i32>} : memref<8x4x1024xf32, #tpu.memory_space<vmem>>, vector<1x1x16xf32>,
      %parallel_loop3A_685 = arith.constant 2 : i32
      %parallel_loop3A_686 = arith.index_cast %parallel_loop3A_648 : i32 to index
      %parallel_loop3A_687 = arith.index_cast %parallel_loop3A_685 : i32 to index
      %parallel_loop3A_688 = arith.index_cast %parallel_loop3A_666 : i32 to index
      %parallel_loop3A_689 = tpu.vector_load %arg6[%parallel_loop3A_686, %parallel_loop3A_687, %parallel_loop3A_688] {strides = array<i32>} : memref<8x4x1024xf32, #tpu.memory_space<vmem>>, vector<1x1x16xf32>,
      %parallel_loop3A_690 = vector.shape_cast %parallel_loop3A_689 : vector<1x1x16xf32> to vector<16xf32>
      %parallel_loop3A_691 = vector.shape_cast %parallel_loop3A_670 : vector<16xf32> to vector<1x1x16xf32>
      tpu.vector_store %arg6[%parallel_loop3A_686, %parallel_loop3A_687, %parallel_loop3A_688], %parallel_loop3A_691 {add = true, strides = array<i32>} : memref<8x4x1024xf32, #tpu.memory_space<vmem>>, vector<1x1x16xf32>,
      %parallel_loop3A_692 = arith.constant 3 : i32
      %parallel_loop3A_693 = arith.index_cast %parallel_loop3A_648 : i32 to index
      %parallel_loop3A_694 = arith.index_cast %parallel_loop3A_692 : i32 to index
      %parallel_loop3A_695 = arith.index_cast %parallel_loop3A_666 : i32 to index
      %parallel_loop3A_696 = tpu.vector_load %arg6[%parallel_loop3A_693, %parallel_loop3A_694, %parallel_loop3A_695] {strides = array<i32>} : memref<8x4x1024xf32, #tpu.memory_space<vmem>>, vector<1x1x16xf32>,
      %parallel_loop3A_697 = vector.shape_cast %parallel_loop3A_696 : vector<1x1x16xf32> to vector<16xf32>
      %parallel_loop3A_698 = vector.shape_cast %parallel_loop3A_670 : vector<16xf32> to vector<1x1x16xf32>
      tpu.vector_store %arg6[%parallel_loop3A_693, %parallel_loop3A_694, %parallel_loop3A_695], %parallel_loop3A_698 {add = true, strides = array<i32>} : memref<8x4x1024xf32, #tpu.memory_space<vmem>>, vector<1x1x16xf32>,
    } {sc.loop_unroll_factor = 4 : i64, sc.parallel_access}
    %add3A_322 = arith.constant 56 : i32
    %add3A_323 = arith.addi %mul3A_2, %add3A_322 : i32
    %dma_start3A_324 = arith.constant 0 : i32
    %dma_start3A_325 = arith.constant 0 : i32
    %dma_start3A_326 = tpu.memref_slice %arg4[%add3A_323, %dma_start3A_324, %dma_start3A_325] : memref<4096x4x1024xf32, #tpu.memory_space<hbm>> -> memref<8x4x1024xf32, #tpu.memory_space<hbm>>
    %dma_start3A_327 = arith.constant 0 : i32
    %dma_start3A_328 = arith.constant 0 : i32
    %dma_start3A_329 = tpu.memref_slice %arg4[%add3A_323, %dma_start3A_327, %dma_start3A_328] : memref<4096x4x1024xf32, #tpu.memory_space<hbm>> -> memref<8x4x1024xf32, #tpu.memory_space<hbm>>
    tpu.enqueue_dma source(%arg6 : memref<8x4x1024xf32, #tpu.memory_space<vmem>>) target(%dma_start3A_329 : memref<8x4x1024xf32, #tpu.memory_space<hbm>>) target_semaphore(%arg18 : memref<!tpu.dma_semaphore, #tpu.memory_space<semaphore_mem>>)
    %dma_wait3A_330 = arith.constant 0 : i32
    %dma_wait3A_331 = arith.constant 0 : i32
    %dma_wait3A_332 = tpu.memref_slice %arg2[%add3A_269, %dma_wait3A_330, %dma_wait3A_331] : memref<4096x4x1024xf32, #tpu.memory_space<hbm>> -> memref<8x4x1024xf32, #tpu.memory_space<hbm>>
    %dma_wait3A_333 = arith.constant 0 : i32
    %dma_wait3A_334 = arith.constant 0 : i32
    %dma_wait3A_335 = tpu.memref_slice %arg2[%add3A_269, %dma_wait3A_333, %dma_wait3A_334] : memref<4096x4x1024xf32, #tpu.memory_space<hbm>> -> memref<8x4x1024xf32, #tpu.memory_space<hbm>>
    tpu.wait_dma2 semaphore(%arg13 : memref<!tpu.dma_semaphore, #tpu.memory_space<semaphore_mem>>) src(%dma_wait3A_335 : memref<8x4x1024xf32, #tpu.memory_space<hbm>>) dst(%arg7 : memref<8x4x1024xf32, #tpu.memory_space<vmem>>)
    %dma_wait3A_336 = arith.constant 0 : i32
    %dma_wait3A_337 = tpu.memref_slice %arg3[%add3A_269, %dma_wait3A_336] : memref<8192x1024xf32, #tpu.memory_space<hbm>> -> memref<8x1024xf32, #tpu.memory_space<hbm>>
    %dma_wait3A_338 = arith.constant 0 : i32
    %dma_wait3A_339 = tpu.memref_slice %arg3[%add3A_269, %dma_wait3A_338] : memref<8192x1024xf32, #tpu.memory_space<hbm>> -> memref<8x1024xf32, #tpu.memory_space<hbm>>
    tpu.wait_dma2 semaphore(%arg16 : memref<!tpu.dma_semaphore, #tpu.memory_space<semaphore_mem>>) src(%dma_wait3A_339 : memref<8x1024xf32, #tpu.memory_space<hbm>>) dst(%arg10 : memref<8x1024xf32, #tpu.memory_space<vmem>>)
    %dma_wait3A_340 = arith.constant 0 : i32
    %dma_wait3A_341 = arith.constant 0 : i32
    %dma_wait3A_342 = tpu.memref_slice %arg4[%add3A_323, %dma_wait3A_340, %dma_wait3A_341] : memref<4096x4x1024xf32, #tpu.memory_space<hbm>> -> memref<8x4x1024xf32, #tpu.memory_space<hbm>>
    %dma_wait3A_343 = arith.constant 0 : i32
    %dma_wait3A_344 = arith.constant 0 : i32
    %dma_wait3A_345 = tpu.memref_slice %arg4[%add3A_323, %dma_wait3A_343, %dma_wait3A_344] : memref<4096x4x1024xf32, #tpu.memory_space<hbm>> -> memref<8x4x1024xf32, #tpu.memory_space<hbm>>
    tpu.wait_dma2 semaphore(%arg18 : memref<!tpu.dma_semaphore, #tpu.memory_space<semaphore_mem>>) src(%arg6 : memref<8x4x1024xf32, #tpu.memory_space<vmem>>) dst(%dma_wait3A_345 : memref<8x4x1024xf32, #tpu.memory_space<hbm>>)
    %add3A_346 = arith.constant 80 : i32
    %add3A_347 = arith.addi %mul3A_2, %add3A_346 : i32
    %dma_start3A_348 = arith.constant 0 : i32
    %dma_start3A_349 = arith.constant 0 : i32
    %dma_start3A_350 = tpu.memref_slice %arg2[%add3A_347, %dma_start3A_348, %dma_start3A_349] : memref<4096x4x1024xf32, #tpu.memory_space<hbm>> -> memref<8x4x1024xf32, #tpu.memory_space<hbm>>
    %dma_start3A_351 = arith.constant 0 : i32
    %dma_start3A_352 = arith.constant 0 : i32
    %dma_start3A_353 = tpu.memref_slice %arg2[%add3A_347, %dma_start3A_351, %dma_start3A_352] : memref<4096x4x1024xf32, #tpu.memory_space<hbm>> -> memref<8x4x1024xf32, #tpu.memory_space<hbm>>
    tpu.enqueue_dma source(%dma_start3A_353 : memref<8x4x1024xf32, #tpu.memory_space<hbm>>) target(%arg6 : memref<8x4x1024xf32, #tpu.memory_space<vmem>>) target_semaphore(%arg12 : memref<!tpu.dma_semaphore, #tpu.memory_space<semaphore_mem>>)
    %dma_start3A_354 = arith.constant 0 : i32
    %dma_start3A_355 = tpu.memref_slice %arg3[%add3A_347, %dma_start3A_354] : memref<8192x1024xf32, #tpu.memory_space<hbm>> -> memref<8x1024xf32, #tpu.memory_space<hbm>>
    %dma_start3A_356 = arith.constant 0 : i32
    %dma_start3A_357 = tpu.memref_slice %arg3[%add3A_347, %dma_start3A_356] : memref<8192x1024xf32, #tpu.memory_space<hbm>> -> memref<8x1024xf32, #tpu.memory_space<hbm>>
    tpu.enqueue_dma source(%dma_start3A_357 : memref<8x1024xf32, #tpu.memory_space<hbm>>) target(%arg9 : memref<8x1024xf32, #tpu.memory_space<vmem>>) target_semaphore(%arg15 : memref<!tpu.dma_semaphore, #tpu.memory_space<semaphore_mem>>)
    %parallel_loop3A_358 = arith.constant 0 : i32
    %parallel_loop3A_359 = arith.constant 512 : i32
    %parallel_loop3A_360 = arith.constant 1 : i32
    scf.for %parallel_loop3A_624 = %parallel_loop3A_358 to %parallel_loop3A_359 step %parallel_loop3A_360  : i32 {
      %parallel_loop3A_625 = arith.constant 64 : i32
      %parallel_loop3A_626 = arith.divsi %parallel_loop3A_624, %parallel_loop3A_625 : i32
      %parallel_loop3A_627 = arith.constant 0 : i32
      %parallel_loop3A_628 = arith.cmpi sgt, %parallel_loop3A_624, %parallel_loop3A_627 : i32
      %parallel_loop3A_629 = arith.extui %parallel_loop3A_628 : i1 to i32
      %parallel_loop3A_630 = arith.constant 0 : i32
      %parallel_loop3A_631 = arith.cmpi slt, %parallel_loop3A_624, %parallel_loop3A_630 : i32
      %parallel_loop3A_632 = arith.extui %parallel_loop3A_631 : i1 to i32
      %parallel_loop3A_633 = arith.subi %parallel_loop3A_629, %parallel_loop3A_632 : i32
      %parallel_loop3A_634 = arith.constant 0 : i32
      %parallel_loop3A_635 = arith.cmpi sgt, %parallel_loop3A_625, %parallel_loop3A_634 : i32
      %parallel_loop3A_636 = arith.extui %parallel_loop3A_635 : i1 to i32
      %parallel_loop3A_637 = arith.constant 0 : i32
      %parallel_loop3A_638 = arith.cmpi slt, %parallel_loop3A_625, %parallel_loop3A_637 : i32
      %parallel_loop3A_639 = arith.extui %parallel_loop3A_638 : i1 to i32
      %parallel_loop3A_640 = arith.subi %parallel_loop3A_636, %parallel_loop3A_639 : i32
      %parallel_loop3A_641 = arith.cmpi ne, %parallel_loop3A_633, %parallel_loop3A_640 : i32
      %parallel_loop3A_642 = arith.remsi %parallel_loop3A_624, %parallel_loop3A_625 : i32
      %parallel_loop3A_643 = arith.constant 0 : i32
      %parallel_loop3A_644 = arith.cmpi ne, %parallel_loop3A_642, %parallel_loop3A_643 : i32
      %parallel_loop3A_645 = arith.andi %parallel_loop3A_641, %parallel_loop3A_644 : i1
      %parallel_loop3A_646 = arith.constant 1 : i32
      %parallel_loop3A_647 = arith.subi %parallel_loop3A_626, %parallel_loop3A_646 : i32
      %parallel_loop3A_648 = arith.select %parallel_loop3A_645, %parallel_loop3A_647, %parallel_loop3A_626 : i32
      %parallel_loop3A_649 = arith.constant 64 : i32
      %parallel_loop3A_650 = arith.constant 0 : i32
      %parallel_loop3A_651 = arith.cmpi eq, %parallel_loop3A_649, %parallel_loop3A_650 : i32
      %parallel_loop3A_652 = arith.constant 1 : i32
      %parallel_loop3A_653 = arith.select %parallel_loop3A_651, %parallel_loop3A_652, %parallel_loop3A_649 : i32
      %parallel_loop3A_654 = arith.remsi %parallel_loop3A_624, %parallel_loop3A_653 : i32
      %parallel_loop3A_655 = arith.constant 0 : i32
      %parallel_loop3A_656 = arith.cmpi ne, %parallel_loop3A_654, %parallel_loop3A_655 : i32
      %parallel_loop3A_657 = arith.constant 0 : i32
      %parallel_loop3A_658 = arith.cmpi slt, %parallel_loop3A_654, %parallel_loop3A_657 : i32
      %parallel_loop3A_659 = arith.constant 0 : i32
      %parallel_loop3A_660 = arith.cmpi slt, %parallel_loop3A_653, %parallel_loop3A_659 : i32
      %parallel_loop3A_661 = arith.xori %parallel_loop3A_658, %parallel_loop3A_660 : i1
      %parallel_loop3A_662 = arith.andi %parallel_loop3A_661, %parallel_loop3A_656 : i1
      %parallel_loop3A_663 = arith.addi %parallel_loop3A_654, %parallel_loop3A_653 : i32
      %parallel_loop3A_664 = arith.select %parallel_loop3A_662, %parallel_loop3A_663, %parallel_loop3A_654 : i32
      %parallel_loop3A_665 = arith.constant 16 : i32
      %parallel_loop3A_666 = arith.muli %parallel_loop3A_664, %parallel_loop3A_665 : i32
      %parallel_loop3A_667 = arith.index_cast %parallel_loop3A_648 : i32 to index
      %parallel_loop3A_668 = arith.index_cast %parallel_loop3A_666 : i32 to index
      %parallel_loop3A_669 = tpu.vector_load %arg10[%parallel_loop3A_667, %parallel_loop3A_668] {strides = array<i32>} : memref<8x1024xf32, #tpu.memory_space<vmem>>, vector<1x16xf32>,
      %parallel_loop3A_670 = vector.shape_cast %parallel_loop3A_669 : vector<1x16xf32> to vector<16xf32>
      %parallel_loop3A_671 = arith.constant 0 : i32
      %parallel_loop3A_672 = arith.index_cast %parallel_loop3A_648 : i32 to index
      %parallel_loop3A_673 = arith.index_cast %parallel_loop3A_671 : i32 to index
      %parallel_loop3A_674 = arith.index_cast %parallel_loop3A_666 : i32 to index
      %parallel_loop3A_675 = tpu.vector_load %arg7[%parallel_loop3A_672, %parallel_loop3A_673, %parallel_loop3A_674] {strides = array<i32>} : memref<8x4x1024xf32, #tpu.memory_space<vmem>>, vector<1x1x16xf32>,
      %parallel_loop3A_676 = vector.shape_cast %parallel_loop3A_675 : vector<1x1x16xf32> to vector<16xf32>
      %parallel_loop3A_677 = vector.shape_cast %parallel_loop3A_670 : vector<16xf32> to vector<1x1x16xf32>
      tpu.vector_store %arg7[%parallel_loop3A_672, %parallel_loop3A_673, %parallel_loop3A_674], %parallel_loop3A_677 {add = true, strides = array<i32>} : memref<8x4x1024xf32, #tpu.memory_space<vmem>>, vector<1x1x16xf32>,
      %parallel_loop3A_678 = arith.constant 1 : i32
      %parallel_loop3A_679 = arith.index_cast %parallel_loop3A_648 : i32 to index
      %parallel_loop3A_680 = arith.index_cast %parallel_loop3A_678 : i32 to index
      %parallel_loop3A_681 = arith.index_cast %parallel_loop3A_666 : i32 to index
      %parallel_loop3A_682 = tpu.vector_load %arg7[%parallel_loop3A_679, %parallel_loop3A_680, %parallel_loop3A_681] {strides = array<i32>} : memref<8x4x1024xf32, #tpu.memory_space<vmem>>, vector<1x1x16xf32>,
      %parallel_loop3A_683 = vector.shape_cast %parallel_loop3A_682 : vector<1x1x16xf32> to vector<16xf32>
      %parallel_loop3A_684 = vector.shape_cast %parallel_loop3A_670 : vector<16xf32> to vector<1x1x16xf32>
      tpu.vector_store %arg7[%parallel_loop3A_679, %parallel_loop3A_680, %parallel_loop3A_681], %parallel_loop3A_684 {add = true, strides = array<i32>} : memref<8x4x1024xf32, #tpu.memory_space<vmem>>, vector<1x1x16xf32>,
      %parallel_loop3A_685 = arith.constant 2 : i32
      %parallel_loop3A_686 = arith.index_cast %parallel_loop3A_648 : i32 to index
      %parallel_loop3A_687 = arith.index_cast %parallel_loop3A_685 : i32 to index
      %parallel_loop3A_688 = arith.index_cast %parallel_loop3A_666 : i32 to index
      %parallel_loop3A_689 = tpu.vector_load %arg7[%parallel_loop3A_686, %parallel_loop3A_687, %parallel_loop3A_688] {strides = array<i32>} : memref<8x4x1024xf32, #tpu.memory_space<vmem>>, vector<1x1x16xf32>,
      %parallel_loop3A_690 = vector.shape_cast %parallel_loop3A_689 : vector<1x1x16xf32> to vector<16xf32>
      %parallel_loop3A_691 = vector.shape_cast %parallel_loop3A_670 : vector<16xf32> to vector<1x1x16xf32>
      tpu.vector_store %arg7[%parallel_loop3A_686, %parallel_loop3A_687, %parallel_loop3A_688], %parallel_loop3A_691 {add = true, strides = array<i32>} : memref<8x4x1024xf32, #tpu.memory_space<vmem>>, vector<1x1x16xf32>,
      %parallel_loop3A_692 = arith.constant 3 : i32
      %parallel_loop3A_693 = arith.index_cast %parallel_loop3A_648 : i32 to index
      %parallel_loop3A_694 = arith.index_cast %parallel_loop3A_692 : i32 to index
      %parallel_loop3A_695 = arith.index_cast %parallel_loop3A_666 : i32 to index
      %parallel_loop3A_696 = tpu.vector_load %arg7[%parallel_loop3A_693, %parallel_loop3A_694, %parallel_loop3A_695] {strides = array<i32>} : memref<8x4x1024xf32, #tpu.memory_space<vmem>>, vector<1x1x16xf32>,
      %parallel_loop3A_697 = vector.shape_cast %parallel_loop3A_696 : vector<1x1x16xf32> to vector<16xf32>
      %parallel_loop3A_698 = vector.shape_cast %parallel_loop3A_670 : vector<16xf32> to vector<1x1x16xf32>
      tpu.vector_store %arg7[%parallel_loop3A_693, %parallel_loop3A_694, %parallel_loop3A_695], %parallel_loop3A_698 {add = true, strides = array<i32>} : memref<8x4x1024xf32, #tpu.memory_space<vmem>>, vector<1x1x16xf32>,
    } {sc.loop_unroll_factor = 4 : i64, sc.parallel_access}
    %add3A_361 = arith.constant 64 : i32
    %add3A_362 = arith.addi %mul3A_2, %add3A_361 : i32
    %dma_start3A_363 = arith.constant 0 : i32
    %dma_start3A_364 = arith.constant 0 : i32
    %dma_start3A_365 = tpu.memref_slice %arg4[%add3A_362, %dma_start3A_363, %dma_start3A_364] : memref<4096x4x1024xf32, #tpu.memory_space<hbm>> -> memref<8x4x1024xf32, #tpu.memory_space<hbm>>
    %dma_start3A_366 = arith.constant 0 : i32
    %dma_start3A_367 = arith.constant 0 : i32
    %dma_start3A_368 = tpu.memref_slice %arg4[%add3A_362, %dma_start3A_366, %dma_start3A_367] : memref<4096x4x1024xf32, #tpu.memory_space<hbm>> -> memref<8x4x1024xf32, #tpu.memory_space<hbm>>
    tpu.enqueue_dma source(%arg7 : memref<8x4x1024xf32, #tpu.memory_space<vmem>>) target(%dma_start3A_368 : memref<8x4x1024xf32, #tpu.memory_space<hbm>>) target_semaphore(%arg19 : memref<!tpu.dma_semaphore, #tpu.memory_space<semaphore_mem>>)
    %dma_wait3A_369 = arith.constant 0 : i32
    %dma_wait3A_370 = arith.constant 0 : i32
    %dma_wait3A_371 = tpu.memref_slice %arg2[%add3A_308, %dma_wait3A_369, %dma_wait3A_370] : memref<4096x4x1024xf32, #tpu.memory_space<hbm>> -> memref<8x4x1024xf32, #tpu.memory_space<hbm>>
    %dma_wait3A_372 = arith.constant 0 : i32
    %dma_wait3A_373 = arith.constant 0 : i32
    %dma_wait3A_374 = tpu.memref_slice %arg2[%add3A_308, %dma_wait3A_372, %dma_wait3A_373] : memref<4096x4x1024xf32, #tpu.memory_space<hbm>> -> memref<8x4x1024xf32, #tpu.memory_space<hbm>>
    tpu.wait_dma2 semaphore(%arg11 : memref<!tpu.dma_semaphore, #tpu.memory_space<semaphore_mem>>) src(%dma_wait3A_374 : memref<8x4x1024xf32, #tpu.memory_space<hbm>>) dst(%arg5 : memref<8x4x1024xf32, #tpu.memory_space<vmem>>)
    %dma_wait3A_375 = arith.constant 0 : i32
    %dma_wait3A_376 = tpu.memref_slice %arg3[%add3A_308, %dma_wait3A_375] : memref<8192x1024xf32, #tpu.memory_space<hbm>> -> memref<8x1024xf32, #tpu.memory_space<hbm>>
    %dma_wait3A_377 = arith.constant 0 : i32
    %dma_wait3A_378 = tpu.memref_slice %arg3[%add3A_308, %dma_wait3A_377] : memref<8192x1024xf32, #tpu.memory_space<hbm>> -> memref<8x1024xf32, #tpu.memory_space<hbm>>
    tpu.wait_dma2 semaphore(%arg14 : memref<!tpu.dma_semaphore, #tpu.memory_space<semaphore_mem>>) src(%dma_wait3A_378 : memref<8x1024xf32, #tpu.memory_space<hbm>>) dst(%arg8 : memref<8x1024xf32, #tpu.memory_space<vmem>>)
    %dma_wait3A_379 = arith.constant 0 : i32
    %dma_wait3A_380 = arith.constant 0 : i32
    %dma_wait3A_381 = tpu.memref_slice %arg4[%add3A_362, %dma_wait3A_379, %dma_wait3A_380] : memref<4096x4x1024xf32, #tpu.memory_space<hbm>> -> memref<8x4x1024xf32, #tpu.memory_space<hbm>>
    %dma_wait3A_382 = arith.constant 0 : i32
    %dma_wait3A_383 = arith.constant 0 : i32
    %dma_wait3A_384 = tpu.memref_slice %arg4[%add3A_362, %dma_wait3A_382, %dma_wait3A_383] : memref<4096x4x1024xf32, #tpu.memory_space<hbm>> -> memref<8x4x1024xf32, #tpu.memory_space<hbm>>
    tpu.wait_dma2 semaphore(%arg19 : memref<!tpu.dma_semaphore, #tpu.memory_space<semaphore_mem>>) src(%arg7 : memref<8x4x1024xf32, #tpu.memory_space<vmem>>) dst(%dma_wait3A_384 : memref<8x4x1024xf32, #tpu.memory_space<hbm>>)
    %add3A_385 = arith.constant 88 : i32
    %add3A_386 = arith.addi %mul3A_2, %add3A_385 : i32
    %dma_start3A_387 = arith.constant 0 : i32
    %dma_start3A_388 = arith.constant 0 : i32
    %dma_start3A_389 = tpu.memref_slice %arg2[%add3A_386, %dma_start3A_387, %dma_start3A_388] : memref<4096x4x1024xf32, #tpu.memory_space<hbm>> -> memref<8x4x1024xf32, #tpu.memory_space<hbm>>
    %dma_start3A_390 = arith.constant 0 : i32
    %dma_start3A_391 = arith.constant 0 : i32
    %dma_start3A_392 = tpu.memref_slice %arg2[%add3A_386, %dma_start3A_390, %dma_start3A_391] : memref<4096x4x1024xf32, #tpu.memory_space<hbm>> -> memref<8x4x1024xf32, #tpu.memory_space<hbm>>
    tpu.enqueue_dma source(%dma_start3A_392 : memref<8x4x1024xf32, #tpu.memory_space<hbm>>) target(%arg7 : memref<8x4x1024xf32, #tpu.memory_space<vmem>>) target_semaphore(%arg13 : memref<!tpu.dma_semaphore, #tpu.memory_space<semaphore_mem>>)
    %dma_start3A_393 = arith.constant 0 : i32
    %dma_start3A_394 = tpu.memref_slice %arg3[%add3A_386, %dma_start3A_393] : memref<8192x1024xf32, #tpu.memory_space<hbm>> -> memref<8x1024xf32, #tpu.memory_space<hbm>>
    %dma_start3A_395 = arith.constant 0 : i32
    %dma_start3A_396 = tpu.memref_slice %arg3[%add3A_386, %dma_start3A_395] : memref<8192x1024xf32, #tpu.memory_space<hbm>> -> memref<8x1024xf32, #tpu.memory_space<hbm>>
    tpu.enqueue_dma source(%dma_start3A_396 : memref<8x1024xf32, #tpu.memory_space<hbm>>) target(%arg10 : memref<8x1024xf32, #tpu.memory_space<vmem>>) target_semaphore(%arg16 : memref<!tpu.dma_semaphore, #tpu.memory_space<semaphore_mem>>)
    %parallel_loop3A_397 = arith.constant 0 : i32
    %parallel_loop3A_398 = arith.constant 512 : i32
    %parallel_loop3A_399 = arith.constant 1 : i32
    scf.for %parallel_loop3A_624 = %parallel_loop3A_397 to %parallel_loop3A_398 step %parallel_loop3A_399  : i32 {
      %parallel_loop3A_625 = arith.constant 64 : i32
      %parallel_loop3A_626 = arith.divsi %parallel_loop3A_624, %parallel_loop3A_625 : i32
      %parallel_loop3A_627 = arith.constant 0 : i32
      %parallel_loop3A_628 = arith.cmpi sgt, %parallel_loop3A_624, %parallel_loop3A_627 : i32
      %parallel_loop3A_629 = arith.extui %parallel_loop3A_628 : i1 to i32
      %parallel_loop3A_630 = arith.constant 0 : i32
      %parallel_loop3A_631 = arith.cmpi slt, %parallel_loop3A_624, %parallel_loop3A_630 : i32
      %parallel_loop3A_632 = arith.extui %parallel_loop3A_631 : i1 to i32
      %parallel_loop3A_633 = arith.subi %parallel_loop3A_629, %parallel_loop3A_632 : i32
      %parallel_loop3A_634 = arith.constant 0 : i32
      %parallel_loop3A_635 = arith.cmpi sgt, %parallel_loop3A_625, %parallel_loop3A_634 : i32
      %parallel_loop3A_636 = arith.extui %parallel_loop3A_635 : i1 to i32
      %parallel_loop3A_637 = arith.constant 0 : i32
      %parallel_loop3A_638 = arith.cmpi slt, %parallel_loop3A_625, %parallel_loop3A_637 : i32
      %parallel_loop3A_639 = arith.extui %parallel_loop3A_638 : i1 to i32
      %parallel_loop3A_640 = arith.subi %parallel_loop3A_636, %parallel_loop3A_639 : i32
      %parallel_loop3A_641 = arith.cmpi ne, %parallel_loop3A_633, %parallel_loop3A_640 : i32
      %parallel_loop3A_642 = arith.remsi %parallel_loop3A_624, %parallel_loop3A_625 : i32
      %parallel_loop3A_643 = arith.constant 0 : i32
      %parallel_loop3A_644 = arith.cmpi ne, %parallel_loop3A_642, %parallel_loop3A_643 : i32
      %parallel_loop3A_645 = arith.andi %parallel_loop3A_641, %parallel_loop3A_644 : i1
      %parallel_loop3A_646 = arith.constant 1 : i32
      %parallel_loop3A_647 = arith.subi %parallel_loop3A_626, %parallel_loop3A_646 : i32
      %parallel_loop3A_648 = arith.select %parallel_loop3A_645, %parallel_loop3A_647, %parallel_loop3A_626 : i32
      %parallel_loop3A_649 = arith.constant 64 : i32
      %parallel_loop3A_650 = arith.constant 0 : i32
      %parallel_loop3A_651 = arith.cmpi eq, %parallel_loop3A_649, %parallel_loop3A_650 : i32
      %parallel_loop3A_652 = arith.constant 1 : i32
      %parallel_loop3A_653 = arith.select %parallel_loop3A_651, %parallel_loop3A_652, %parallel_loop3A_649 : i32
      %parallel_loop3A_654 = arith.remsi %parallel_loop3A_624, %parallel_loop3A_653 : i32
      %parallel_loop3A_655 = arith.constant 0 : i32
      %parallel_loop3A_656 = arith.cmpi ne, %parallel_loop3A_654, %parallel_loop3A_655 : i32
      %parallel_loop3A_657 = arith.constant 0 : i32
      %parallel_loop3A_658 = arith.cmpi slt, %parallel_loop3A_654, %parallel_loop3A_657 : i32
      %parallel_loop3A_659 = arith.constant 0 : i32
      %parallel_loop3A_660 = arith.cmpi slt, %parallel_loop3A_653, %parallel_loop3A_659 : i32
      %parallel_loop3A_661 = arith.xori %parallel_loop3A_658, %parallel_loop3A_660 : i1
      %parallel_loop3A_662 = arith.andi %parallel_loop3A_661, %parallel_loop3A_656 : i1
      %parallel_loop3A_663 = arith.addi %parallel_loop3A_654, %parallel_loop3A_653 : i32
      %parallel_loop3A_664 = arith.select %parallel_loop3A_662, %parallel_loop3A_663, %parallel_loop3A_654 : i32
      %parallel_loop3A_665 = arith.constant 16 : i32
      %parallel_loop3A_666 = arith.muli %parallel_loop3A_664, %parallel_loop3A_665 : i32
      %parallel_loop3A_667 = arith.index_cast %parallel_loop3A_648 : i32 to index
      %parallel_loop3A_668 = arith.index_cast %parallel_loop3A_666 : i32 to index
      %parallel_loop3A_669 = tpu.vector_load %arg8[%parallel_loop3A_667, %parallel_loop3A_668] {strides = array<i32>} : memref<8x1024xf32, #tpu.memory_space<vmem>>, vector<1x16xf32>,
      %parallel_loop3A_670 = vector.shape_cast %parallel_loop3A_669 : vector<1x16xf32> to vector<16xf32>
      %parallel_loop3A_671 = arith.constant 0 : i32
      %parallel_loop3A_672 = arith.index_cast %parallel_loop3A_648 : i32 to index
      %parallel_loop3A_673 = arith.index_cast %parallel_loop3A_671 : i32 to index
      %parallel_loop3A_674 = arith.index_cast %parallel_loop3A_666 : i32 to index
      %parallel_loop3A_675 = tpu.vector_load %arg5[%parallel_loop3A_672, %parallel_loop3A_673, %parallel_loop3A_674] {strides = array<i32>} : memref<8x4x1024xf32, #tpu.memory_space<vmem>>, vector<1x1x16xf32>,
      %parallel_loop3A_676 = vector.shape_cast %parallel_loop3A_675 : vector<1x1x16xf32> to vector<16xf32>
      %parallel_loop3A_677 = vector.shape_cast %parallel_loop3A_670 : vector<16xf32> to vector<1x1x16xf32>
      tpu.vector_store %arg5[%parallel_loop3A_672, %parallel_loop3A_673, %parallel_loop3A_674], %parallel_loop3A_677 {add = true, strides = array<i32>} : memref<8x4x1024xf32, #tpu.memory_space<vmem>>, vector<1x1x16xf32>,
      %parallel_loop3A_678 = arith.constant 1 : i32
      %parallel_loop3A_679 = arith.index_cast %parallel_loop3A_648 : i32 to index
      %parallel_loop3A_680 = arith.index_cast %parallel_loop3A_678 : i32 to index
      %parallel_loop3A_681 = arith.index_cast %parallel_loop3A_666 : i32 to index
      %parallel_loop3A_682 = tpu.vector_load %arg5[%parallel_loop3A_679, %parallel_loop3A_680, %parallel_loop3A_681] {strides = array<i32>} : memref<8x4x1024xf32, #tpu.memory_space<vmem>>, vector<1x1x16xf32>,
      %parallel_loop3A_683 = vector.shape_cast %parallel_loop3A_682 : vector<1x1x16xf32> to vector<16xf32>
      %parallel_loop3A_684 = vector.shape_cast %parallel_loop3A_670 : vector<16xf32> to vector<1x1x16xf32>
      tpu.vector_store %arg5[%parallel_loop3A_679, %parallel_loop3A_680, %parallel_loop3A_681], %parallel_loop3A_684 {add = true, strides = array<i32>} : memref<8x4x1024xf32, #tpu.memory_space<vmem>>, vector<1x1x16xf32>,
      %parallel_loop3A_685 = arith.constant 2 : i32
      %parallel_loop3A_686 = arith.index_cast %parallel_loop3A_648 : i32 to index
      %parallel_loop3A_687 = arith.index_cast %parallel_loop3A_685 : i32 to index
      %parallel_loop3A_688 = arith.index_cast %parallel_loop3A_666 : i32 to index
      %parallel_loop3A_689 = tpu.vector_load %arg5[%parallel_loop3A_686, %parallel_loop3A_687, %parallel_loop3A_688] {strides = array<i32>} : memref<8x4x1024xf32, #tpu.memory_space<vmem>>, vector<1x1x16xf32>,
      %parallel_loop3A_690 = vector.shape_cast %parallel_loop3A_689 : vector<1x1x16xf32> to vector<16xf32>
      %parallel_loop3A_691 = vector.shape_cast %parallel_loop3A_670 : vector<16xf32> to vector<1x1x16xf32>
      tpu.vector_store %arg5[%parallel_loop3A_686, %parallel_loop3A_687, %parallel_loop3A_688], %parallel_loop3A_691 {add = true, strides = array<i32>} : memref<8x4x1024xf32, #tpu.memory_space<vmem>>, vector<1x1x16xf32>,
      %parallel_loop3A_692 = arith.constant 3 : i32
      %parallel_loop3A_693 = arith.index_cast %parallel_loop3A_648 : i32 to index
      %parallel_loop3A_694 = arith.index_cast %parallel_loop3A_692 : i32 to index
      %parallel_loop3A_695 = arith.index_cast %parallel_loop3A_666 : i32 to index
      %parallel_loop3A_696 = tpu.vector_load %arg5[%parallel_loop3A_693, %parallel_loop3A_694, %parallel_loop3A_695] {strides = array<i32>} : memref<8x4x1024xf32, #tpu.memory_space<vmem>>, vector<1x1x16xf32>,
      %parallel_loop3A_697 = vector.shape_cast %parallel_loop3A_696 : vector<1x1x16xf32> to vector<16xf32>
      %parallel_loop3A_698 = vector.shape_cast %parallel_loop3A_670 : vector<16xf32> to vector<1x1x16xf32>
      tpu.vector_store %arg5[%parallel_loop3A_693, %parallel_loop3A_694, %parallel_loop3A_695], %parallel_loop3A_698 {add = true, strides = array<i32>} : memref<8x4x1024xf32, #tpu.memory_space<vmem>>, vector<1x1x16xf32>,
    } {sc.loop_unroll_factor = 4 : i64, sc.parallel_access}
    %add3A_400 = arith.constant 72 : i32
    %add3A_401 = arith.addi %mul3A_2, %add3A_400 : i32
    %dma_start3A_402 = arith.constant 0 : i32
    %dma_start3A_403 = arith.constant 0 : i32
    %dma_start3A_404 = tpu.memref_slice %arg4[%add3A_401, %dma_start3A_402, %dma_start3A_403] : memref<4096x4x1024xf32, #tpu.memory_space<hbm>> -> memref<8x4x1024xf32, #tpu.memory_space<hbm>>
    %dma_start3A_405 = arith.constant 0 : i32
    %dma_start3A_406 = arith.constant 0 : i32
    %dma_start3A_407 = tpu.memref_slice %arg4[%add3A_401, %dma_start3A_405, %dma_start3A_406] : memref<4096x4x1024xf32, #tpu.memory_space<hbm>> -> memref<8x4x1024xf32, #tpu.memory_space<hbm>>
    tpu.enqueue_dma source(%arg5 : memref<8x4x1024xf32, #tpu.memory_space<vmem>>) target(%dma_start3A_407 : memref<8x4x1024xf32, #tpu.memory_space<hbm>>) target_semaphore(%arg17 : memref<!tpu.dma_semaphore, #tpu.memory_space<semaphore_mem>>)
    %dma_wait3A_408 = arith.constant 0 : i32
    %dma_wait3A_409 = arith.constant 0 : i32
    %dma_wait3A_410 = tpu.memref_slice %arg2[%add3A_347, %dma_wait3A_408, %dma_wait3A_409] : memref<4096x4x1024xf32, #tpu.memory_space<hbm>> -> memref<8x4x1024xf32, #tpu.memory_space<hbm>>
    %dma_wait3A_411 = arith.constant 0 : i32
    %dma_wait3A_412 = arith.constant 0 : i32
    %dma_wait3A_413 = tpu.memref_slice %arg2[%add3A_347, %dma_wait3A_411, %dma_wait3A_412] : memref<4096x4x1024xf32, #tpu.memory_space<hbm>> -> memref<8x4x1024xf32, #tpu.memory_space<hbm>>
    tpu.wait_dma2 semaphore(%arg12 : memref<!tpu.dma_semaphore, #tpu.memory_space<semaphore_mem>>) src(%dma_wait3A_413 : memref<8x4x1024xf32, #tpu.memory_space<hbm>>) dst(%arg6 : memref<8x4x1024xf32, #tpu.memory_space<vmem>>)
    %dma_wait3A_414 = arith.constant 0 : i32
    %dma_wait3A_415 = tpu.memref_slice %arg3[%add3A_347, %dma_wait3A_414] : memref<8192x1024xf32, #tpu.memory_space<hbm>> -> memref<8x1024xf32, #tpu.memory_space<hbm>>
    %dma_wait3A_416 = arith.constant 0 : i32
    %dma_wait3A_417 = tpu.memref_slice %arg3[%add3A_347, %dma_wait3A_416] : memref<8192x1024xf32, #tpu.memory_space<hbm>> -> memref<8x1024xf32, #tpu.memory_space<hbm>>
    tpu.wait_dma2 semaphore(%arg15 : memref<!tpu.dma_semaphore, #tpu.memory_space<semaphore_mem>>) src(%dma_wait3A_417 : memref<8x1024xf32, #tpu.memory_space<hbm>>) dst(%arg9 : memref<8x1024xf32, #tpu.memory_space<vmem>>)
    %dma_wait3A_418 = arith.constant 0 : i32
    %dma_wait3A_419 = arith.constant 0 : i32
    %dma_wait3A_420 = tpu.memref_slice %arg4[%add3A_401, %dma_wait3A_418, %dma_wait3A_419] : memref<4096x4x1024xf32, #tpu.memory_space<hbm>> -> memref<8x4x1024xf32, #tpu.memory_space<hbm>>
    %dma_wait3A_421 = arith.constant 0 : i32
    %dma_wait3A_422 = arith.constant 0 : i32
    %dma_wait3A_423 = tpu.memref_slice %arg4[%add3A_401, %dma_wait3A_421, %dma_wait3A_422] : memref<4096x4x1024xf32, #tpu.memory_space<hbm>> -> memref<8x4x1024xf32, #tpu.memory_space<hbm>>
    tpu.wait_dma2 semaphore(%arg17 : memref<!tpu.dma_semaphore, #tpu.memory_space<semaphore_mem>>) src(%arg5 : memref<8x4x1024xf32, #tpu.memory_space<vmem>>) dst(%dma_wait3A_423 : memref<8x4x1024xf32, #tpu.memory_space<hbm>>)
    %add3A_424 = arith.constant 96 : i32
    %add3A_425 = arith.addi %mul3A_2, %add3A_424 : i32
    %dma_start3A_426 = arith.constant 0 : i32
    %dma_start3A_427 = arith.constant 0 : i32
    %dma_start3A_428 = tpu.memref_slice %arg2[%add3A_425, %dma_start3A_426, %dma_start3A_427] : memref<4096x4x1024xf32, #tpu.memory_space<hbm>> -> memref<8x4x1024xf32, #tpu.memory_space<hbm>>
    %dma_start3A_429 = arith.constant 0 : i32
    %dma_start3A_430 = arith.constant 0 : i32
    %dma_start3A_431 = tpu.memref_slice %arg2[%add3A_425, %dma_start3A_429, %dma_start3A_430] : memref<4096x4x1024xf32, #tpu.memory_space<hbm>> -> memref<8x4x1024xf32, #tpu.memory_space<hbm>>
    tpu.enqueue_dma source(%dma_start3A_431 : memref<8x4x1024xf32, #tpu.memory_space<hbm>>) target(%arg5 : memref<8x4x1024xf32, #tpu.memory_space<vmem>>) target_semaphore(%arg11 : memref<!tpu.dma_semaphore, #tpu.memory_space<semaphore_mem>>)
    %dma_start3A_432 = arith.constant 0 : i32
    %dma_start3A_433 = tpu.memref_slice %arg3[%add3A_425, %dma_start3A_432] : memref<8192x1024xf32, #tpu.memory_space<hbm>> -> memref<8x1024xf32, #tpu.memory_space<hbm>>
    %dma_start3A_434 = arith.constant 0 : i32
    %dma_start3A_435 = tpu.memref_slice %arg3[%add3A_425, %dma_start3A_434] : memref<8192x1024xf32, #tpu.memory_space<hbm>> -> memref<8x1024xf32, #tpu.memory_space<hbm>>
    tpu.enqueue_dma source(%dma_start3A_435 : memref<8x1024xf32, #tpu.memory_space<hbm>>) target(%arg8 : memref<8x1024xf32, #tpu.memory_space<vmem>>) target_semaphore(%arg14 : memref<!tpu.dma_semaphore, #tpu.memory_space<semaphore_mem>>)
    %parallel_loop3A_436 = arith.constant 0 : i32
    %parallel_loop3A_437 = arith.constant 512 : i32
    %parallel_loop3A_438 = arith.constant 1 : i32
    scf.for %parallel_loop3A_624 = %parallel_loop3A_436 to %parallel_loop3A_437 step %parallel_loop3A_438  : i32 {
      %parallel_loop3A_625 = arith.constant 64 : i32
      %parallel_loop3A_626 = arith.divsi %parallel_loop3A_624, %parallel_loop3A_625 : i32
      %parallel_loop3A_627 = arith.constant 0 : i32
      %parallel_loop3A_628 = arith.cmpi sgt, %parallel_loop3A_624, %parallel_loop3A_627 : i32
      %parallel_loop3A_629 = arith.extui %parallel_loop3A_628 : i1 to i32
      %parallel_loop3A_630 = arith.constant 0 : i32
      %parallel_loop3A_631 = arith.cmpi slt, %parallel_loop3A_624, %parallel_loop3A_630 : i32
      %parallel_loop3A_632 = arith.extui %parallel_loop3A_631 : i1 to i32
      %parallel_loop3A_633 = arith.subi %parallel_loop3A_629, %parallel_loop3A_632 : i32
      %parallel_loop3A_634 = arith.constant 0 : i32
      %parallel_loop3A_635 = arith.cmpi sgt, %parallel_loop3A_625, %parallel_loop3A_634 : i32
      %parallel_loop3A_636 = arith.extui %parallel_loop3A_635 : i1 to i32
      %parallel_loop3A_637 = arith.constant 0 : i32
      %parallel_loop3A_638 = arith.cmpi slt, %parallel_loop3A_625, %parallel_loop3A_637 : i32
      %parallel_loop3A_639 = arith.extui %parallel_loop3A_638 : i1 to i32
      %parallel_loop3A_640 = arith.subi %parallel_loop3A_636, %parallel_loop3A_639 : i32
      %parallel_loop3A_641 = arith.cmpi ne, %parallel_loop3A_633, %parallel_loop3A_640 : i32
      %parallel_loop3A_642 = arith.remsi %parallel_loop3A_624, %parallel_loop3A_625 : i32
      %parallel_loop3A_643 = arith.constant 0 : i32
      %parallel_loop3A_644 = arith.cmpi ne, %parallel_loop3A_642, %parallel_loop3A_643 : i32
      %parallel_loop3A_645 = arith.andi %parallel_loop3A_641, %parallel_loop3A_644 : i1
      %parallel_loop3A_646 = arith.constant 1 : i32
      %parallel_loop3A_647 = arith.subi %parallel_loop3A_626, %parallel_loop3A_646 : i32
      %parallel_loop3A_648 = arith.select %parallel_loop3A_645, %parallel_loop3A_647, %parallel_loop3A_626 : i32
      %parallel_loop3A_649 = arith.constant 64 : i32
      %parallel_loop3A_650 = arith.constant 0 : i32
      %parallel_loop3A_651 = arith.cmpi eq, %parallel_loop3A_649, %parallel_loop3A_650 : i32
      %parallel_loop3A_652 = arith.constant 1 : i32
      %parallel_loop3A_653 = arith.select %parallel_loop3A_651, %parallel_loop3A_652, %parallel_loop3A_649 : i32
      %parallel_loop3A_654 = arith.remsi %parallel_loop3A_624, %parallel_loop3A_653 : i32
      %parallel_loop3A_655 = arith.constant 0 : i32
      %parallel_loop3A_656 = arith.cmpi ne, %parallel_loop3A_654, %parallel_loop3A_655 : i32
      %parallel_loop3A_657 = arith.constant 0 : i32
      %parallel_loop3A_658 = arith.cmpi slt, %parallel_loop3A_654, %parallel_loop3A_657 : i32
      %parallel_loop3A_659 = arith.constant 0 : i32
      %parallel_loop3A_660 = arith.cmpi slt, %parallel_loop3A_653, %parallel_loop3A_659 : i32
      %parallel_loop3A_661 = arith.xori %parallel_loop3A_658, %parallel_loop3A_660 : i1
      %parallel_loop3A_662 = arith.andi %parallel_loop3A_661, %parallel_loop3A_656 : i1
      %parallel_loop3A_663 = arith.addi %parallel_loop3A_654, %parallel_loop3A_653 : i32
      %parallel_loop3A_664 = arith.select %parallel_loop3A_662, %parallel_loop3A_663, %parallel_loop3A_654 : i32
      %parallel_loop3A_665 = arith.constant 16 : i32
      %parallel_loop3A_666 = arith.muli %parallel_loop3A_664, %parallel_loop3A_665 : i32
      %parallel_loop3A_667 = arith.index_cast %parallel_loop3A_648 : i32 to index
      %parallel_loop3A_668 = arith.index_cast %parallel_loop3A_666 : i32 to index
      %parallel_loop3A_669 = tpu.vector_load %arg9[%parallel_loop3A_667, %parallel_loop3A_668] {strides = array<i32>} : memref<8x1024xf32, #tpu.memory_space<vmem>>, vector<1x16xf32>,
      %parallel_loop3A_670 = vector.shape_cast %parallel_loop3A_669 : vector<1x16xf32> to vector<16xf32>
      %parallel_loop3A_671 = arith.constant 0 : i32
      %parallel_loop3A_672 = arith.index_cast %parallel_loop3A_648 : i32 to index
      %parallel_loop3A_673 = arith.index_cast %parallel_loop3A_671 : i32 to index
      %parallel_loop3A_674 = arith.index_cast %parallel_loop3A_666 : i32 to index
      %parallel_loop3A_675 = tpu.vector_load %arg6[%parallel_loop3A_672, %parallel_loop3A_673, %parallel_loop3A_674] {strides = array<i32>} : memref<8x4x1024xf32, #tpu.memory_space<vmem>>, vector<1x1x16xf32>,
      %parallel_loop3A_676 = vector.shape_cast %parallel_loop3A_675 : vector<1x1x16xf32> to vector<16xf32>
      %parallel_loop3A_677 = vector.shape_cast %parallel_loop3A_670 : vector<16xf32> to vector<1x1x16xf32>
      tpu.vector_store %arg6[%parallel_loop3A_672, %parallel_loop3A_673, %parallel_loop3A_674], %parallel_loop3A_677 {add = true, strides = array<i32>} : memref<8x4x1024xf32, #tpu.memory_space<vmem>>, vector<1x1x16xf32>,
      %parallel_loop3A_678 = arith.constant 1 : i32
      %parallel_loop3A_679 = arith.index_cast %parallel_loop3A_648 : i32 to index
      %parallel_loop3A_680 = arith.index_cast %parallel_loop3A_678 : i32 to index
      %parallel_loop3A_681 = arith.index_cast %parallel_loop3A_666 : i32 to index
      %parallel_loop3A_682 = tpu.vector_load %arg6[%parallel_loop3A_679, %parallel_loop3A_680, %parallel_loop3A_681] {strides = array<i32>} : memref<8x4x1024xf32, #tpu.memory_space<vmem>>, vector<1x1x16xf32>,
      %parallel_loop3A_683 = vector.shape_cast %parallel_loop3A_682 : vector<1x1x16xf32> to vector<16xf32>
      %parallel_loop3A_684 = vector.shape_cast %parallel_loop3A_670 : vector<16xf32> to vector<1x1x16xf32>
      tpu.vector_store %arg6[%parallel_loop3A_679, %parallel_loop3A_680, %parallel_loop3A_681], %parallel_loop3A_684 {add = true, strides = array<i32>} : memref<8x4x1024xf32, #tpu.memory_space<vmem>>, vector<1x1x16xf32>,
      %parallel_loop3A_685 = arith.constant 2 : i32
      %parallel_loop3A_686 = arith.index_cast %parallel_loop3A_648 : i32 to index
      %parallel_loop3A_687 = arith.index_cast %parallel_loop3A_685 : i32 to index
      %parallel_loop3A_688 = arith.index_cast %parallel_loop3A_666 : i32 to index
      %parallel_loop3A_689 = tpu.vector_load %arg6[%parallel_loop3A_686, %parallel_loop3A_687, %parallel_loop3A_688] {strides = array<i32>} : memref<8x4x1024xf32, #tpu.memory_space<vmem>>, vector<1x1x16xf32>,
      %parallel_loop3A_690 = vector.shape_cast %parallel_loop3A_689 : vector<1x1x16xf32> to vector<16xf32>
      %parallel_loop3A_691 = vector.shape_cast %parallel_loop3A_670 : vector<16xf32> to vector<1x1x16xf32>
      tpu.vector_store %arg6[%parallel_loop3A_686, %parallel_loop3A_687, %parallel_loop3A_688], %parallel_loop3A_691 {add = true, strides = array<i32>} : memref<8x4x1024xf32, #tpu.memory_space<vmem>>, vector<1x1x16xf32>,
      %parallel_loop3A_692 = arith.constant 3 : i32
      %parallel_loop3A_693 = arith.index_cast %parallel_loop3A_648 : i32 to index
      %parallel_loop3A_694 = arith.index_cast %parallel_loop3A_692 : i32 to index
      %parallel_loop3A_695 = arith.index_cast %parallel_loop3A_666 : i32 to index
      %parallel_loop3A_696 = tpu.vector_load %arg6[%parallel_loop3A_693, %parallel_loop3A_694, %parallel_loop3A_695] {strides = array<i32>} : memref<8x4x1024xf32, #tpu.memory_space<vmem>>, vector<1x1x16xf32>,
      %parallel_loop3A_697 = vector.shape_cast %parallel_loop3A_696 : vector<1x1x16xf32> to vector<16xf32>
      %parallel_loop3A_698 = vector.shape_cast %parallel_loop3A_670 : vector<16xf32> to vector<1x1x16xf32>
      tpu.vector_store %arg6[%parallel_loop3A_693, %parallel_loop3A_694, %parallel_loop3A_695], %parallel_loop3A_698 {add = true, strides = array<i32>} : memref<8x4x1024xf32, #tpu.memory_space<vmem>>, vector<1x1x16xf32>,
    } {sc.loop_unroll_factor = 4 : i64, sc.parallel_access}
    %add3A_439 = arith.constant 80 : i32
    %add3A_440 = arith.addi %mul3A_2, %add3A_439 : i32
    %dma_start3A_441 = arith.constant 0 : i32
    %dma_start3A_442 = arith.constant 0 : i32
    %dma_start3A_443 = tpu.memref_slice %arg4[%add3A_440, %dma_start3A_441, %dma_start3A_442] : memref<4096x4x1024xf32, #tpu.memory_space<hbm>> -> memref<8x4x1024xf32, #tpu.memory_space<hbm>>
    %dma_start3A_444 = arith.constant 0 : i32
    %dma_start3A_445 = arith.constant 0 : i32
    %dma_start3A_446 = tpu.memref_slice %arg4[%add3A_440, %dma_start3A_444, %dma_start3A_445] : memref<4096x4x1024xf32, #tpu.memory_space<hbm>> -> memref<8x4x1024xf32, #tpu.memory_space<hbm>>
    tpu.enqueue_dma source(%arg6 : memref<8x4x1024xf32, #tpu.memory_space<vmem>>) target(%dma_start3A_446 : memref<8x4x1024xf32, #tpu.memory_space<hbm>>) target_semaphore(%arg18 : memref<!tpu.dma_semaphore, #tpu.memory_space<semaphore_mem>>)
    %dma_wait3A_447 = arith.constant 0 : i32
    %dma_wait3A_448 = arith.constant 0 : i32
    %dma_wait3A_449 = tpu.memref_slice %arg2[%add3A_386, %dma_wait3A_447, %dma_wait3A_448] : memref<4096x4x1024xf32, #tpu.memory_space<hbm>> -> memref<8x4x1024xf32, #tpu.memory_space<hbm>>
    %dma_wait3A_450 = arith.constant 0 : i32
    %dma_wait3A_451 = arith.constant 0 : i32
    %dma_wait3A_452 = tpu.memref_slice %arg2[%add3A_386, %dma_wait3A_450, %dma_wait3A_451] : memref<4096x4x1024xf32, #tpu.memory_space<hbm>> -> memref<8x4x1024xf32, #tpu.memory_space<hbm>>
    tpu.wait_dma2 semaphore(%arg13 : memref<!tpu.dma_semaphore, #tpu.memory_space<semaphore_mem>>) src(%dma_wait3A_452 : memref<8x4x1024xf32, #tpu.memory_space<hbm>>) dst(%arg7 : memref<8x4x1024xf32, #tpu.memory_space<vmem>>)
    %dma_wait3A_453 = arith.constant 0 : i32
    %dma_wait3A_454 = tpu.memref_slice %arg3[%add3A_386, %dma_wait3A_453] : memref<8192x1024xf32, #tpu.memory_space<hbm>> -> memref<8x1024xf32, #tpu.memory_space<hbm>>
    %dma_wait3A_455 = arith.constant 0 : i32
    %dma_wait3A_456 = tpu.memref_slice %arg3[%add3A_386, %dma_wait3A_455] : memref<8192x1024xf32, #tpu.memory_space<hbm>> -> memref<8x1024xf32, #tpu.memory_space<hbm>>
    tpu.wait_dma2 semaphore(%arg16 : memref<!tpu.dma_semaphore, #tpu.memory_space<semaphore_mem>>) src(%dma_wait3A_456 : memref<8x1024xf32, #tpu.memory_space<hbm>>) dst(%arg10 : memref<8x1024xf32, #tpu.memory_space<vmem>>)
    %dma_wait3A_457 = arith.constant 0 : i32
    %dma_wait3A_458 = arith.constant 0 : i32
    %dma_wait3A_459 = tpu.memref_slice %arg4[%add3A_440, %dma_wait3A_457, %dma_wait3A_458] : memref<4096x4x1024xf32, #tpu.memory_space<hbm>> -> memref<8x4x1024xf32, #tpu.memory_space<hbm>>
    %dma_wait3A_460 = arith.constant 0 : i32
    %dma_wait3A_461 = arith.constant 0 : i32
    %dma_wait3A_462 = tpu.memref_slice %arg4[%add3A_440, %dma_wait3A_460, %dma_wait3A_461] : memref<4096x4x1024xf32, #tpu.memory_space<hbm>> -> memref<8x4x1024xf32, #tpu.memory_space<hbm>>
    tpu.wait_dma2 semaphore(%arg18 : memref<!tpu.dma_semaphore, #tpu.memory_space<semaphore_mem>>) src(%arg6 : memref<8x4x1024xf32, #tpu.memory_space<vmem>>) dst(%dma_wait3A_462 : memref<8x4x1024xf32, #tpu.memory_space<hbm>>)
    %add3A_463 = arith.constant 104 : i32
    %add3A_464 = arith.addi %mul3A_2, %add3A_463 : i32
    %dma_start3A_465 = arith.constant 0 : i32
    %dma_start3A_466 = arith.constant 0 : i32
    %dma_start3A_467 = tpu.memref_slice %arg2[%add3A_464, %dma_start3A_465, %dma_start3A_466] : memref<4096x4x1024xf32, #tpu.memory_space<hbm>> -> memref<8x4x1024xf32, #tpu.memory_space<hbm>>
    %dma_start3A_468 = arith.constant 0 : i32
    %dma_start3A_469 = arith.constant 0 : i32
    %dma_start3A_470 = tpu.memref_slice %arg2[%add3A_464, %dma_start3A_468, %dma_start3A_469] : memref<4096x4x1024xf32, #tpu.memory_space<hbm>> -> memref<8x4x1024xf32, #tpu.memory_space<hbm>>
    tpu.enqueue_dma source(%dma_start3A_470 : memref<8x4x1024xf32, #tpu.memory_space<hbm>>) target(%arg6 : memref<8x4x1024xf32, #tpu.memory_space<vmem>>) target_semaphore(%arg12 : memref<!tpu.dma_semaphore, #tpu.memory_space<semaphore_mem>>)
    %dma_start3A_471 = arith.constant 0 : i32
    %dma_start3A_472 = tpu.memref_slice %arg3[%add3A_464, %dma_start3A_471] : memref<8192x1024xf32, #tpu.memory_space<hbm>> -> memref<8x1024xf32, #tpu.memory_space<hbm>>
    %dma_start3A_473 = arith.constant 0 : i32
    %dma_start3A_474 = tpu.memref_slice %arg3[%add3A_464, %dma_start3A_473] : memref<8192x1024xf32, #tpu.memory_space<hbm>> -> memref<8x1024xf32, #tpu.memory_space<hbm>>
    tpu.enqueue_dma source(%dma_start3A_474 : memref<8x1024xf32, #tpu.memory_space<hbm>>) target(%arg9 : memref<8x1024xf32, #tpu.memory_space<vmem>>) target_semaphore(%arg15 : memref<!tpu.dma_semaphore, #tpu.memory_space<semaphore_mem>>)
    %parallel_loop3A_475 = arith.constant 0 : i32
    %parallel_loop3A_476 = arith.constant 512 : i32
    %parallel_loop3A_477 = arith.constant 1 : i32
    scf.for %parallel_loop3A_624 = %parallel_loop3A_475 to %parallel_loop3A_476 step %parallel_loop3A_477  : i32 {
      %parallel_loop3A_625 = arith.constant 64 : i32
      %parallel_loop3A_626 = arith.divsi %parallel_loop3A_624, %parallel_loop3A_625 : i32
      %parallel_loop3A_627 = arith.constant 0 : i32
      %parallel_loop3A_628 = arith.cmpi sgt, %parallel_loop3A_624, %parallel_loop3A_627 : i32
      %parallel_loop3A_629 = arith.extui %parallel_loop3A_628 : i1 to i32
      %parallel_loop3A_630 = arith.constant 0 : i32
      %parallel_loop3A_631 = arith.cmpi slt, %parallel_loop3A_624, %parallel_loop3A_630 : i32
      %parallel_loop3A_632 = arith.extui %parallel_loop3A_631 : i1 to i32
      %parallel_loop3A_633 = arith.subi %parallel_loop3A_629, %parallel_loop3A_632 : i32
      %parallel_loop3A_634 = arith.constant 0 : i32
      %parallel_loop3A_635 = arith.cmpi sgt, %parallel_loop3A_625, %parallel_loop3A_634 : i32
      %parallel_loop3A_636 = arith.extui %parallel_loop3A_635 : i1 to i32
      %parallel_loop3A_637 = arith.constant 0 : i32
      %parallel_loop3A_638 = arith.cmpi slt, %parallel_loop3A_625, %parallel_loop3A_637 : i32
      %parallel_loop3A_639 = arith.extui %parallel_loop3A_638 : i1 to i32
      %parallel_loop3A_640 = arith.subi %parallel_loop3A_636, %parallel_loop3A_639 : i32
      %parallel_loop3A_641 = arith.cmpi ne, %parallel_loop3A_633, %parallel_loop3A_640 : i32
      %parallel_loop3A_642 = arith.remsi %parallel_loop3A_624, %parallel_loop3A_625 : i32
      %parallel_loop3A_643 = arith.constant 0 : i32
      %parallel_loop3A_644 = arith.cmpi ne, %parallel_loop3A_642, %parallel_loop3A_643 : i32
      %parallel_loop3A_645 = arith.andi %parallel_loop3A_641, %parallel_loop3A_644 : i1
      %parallel_loop3A_646 = arith.constant 1 : i32
      %parallel_loop3A_647 = arith.subi %parallel_loop3A_626, %parallel_loop3A_646 : i32
      %parallel_loop3A_648 = arith.select %parallel_loop3A_645, %parallel_loop3A_647, %parallel_loop3A_626 : i32
      %parallel_loop3A_649 = arith.constant 64 : i32
      %parallel_loop3A_650 = arith.constant 0 : i32
      %parallel_loop3A_651 = arith.cmpi eq, %parallel_loop3A_649, %parallel_loop3A_650 : i32
      %parallel_loop3A_652 = arith.constant 1 : i32
      %parallel_loop3A_653 = arith.select %parallel_loop3A_651, %parallel_loop3A_652, %parallel_loop3A_649 : i32
      %parallel_loop3A_654 = arith.remsi %parallel_loop3A_624, %parallel_loop3A_653 : i32
      %parallel_loop3A_655 = arith.constant 0 : i32
      %parallel_loop3A_656 = arith.cmpi ne, %parallel_loop3A_654, %parallel_loop3A_655 : i32
      %parallel_loop3A_657 = arith.constant 0 : i32
      %parallel_loop3A_658 = arith.cmpi slt, %parallel_loop3A_654, %parallel_loop3A_657 : i32
      %parallel_loop3A_659 = arith.constant 0 : i32
      %parallel_loop3A_660 = arith.cmpi slt, %parallel_loop3A_653, %parallel_loop3A_659 : i32
      %parallel_loop3A_661 = arith.xori %parallel_loop3A_658, %parallel_loop3A_660 : i1
      %parallel_loop3A_662 = arith.andi %parallel_loop3A_661, %parallel_loop3A_656 : i1
      %parallel_loop3A_663 = arith.addi %parallel_loop3A_654, %parallel_loop3A_653 : i32
      %parallel_loop3A_664 = arith.select %parallel_loop3A_662, %parallel_loop3A_663, %parallel_loop3A_654 : i32
      %parallel_loop3A_665 = arith.constant 16 : i32
      %parallel_loop3A_666 = arith.muli %parallel_loop3A_664, %parallel_loop3A_665 : i32
      %parallel_loop3A_667 = arith.index_cast %parallel_loop3A_648 : i32 to index
      %parallel_loop3A_668 = arith.index_cast %parallel_loop3A_666 : i32 to index
      %parallel_loop3A_669 = tpu.vector_load %arg10[%parallel_loop3A_667, %parallel_loop3A_668] {strides = array<i32>} : memref<8x1024xf32, #tpu.memory_space<vmem>>, vector<1x16xf32>,
      %parallel_loop3A_670 = vector.shape_cast %parallel_loop3A_669 : vector<1x16xf32> to vector<16xf32>
      %parallel_loop3A_671 = arith.constant 0 : i32
      %parallel_loop3A_672 = arith.index_cast %parallel_loop3A_648 : i32 to index
      %parallel_loop3A_673 = arith.index_cast %parallel_loop3A_671 : i32 to index
      %parallel_loop3A_674 = arith.index_cast %parallel_loop3A_666 : i32 to index
      %parallel_loop3A_675 = tpu.vector_load %arg7[%parallel_loop3A_672, %parallel_loop3A_673, %parallel_loop3A_674] {strides = array<i32>} : memref<8x4x1024xf32, #tpu.memory_space<vmem>>, vector<1x1x16xf32>,
      %parallel_loop3A_676 = vector.shape_cast %parallel_loop3A_675 : vector<1x1x16xf32> to vector<16xf32>
      %parallel_loop3A_677 = vector.shape_cast %parallel_loop3A_670 : vector<16xf32> to vector<1x1x16xf32>
      tpu.vector_store %arg7[%parallel_loop3A_672, %parallel_loop3A_673, %parallel_loop3A_674], %parallel_loop3A_677 {add = true, strides = array<i32>} : memref<8x4x1024xf32, #tpu.memory_space<vmem>>, vector<1x1x16xf32>,
      %parallel_loop3A_678 = arith.constant 1 : i32
      %parallel_loop3A_679 = arith.index_cast %parallel_loop3A_648 : i32 to index
      %parallel_loop3A_680 = arith.index_cast %parallel_loop3A_678 : i32 to index
      %parallel_loop3A_681 = arith.index_cast %parallel_loop3A_666 : i32 to index
      %parallel_loop3A_682 = tpu.vector_load %arg7[%parallel_loop3A_679, %parallel_loop3A_680, %parallel_loop3A_681] {strides = array<i32>} : memref<8x4x1024xf32, #tpu.memory_space<vmem>>, vector<1x1x16xf32>,
      %parallel_loop3A_683 = vector.shape_cast %parallel_loop3A_682 : vector<1x1x16xf32> to vector<16xf32>
      %parallel_loop3A_684 = vector.shape_cast %parallel_loop3A_670 : vector<16xf32> to vector<1x1x16xf32>
      tpu.vector_store %arg7[%parallel_loop3A_679, %parallel_loop3A_680, %parallel_loop3A_681], %parallel_loop3A_684 {add = true, strides = array<i32>} : memref<8x4x1024xf32, #tpu.memory_space<vmem>>, vector<1x1x16xf32>,
      %parallel_loop3A_685 = arith.constant 2 : i32
      %parallel_loop3A_686 = arith.index_cast %parallel_loop3A_648 : i32 to index
      %parallel_loop3A_687 = arith.index_cast %parallel_loop3A_685 : i32 to index
      %parallel_loop3A_688 = arith.index_cast %parallel_loop3A_666 : i32 to index
      %parallel_loop3A_689 = tpu.vector_load %arg7[%parallel_loop3A_686, %parallel_loop3A_687, %parallel_loop3A_688] {strides = array<i32>} : memref<8x4x1024xf32, #tpu.memory_space<vmem>>, vector<1x1x16xf32>,
      %parallel_loop3A_690 = vector.shape_cast %parallel_loop3A_689 : vector<1x1x16xf32> to vector<16xf32>
      %parallel_loop3A_691 = vector.shape_cast %parallel_loop3A_670 : vector<16xf32> to vector<1x1x16xf32>
      tpu.vector_store %arg7[%parallel_loop3A_686, %parallel_loop3A_687, %parallel_loop3A_688], %parallel_loop3A_691 {add = true, strides = array<i32>} : memref<8x4x1024xf32, #tpu.memory_space<vmem>>, vector<1x1x16xf32>,
      %parallel_loop3A_692 = arith.constant 3 : i32
      %parallel_loop3A_693 = arith.index_cast %parallel_loop3A_648 : i32 to index
      %parallel_loop3A_694 = arith.index_cast %parallel_loop3A_692 : i32 to index
      %parallel_loop3A_695 = arith.index_cast %parallel_loop3A_666 : i32 to index
      %parallel_loop3A_696 = tpu.vector_load %arg7[%parallel_loop3A_693, %parallel_loop3A_694, %parallel_loop3A_695] {strides = array<i32>} : memref<8x4x1024xf32, #tpu.memory_space<vmem>>, vector<1x1x16xf32>,
      %parallel_loop3A_697 = vector.shape_cast %parallel_loop3A_696 : vector<1x1x16xf32> to vector<16xf32>
      %parallel_loop3A_698 = vector.shape_cast %parallel_loop3A_670 : vector<16xf32> to vector<1x1x16xf32>
      tpu.vector_store %arg7[%parallel_loop3A_693, %parallel_loop3A_694, %parallel_loop3A_695], %parallel_loop3A_698 {add = true, strides = array<i32>} : memref<8x4x1024xf32, #tpu.memory_space<vmem>>, vector<1x1x16xf32>,
    } {sc.loop_unroll_factor = 4 : i64, sc.parallel_access}
    %add3A_478 = arith.constant 88 : i32
    %add3A_479 = arith.addi %mul3A_2, %add3A_478 : i32
    %dma_start3A_480 = arith.constant 0 : i32
    %dma_start3A_481 = arith.constant 0 : i32
    %dma_start3A_482 = tpu.memref_slice %arg4[%add3A_479, %dma_start3A_480, %dma_start3A_481] : memref<4096x4x1024xf32, #tpu.memory_space<hbm>> -> memref<8x4x1024xf32, #tpu.memory_space<hbm>>
    %dma_start3A_483 = arith.constant 0 : i32
    %dma_start3A_484 = arith.constant 0 : i32
    %dma_start3A_485 = tpu.memref_slice %arg4[%add3A_479, %dma_start3A_483, %dma_start3A_484] : memref<4096x4x1024xf32, #tpu.memory_space<hbm>> -> memref<8x4x1024xf32, #tpu.memory_space<hbm>>
    tpu.enqueue_dma source(%arg7 : memref<8x4x1024xf32, #tpu.memory_space<vmem>>) target(%dma_start3A_485 : memref<8x4x1024xf32, #tpu.memory_space<hbm>>) target_semaphore(%arg19 : memref<!tpu.dma_semaphore, #tpu.memory_space<semaphore_mem>>)
    %dma_wait3A_486 = arith.constant 0 : i32
    %dma_wait3A_487 = arith.constant 0 : i32
    %dma_wait3A_488 = tpu.memref_slice %arg2[%add3A_425, %dma_wait3A_486, %dma_wait3A_487] : memref<4096x4x1024xf32, #tpu.memory_space<hbm>> -> memref<8x4x1024xf32, #tpu.memory_space<hbm>>
    %dma_wait3A_489 = arith.constant 0 : i32
    %dma_wait3A_490 = arith.constant 0 : i32
    %dma_wait3A_491 = tpu.memref_slice %arg2[%add3A_425, %dma_wait3A_489, %dma_wait3A_490] : memref<4096x4x1024xf32, #tpu.memory_space<hbm>> -> memref<8x4x1024xf32, #tpu.memory_space<hbm>>
    tpu.wait_dma2 semaphore(%arg11 : memref<!tpu.dma_semaphore, #tpu.memory_space<semaphore_mem>>) src(%dma_wait3A_491 : memref<8x4x1024xf32, #tpu.memory_space<hbm>>) dst(%arg5 : memref<8x4x1024xf32, #tpu.memory_space<vmem>>)
    %dma_wait3A_492 = arith.constant 0 : i32
    %dma_wait3A_493 = tpu.memref_slice %arg3[%add3A_425, %dma_wait3A_492] : memref<8192x1024xf32, #tpu.memory_space<hbm>> -> memref<8x1024xf32, #tpu.memory_space<hbm>>
    %dma_wait3A_494 = arith.constant 0 : i32
    %dma_wait3A_495 = tpu.memref_slice %arg3[%add3A_425, %dma_wait3A_494] : memref<8192x1024xf32, #tpu.memory_space<hbm>> -> memref<8x1024xf32, #tpu.memory_space<hbm>>
    tpu.wait_dma2 semaphore(%arg14 : memref<!tpu.dma_semaphore, #tpu.memory_space<semaphore_mem>>) src(%dma_wait3A_495 : memref<8x1024xf32, #tpu.memory_space<hbm>>) dst(%arg8 : memref<8x1024xf32, #tpu.memory_space<vmem>>)
    %dma_wait3A_496 = arith.constant 0 : i32
    %dma_wait3A_497 = arith.constant 0 : i32
    %dma_wait3A_498 = tpu.memref_slice %arg4[%add3A_479, %dma_wait3A_496, %dma_wait3A_497] : memref<4096x4x1024xf32, #tpu.memory_space<hbm>> -> memref<8x4x1024xf32, #tpu.memory_space<hbm>>
    %dma_wait3A_499 = arith.constant 0 : i32
    %dma_wait3A_500 = arith.constant 0 : i32
    %dma_wait3A_501 = tpu.memref_slice %arg4[%add3A_479, %dma_wait3A_499, %dma_wait3A_500] : memref<4096x4x1024xf32, #tpu.memory_space<hbm>> -> memref<8x4x1024xf32, #tpu.memory_space<hbm>>
    tpu.wait_dma2 semaphore(%arg19 : memref<!tpu.dma_semaphore, #tpu.memory_space<semaphore_mem>>) src(%arg7 : memref<8x4x1024xf32, #tpu.memory_space<vmem>>) dst(%dma_wait3A_501 : memref<8x4x1024xf32, #tpu.memory_space<hbm>>)
    %add3A_502 = arith.constant 112 : i32
    %add3A_503 = arith.addi %mul3A_2, %add3A_502 : i32
    %dma_start3A_504 = arith.constant 0 : i32
    %dma_start3A_505 = arith.constant 0 : i32
    %dma_start3A_506 = tpu.memref_slice %arg2[%add3A_503, %dma_start3A_504, %dma_start3A_505] : memref<4096x4x1024xf32, #tpu.memory_space<hbm>> -> memref<8x4x1024xf32, #tpu.memory_space<hbm>>
    %dma_start3A_507 = arith.constant 0 : i32
    %dma_start3A_508 = arith.constant 0 : i32
    %dma_start3A_509 = tpu.memref_slice %arg2[%add3A_503, %dma_start3A_507, %dma_start3A_508] : memref<4096x4x1024xf32, #tpu.memory_space<hbm>> -> memref<8x4x1024xf32, #tpu.memory_space<hbm>>
    tpu.enqueue_dma source(%dma_start3A_509 : memref<8x4x1024xf32, #tpu.memory_space<hbm>>) target(%arg7 : memref<8x4x1024xf32, #tpu.memory_space<vmem>>) target_semaphore(%arg13 : memref<!tpu.dma_semaphore, #tpu.memory_space<semaphore_mem>>)
    %dma_start3A_510 = arith.constant 0 : i32
    %dma_start3A_511 = tpu.memref_slice %arg3[%add3A_503, %dma_start3A_510] : memref<8192x1024xf32, #tpu.memory_space<hbm>> -> memref<8x1024xf32, #tpu.memory_space<hbm>>
    %dma_start3A_512 = arith.constant 0 : i32
    %dma_start3A_513 = tpu.memref_slice %arg3[%add3A_503, %dma_start3A_512] : memref<8192x1024xf32, #tpu.memory_space<hbm>> -> memref<8x1024xf32, #tpu.memory_space<hbm>>
    tpu.enqueue_dma source(%dma_start3A_513 : memref<8x1024xf32, #tpu.memory_space<hbm>>) target(%arg10 : memref<8x1024xf32, #tpu.memory_space<vmem>>) target_semaphore(%arg16 : memref<!tpu.dma_semaphore, #tpu.memory_space<semaphore_mem>>)
    %parallel_loop3A_514 = arith.constant 0 : i32
    %parallel_loop3A_515 = arith.constant 512 : i32
    %parallel_loop3A_516 = arith.constant 1 : i32
    scf.for %parallel_loop3A_624 = %parallel_loop3A_514 to %parallel_loop3A_515 step %parallel_loop3A_516  : i32 {
      %parallel_loop3A_625 = arith.constant 64 : i32
      %parallel_loop3A_626 = arith.divsi %parallel_loop3A_624, %parallel_loop3A_625 : i32
      %parallel_loop3A_627 = arith.constant 0 : i32
      %parallel_loop3A_628 = arith.cmpi sgt, %parallel_loop3A_624, %parallel_loop3A_627 : i32
      %parallel_loop3A_629 = arith.extui %parallel_loop3A_628 : i1 to i32
      %parallel_loop3A_630 = arith.constant 0 : i32
      %parallel_loop3A_631 = arith.cmpi slt, %parallel_loop3A_624, %parallel_loop3A_630 : i32
      %parallel_loop3A_632 = arith.extui %parallel_loop3A_631 : i1 to i32
      %parallel_loop3A_633 = arith.subi %parallel_loop3A_629, %parallel_loop3A_632 : i32
      %parallel_loop3A_634 = arith.constant 0 : i32
      %parallel_loop3A_635 = arith.cmpi sgt, %parallel_loop3A_625, %parallel_loop3A_634 : i32
      %parallel_loop3A_636 = arith.extui %parallel_loop3A_635 : i1 to i32
      %parallel_loop3A_637 = arith.constant 0 : i32
      %parallel_loop3A_638 = arith.cmpi slt, %parallel_loop3A_625, %parallel_loop3A_637 : i32
      %parallel_loop3A_639 = arith.extui %parallel_loop3A_638 : i1 to i32
      %parallel_loop3A_640 = arith.subi %parallel_loop3A_636, %parallel_loop3A_639 : i32
      %parallel_loop3A_641 = arith.cmpi ne, %parallel_loop3A_633, %parallel_loop3A_640 : i32
      %parallel_loop3A_642 = arith.remsi %parallel_loop3A_624, %parallel_loop3A_625 : i32
      %parallel_loop3A_643 = arith.constant 0 : i32
      %parallel_loop3A_644 = arith.cmpi ne, %parallel_loop3A_642, %parallel_loop3A_643 : i32
      %parallel_loop3A_645 = arith.andi %parallel_loop3A_641, %parallel_loop3A_644 : i1
      %parallel_loop3A_646 = arith.constant 1 : i32
      %parallel_loop3A_647 = arith.subi %parallel_loop3A_626, %parallel_loop3A_646 : i32
      %parallel_loop3A_648 = arith.select %parallel_loop3A_645, %parallel_loop3A_647, %parallel_loop3A_626 : i32
      %parallel_loop3A_649 = arith.constant 64 : i32
      %parallel_loop3A_650 = arith.constant 0 : i32
      %parallel_loop3A_651 = arith.cmpi eq, %parallel_loop3A_649, %parallel_loop3A_650 : i32
      %parallel_loop3A_652 = arith.constant 1 : i32
      %parallel_loop3A_653 = arith.select %parallel_loop3A_651, %parallel_loop3A_652, %parallel_loop3A_649 : i32
      %parallel_loop3A_654 = arith.remsi %parallel_loop3A_624, %parallel_loop3A_653 : i32
      %parallel_loop3A_655 = arith.constant 0 : i32
      %parallel_loop3A_656 = arith.cmpi ne, %parallel_loop3A_654, %parallel_loop3A_655 : i32
      %parallel_loop3A_657 = arith.constant 0 : i32
      %parallel_loop3A_658 = arith.cmpi slt, %parallel_loop3A_654, %parallel_loop3A_657 : i32
      %parallel_loop3A_659 = arith.constant 0 : i32
      %parallel_loop3A_660 = arith.cmpi slt, %parallel_loop3A_653, %parallel_loop3A_659 : i32
      %parallel_loop3A_661 = arith.xori %parallel_loop3A_658, %parallel_loop3A_660 : i1
      %parallel_loop3A_662 = arith.andi %parallel_loop3A_661, %parallel_loop3A_656 : i1
      %parallel_loop3A_663 = arith.addi %parallel_loop3A_654, %parallel_loop3A_653 : i32
      %parallel_loop3A_664 = arith.select %parallel_loop3A_662, %parallel_loop3A_663, %parallel_loop3A_654 : i32
      %parallel_loop3A_665 = arith.constant 16 : i32
      %parallel_loop3A_666 = arith.muli %parallel_loop3A_664, %parallel_loop3A_665 : i32
      %parallel_loop3A_667 = arith.index_cast %parallel_loop3A_648 : i32 to index
      %parallel_loop3A_668 = arith.index_cast %parallel_loop3A_666 : i32 to index
      %parallel_loop3A_669 = tpu.vector_load %arg8[%parallel_loop3A_667, %parallel_loop3A_668] {strides = array<i32>} : memref<8x1024xf32, #tpu.memory_space<vmem>>, vector<1x16xf32>,
      %parallel_loop3A_670 = vector.shape_cast %parallel_loop3A_669 : vector<1x16xf32> to vector<16xf32>
      %parallel_loop3A_671 = arith.constant 0 : i32
      %parallel_loop3A_672 = arith.index_cast %parallel_loop3A_648 : i32 to index
      %parallel_loop3A_673 = arith.index_cast %parallel_loop3A_671 : i32 to index
      %parallel_loop3A_674 = arith.index_cast %parallel_loop3A_666 : i32 to index
      %parallel_loop3A_675 = tpu.vector_load %arg5[%parallel_loop3A_672, %parallel_loop3A_673, %parallel_loop3A_674] {strides = array<i32>} : memref<8x4x1024xf32, #tpu.memory_space<vmem>>, vector<1x1x16xf32>,
      %parallel_loop3A_676 = vector.shape_cast %parallel_loop3A_675 : vector<1x1x16xf32> to vector<16xf32>
      %parallel_loop3A_677 = vector.shape_cast %parallel_loop3A_670 : vector<16xf32> to vector<1x1x16xf32>
      tpu.vector_store %arg5[%parallel_loop3A_672, %parallel_loop3A_673, %parallel_loop3A_674], %parallel_loop3A_677 {add = true, strides = array<i32>} : memref<8x4x1024xf32, #tpu.memory_space<vmem>>, vector<1x1x16xf32>,
      %parallel_loop3A_678 = arith.constant 1 : i32
      %parallel_loop3A_679 = arith.index_cast %parallel_loop3A_648 : i32 to index
      %parallel_loop3A_680 = arith.index_cast %parallel_loop3A_678 : i32 to index
      %parallel_loop3A_681 = arith.index_cast %parallel_loop3A_666 : i32 to index
      %parallel_loop3A_682 = tpu.vector_load %arg5[%parallel_loop3A_679, %parallel_loop3A_680, %parallel_loop3A_681] {strides = array<i32>} : memref<8x4x1024xf32, #tpu.memory_space<vmem>>, vector<1x1x16xf32>,
      %parallel_loop3A_683 = vector.shape_cast %parallel_loop3A_682 : vector<1x1x16xf32> to vector<16xf32>
      %parallel_loop3A_684 = vector.shape_cast %parallel_loop3A_670 : vector<16xf32> to vector<1x1x16xf32>
      tpu.vector_store %arg5[%parallel_loop3A_679, %parallel_loop3A_680, %parallel_loop3A_681], %parallel_loop3A_684 {add = true, strides = array<i32>} : memref<8x4x1024xf32, #tpu.memory_space<vmem>>, vector<1x1x16xf32>,
      %parallel_loop3A_685 = arith.constant 2 : i32
      %parallel_loop3A_686 = arith.index_cast %parallel_loop3A_648 : i32 to index
      %parallel_loop3A_687 = arith.index_cast %parallel_loop3A_685 : i32 to index
      %parallel_loop3A_688 = arith.index_cast %parallel_loop3A_666 : i32 to index
      %parallel_loop3A_689 = tpu.vector_load %arg5[%parallel_loop3A_686, %parallel_loop3A_687, %parallel_loop3A_688] {strides = array<i32>} : memref<8x4x1024xf32, #tpu.memory_space<vmem>>, vector<1x1x16xf32>,
      %parallel_loop3A_690 = vector.shape_cast %parallel_loop3A_689 : vector<1x1x16xf32> to vector<16xf32>
      %parallel_loop3A_691 = vector.shape_cast %parallel_loop3A_670 : vector<16xf32> to vector<1x1x16xf32>
      tpu.vector_store %arg5[%parallel_loop3A_686, %parallel_loop3A_687, %parallel_loop3A_688], %parallel_loop3A_691 {add = true, strides = array<i32>} : memref<8x4x1024xf32, #tpu.memory_space<vmem>>, vector<1x1x16xf32>,
      %parallel_loop3A_692 = arith.constant 3 : i32
      %parallel_loop3A_693 = arith.index_cast %parallel_loop3A_648 : i32 to index
      %parallel_loop3A_694 = arith.index_cast %parallel_loop3A_692 : i32 to index
      %parallel_loop3A_695 = arith.index_cast %parallel_loop3A_666 : i32 to index
      %parallel_loop3A_696 = tpu.vector_load %arg5[%parallel_loop3A_693, %parallel_loop3A_694, %parallel_loop3A_695] {strides = array<i32>} : memref<8x4x1024xf32, #tpu.memory_space<vmem>>, vector<1x1x16xf32>,
      %parallel_loop3A_697 = vector.shape_cast %parallel_loop3A_696 : vector<1x1x16xf32> to vector<16xf32>
      %parallel_loop3A_698 = vector.shape_cast %parallel_loop3A_670 : vector<16xf32> to vector<1x1x16xf32>
      tpu.vector_store %arg5[%parallel_loop3A_693, %parallel_loop3A_694, %parallel_loop3A_695], %parallel_loop3A_698 {add = true, strides = array<i32>} : memref<8x4x1024xf32, #tpu.memory_space<vmem>>, vector<1x1x16xf32>,
    } {sc.loop_unroll_factor = 4 : i64, sc.parallel_access}
    %add3A_517 = arith.constant 96 : i32
    %add3A_518 = arith.addi %mul3A_2, %add3A_517 : i32
    %dma_start3A_519 = arith.constant 0 : i32
    %dma_start3A_520 = arith.constant 0 : i32
    %dma_start3A_521 = tpu.memref_slice %arg4[%add3A_518, %dma_start3A_519, %dma_start3A_520] : memref<4096x4x1024xf32, #tpu.memory_space<hbm>> -> memref<8x4x1024xf32, #tpu.memory_space<hbm>>
    %dma_start3A_522 = arith.constant 0 : i32
    %dma_start3A_523 = arith.constant 0 : i32
    %dma_start3A_524 = tpu.memref_slice %arg4[%add3A_518, %dma_start3A_522, %dma_start3A_523] : memref<4096x4x1024xf32, #tpu.memory_space<hbm>> -> memref<8x4x1024xf32, #tpu.memory_space<hbm>>
    tpu.enqueue_dma source(%arg5 : memref<8x4x1024xf32, #tpu.memory_space<vmem>>) target(%dma_start3A_524 : memref<8x4x1024xf32, #tpu.memory_space<hbm>>) target_semaphore(%arg17 : memref<!tpu.dma_semaphore, #tpu.memory_space<semaphore_mem>>)
    %dma_wait3A_525 = arith.constant 0 : i32
    %dma_wait3A_526 = arith.constant 0 : i32
    %dma_wait3A_527 = tpu.memref_slice %arg2[%add3A_464, %dma_wait3A_525, %dma_wait3A_526] : memref<4096x4x1024xf32, #tpu.memory_space<hbm>> -> memref<8x4x1024xf32, #tpu.memory_space<hbm>>
    %dma_wait3A_528 = arith.constant 0 : i32
    %dma_wait3A_529 = arith.constant 0 : i32
    %dma_wait3A_530 = tpu.memref_slice %arg2[%add3A_464, %dma_wait3A_528, %dma_wait3A_529] : memref<4096x4x1024xf32, #tpu.memory_space<hbm>> -> memref<8x4x1024xf32, #tpu.memory_space<hbm>>
    tpu.wait_dma2 semaphore(%arg12 : memref<!tpu.dma_semaphore, #tpu.memory_space<semaphore_mem>>) src(%dma_wait3A_530 : memref<8x4x1024xf32, #tpu.memory_space<hbm>>) dst(%arg6 : memref<8x4x1024xf32, #tpu.memory_space<vmem>>)
    %dma_wait3A_531 = arith.constant 0 : i32
    %dma_wait3A_532 = tpu.memref_slice %arg3[%add3A_464, %dma_wait3A_531] : memref<8192x1024xf32, #tpu.memory_space<hbm>> -> memref<8x1024xf32, #tpu.memory_space<hbm>>
    %dma_wait3A_533 = arith.constant 0 : i32
    %dma_wait3A_534 = tpu.memref_slice %arg3[%add3A_464, %dma_wait3A_533] : memref<8192x1024xf32, #tpu.memory_space<hbm>> -> memref<8x1024xf32, #tpu.memory_space<hbm>>
    tpu.wait_dma2 semaphore(%arg15 : memref<!tpu.dma_semaphore, #tpu.memory_space<semaphore_mem>>) src(%dma_wait3A_534 : memref<8x1024xf32, #tpu.memory_space<hbm>>) dst(%arg9 : memref<8x1024xf32, #tpu.memory_space<vmem>>)
    %dma_wait3A_535 = arith.constant 0 : i32
    %dma_wait3A_536 = arith.constant 0 : i32
    %dma_wait3A_537 = tpu.memref_slice %arg4[%add3A_518, %dma_wait3A_535, %dma_wait3A_536] : memref<4096x4x1024xf32, #tpu.memory_space<hbm>> -> memref<8x4x1024xf32, #tpu.memory_space<hbm>>
    %dma_wait3A_538 = arith.constant 0 : i32
    %dma_wait3A_539 = arith.constant 0 : i32
    %dma_wait3A_540 = tpu.memref_slice %arg4[%add3A_518, %dma_wait3A_538, %dma_wait3A_539] : memref<4096x4x1024xf32, #tpu.memory_space<hbm>> -> memref<8x4x1024xf32, #tpu.memory_space<hbm>>
    tpu.wait_dma2 semaphore(%arg17 : memref<!tpu.dma_semaphore, #tpu.memory_space<semaphore_mem>>) src(%arg5 : memref<8x4x1024xf32, #tpu.memory_space<vmem>>) dst(%dma_wait3A_540 : memref<8x4x1024xf32, #tpu.memory_space<hbm>>)
    %add3A_541 = arith.constant 120 : i32
    %add3A_542 = arith.addi %mul3A_2, %add3A_541 : i32
    %dma_start3A_543 = arith.constant 0 : i32
    %dma_start3A_544 = arith.constant 0 : i32
    %dma_start3A_545 = tpu.memref_slice %arg2[%add3A_542, %dma_start3A_543, %dma_start3A_544] : memref<4096x4x1024xf32, #tpu.memory_space<hbm>> -> memref<8x4x1024xf32, #tpu.memory_space<hbm>>
    %dma_start3A_546 = arith.constant 0 : i32
    %dma_start3A_547 = arith.constant 0 : i32
    %dma_start3A_548 = tpu.memref_slice %arg2[%add3A_542, %dma_start3A_546, %dma_start3A_547] : memref<4096x4x1024xf32, #tpu.memory_space<hbm>> -> memref<8x4x1024xf32, #tpu.memory_space<hbm>>
    tpu.enqueue_dma source(%dma_start3A_548 : memref<8x4x1024xf32, #tpu.memory_space<hbm>>) target(%arg5 : memref<8x4x1024xf32, #tpu.memory_space<vmem>>) target_semaphore(%arg11 : memref<!tpu.dma_semaphore, #tpu.memory_space<semaphore_mem>>)
    %dma_start3A_549 = arith.constant 0 : i32
    %dma_start3A_550 = tpu.memref_slice %arg3[%add3A_542, %dma_start3A_549] : memref<8192x1024xf32, #tpu.memory_space<hbm>> -> memref<8x1024xf32, #tpu.memory_space<hbm>>
    %dma_start3A_551 = arith.constant 0 : i32
    %dma_start3A_552 = tpu.memref_slice %arg3[%add3A_542, %dma_start3A_551] : memref<8192x1024xf32, #tpu.memory_space<hbm>> -> memref<8x1024xf32, #tpu.memory_space<hbm>>
    tpu.enqueue_dma source(%dma_start3A_552 : memref<8x1024xf32, #tpu.memory_space<hbm>>) target(%arg8 : memref<8x1024xf32, #tpu.memory_space<vmem>>) target_semaphore(%arg14 : memref<!tpu.dma_semaphore, #tpu.memory_space<semaphore_mem>>)
    %parallel_loop3A_553 = arith.constant 0 : i32
    %parallel_loop3A_554 = arith.constant 512 : i32
    %parallel_loop3A_555 = arith.constant 1 : i32
    scf.for %parallel_loop3A_624 = %parallel_loop3A_553 to %parallel_loop3A_554 step %parallel_loop3A_555  : i32 {
      %parallel_loop3A_625 = arith.constant 64 : i32
      %parallel_loop3A_626 = arith.divsi %parallel_loop3A_624, %parallel_loop3A_625 : i32
      %parallel_loop3A_627 = arith.constant 0 : i32
      %parallel_loop3A_628 = arith.cmpi sgt, %parallel_loop3A_624, %parallel_loop3A_627 : i32
      %parallel_loop3A_629 = arith.extui %parallel_loop3A_628 : i1 to i32
      %parallel_loop3A_630 = arith.constant 0 : i32
      %parallel_loop3A_631 = arith.cmpi slt, %parallel_loop3A_624, %parallel_loop3A_630 : i32
      %parallel_loop3A_632 = arith.extui %parallel_loop3A_631 : i1 to i32
      %parallel_loop3A_633 = arith.subi %parallel_loop3A_629, %parallel_loop3A_632 : i32
      %parallel_loop3A_634 = arith.constant 0 : i32
      %parallel_loop3A_635 = arith.cmpi sgt, %parallel_loop3A_625, %parallel_loop3A_634 : i32
      %parallel_loop3A_636 = arith.extui %parallel_loop3A_635 : i1 to i32
      %parallel_loop3A_637 = arith.constant 0 : i32
      %parallel_loop3A_638 = arith.cmpi slt, %parallel_loop3A_625, %parallel_loop3A_637 : i32
      %parallel_loop3A_639 = arith.extui %parallel_loop3A_638 : i1 to i32
      %parallel_loop3A_640 = arith.subi %parallel_loop3A_636, %parallel_loop3A_639 : i32
      %parallel_loop3A_641 = arith.cmpi ne, %parallel_loop3A_633, %parallel_loop3A_640 : i32
      %parallel_loop3A_642 = arith.remsi %parallel_loop3A_624, %parallel_loop3A_625 : i32
      %parallel_loop3A_643 = arith.constant 0 : i32
      %parallel_loop3A_644 = arith.cmpi ne, %parallel_loop3A_642, %parallel_loop3A_643 : i32
      %parallel_loop3A_645 = arith.andi %parallel_loop3A_641, %parallel_loop3A_644 : i1
      %parallel_loop3A_646 = arith.constant 1 : i32
      %parallel_loop3A_647 = arith.subi %parallel_loop3A_626, %parallel_loop3A_646 : i32
      %parallel_loop3A_648 = arith.select %parallel_loop3A_645, %parallel_loop3A_647, %parallel_loop3A_626 : i32
      %parallel_loop3A_649 = arith.constant 64 : i32
      %parallel_loop3A_650 = arith.constant 0 : i32
      %parallel_loop3A_651 = arith.cmpi eq, %parallel_loop3A_649, %parallel_loop3A_650 : i32
      %parallel_loop3A_652 = arith.constant 1 : i32
      %parallel_loop3A_653 = arith.select %parallel_loop3A_651, %parallel_loop3A_652, %parallel_loop3A_649 : i32
      %parallel_loop3A_654 = arith.remsi %parallel_loop3A_624, %parallel_loop3A_653 : i32
      %parallel_loop3A_655 = arith.constant 0 : i32
      %parallel_loop3A_656 = arith.cmpi ne, %parallel_loop3A_654, %parallel_loop3A_655 : i32
      %parallel_loop3A_657 = arith.constant 0 : i32
      %parallel_loop3A_658 = arith.cmpi slt, %parallel_loop3A_654, %parallel_loop3A_657 : i32
      %parallel_loop3A_659 = arith.constant 0 : i32
      %parallel_loop3A_660 = arith.cmpi slt, %parallel_loop3A_653, %parallel_loop3A_659 : i32
      %parallel_loop3A_661 = arith.xori %parallel_loop3A_658, %parallel_loop3A_660 : i1
      %parallel_loop3A_662 = arith.andi %parallel_loop3A_661, %parallel_loop3A_656 : i1
      %parallel_loop3A_663 = arith.addi %parallel_loop3A_654, %parallel_loop3A_653 : i32
      %parallel_loop3A_664 = arith.select %parallel_loop3A_662, %parallel_loop3A_663, %parallel_loop3A_654 : i32
      %parallel_loop3A_665 = arith.constant 16 : i32
      %parallel_loop3A_666 = arith.muli %parallel_loop3A_664, %parallel_loop3A_665 : i32
      %parallel_loop3A_667 = arith.index_cast %parallel_loop3A_648 : i32 to index
      %parallel_loop3A_668 = arith.index_cast %parallel_loop3A_666 : i32 to index
      %parallel_loop3A_669 = tpu.vector_load %arg9[%parallel_loop3A_667, %parallel_loop3A_668] {strides = array<i32>} : memref<8x1024xf32, #tpu.memory_space<vmem>>, vector<1x16xf32>,
      %parallel_loop3A_670 = vector.shape_cast %parallel_loop3A_669 : vector<1x16xf32> to vector<16xf32>
      %parallel_loop3A_671 = arith.constant 0 : i32
      %parallel_loop3A_672 = arith.index_cast %parallel_loop3A_648 : i32 to index
      %parallel_loop3A_673 = arith.index_cast %parallel_loop3A_671 : i32 to index
      %parallel_loop3A_674 = arith.index_cast %parallel_loop3A_666 : i32 to index
      %parallel_loop3A_675 = tpu.vector_load %arg6[%parallel_loop3A_672, %parallel_loop3A_673, %parallel_loop3A_674] {strides = array<i32>} : memref<8x4x1024xf32, #tpu.memory_space<vmem>>, vector<1x1x16xf32>,
      %parallel_loop3A_676 = vector.shape_cast %parallel_loop3A_675 : vector<1x1x16xf32> to vector<16xf32>
      %parallel_loop3A_677 = vector.shape_cast %parallel_loop3A_670 : vector<16xf32> to vector<1x1x16xf32>
      tpu.vector_store %arg6[%parallel_loop3A_672, %parallel_loop3A_673, %parallel_loop3A_674], %parallel_loop3A_677 {add = true, strides = array<i32>} : memref<8x4x1024xf32, #tpu.memory_space<vmem>>, vector<1x1x16xf32>,
      %parallel_loop3A_678 = arith.constant 1 : i32
      %parallel_loop3A_679 = arith.index_cast %parallel_loop3A_648 : i32 to index
      %parallel_loop3A_680 = arith.index_cast %parallel_loop3A_678 : i32 to index
      %parallel_loop3A_681 = arith.index_cast %parallel_loop3A_666 : i32 to index
      %parallel_loop3A_682 = tpu.vector_load %arg6[%parallel_loop3A_679, %parallel_loop3A_680, %parallel_loop3A_681] {strides = array<i32>} : memref<8x4x1024xf32, #tpu.memory_space<vmem>>, vector<1x1x16xf32>,
      %parallel_loop3A_683 = vector.shape_cast %parallel_loop3A_682 : vector<1x1x16xf32> to vector<16xf32>
      %parallel_loop3A_684 = vector.shape_cast %parallel_loop3A_670 : vector<16xf32> to vector<1x1x16xf32>
      tpu.vector_store %arg6[%parallel_loop3A_679, %parallel_loop3A_680, %parallel_loop3A_681], %parallel_loop3A_684 {add = true, strides = array<i32>} : memref<8x4x1024xf32, #tpu.memory_space<vmem>>, vector<1x1x16xf32>,
      %parallel_loop3A_685 = arith.constant 2 : i32
      %parallel_loop3A_686 = arith.index_cast %parallel_loop3A_648 : i32 to index
      %parallel_loop3A_687 = arith.index_cast %parallel_loop3A_685 : i32 to index
      %parallel_loop3A_688 = arith.index_cast %parallel_loop3A_666 : i32 to index
      %parallel_loop3A_689 = tpu.vector_load %arg6[%parallel_loop3A_686, %parallel_loop3A_687, %parallel_loop3A_688] {strides = array<i32>} : memref<8x4x1024xf32, #tpu.memory_space<vmem>>, vector<1x1x16xf32>,
      %parallel_loop3A_690 = vector.shape_cast %parallel_loop3A_689 : vector<1x1x16xf32> to vector<16xf32>
      %parallel_loop3A_691 = vector.shape_cast %parallel_loop3A_670 : vector<16xf32> to vector<1x1x16xf32>
      tpu.vector_store %arg6[%parallel_loop3A_686, %parallel_loop3A_687, %parallel_loop3A_688], %parallel_loop3A_691 {add = true, strides = array<i32>} : memref<8x4x1024xf32, #tpu.memory_space<vmem>>, vector<1x1x16xf32>,
      %parallel_loop3A_692 = arith.constant 3 : i32
      %parallel_loop3A_693 = arith.index_cast %parallel_loop3A_648 : i32 to index
      %parallel_loop3A_694 = arith.index_cast %parallel_loop3A_692 : i32 to index
      %parallel_loop3A_695 = arith.index_cast %parallel_loop3A_666 : i32 to index
      %parallel_loop3A_696 = tpu.vector_load %arg6[%parallel_loop3A_693, %parallel_loop3A_694, %parallel_loop3A_695] {strides = array<i32>} : memref<8x4x1024xf32, #tpu.memory_space<vmem>>, vector<1x1x16xf32>,
      %parallel_loop3A_697 = vector.shape_cast %parallel_loop3A_696 : vector<1x1x16xf32> to vector<16xf32>
      %parallel_loop3A_698 = vector.shape_cast %parallel_loop3A_670 : vector<16xf32> to vector<1x1x16xf32>
      tpu.vector_store %arg6[%parallel_loop3A_693, %parallel_loop3A_694, %parallel_loop3A_695], %parallel_loop3A_698 {add = true, strides = array<i32>} : memref<8x4x1024xf32, #tpu.memory_space<vmem>>, vector<1x1x16xf32>,
    } {sc.loop_unroll_factor = 4 : i64, sc.parallel_access}
    %add3A_556 = arith.constant 104 : i32
    %add3A_557 = arith.addi %mul3A_2, %add3A_556 : i32
    %dma_start3A_558 = arith.constant 0 : i32
    %dma_start3A_559 = arith.constant 0 : i32
    %dma_start3A_560 = tpu.memref_slice %arg4[%add3A_557, %dma_start3A_558, %dma_start3A_559] : memref<4096x4x1024xf32, #tpu.memory_space<hbm>> -> memref<8x4x1024xf32, #tpu.memory_space<hbm>>
    %dma_start3A_561 = arith.constant 0 : i32
    %dma_start3A_562 = arith.constant 0 : i32
    %dma_start3A_563 = tpu.memref_slice %arg4[%add3A_557, %dma_start3A_561, %dma_start3A_562] : memref<4096x4x1024xf32, #tpu.memory_space<hbm>> -> memref<8x4x1024xf32, #tpu.memory_space<hbm>>
    tpu.enqueue_dma source(%arg6 : memref<8x4x1024xf32, #tpu.memory_space<vmem>>) target(%dma_start3A_563 : memref<8x4x1024xf32, #tpu.memory_space<hbm>>) target_semaphore(%arg18 : memref<!tpu.dma_semaphore, #tpu.memory_space<semaphore_mem>>)
    %dma_wait3A_564 = arith.constant 0 : i32
    %dma_wait3A_565 = arith.constant 0 : i32
    %dma_wait3A_566 = tpu.memref_slice %arg2[%add3A_503, %dma_wait3A_564, %dma_wait3A_565] : memref<4096x4x1024xf32, #tpu.memory_space<hbm>> -> memref<8x4x1024xf32, #tpu.memory_space<hbm>>
    %dma_wait3A_567 = arith.constant 0 : i32
    %dma_wait3A_568 = arith.constant 0 : i32
    %dma_wait3A_569 = tpu.memref_slice %arg2[%add3A_503, %dma_wait3A_567, %dma_wait3A_568] : memref<4096x4x1024xf32, #tpu.memory_space<hbm>> -> memref<8x4x1024xf32, #tpu.memory_space<hbm>>
    tpu.wait_dma2 semaphore(%arg13 : memref<!tpu.dma_semaphore, #tpu.memory_space<semaphore_mem>>) src(%dma_wait3A_569 : memref<8x4x1024xf32, #tpu.memory_space<hbm>>) dst(%arg7 : memref<8x4x1024xf32, #tpu.memory_space<vmem>>)
    %dma_wait3A_570 = arith.constant 0 : i32
    %dma_wait3A_571 = tpu.memref_slice %arg3[%add3A_503, %dma_wait3A_570] : memref<8192x1024xf32, #tpu.memory_space<hbm>> -> memref<8x1024xf32, #tpu.memory_space<hbm>>
    %dma_wait3A_572 = arith.constant 0 : i32
    %dma_wait3A_573 = tpu.memref_slice %arg3[%add3A_503, %dma_wait3A_572] : memref<8192x1024xf32, #tpu.memory_space<hbm>> -> memref<8x1024xf32, #tpu.memory_space<hbm>>
    tpu.wait_dma2 semaphore(%arg16 : memref<!tpu.dma_semaphore, #tpu.memory_space<semaphore_mem>>) src(%dma_wait3A_573 : memref<8x1024xf32, #tpu.memory_space<hbm>>) dst(%arg10 : memref<8x1024xf32, #tpu.memory_space<vmem>>)
    %parallel_loop3A_574 = arith.constant 0 : i32
    %parallel_loop3A_575 = arith.constant 512 : i32
    %parallel_loop3A_576 = arith.constant 1 : i32
    scf.for %parallel_loop3A_624 = %parallel_loop3A_574 to %parallel_loop3A_575 step %parallel_loop3A_576  : i32 {
      %parallel_loop3A_625 = arith.constant 64 : i32
      %parallel_loop3A_626 = arith.divsi %parallel_loop3A_624, %parallel_loop3A_625 : i32
      %parallel_loop3A_627 = arith.constant 0 : i32
      %parallel_loop3A_628 = arith.cmpi sgt, %parallel_loop3A_624, %parallel_loop3A_627 : i32
      %parallel_loop3A_629 = arith.extui %parallel_loop3A_628 : i1 to i32
      %parallel_loop3A_630 = arith.constant 0 : i32
      %parallel_loop3A_631 = arith.cmpi slt, %parallel_loop3A_624, %parallel_loop3A_630 : i32
      %parallel_loop3A_632 = arith.extui %parallel_loop3A_631 : i1 to i32
      %parallel_loop3A_633 = arith.subi %parallel_loop3A_629, %parallel_loop3A_632 : i32
      %parallel_loop3A_634 = arith.constant 0 : i32
      %parallel_loop3A_635 = arith.cmpi sgt, %parallel_loop3A_625, %parallel_loop3A_634 : i32
      %parallel_loop3A_636 = arith.extui %parallel_loop3A_635 : i1 to i32
      %parallel_loop3A_637 = arith.constant 0 : i32
      %parallel_loop3A_638 = arith.cmpi slt, %parallel_loop3A_625, %parallel_loop3A_637 : i32
      %parallel_loop3A_639 = arith.extui %parallel_loop3A_638 : i1 to i32
      %parallel_loop3A_640 = arith.subi %parallel_loop3A_636, %parallel_loop3A_639 : i32
      %parallel_loop3A_641 = arith.cmpi ne, %parallel_loop3A_633, %parallel_loop3A_640 : i32
      %parallel_loop3A_642 = arith.remsi %parallel_loop3A_624, %parallel_loop3A_625 : i32
      %parallel_loop3A_643 = arith.constant 0 : i32
      %parallel_loop3A_644 = arith.cmpi ne, %parallel_loop3A_642, %parallel_loop3A_643 : i32
      %parallel_loop3A_645 = arith.andi %parallel_loop3A_641, %parallel_loop3A_644 : i1
      %parallel_loop3A_646 = arith.constant 1 : i32
      %parallel_loop3A_647 = arith.subi %parallel_loop3A_626, %parallel_loop3A_646 : i32
      %parallel_loop3A_648 = arith.select %parallel_loop3A_645, %parallel_loop3A_647, %parallel_loop3A_626 : i32
      %parallel_loop3A_649 = arith.constant 64 : i32
      %parallel_loop3A_650 = arith.constant 0 : i32
      %parallel_loop3A_651 = arith.cmpi eq, %parallel_loop3A_649, %parallel_loop3A_650 : i32
      %parallel_loop3A_652 = arith.constant 1 : i32
      %parallel_loop3A_653 = arith.select %parallel_loop3A_651, %parallel_loop3A_652, %parallel_loop3A_649 : i32
      %parallel_loop3A_654 = arith.remsi %parallel_loop3A_624, %parallel_loop3A_653 : i32
      %parallel_loop3A_655 = arith.constant 0 : i32
      %parallel_loop3A_656 = arith.cmpi ne, %parallel_loop3A_654, %parallel_loop3A_655 : i32
      %parallel_loop3A_657 = arith.constant 0 : i32
      %parallel_loop3A_658 = arith.cmpi slt, %parallel_loop3A_654, %parallel_loop3A_657 : i32
      %parallel_loop3A_659 = arith.constant 0 : i32
      %parallel_loop3A_660 = arith.cmpi slt, %parallel_loop3A_653, %parallel_loop3A_659 : i32
      %parallel_loop3A_661 = arith.xori %parallel_loop3A_658, %parallel_loop3A_660 : i1
      %parallel_loop3A_662 = arith.andi %parallel_loop3A_661, %parallel_loop3A_656 : i1
      %parallel_loop3A_663 = arith.addi %parallel_loop3A_654, %parallel_loop3A_653 : i32
      %parallel_loop3A_664 = arith.select %parallel_loop3A_662, %parallel_loop3A_663, %parallel_loop3A_654 : i32
      %parallel_loop3A_665 = arith.constant 16 : i32
      %parallel_loop3A_666 = arith.muli %parallel_loop3A_664, %parallel_loop3A_665 : i32
      %parallel_loop3A_667 = arith.index_cast %parallel_loop3A_648 : i32 to index
      %parallel_loop3A_668 = arith.index_cast %parallel_loop3A_666 : i32 to index
      %parallel_loop3A_669 = tpu.vector_load %arg10[%parallel_loop3A_667, %parallel_loop3A_668] {strides = array<i32>} : memref<8x1024xf32, #tpu.memory_space<vmem>>, vector<1x16xf32>,
      %parallel_loop3A_670 = vector.shape_cast %parallel_loop3A_669 : vector<1x16xf32> to vector<16xf32>
      %parallel_loop3A_671 = arith.constant 0 : i32
      %parallel_loop3A_672 = arith.index_cast %parallel_loop3A_648 : i32 to index
      %parallel_loop3A_673 = arith.index_cast %parallel_loop3A_671 : i32 to index
      %parallel_loop3A_674 = arith.index_cast %parallel_loop3A_666 : i32 to index
      %parallel_loop3A_675 = tpu.vector_load %arg7[%parallel_loop3A_672, %parallel_loop3A_673, %parallel_loop3A_674] {strides = array<i32>} : memref<8x4x1024xf32, #tpu.memory_space<vmem>>, vector<1x1x16xf32>,
      %parallel_loop3A_676 = vector.shape_cast %parallel_loop3A_675 : vector<1x1x16xf32> to vector<16xf32>
      %parallel_loop3A_677 = vector.shape_cast %parallel_loop3A_670 : vector<16xf32> to vector<1x1x16xf32>
      tpu.vector_store %arg7[%parallel_loop3A_672, %parallel_loop3A_673, %parallel_loop3A_674], %parallel_loop3A_677 {add = true, strides = array<i32>} : memref<8x4x1024xf32, #tpu.memory_space<vmem>>, vector<1x1x16xf32>,
      %parallel_loop3A_678 = arith.constant 1 : i32
      %parallel_loop3A_679 = arith.index_cast %parallel_loop3A_648 : i32 to index
      %parallel_loop3A_680 = arith.index_cast %parallel_loop3A_678 : i32 to index
      %parallel_loop3A_681 = arith.index_cast %parallel_loop3A_666 : i32 to index
      %parallel_loop3A_682 = tpu.vector_load %arg7[%parallel_loop3A_679, %parallel_loop3A_680, %parallel_loop3A_681] {strides = array<i32>} : memref<8x4x1024xf32, #tpu.memory_space<vmem>>, vector<1x1x16xf32>,
      %parallel_loop3A_683 = vector.shape_cast %parallel_loop3A_682 : vector<1x1x16xf32> to vector<16xf32>
      %parallel_loop3A_684 = vector.shape_cast %parallel_loop3A_670 : vector<16xf32> to vector<1x1x16xf32>
      tpu.vector_store %arg7[%parallel_loop3A_679, %parallel_loop3A_680, %parallel_loop3A_681], %parallel_loop3A_684 {add = true, strides = array<i32>} : memref<8x4x1024xf32, #tpu.memory_space<vmem>>, vector<1x1x16xf32>,
      %parallel_loop3A_685 = arith.constant 2 : i32
      %parallel_loop3A_686 = arith.index_cast %parallel_loop3A_648 : i32 to index
      %parallel_loop3A_687 = arith.index_cast %parallel_loop3A_685 : i32 to index
      %parallel_loop3A_688 = arith.index_cast %parallel_loop3A_666 : i32 to index
      %parallel_loop3A_689 = tpu.vector_load %arg7[%parallel_loop3A_686, %parallel_loop3A_687, %parallel_loop3A_688] {strides = array<i32>} : memref<8x4x1024xf32, #tpu.memory_space<vmem>>, vector<1x1x16xf32>,
      %parallel_loop3A_690 = vector.shape_cast %parallel_loop3A_689 : vector<1x1x16xf32> to vector<16xf32>
      %parallel_loop3A_691 = vector.shape_cast %parallel_loop3A_670 : vector<16xf32> to vector<1x1x16xf32>
      tpu.vector_store %arg7[%parallel_loop3A_686, %parallel_loop3A_687, %parallel_loop3A_688], %parallel_loop3A_691 {add = true, strides = array<i32>} : memref<8x4x1024xf32, #tpu.memory_space<vmem>>, vector<1x1x16xf32>,
      %parallel_loop3A_692 = arith.constant 3 : i32
      %parallel_loop3A_693 = arith.index_cast %parallel_loop3A_648 : i32 to index
      %parallel_loop3A_694 = arith.index_cast %parallel_loop3A_692 : i32 to index
      %parallel_loop3A_695 = arith.index_cast %parallel_loop3A_666 : i32 to index
      %parallel_loop3A_696 = tpu.vector_load %arg7[%parallel_loop3A_693, %parallel_loop3A_694, %parallel_loop3A_695] {strides = array<i32>} : memref<8x4x1024xf32, #tpu.memory_space<vmem>>, vector<1x1x16xf32>,
      %parallel_loop3A_697 = vector.shape_cast %parallel_loop3A_696 : vector<1x1x16xf32> to vector<16xf32>
      %parallel_loop3A_698 = vector.shape_cast %parallel_loop3A_670 : vector<16xf32> to vector<1x1x16xf32>
      tpu.vector_store %arg7[%parallel_loop3A_693, %parallel_loop3A_694, %parallel_loop3A_695], %parallel_loop3A_698 {add = true, strides = array<i32>} : memref<8x4x1024xf32, #tpu.memory_space<vmem>>, vector<1x1x16xf32>,
    } {sc.loop_unroll_factor = 4 : i64, sc.parallel_access}
    %add3A_577 = arith.constant 112 : i32
    %add3A_578 = arith.addi %mul3A_2, %add3A_577 : i32
    %dma_start3A_579 = arith.constant 0 : i32
    %dma_start3A_580 = arith.constant 0 : i32
    %dma_start3A_581 = tpu.memref_slice %arg4[%add3A_578, %dma_start3A_579, %dma_start3A_580] : memref<4096x4x1024xf32, #tpu.memory_space<hbm>> -> memref<8x4x1024xf32, #tpu.memory_space<hbm>>
    %dma_start3A_582 = arith.constant 0 : i32
    %dma_start3A_583 = arith.constant 0 : i32
    %dma_start3A_584 = tpu.memref_slice %arg4[%add3A_578, %dma_start3A_582, %dma_start3A_583] : memref<4096x4x1024xf32, #tpu.memory_space<hbm>> -> memref<8x4x1024xf32, #tpu.memory_space<hbm>>
    tpu.enqueue_dma source(%arg7 : memref<8x4x1024xf32, #tpu.memory_space<vmem>>) target(%dma_start3A_584 : memref<8x4x1024xf32, #tpu.memory_space<hbm>>) target_semaphore(%arg19 : memref<!tpu.dma_semaphore, #tpu.memory_space<semaphore_mem>>)
    %dma_wait3A_585 = arith.constant 0 : i32
    %dma_wait3A_586 = arith.constant 0 : i32
    %dma_wait3A_587 = tpu.memref_slice %arg2[%add3A_542, %dma_wait3A_585, %dma_wait3A_586] : memref<4096x4x1024xf32, #tpu.memory_space<hbm>> -> memref<8x4x1024xf32, #tpu.memory_space<hbm>>
    %dma_wait3A_588 = arith.constant 0 : i32
    %dma_wait3A_589 = arith.constant 0 : i32
    %dma_wait3A_590 = tpu.memref_slice %arg2[%add3A_542, %dma_wait3A_588, %dma_wait3A_589] : memref<4096x4x1024xf32, #tpu.memory_space<hbm>> -> memref<8x4x1024xf32, #tpu.memory_space<hbm>>
    tpu.wait_dma2 semaphore(%arg11 : memref<!tpu.dma_semaphore, #tpu.memory_space<semaphore_mem>>) src(%dma_wait3A_590 : memref<8x4x1024xf32, #tpu.memory_space<hbm>>) dst(%arg5 : memref<8x4x1024xf32, #tpu.memory_space<vmem>>)
    %dma_wait3A_591 = arith.constant 0 : i32
    %dma_wait3A_592 = tpu.memref_slice %arg3[%add3A_542, %dma_wait3A_591] : memref<8192x1024xf32, #tpu.memory_space<hbm>> -> memref<8x1024xf32, #tpu.memory_space<hbm>>
    %dma_wait3A_593 = arith.constant 0 : i32
    %dma_wait3A_594 = tpu.memref_slice %arg3[%add3A_542, %dma_wait3A_593] : memref<8192x1024xf32, #tpu.memory_space<hbm>> -> memref<8x1024xf32, #tpu.memory_space<hbm>>
    tpu.wait_dma2 semaphore(%arg14 : memref<!tpu.dma_semaphore, #tpu.memory_space<semaphore_mem>>) src(%dma_wait3A_594 : memref<8x1024xf32, #tpu.memory_space<hbm>>) dst(%arg8 : memref<8x1024xf32, #tpu.memory_space<vmem>>)
    %parallel_loop3A_595 = arith.constant 0 : i32
    %parallel_loop3A_596 = arith.constant 512 : i32
    %parallel_loop3A_597 = arith.constant 1 : i32
    scf.for %parallel_loop3A_624 = %parallel_loop3A_595 to %parallel_loop3A_596 step %parallel_loop3A_597  : i32 {
      %parallel_loop3A_625 = arith.constant 64 : i32
      %parallel_loop3A_626 = arith.divsi %parallel_loop3A_624, %parallel_loop3A_625 : i32
      %parallel_loop3A_627 = arith.constant 0 : i32
      %parallel_loop3A_628 = arith.cmpi sgt, %parallel_loop3A_624, %parallel_loop3A_627 : i32
      %parallel_loop3A_629 = arith.extui %parallel_loop3A_628 : i1 to i32
      %parallel_loop3A_630 = arith.constant 0 : i32
      %parallel_loop3A_631 = arith.cmpi slt, %parallel_loop3A_624, %parallel_loop3A_630 : i32
      %parallel_loop3A_632 = arith.extui %parallel_loop3A_631 : i1 to i32
      %parallel_loop3A_633 = arith.subi %parallel_loop3A_629, %parallel_loop3A_632 : i32
      %parallel_loop3A_634 = arith.constant 0 : i32
      %parallel_loop3A_635 = arith.cmpi sgt, %parallel_loop3A_625, %parallel_loop3A_634 : i32
      %parallel_loop3A_636 = arith.extui %parallel_loop3A_635 : i1 to i32
      %parallel_loop3A_637 = arith.constant 0 : i32
      %parallel_loop3A_638 = arith.cmpi slt, %parallel_loop3A_625, %parallel_loop3A_637 : i32
      %parallel_loop3A_639 = arith.extui %parallel_loop3A_638 : i1 to i32
      %parallel_loop3A_640 = arith.subi %parallel_loop3A_636, %parallel_loop3A_639 : i32
      %parallel_loop3A_641 = arith.cmpi ne, %parallel_loop3A_633, %parallel_loop3A_640 : i32
      %parallel_loop3A_642 = arith.remsi %parallel_loop3A_624, %parallel_loop3A_625 : i32
      %parallel_loop3A_643 = arith.constant 0 : i32
      %parallel_loop3A_644 = arith.cmpi ne, %parallel_loop3A_642, %parallel_loop3A_643 : i32
      %parallel_loop3A_645 = arith.andi %parallel_loop3A_641, %parallel_loop3A_644 : i1
      %parallel_loop3A_646 = arith.constant 1 : i32
      %parallel_loop3A_647 = arith.subi %parallel_loop3A_626, %parallel_loop3A_646 : i32
      %parallel_loop3A_648 = arith.select %parallel_loop3A_645, %parallel_loop3A_647, %parallel_loop3A_626 : i32
      %parallel_loop3A_649 = arith.constant 64 : i32
      %parallel_loop3A_650 = arith.constant 0 : i32
      %parallel_loop3A_651 = arith.cmpi eq, %parallel_loop3A_649, %parallel_loop3A_650 : i32
      %parallel_loop3A_652 = arith.constant 1 : i32
      %parallel_loop3A_653 = arith.select %parallel_loop3A_651, %parallel_loop3A_652, %parallel_loop3A_649 : i32
      %parallel_loop3A_654 = arith.remsi %parallel_loop3A_624, %parallel_loop3A_653 : i32
      %parallel_loop3A_655 = arith.constant 0 : i32
      %parallel_loop3A_656 = arith.cmpi ne, %parallel_loop3A_654, %parallel_loop3A_655 : i32
      %parallel_loop3A_657 = arith.constant 0 : i32
      %parallel_loop3A_658 = arith.cmpi slt, %parallel_loop3A_654, %parallel_loop3A_657 : i32
      %parallel_loop3A_659 = arith.constant 0 : i32
      %parallel_loop3A_660 = arith.cmpi slt, %parallel_loop3A_653, %parallel_loop3A_659 : i32
      %parallel_loop3A_661 = arith.xori %parallel_loop3A_658, %parallel_loop3A_660 : i1
      %parallel_loop3A_662 = arith.andi %parallel_loop3A_661, %parallel_loop3A_656 : i1
      %parallel_loop3A_663 = arith.addi %parallel_loop3A_654, %parallel_loop3A_653 : i32
      %parallel_loop3A_664 = arith.select %parallel_loop3A_662, %parallel_loop3A_663, %parallel_loop3A_654 : i32
      %parallel_loop3A_665 = arith.constant 16 : i32
      %parallel_loop3A_666 = arith.muli %parallel_loop3A_664, %parallel_loop3A_665 : i32
      %parallel_loop3A_667 = arith.index_cast %parallel_loop3A_648 : i32 to index
      %parallel_loop3A_668 = arith.index_cast %parallel_loop3A_666 : i32 to index
      %parallel_loop3A_669 = tpu.vector_load %arg8[%parallel_loop3A_667, %parallel_loop3A_668] {strides = array<i32>} : memref<8x1024xf32, #tpu.memory_space<vmem>>, vector<1x16xf32>,
      %parallel_loop3A_670 = vector.shape_cast %parallel_loop3A_669 : vector<1x16xf32> to vector<16xf32>
      %parallel_loop3A_671 = arith.constant 0 : i32
      %parallel_loop3A_672 = arith.index_cast %parallel_loop3A_648 : i32 to index
      %parallel_loop3A_673 = arith.index_cast %parallel_loop3A_671 : i32 to index
      %parallel_loop3A_674 = arith.index_cast %parallel_loop3A_666 : i32 to index
      %parallel_loop3A_675 = tpu.vector_load %arg5[%parallel_loop3A_672, %parallel_loop3A_673, %parallel_loop3A_674] {strides = array<i32>} : memref<8x4x1024xf32, #tpu.memory_space<vmem>>, vector<1x1x16xf32>,
      %parallel_loop3A_676 = vector.shape_cast %parallel_loop3A_675 : vector<1x1x16xf32> to vector<16xf32>
      %parallel_loop3A_677 = vector.shape_cast %parallel_loop3A_670 : vector<16xf32> to vector<1x1x16xf32>
      tpu.vector_store %arg5[%parallel_loop3A_672, %parallel_loop3A_673, %parallel_loop3A_674], %parallel_loop3A_677 {add = true, strides = array<i32>} : memref<8x4x1024xf32, #tpu.memory_space<vmem>>, vector<1x1x16xf32>,
      %parallel_loop3A_678 = arith.constant 1 : i32
      %parallel_loop3A_679 = arith.index_cast %parallel_loop3A_648 : i32 to index
      %parallel_loop3A_680 = arith.index_cast %parallel_loop3A_678 : i32 to index
      %parallel_loop3A_681 = arith.index_cast %parallel_loop3A_666 : i32 to index
      %parallel_loop3A_682 = tpu.vector_load %arg5[%parallel_loop3A_679, %parallel_loop3A_680, %parallel_loop3A_681] {strides = array<i32>} : memref<8x4x1024xf32, #tpu.memory_space<vmem>>, vector<1x1x16xf32>,
      %parallel_loop3A_683 = vector.shape_cast %parallel_loop3A_682 : vector<1x1x16xf32> to vector<16xf32>
      %parallel_loop3A_684 = vector.shape_cast %parallel_loop3A_670 : vector<16xf32> to vector<1x1x16xf32>
      tpu.vector_store %arg5[%parallel_loop3A_679, %parallel_loop3A_680, %parallel_loop3A_681], %parallel_loop3A_684 {add = true, strides = array<i32>} : memref<8x4x1024xf32, #tpu.memory_space<vmem>>, vector<1x1x16xf32>,
      %parallel_loop3A_685 = arith.constant 2 : i32
      %parallel_loop3A_686 = arith.index_cast %parallel_loop3A_648 : i32 to index
      %parallel_loop3A_687 = arith.index_cast %parallel_loop3A_685 : i32 to index
      %parallel_loop3A_688 = arith.index_cast %parallel_loop3A_666 : i32 to index
      %parallel_loop3A_689 = tpu.vector_load %arg5[%parallel_loop3A_686, %parallel_loop3A_687, %parallel_loop3A_688] {strides = array<i32>} : memref<8x4x1024xf32, #tpu.memory_space<vmem>>, vector<1x1x16xf32>,
      %parallel_loop3A_690 = vector.shape_cast %parallel_loop3A_689 : vector<1x1x16xf32> to vector<16xf32>
      %parallel_loop3A_691 = vector.shape_cast %parallel_loop3A_670 : vector<16xf32> to vector<1x1x16xf32>
      tpu.vector_store %arg5[%parallel_loop3A_686, %parallel_loop3A_687, %parallel_loop3A_688], %parallel_loop3A_691 {add = true, strides = array<i32>} : memref<8x4x1024xf32, #tpu.memory_space<vmem>>, vector<1x1x16xf32>,
      %parallel_loop3A_692 = arith.constant 3 : i32
      %parallel_loop3A_693 = arith.index_cast %parallel_loop3A_648 : i32 to index
      %parallel_loop3A_694 = arith.index_cast %parallel_loop3A_692 : i32 to index
      %parallel_loop3A_695 = arith.index_cast %parallel_loop3A_666 : i32 to index
      %parallel_loop3A_696 = tpu.vector_load %arg5[%parallel_loop3A_693, %parallel_loop3A_694, %parallel_loop3A_695] {strides = array<i32>} : memref<8x4x1024xf32, #tpu.memory_space<vmem>>, vector<1x1x16xf32>,
      %parallel_loop3A_697 = vector.shape_cast %parallel_loop3A_696 : vector<1x1x16xf32> to vector<16xf32>
      %parallel_loop3A_698 = vector.shape_cast %parallel_loop3A_670 : vector<16xf32> to vector<1x1x16xf32>
      tpu.vector_store %arg5[%parallel_loop3A_693, %parallel_loop3A_694, %parallel_loop3A_695], %parallel_loop3A_698 {add = true, strides = array<i32>} : memref<8x4x1024xf32, #tpu.memory_space<vmem>>, vector<1x1x16xf32>,
    } {sc.loop_unroll_factor = 4 : i64, sc.parallel_access}
    %add3A_598 = arith.constant 120 : i32
    %add3A_599 = arith.addi %mul3A_2, %add3A_598 : i32
    %dma_start3A_600 = arith.constant 0 : i32
    %dma_start3A_601 = arith.constant 0 : i32
    %dma_start3A_602 = tpu.memref_slice %arg4[%add3A_599, %dma_start3A_600, %dma_start3A_601] : memref<4096x4x1024xf32, #tpu.memory_space<hbm>> -> memref<8x4x1024xf32, #tpu.memory_space<hbm>>
    %dma_start3A_603 = arith.constant 0 : i32
    %dma_start3A_604 = arith.constant 0 : i32
    %dma_start3A_605 = tpu.memref_slice %arg4[%add3A_599, %dma_start3A_603, %dma_start3A_604] : memref<4096x4x1024xf32, #tpu.memory_space<hbm>> -> memref<8x4x1024xf32, #tpu.memory_space<hbm>>
    tpu.enqueue_dma source(%arg5 : memref<8x4x1024xf32, #tpu.memory_space<vmem>>) target(%dma_start3A_605 : memref<8x4x1024xf32, #tpu.memory_space<hbm>>) target_semaphore(%arg17 : memref<!tpu.dma_semaphore, #tpu.memory_space<semaphore_mem>>)
    %dma_wait3A_606 = arith.constant 0 : i32
    %dma_wait3A_607 = arith.constant 0 : i32
    %dma_wait3A_608 = tpu.memref_slice %arg4[%add3A_599, %dma_wait3A_606, %dma_wait3A_607] : memref<4096x4x1024xf32, #tpu.memory_space<hbm>> -> memref<8x4x1024xf32, #tpu.memory_space<hbm>>
    %dma_wait3A_609 = arith.constant 0 : i32
    %dma_wait3A_610 = arith.constant 0 : i32
    %dma_wait3A_611 = tpu.memref_slice %arg4[%add3A_599, %dma_wait3A_609, %dma_wait3A_610] : memref<4096x4x1024xf32, #tpu.memory_space<hbm>> -> memref<8x4x1024xf32, #tpu.memory_space<hbm>>
    tpu.wait_dma2 semaphore(%arg17 : memref<!tpu.dma_semaphore, #tpu.memory_space<semaphore_mem>>) src(%arg5 : memref<8x4x1024xf32, #tpu.memory_space<vmem>>) dst(%dma_wait3A_611 : memref<8x4x1024xf32, #tpu.memory_space<hbm>>)
    %dma_wait3A_612 = arith.constant 0 : i32
    %dma_wait3A_613 = arith.constant 0 : i32
    %dma_wait3A_614 = tpu.memref_slice %arg4[%add3A_557, %dma_wait3A_612, %dma_wait3A_613] : memref<4096x4x1024xf32, #tpu.memory_space<hbm>> -> memref<8x4x1024xf32, #tpu.memory_space<hbm>>
    %dma_wait3A_615 = arith.constant 0 : i32
    %dma_wait3A_616 = arith.constant 0 : i32
    %dma_wait3A_617 = tpu.memref_slice %arg4[%add3A_557, %dma_wait3A_615, %dma_wait3A_616] : memref<4096x4x1024xf32, #tpu.memory_space<hbm>> -> memref<8x4x1024xf32, #tpu.memory_space<hbm>>
    tpu.wait_dma2 semaphore(%arg18 : memref<!tpu.dma_semaphore, #tpu.memory_space<semaphore_mem>>) src(%arg6 : memref<8x4x1024xf32, #tpu.memory_space<vmem>>) dst(%dma_wait3A_617 : memref<8x4x1024xf32, #tpu.memory_space<hbm>>)
    %dma_wait3A_618 = arith.constant 0 : i32
    %dma_wait3A_619 = arith.constant 0 : i32
    %dma_wait3A_620 = tpu.memref_slice %arg4[%add3A_578, %dma_wait3A_618, %dma_wait3A_619] : memref<4096x4x1024xf32, #tpu.memory_space<hbm>> -> memref<8x4x1024xf32, #tpu.memory_space<hbm>>
    %dma_wait3A_621 = arith.constant 0 : i32
    %dma_wait3A_622 = arith.constant 0 : i32
    %dma_wait3A_623 = tpu.memref_slice %arg4[%add3A_578, %dma_wait3A_621, %dma_wait3A_622] : memref<4096x4x1024xf32, #tpu.memory_space<hbm>> -> memref<8x4x1024xf32, #tpu.memory_space<hbm>>
    tpu.wait_dma2 semaphore(%arg19 : memref<!tpu.dma_semaphore, #tpu.memory_space<semaphore_mem>>) src(%arg7 : memref<8x4x1024xf32, #tpu.memory_space<vmem>>) dst(%dma_wait3A_623 : memref<8x4x1024xf32, #tpu.memory_space<hbm>>)
    return
  }
}

</mosaic_0001>

<sc_bundles>
// kernel: kernel.3.cloned.1.call-start
scs
__scs_entry_jumppad:
0x0: {  	(pc) =	sbr.rel $0x88, $3  }
0x1: {  	(tag) =	ssettag $0x0;
	lr =	simm.s32 $0x1  }
0x2: {  	[smem:$0x3F9F] =	sst lr;
	_ =	strace $0xD0000000  }
0x3: {  	_ = 	snop  }
0x4: {  	_ = 	snop  }
0x5: {  	_ = 	snop  }
0x6: {  	_ = 	snop  }
0x7: {  	_ = 	snop  }
__scs_overlays_trampoline_lowered:
0x8: {  	[smem:$0x3FAE] =	sst s0  }
0x9: {  	[smem:$0x3FAF] =	sst s1  }
0xa: {  	[smem:$0x3FB0] =	sst s2  }
0xb: {  	[smem:$0x3FB1] =	sst s3  }
0xc: {  	[smem:$0x3FB2] =	sst s4  }
0xd: {  	[smem:$0x3FB3] =	sst s5  }
0xe: {  	[smem:$0x3FB4] =	sst s6  }
0xf: {  	[smem:$0x3FB5] =	sst s7  }
0x10: {  	[smem:$0x3FB6] =	sst s8  }
0x11: {  	[smem:$0x3FB7] =	sst s9;
	s0 =	simm.s32 @!p0 $0x0  }
0x12: {  	s1 =	sld [smem:$0x3F9D];
	s0 =	simm.s32 @p0 $0x1  }
0x13: {  	[smem:$0x3FB8] =	sst s0;
	s0 =	simm.s32 @!p1 $0x0  }
0x14: {  	s2 =	sld [smem:$0x3F9C];
	s0 =	simm.s32 @p1 $0x1  }
0x15: {  	[smem:$0x3FB9] =	sst s0;
	s0 =	simm.s32 @!p2 $0x0  }
0x16: {  	s3 =	sld [smem:$0x3FDB];
	s0 =	simm.s32 @p2 $0x1  }
0x17: {  	s4 =	simm.s32 $0x1BF5;
	[smem:$0x3FBB] =	sst s0  }
0x18: {  	s0 =	sld [smem:$0x3F9E];
	_ =	swait.ge [sflag:s4], $0x0  }
0x19: {  	s7 =	sld [smem:$0x3F9F]  }
0x1a: {  	s8 =	sadd.s32 $0xFFFFE003, lr  }
0x1b: {  	s9 =	sadd.s32 $0xFFFFFEF7, lr;
	s5 =	simm.s32 $0xFFFFFFFF;
	p2 =	slt.u32 s8, $0xFFFFF086  }
0x1c: {  	p1 =	slt.u32 s9, $0xF7A;
	s5 =	simm.s32 @!p2 $0x0  }
0x1d: {  	s5 =	simm.s32 @p1 $0x1;
	p0 =	seq.s32 s7, s2  }
0x1e: {  	s7 =	smul.u32 @!p0 $0xF7A, s2;
	p2 =	seq.s32 @!p0 s5, $0x0  }
0x1f: {  	s9 =	smul.u32 $0xF7A, s1;
	s8 =	simm.s32 @!p0 $0x1BF5;
	p2 =	por !p2, p0  }
0x20: {  	[sflag:s8] =	ssyncset.s32 @!p0 $0xFFFFF086;
	s6 =	sadd.s32 @!p0 s3, s7;
	s7 =	simm.s32 @!p0 $0x108  }
0x21: {  	s3 =	sadd.s32 s3, s9;
	s6 =	sadd.s32 @!p0 $0x88, s6;
	s7 =	simm.s32 @p2 $0x1082  }
0x22: {  	[simem:s7], [sflag:s8] =	dma.local @!p0 [hbm:s6], $0xF7A  }
0x23: {  	s9 =	sor.u32 $0xD0000000, s2;
	s6 =	simm.s32 $0x108;
	_ =	swait.ge @!p0 [sflag:s8], $0x0  }
0x24: {  	s3 =	sadd.s32 $0x88, s3;
	s6 =	simm.s32 @!p1 $0x1082;
	[sflag:s4] =	ssyncset.s32 $0xFFFFF086  }
0x25: {  	[simem:s6], [sflag:s4] =	dma.local [hbm:s3], $0xF7A  }
0x26: {  	[smem:$0x3F9F] =	sst s1;
	(tag) =	ssettag s2;
	_ =	strace s9  }
0x27: {  	s1 =	sld [smem:$0x3FAF]  }
0x28: {  	s2 =	sld [smem:$0x3FB0]  }
0x29: {  	s4 =	sld [smem:$0x3FB2]  }
0x2a: {  	p0 =	seq.s32 s5, $0x0;
	s5 =	sld [smem:$0x3FB3]  }
0x2b: {  	s6 =	sld [smem:$0x3FB4]  }
0x2c: {  	s7 =	sld [smem:$0x3FB5]  }
0x2d: {  	s3 =	simm.s32 $0x108;
	s8 =	sld [smem:$0x3FB6]  }
0x2e: {  	s3 =	simm.s32 @!p0 $0x1082;
	s9 =	sld [smem:$0x3FB7]  }
0x2f: {  	lr =	sadd.s32 s0, s3;
	s0 =	sld [smem:$0x3FAE]  }
0x30: {  	s3 =	sld [smem:$0x3FB1]  }
0x31: {  	[smem:$0x3FBA] =	sst s10  }
0x32: {  	s10 =	sld [smem:$0x3FB8];
	_ =	sdelay $0x3  }
0x33: {  	p0 =	seq.s32 s10, $0x1;
	s10 =	sld [smem:$0x3FBA];
	_ =	sdelay $0x3  }
0x34: {  	[smem:$0x3FBA] =	sst s10  }
0x35: {  	s10 =	sld [smem:$0x3FB9];
	_ =	sdelay $0x3  }
0x36: {  	p1 =	seq.s32 s10, $0x1;
	s10 =	sld [smem:$0x3FBA];
	_ =	sdelay $0x3  }
0x37: {  	[smem:$0x3FBA] =	sst s10  }
0x38: {  	s10 =	sld [smem:$0x3FBB]  }
0x39: {  	_ = 	snop;
	(pc) =	sbr.ind lr, $3  }
0x3a: {  	_ = 	snop  }
0x3b: {  	_ = 	snop  }
0x3c: {  	p2 =	seq.s32 s10, $0x1;
	s10 =	sld [smem:$0x3FBA]  }
0x3d: {  	_ =	shalt  }
0x3e: {  	_ =	shalt  }
0x3f: {  	_ =	shalt  }
0x40: {  	_ =	shalt  }
0x41: {  	_ =	shalt  }
0x42: {  	_ =	shalt  }
0x43: {  	_ =	shalt  }
0x44: {  	_ =	shalt  }
0x45: {  	_ =	shalt  }
0x46: {  	_ =	shalt  }
0x47: {  	_ =	shalt  }
0x48: {  	_ =	shalt  }
0x49: {  	_ =	shalt  }
0x4a: {  	_ =	shalt  }
0x4b: {  	_ =	shalt  }
0x4c: {  	_ =	shalt  }
0x4d: {  	_ =	shalt  }
0x4e: {  	_ =	shalt  }
0x4f: {  	_ =	shalt  }
0x50: {  	_ =	shalt  }
0x51: {  	_ =	shalt  }
0x52: {  	_ =	shalt  }
0x53: {  	_ =	shalt  }
0x54: {  	_ =	shalt  }
0x55: {  	_ =	shalt  }
0x56: {  	_ =	shalt  }
0x57: {  	_ =	shalt  }
0x58: {  	_ =	shalt  }
0x59: {  	_ =	shalt  }
0x5a: {  	_ =	shalt  }
0x5b: {  	_ =	shalt  }
0x5c: {  	_ =	shalt  }
0x5d: {  	_ =	shalt  }
0x5e: {  	_ =	shalt  }
0x5f: {  	_ =	shalt  }
0x60: {  	_ =	shalt  }
0x61: {  	_ =	shalt  }
0x62: {  	_ =	shalt  }
0x63: {  	_ =	shalt  }
0x64: {  	_ =	shalt  }
0x65: {  	_ =	shalt  }
0x66: {  	_ =	shalt  }
0x67: {  	_ =	shalt  }
0x68: {  	_ =	shalt  }
0x69: {  	_ =	shalt  }
0x6a: {  	_ =	shalt  }
0x6b: {  	_ =	shalt  }
0x6c: {  	_ =	shalt  }
0x6d: {  	_ =	shalt  }
0x6e: {  	_ =	shalt  }
0x6f: {  	_ =	shalt  }
0x70: {  	_ =	shalt  }
0x71: {  	_ =	shalt  }
0x72: {  	_ =	shalt  }
0x73: {  	_ =	shalt  }
0x74: {  	_ =	shalt  }
0x75: {  	_ =	shalt  }
0x76: {  	_ =	shalt  }
0x77: {  	_ =	shalt  }
0x78: {  	_ =	shalt  }
0x79: {  	_ =	shalt  }
0x7a: {  	_ =	shalt  }
0x7b: {  	_ =	shalt  }
0x7c: {  	_ =	shalt  }
0x7d: {  	_ =	shalt  }
0x7e: {  	_ =	shalt  }
0x7f: {  	_ =	shalt  }
0x80: {  	_ =	shalt  }
0x81: {  	_ =	shalt  }
0x82: {  	_ =	shalt  }
0x83: {  	_ =	shalt  }
0x84: {  	_ =	shalt  }
0x85: {  	_ =	shalt  }
0x86: {  	_ =	shalt  }
0x87: {  	_ =	shalt  }
.Lfunc_end0:
.L_simem_size_0:
called_computation_lowered:
.L_overlay_start_0:
0x88: {  	s2 =	sld [smem:$0x3FD9]  }
0x89: {  	s3 =	sld [smem:$0x3FFE];
	_ =	sdelay $0x1  }
0x8a: {  	s1 =	srdreg.scid  }
0x8b: {  	s0 =	sand.u32 $0x1, s1  }
0x8c: {  	s18 =	sshll.u32 s0, $0xA;
	s2 =	sadd.s32 s3, s2  }
0x8d: {  	s2 =	sadd.s32 s2, s18  }
0x8e: {  	[smem:$0x3FC6] =	sst s2  }
0x8f: {  	_ = 	snop  }
0x90: {  	s2 =	sld [smem:$0x3FC9]  }
0x91: {  	s19 =	sld [smem:$0x3FC8]  }
0x92: {  	s4 =	sld [smem:$0x3FD0];
	(tm) =	ssettm $0x1  }
0x93: {  	s5 =	sld [smem:$0x3FFB];
	_ =	sdelay $0x3  }
0x94: {  	_ =	strace s5  }
0x95: {  	s5 =	sld [smem:$0x3FFC];
	_ =	sdelay $0x3  }
0x96: {  	_ =	strace s5  }
0x97: {  	s5 =	sld [smem:$0x3FFD];
	_ =	sdelay $0x3  }
0x98: {  	_ =	strace s5  }
0x99: {  	_ =	strace $0x8FFFFFFF  }
0x9a: {  	s20 =	sld [smem:$0x3FDB];
	_ =	sdelay $0x1  }
0x9b: {  	s6 =	simm.s32 $_scs_section_size  }
0x9c: {  	s7 =	simm.s32 $_size__tile_overlayer_lowered;
	s8 =	simm.s32 $_tile_overlayer_lowered  }
0x9d: {  	s23 =	simm.s32 $0x1BFF;
	s22 =	sshll.u32 s8, $0x1;
	s5 =	sadd.s32 s6, s20  }
0x9e: {  	s9 =	simm.s32 $0x0;
	s21 =	sshll.u32 s7, $0x1;
	s7 =	sadd.s32 s22, s5  }
0x9f: {  	[timem:s9], [sflag:s23] =	dma.local [hbm:s7], s21  }
0xa0: {  	_ =	swait.ge [sflag:s23], s21  }
0xa1: {  	s6 =	ssub.s32 $0x0, s21;
	[sflag:s23] =	ssyncset.done $0x0  }
0xa2: {  	[sflag:s23] =	ssyncadd.s32 s6;
	_ =	sdelay $0x1  }
0xa3: {  	s24 =	simm.s32 $0x1B8B  }
0xa4: {  	_ =	swait.ge [sflag:s24], $0x1  }
0xa5: {  	[sflag:s24] =	ssyncset.done $0x0  }
0xa6: {  	s25 =	simm.s32 $0x1B8E;
	[sflag:s24] =	ssyncadd.s32 $0xFFFFFFFF  }
0xa7: {  	s26 =	simm.s32 $execute0_lowered;
	[smem:$0x3FD2] =	sst s25  }
0xa8: {  	s6 =	sshll.u32 s26, $0x1;
	_ =	strace $0x80000046;
	[dreg:$0x1] =	wrdreg $0xFFFFFFFF  }
0xa9: {  	s28 =	simm.s32 $_size_execute0_lowered;
	s5 =	sadd.s32 s5, s6;
	[dreg:$0x0] =	wrdreg $0x0  }
0xaa: {  	s6 =	sshll.u32 s28, $0x1;
	[dreg:$0x2] =	wrdreg s5  }
0xab: {  	[dreg:$0x3] =	wrdreg s6  }
0xac: {  	[dreg:$0x4] =	wrdreg $0xC0  }
0xad: {  	_ =	task [dreg:s9], $0x5FFFF  }
0xae: {  	[dreg:$0x1] =	wrdreg $0xFFFFFFFF  }
0xaf: {  	[dreg:$0x0] =	wrdreg $0x60  }
0xb0: {  	[dreg:$0x2] =	wrdreg s2  }
0xb1: {  	[dreg:$0x3] =	wrdreg s19  }
0xb2: {  	[dreg:$0x4] =	wrdreg s4  }
0xb3: {  	[dreg:$0x5] =	wrdreg $0x9  }
0xb4: {  	_ =	task.clear_ibuf [dreg:s9], $0x6FFFF;
	_ =	strace $0x90000046  }
0xb5: {  	s29 =	simm.s32 $0x9;
	_ =	strace $0x80000048  }
0xb6: {  	_ =	swait.ge [sflag:s29], $0x1  }
0xb7: {  	[sflag:s29] =	ssyncadd.s32 $0xFFFFFFFF  }
0xb8: {  	_ =	strace $0x90000048  }
0xb9: {  	_ =	sfence  }
0xba: {  	s30 =	sld [smem:$0x0];
	_ =	sdelay $0x2  }
0xbb: {  	s31 =	sshll.u32 s1, $0xD;
	s1 =	sshrl.u32 s1, $0x2  }
0xbc: {  	s3 =	sand.u32 $0x4000, s31;
	s1 =	sadd.s32 s1, s30  }
0xbd: {  	s0 =	sor.u32 s3, s0;
	s1 =	sshll.u32 s1, $0x11  }
0xbe: {  	s0 =	sor.u32 s1, s0  }
0xbf: {  	s0 =	sadd.s32 $0x8F2B, s0  }
0xc0: {  	[sflag:s0] =	ssyncadd.remote.s32 $0x1  }
0xc1: {  	_ =	sfence.sel $0xFFFF  }
0xc2: {  	[dreg:$0x0] =	wrdreg $0xFFFFFFFF;
	(pc) =	sbr.abs _section_cstart, $3  }
0xc3: {  	[dreg:$0x1] =	wrdreg $0xFFFFFFFF  }
0xc4: {  	_ =	task.clear_ibuf [dreg:s9], $0x2FFFF;
	_ =	strace $0x9FFFFFFF  }
0xc5: {  	(tm) =	ssettm $0x7FFFFFFF  }
tec
execute0_lowered:
.L_overlay_start_1:
0x0: {  	(tag) =	ssettag $0x1  }
0x1: {  	s0 =	srdreg.scid  }
0x2: {  	s1 =	stileid.u32;
	s0 =	sand.u32 $0x1, s0  }
0x3: {  	s2 =	rddreg [dreg:$0x1];
	s4 =	sshll.u32 s1, $0x8;
	s3 =	ssub.s32 $0x2, s0  }
0x4: {  	s1 =	simm.s32 $0x0;
	s0 =	sshll.u32 s0, $0x7;
	s5 =	sshrl.u32 s3, $0x1  }
0x5: {  	[smem:$0x7FF] =	sst s1;
	s4 =	sor.u32 s0, s4;
	s0 =	ssub.s32 s3, s5  }
0x6: {  	s17 =	sshll.u32 s4, $0x7;
	s5 =	sor.u32 $0x10, s4;
	s8 =	sor.u32 $0x18, s4  }
0x7: {  	s11 =	sor.u32 $0x30, s4;
	s14 =	sor.u32 $0x48, s4;
	s3 =	sadd.s32 s2, s17  }
0x8: {  	s7 =	sshll.u32 s5, $0x7;
	[dreg:$0x4] =	wrdreg s3;
	s3 =	sor.u32 $0x8, s4  }
0x9: {  	s19 =	sshll.u32 s8, $0x7;
	s21 =	sshll.u32 s11, $0x7;
	s6 =	sshll.u32 s3, $0x7  }
0xa: {  	s23 =	sshll.u32 s14, $0x7;
	s17 =	sor.u32 $0x60, s4;
	s6 =	sadd.s32 s2, s6  }
0xb: {  	s18 =	sadd.s32 s2, s7;
	[dreg:$0x5] =	wrdreg s6;
	s6 =	sadd.s32 s2, s19  }
0xc: {  	s7 =	sor.u32 $0x28, s4;
	[dreg:$0x7] =	wrdreg s6;
	s6 =	sor.u32 $0x20, s4  }
0xd: {  	s25 =	sshll.u32 s17, $0x7;
	[dreg:$0x6] =	wrdreg s18;
	s9 =	sshll.u32 s6, $0x7  }
0xe: {  	s10 =	sshll.u32 s7, $0x7;
	s3 =	sshll.u32 s3, $0x9;
	s9 =	sadd.s32 s2, s9  }
0xf: {  	s20 =	sadd.s32 s2, s10;
	[dreg:$0x8] =	wrdreg s9;
	s9 =	sadd.s32 s2, s21  }
0x10: {  	s10 =	sor.u32 $0x40, s4;
	[dreg:$0xa] =	wrdreg s9;
	s9 =	sor.u32 $0x38, s4  }
0x11: {  	[dreg:$0x9] =	wrdreg s20;
	s13 =	sshll.u32 s10, $0x7;
	s12 =	sshll.u32 s9, $0x7  }
0x12: {  	s20 =	sor.u32 $0x78, s4;
	s22 =	sadd.s32 s2, s13;
	s12 =	sadd.s32 s2, s12  }
0x13: {  	s13 =	sor.u32 $0x58, s4;
	[dreg:$0xb] =	wrdreg s12;
	s12 =	sadd.s32 s2, s23  }
0x14: {  	s16 =	sshll.u32 s13, $0x7;
	[dreg:$0xd] =	wrdreg s12;
	s12 =	sor.u32 $0x50, s4  }
0x15: {  	[dreg:$0xc] =	wrdreg s22;
	s24 =	sadd.s32 s2, s16;
	s15 =	sshll.u32 s12, $0x7  }
0x16: {  	s16 =	sor.u32 $0x70, s4;
	[dreg:$0xf] =	wrdreg s24;
	s15 =	sadd.s32 s2, s15  }
0x17: {  	s19 =	sshll.u32 s16, $0x7;
	[dreg:$0xe] =	wrdreg s15;
	s15 =	sadd.s32 s2, s25  }
0x18: {  	s21 =	sshll.u32 s4, $0x9;
	s26 =	sadd.s32 s2, s19;
	[dreg:$0x10] =	wrdreg s15  }
0x19: {  	s19 =	sshll.u32 s20, $0x7;
	s15 =	sor.u32 $0x68, s4;
	s4 =	rddreg [dreg:$0x0]  }
0x1a: {  	[dreg:$0x12] =	wrdreg s26;
	s18 =	sshll.u32 s15, $0x7;
	s22 =	sadd.s32 s4, s21  }
0x1b: {  	s18 =	sadd.s32 s2, s18;
	s2 =	sadd.s32 s2, s19;
	s19 =	rddreg [dreg:$0x2]  }
0x1c: {  	s5 =	sshll.u32 s5, $0x9;
	s24 =	sadd.s32 s4, s3;
	[dreg:$0x14] =	wrdreg s22  }
0x1d: {  	s26 =	sadd.s32 s4, s5;
	[dreg:$0x16] =	wrdreg s24  }
0x1e: {  	[dreg:$0x18] =	wrdreg s26  }
0x1f: {  	s23 =	sshll.u32 s8, $0x9;
	s25 =	sshll.u32 s6, $0x9;
	[dreg:$0x11] =	wrdreg s18  }
0x20: {  	s8 =	sshll.u32 s7, $0x9;
	s22 =	sadd.s32 s4, s25;
	[dreg:$0x13] =	wrdreg s2  }
0x21: {  	s24 =	sadd.s32 s4, s8;
	[dreg:$0x1c] =	wrdreg s22  }
0x22: {  	s2 =	sadd.s32 s19, s21;
	[dreg:$0x1e] =	wrdreg s24  }
0x23: {  	s3 =	sadd.s32 s19, s3;
	[dreg:$0x15] =	wrdreg s2  }
0x24: {  	s5 =	sadd.s32 s19, s5;
	[dreg:$0x17] =	wrdreg s3  }
0x25: {  	s18 =	sadd.s32 s4, s23;
	[dreg:$0x19] =	wrdreg s5  }
0x26: {  	s7 =	sshll.u32 s14, $0x9;
	[dreg:$0x1a] =	wrdreg s18;
	s2 =	sadd.s32 s19, s23  }
0x27: {  	s21 =	sshll.u32 s11, $0x9;
	s3 =	sadd.s32 s19, s25;
	[dreg:$0x1b] =	wrdreg s2  }
0x28: {  	s11 =	sshll.u32 s13, $0x9;
	s5 =	sadd.s32 s19, s8;
	[dreg:$0x1d] =	wrdreg s3  }
0x29: {  	s23 =	sshll.u32 s9, $0x9;
	s26 =	sadd.s32 s4, s21;
	[dreg:$0x1f] =	wrdreg s5  }
0x2a: {  	s9 =	sshll.u32 s12, $0x9;
	s12 =	sadd.s32 s4, s7;
	[smem:$0x7EA] =	sst s26  }
0x2b: {  	s13 =	sshll.u32 s17, $0x9;
	s18 =	sadd.s32 s4, s11;
	[smem:$0x7F0] =	sst s12  }
0x2c: {  	s17 =	sshll.u32 s15, $0x9;
	s22 =	sadd.s32 s4, s13;
	[smem:$0x7F4] =	sst s18  }
0x2d: {  	s24 =	sadd.s32 s4, s17;
	[smem:$0x7F6] =	sst s22  }
0x2e: {  	s28 =	simm.s32 $0x1C000;
	s2 =	sadd.s32 s19, s21;
	[smem:$0x7F8] =	sst s24  }
0x2f: {  	s29 =	simm.s32 $0x2;
	s8 =	sadd.s32 s4, s23;
	[smem:$0x7EB] =	sst s2  }
0x30: {  	s25 =	sshll.u32 s10, $0x9;
	s3 =	sadd.s32 s19, s23;
	[smem:$0x7EC] =	sst s8  }
0x31: {  	s30 =	simm.s32 $0x5;
	s10 =	sadd.s32 s4, s25;
	[smem:$0x7ED] =	sst s3  }
0x32: {  	s31 =	simm.s32 $0x7;
	s5 =	sadd.s32 s19, s25;
	[smem:$0x7EE] =	sst s10  }
0x33: {  	s14 =	sadd.s32 s4, s9;
	s21 =	sshll.u32 s16, $0x9;
	[smem:$0x7EF] =	sst s5  }
0x34: {  	s23 =	sshll.u32 s20, $0x9;
	s2 =	sadd.s32 s19, s7;
	[smem:$0x7F2] =	sst s14  }
0x35: {  	s20 =	smax.u32 s0, $0x1;
	s3 =	sadd.s32 s19, s9;
	[smem:$0x7F1] =	sst s2  }
0x36: {  	s22 =	simm.s32 $0x8000;
	s5 =	sadd.s32 s19, s11;
	[smem:$0x7F3] =	sst s3  }
0x37: {  	s24 =	simm.s32 $0x1;
	s25 =	sadd.s32 s4, s21;
	[smem:$0x7F5] =	sst s5  }
0x38: {  	s0 =	simm.s32 $0x3;
	s4 =	sadd.s32 s4, s23;
	[smem:$0x7F9] =	sst s25  }
0x39: {  	s26 =	sadd.s32 s19, s21;
	s21 =	simm.s32 $0x18000;
	[smem:$0x7FA] =	sst s4  }
0x3a: {  	s2 =	sadd.s32 s19, s13;
	s3 =	sadd.s32 s19, s17;
	[smem:$0x7FC] =	sst s26  }
0x3b: {  	s25 =	simm.s32 $0x4;
	s26 =	simm.s32 $0x10000;
	[smem:$0x7F7] =	sst s2  }
0x3c: {  	s4 =	simm.s32 $0x9;
	[smem:$0x7FB] =	sst s3;
	s2 =	sadd.s32 s19, s23  }
0x3d: {  	s5 =	simm.s32 $0x0;
	s23 =	simm.s32 $0x1A000;
	[smem:$0x7FD] =	sst s2  }
0x3e: {  	s3 =	simm.s32 $0x8;
	s2 =	simm.s32 $0x6;
	_ =	strace $0x80000047  }
.LBB2_1:
0x3f: {  	s6 =	rddreg [dreg:$0x14]  }
0x40: {  	[tilespmem:s1], [sflag:$0x1] =	stream.linear.gather [hbm4b:s6+s1], $0x8000, $0x38;
	[tilespmem:$0x1E000] =	vst v63  }
0x41: {  	s12 =	rddreg [dreg:$0x4]  }
0x42: {  	[tilespmem:s21], [sflag:$0x4] =	stream.linear.gather [hbm4b:s12+s1], $0x2000, $0x38;
	[tilespmem:$0x1E000] =	vst v63  }
0x43: {  	s13 =	rddreg [dreg:$0x16]  }
0x44: {  	[tilespmem:s22], [sflag:$0x2] =	stream.linear.gather [hbm4b:s13+s1], $0x8000, $0x38;
	[tilespmem:$0x1E000] =	vst v63  }
0x45: {  	s14 =	rddreg [dreg:$0x5]  }
0x46: {  	[tilespmem:s23], [sflag:$0x5] =	stream.linear.gather [hbm4b:s14+s1], $0x2000, $0x38;
	[tilespmem:$0x1E000] =	vst v63  }
0x47: {  	_ =	swait.ge [sflag:s24], $0x8000  }
0x48: {  	s17 =	simm.s32 $0x0;
	s7 =	simm.s32 $0x0;
	[sflag:s24] =	ssyncset.done $0x0  }
0x49: {  	s9 =	sand.u32 $0x40, s1;
	s6 =	sand.u32 $0x7, s17;
	[sflag:s24] =	ssyncadd.s32 $0xFFFF8000  }
0x4a: {  	s7 =	sand.u32 $0x3FFFFF80, s7;
	s8 =	sshll.u32 s6, $0xA;
	_ =	swait.ge [sflag:s25], $0x2000  }
0x4b: {  	s18 =	sor.u32 $0x30, s9;
	s7 =	sadd.s32 s7, s8;
	[sflag:s25] =	ssyncset.done $0x0  }
0x4c: {  	s7 =	sadd.s32 $0x18000, s7;
	s15 =	rddreg [dreg:$0x18];
	[sflag:s25] =	ssyncadd.s32 $0xFFFFE000  }
0x4d: {  	[tilespmem:s26], [sflag:$0x3] =	stream.linear.gather [hbm4b:s15+s1], $0x8000, $0x38;
	[tilespmem:$0x1E000] =	vst v63  }
0x4e: {  	s10 =	sor.u32 s18, s7;
	s16 =	rddreg [dreg:$0x6]  }
0x4f: {  	[tilespmem:s28], [sflag:$0x6] =	stream.linear.gather [hbm4b:s16+s1], $0x2000, $0x38;
	[tilespmem:$0x1E000] =	vst v63  }
0x50: {  	s19 =	sor.u32 s9, s7;
	v2 =	vld [tilespmem:s10+$0x0]  }
0x51: {  	s11 =	sor.u32 $0x10, s9;
	s6 =	sshll.u32 s6, $0x9;
	s13 =	simm.s32 $0x0;
	v3 =	vld [tilespmem:s19+$0x0]  }
0x52: {  	s12 =	sor.u32 $0x20, s9;
	s13 =	sand.u32 $0x3FFFF000, s13;
	s14 =	sor.u32 s11, s7  }
0x53: {  	s7 =	sor.u32 s12, s7;
	s13 =	sor.u32 s6, s13;
	v1 =	vld [tilespmem:s14+$0x0]  }
0x54: {  	s6 =	sor.u32 s18, s13;
	v0 =	vld [tilespmem:s7+$0x0]  }
0x55: {  	s17 =	sor.u32 s9, s13;
	[tilespmem:s6+$0x0] =	vst.add.f32.msk $0xffff, v2  }
0x56: {  	s14 =	sor.u32 $0x80, s6;
	[tilespmem:s17+$0x0] =	vst.add.f32.msk $0xffff, v3  }
0x57: {  	s18 =	sor.u32 $0x80, s17;
	[tilespmem:s14+$0x0] =	vst.add.f32.msk $0xffff, v2  }
0x58: {  	s9 =	sor.u32 s12, s13;
	s15 =	sor.u32 $0x100, s6;
	[tilespmem:s18+$0x0] =	vst.add.f32.msk $0xffff, v3  }
0x59: {  	s12 =	sor.u32 $0x80, s9;
	s8 =	sor.u32 $0x180, s9;
	s19 =	sor.u32 $0x100, s17;
	[tilespmem:s15+$0x0] =	vst.add.f32.msk $0xffff, v2  }
0x5a: {  	s16 =	sor.u32 $0x180, s6;
	s10 =	sor.u32 s11, s13;
	s11 =	sor.u32 $0x100, s9;
	[tilespmem:s19+$0x0] =	vst.add.f32.msk $0xffff, v3  }
0x5b: {  	s7 =	simm.s32 $0x0;
	s13 =	sor.u32 $0x100, s10;
	[tilespmem:s16+$0x0] =	vst.add.f32.msk $0xffff, v2;
	s16 =	sor.u32 $0x180, s17  }
0x5c: {  	s6 =	simm.s32 $0x0;
	s14 =	sor.u32 $0x180, s10;
	s15 =	sor.u32 $0x80, s10;
	[tilespmem:s16+$0x0] =	vst.add.f32.msk $0xffff, v3  }
.LBB2_2:
0x5d: {  	s6 =	sadd.s32 $0x4, s6;
	[tilespmem:s10+$0x0] =	vst.add.f32.msk $0xffff, v1  }
0x5e: {  	s10 =	sshrl.u32 s6, $0x3;
	[tilespmem:s15+$0x0] =	vst.add.f32.msk $0xffff, v1  }
0x5f: {  	s15 =	sshll.u32 s6, $0x1;
	s10 =	sand.u32 $0x7, s10;
	[tilespmem:s13+$0x0] =	vst.add.f32.msk $0xffff, v1  }
0x60: {  	s7 =	sadd.s32 $0x40, s7;
	s15 =	sand.u32 $0x3FFFFF80, s15;
	s13 =	sshll.u32 s10, $0xA;
	[tilespmem:s14+$0x0] =	vst.add.f32.msk $0xffff, v1  }
0x61: {  	p0 =	slt.u32 s6, $0x1FC;
	s14 =	sand.u32 $0x40, s7;
	s13 =	sadd.s32 s15, s13;
	[tilespmem:s9+$0x0] =	vst.add.f32.msk $0xffff, v0  }
0x62: {  	s15 =	sor.u32 $0x30, s14;
	s9 =	sadd.s32 $0x18000, s13;
	s13 =	sor.u32 $0x10, s14;
	[tilespmem:s12+$0x0] =	vst.add.f32.msk $0xffff, v0  }
0x63: {  	s16 =	sor.u32 $0x20, s14;
	s12 =	sor.u32 s14, s9;
	s17 =	sor.u32 s15, s9;
	[tilespmem:s11+$0x0] =	vst.add.f32.msk $0xffff, v0  }
0x64: {  	s11 =	sor.u32 s13, s9;
	s9 =	sor.u32 s16, s9;
	v2 =	vld [tilespmem:s17+$0x0]  }
0x65: {  	v3 =	vld [tilespmem:s12+$0x0];
	s12 =	sshll.u32 s6, $0x6  }
0x66: {  	s10 =	sshll.u32 s10, $0x9;
	s12 =	sand.u32 $0x3FFFF000, s12  }
0x67: {  	v1 =	vld [tilespmem:s11+$0x0];
	s11 =	sor.u32 s10, s12  }
0x68: {  	v4 =	vld [tilespmem:s9+$0x0];
	s17 =	sor.u32 s14, s11  }
0x69: {  	s10 =	sor.u32 s13, s11;
	s12 =	sor.u32 s15, s11;
	[tilespmem:s8+$0x0] =	vst.add.f32.msk $0xffff, v0;
	s9 =	sor.u32 s16, s11  }
0x6a: {  	s18 =	sor.u32 $0x80, s17;
	[tilespmem:s12+$0x0] =	vst.add.f32.msk $0xffff, v2;
	s8 =	sor.u32 $0x80, s12;
	s16 =	sor.u32 $0x100, s17  }
0x6b: {  	s19 =	sor.u32 $0x180, s17;
	s15 =	sor.u32 $0x80, s10;
	[tilespmem:s8+$0x0] =	vst.add.f32.msk $0xffff, v2;
	s8 =	sor.u32 $0x100, s12  }
0x6c: {  	s13 =	sor.u32 $0x100, s10;
	s14 =	sor.u32 $0x180, s10;
	[tilespmem:s8+$0x0] =	vst.add.f32.msk $0xffff, v2;
	s8 =	sor.u32 $0x180, s12  }
.Ltmp0:
0x6d: {  	s11 =	sor.u32 $0x100, s9;
	s12 =	sor.u32 $0x80, s9;
	[tilespmem:s8+$0x0] =	vst.add.f32.msk $0xffff, v2;
	(pc) =	sbr.rel @p0 .LBB2_2-.Ltmp0, $4  }
0x6e: {  	s8 =	sor.u32 $0x180, s9;
	v0 =	vmov v4;
	[tilespmem:s17+$0x0] =	vst.add.f32.msk $0xffff, v3  }
0x6f: {  	[tilespmem:s18+$0x0] =	vst.add.f32.msk $0xffff, v3  }
0x70: {  	[tilespmem:s16+$0x0] =	vst.add.f32.msk $0xffff, v3  }
0x71: {  	[tilespmem:s19+$0x0] =	vst.add.f32.msk $0xffff, v3  }
0x72: {  	[tilespmem:s10+$0x0] =	vst.add.f32.msk $0xffff, v1  }
0x73: {  	[tilespmem:s9+$0x0] =	vst.add.f32.msk $0xffff, v0  }
0x74: {  	[tilespmem:s15+$0x0] =	vst.add.f32.msk $0xffff, v1  }
0x75: {  	[tilespmem:s12+$0x0] =	vst.add.f32.msk $0xffff, v0  }
0x76: {  	[tilespmem:s13+$0x0] =	vst.add.f32.msk $0xffff, v1  }
0x77: {  	[tilespmem:s11+$0x0] =	vst.add.f32.msk $0xffff, v0  }
0x78: {  	[tilespmem:s14+$0x0] =	vst.add.f32.msk $0xffff, v1  }
0x79: {  	[tilespmem:s8+$0x0] =	vst.add.f32.msk $0xffff, v0  }
0x7a: {  	s6 =	simm.s32 $0x0;
	s7 =	rddreg [dreg:$0x15]  }
0x7b: {  	[hbm4b:s7+s6] =	stream.linear.scatter [tilespmem:s6], [sflag:$0x7], $0x8000, $0x38;
	[tilespmem:$0x1E000] =	vst v63  }
0x7c: {  	_ =	swait.ge [sflag:s29], $0x8000  }
0x7d: {  	[sflag:s29] =	ssyncset.done $0x0  }
0x7e: {  	[sflag:s29] =	ssyncadd.s32 $0xFFFF8000  }
0x7f: {  	_ =	swait.ge [sflag:s30], $0x2000  }
0x80: {  	s10 =	sand.u32 $0x40, s6;
	s13 =	simm.s32 $0x0;
	[sflag:s30] =	ssyncset.done $0x0  }
0x81: {  	s14 =	simm.s32 $0x0;
	s7 =	sand.u32 $0x7, s13;
	[sflag:s30] =	ssyncadd.s32 $0xFFFFE000  }
0x82: {  	s8 =	sand.u32 $0x3FFFFF80, s14;
	s15 =	sshll.u32 s7, $0xA;
	_ =	swait.ge [sflag:s31], $0x8000  }
0x83: {  	s9 =	sor.u32 $0x30, s10;
	s8 =	sadd.s32 s8, s15;
	[sflag:s31] =	ssyncset.done $0x0  }
0x84: {  	s8 =	sadd.s32 $0x1A000, s8;
	s11 =	rddreg [dreg:$0x1a];
	[sflag:s31] =	ssyncadd.s32 $0xFFFF8000  }
0x85: {  	[tilespmem:s6], [sflag:$0x1] =	stream.linear.gather [hbm4b:s11+s6], $0x8000, $0x38;
	[tilespmem:$0x1E000] =	vst v63  }
0x86: {  	s16 =	sor.u32 s9, s8;
	s12 =	rddreg [dreg:$0x7]  }
0x87: {  	[tilespmem:s21], [sflag:$0x4] =	stream.linear.gather [hbm4b:s12+s6], $0x2000, $0x38;
	[tilespmem:$0x1E000] =	vst v63  }
0x88: {  	s17 =	simm.s32 $0x0;
	s18 =	sor.u32 s10, s8;
	v2 =	vld [tilespmem:s16+$0x0]  }
0x89: {  	s13 =	sand.u32 $0x3FFFF000, s17;
	s7 =	sshll.u32 s7, $0x9;
	s12 =	sor.u32 $0x10, s10;
	v3 =	vld [tilespmem:s18+$0x0]  }
0x8a: {  	s14 =	sor.u32 $0x20, s10;
	s7 =	sor.u32 s7, s13;
	s19 =	sor.u32 s12, s8  }
0x8b: {  	s13 =	sadd.s32 $0x8000, s7;
	s8 =	sor.u32 s14, s8;
	v1 =	vld [tilespmem:s19+$0x0]  }
0x8c: {  	s7 =	sor.u32 s9, s13;
	v0 =	vld [tilespmem:s8+$0x0]  }
0x8d: {  	s17 =	sor.u32 s10, s13;
	[tilespmem:s7+$0x0] =	vst.add.f32.msk $0xffff, v2  }
0x8e: {  	s15 =	sor.u32 $0x80, s7;
	[tilespmem:s17+$0x0] =	vst.add.f32.msk $0xffff, v3  }
0x8f: {  	s18 =	sor.u32 $0x80, s17;
	[tilespmem:s15+$0x0] =	vst.add.f32.msk $0xffff, v2  }
0x90: {  	s9 =	sor.u32 s14, s13;
	s16 =	sor.u32 $0x100, s7;
	[tilespmem:s18+$0x0] =	vst.add.f32.msk $0xffff, v3  }
0x91: {  	s11 =	sor.u32 $0x100, s9;
	s19 =	sor.u32 $0x100, s17;
	[tilespmem:s16+$0x0] =	vst.add.f32.msk $0xffff, v2  }
0x92: {  	s10 =	sor.u32 s12, s13;
	s12 =	sor.u32 $0x80, s9;
	s7 =	sor.u32 $0x180, s7;
	[tilespmem:s19+$0x0] =	vst.add.f32.msk $0xffff, v3  }
0x93: {  	s13 =	sor.u32 $0x100, s10;
	s14 =	sor.u32 $0x180, s10;
	s16 =	sor.u32 $0x180, s17;
	[tilespmem:s7+$0x0] =	vst.add.f32.msk $0xffff, v2  }
0x94: {  	s8 =	sor.u32 $0x180, s9;
	s15 =	sor.u32 $0x80, s10;
	s7 =	simm.s32 $0x0;
	[tilespmem:s16+$0x0] =	vst.add.f32.msk $0xffff, v3  }
.LBB2_4:
0x95: {  	s7 =	sadd.s32 $0x4, s7;
	[tilespmem:s10+$0x0] =	vst.add.f32.msk $0xffff, v1  }
0x96: {  	s6 =	sadd.s32 $0x40, s6;
	s10 =	sshrl.u32 s7, $0x3;
	[tilespmem:s15+$0x0] =	vst.add.f32.msk $0xffff, v1  }
0x97: {  	s15 =	sshll.u32 s7, $0x1;
	p0 =	slt.u32 s7, $0x1FC;
	s10 =	sand.u32 $0x7, s10;
	[tilespmem:s13+$0x0] =	vst.add.f32.msk $0xffff, v1  }
0x98: {  	s15 =	sand.u32 $0x3FFFFF80, s15;
	s13 =	sshll.u32 s10, $0xA;
	[tilespmem:s14+$0x0] =	vst.add.f32.msk $0xffff, v1;
	s14 =	sand.u32 $0x40, s6  }
0x99: {  	s10 =	sshll.u32 s10, $0x9;
	s13 =	sadd.s32 s15, s13;
	[tilespmem:s9+$0x0] =	vst.add.f32.msk $0xffff, v0;
	s15 =	sor.u32 $0x30, s14  }
0x9a: {  	s16 =	sor.u32 $0x20, s14;
	s9 =	sadd.s32 $0x1A000, s13;
	s13 =	sor.u32 $0x10, s14;
	[tilespmem:s12+$0x0] =	vst.add.f32.msk $0xffff, v0  }
0x9b: {  	s12 =	sor.u32 s14, s9;
	s17 =	sor.u32 s15, s9;
	[tilespmem:s11+$0x0] =	vst.add.f32.msk $0xffff, v0;
	s11 =	sshll.u32 s7, $0x6  }
0x9c: {  	s18 =	sor.u32 s13, s9;
	s9 =	sor.u32 s16, s9;
	v2 =	vld [tilespmem:s17+$0x0];
	s11 =	sand.u32 $0x3FFFF000, s11  }
0x9d: {  	v3 =	vld [tilespmem:s12+$0x0];
	s10 =	sor.u32 s10, s11  }
0x9e: {  	v1 =	vld [tilespmem:s18+$0x0];
	s11 =	sadd.s32 $0x8000, s10  }
0x9f: {  	v4 =	vld [tilespmem:s9+$0x0];
	s17 =	sor.u32 s14, s11  }
0xa0: {  	s10 =	sor.u32 s13, s11;
	s12 =	sor.u32 s15, s11;
	s9 =	sor.u32 s16, s11;
	[tilespmem:s8+$0x0] =	vst.add.f32.msk $0xffff, v0  }
0xa1: {  	s18 =	sor.u32 $0x80, s17;
	s8 =	sor.u32 $0x80, s12;
	s16 =	sor.u32 $0x100, s17;
	[tilespmem:s12+$0x0] =	vst.add.f32.msk $0xffff, v2  }
0xa2: {  	s19 =	sor.u32 $0x180, s17;
	s15 =	sor.u32 $0x80, s10;
	[tilespmem:s8+$0x0] =	vst.add.f32.msk $0xffff, v2;
	s8 =	sor.u32 $0x100, s12  }
0xa3: {  	s13 =	sor.u32 $0x100, s10;
	s14 =	sor.u32 $0x180, s10;
	[tilespmem:s8+$0x0] =	vst.add.f32.msk $0xffff, v2;
	s8 =	sor.u32 $0x180, s12  }
.Ltmp1:
0xa4: {  	s11 =	sor.u32 $0x100, s9;
	s12 =	sor.u32 $0x80, s9;
	[tilespmem:s8+$0x0] =	vst.add.f32.msk $0xffff, v2;
	(pc) =	sbr.rel @p0 .LBB2_4-.Ltmp1, $4  }
0xa5: {  	s8 =	sor.u32 $0x180, s9;
	v0 =	vmov v4;
	[tilespmem:s17+$0x0] =	vst.add.f32.msk $0xffff, v3  }
0xa6: {  	[tilespmem:s18+$0x0] =	vst.add.f32.msk $0xffff, v3  }
0xa7: {  	[tilespmem:s16+$0x0] =	vst.add.f32.msk $0xffff, v3  }
0xa8: {  	[tilespmem:s19+$0x0] =	vst.add.f32.msk $0xffff, v3  }
0xa9: {  	[tilespmem:s10+$0x0] =	vst.add.f32.msk $0xffff, v1  }
0xaa: {  	[tilespmem:s9+$0x0] =	vst.add.f32.msk $0xffff, v0  }
0xab: {  	[tilespmem:s15+$0x0] =	vst.add.f32.msk $0xffff, v1  }
0xac: {  	[tilespmem:s12+$0x0] =	vst.add.f32.msk $0xffff, v0  }
0xad: {  	[tilespmem:s13+$0x0] =	vst.add.f32.msk $0xffff, v1  }
0xae: {  	[tilespmem:s11+$0x0] =	vst.add.f32.msk $0xffff, v0  }
0xaf: {  	[tilespmem:s14+$0x0] =	vst.add.f32.msk $0xffff, v1  }
0xb0: {  	[tilespmem:s8+$0x0] =	vst.add.f32.msk $0xffff, v0  }
0xb1: {  	s6 =	simm.s32 $0x0;
	s7 =	rddreg [dreg:$0x17]  }
0xb2: {  	[hbm4b:s7+s6] =	stream.linear.scatter [tilespmem:s22], [sflag:$0x8], $0x8000, $0x38;
	[tilespmem:$0x1E000] =	vst v63  }
0xb3: {  	_ =	swait.ge [sflag:s0], $0x8000  }
0xb4: {  	[sflag:s0] =	ssyncset.done $0x0  }
0xb5: {  	[sflag:s0] =	ssyncadd.s32 $0xFFFF8000  }
0xb6: {  	_ =	swait.ge [sflag:s2], $0x2000  }
0xb7: {  	s10 =	sand.u32 $0x40, s6;
	s13 =	simm.s32 $0x0;
	[sflag:s2] =	ssyncset.done $0x0  }
0xb8: {  	s14 =	simm.s32 $0x0;
	s7 =	sand.u32 $0x7, s13;
	[sflag:s2] =	ssyncadd.s32 $0xFFFFE000  }
0xb9: {  	s8 =	sand.u32 $0x3FFFFF80, s14;
	s15 =	sshll.u32 s7, $0xA;
	_ =	swait.ge [sflag:s3], $0x8000  }
0xba: {  	s9 =	sor.u32 $0x30, s10;
	s8 =	sadd.s32 s8, s15;
	[sflag:s3] =	ssyncset.done $0x0  }
0xbb: {  	s8 =	sadd.s32 $0x1C000, s8;
	s11 =	rddreg [dreg:$0x1c];
	[sflag:s3] =	ssyncadd.s32 $0xFFFF8000  }
0xbc: {  	[tilespmem:s22], [sflag:$0x2] =	stream.linear.gather [hbm4b:s11+s6], $0x8000, $0x38;
	[tilespmem:$0x1E000] =	vst v63  }
0xbd: {  	s16 =	sor.u32 s9, s8;
	s12 =	rddreg [dreg:$0x8]  }
0xbe: {  	[tilespmem:s23], [sflag:$0x5] =	stream.linear.gather [hbm4b:s12+s6], $0x2000, $0x38;
	[tilespmem:$0x1E000] =	vst v63  }
0xbf: {  	s17 =	simm.s32 $0x0;
	s18 =	sor.u32 s10, s8;
	v2 =	vld [tilespmem:s16+$0x0]  }
0xc0: {  	s13 =	sand.u32 $0x3FFFF000, s17;
	s7 =	sshll.u32 s7, $0x9;
	s12 =	sor.u32 $0x10, s10;
	v3 =	vld [tilespmem:s18+$0x0]  }
0xc1: {  	s14 =	sor.u32 $0x20, s10;
	s7 =	sor.u32 s7, s13;
	s19 =	sor.u32 s12, s8  }
0xc2: {  	s13 =	sadd.s32 $0x10000, s7;
	s8 =	sor.u32 s14, s8;
	v1 =	vld [tilespmem:s19+$0x0]  }
0xc3: {  	s7 =	sor.u32 s9, s13;
	v0 =	vld [tilespmem:s8+$0x0]  }
0xc4: {  	s17 =	sor.u32 s10, s13;
	[tilespmem:s7+$0x0] =	vst.add.f32.msk $0xffff, v2  }
0xc5: {  	s15 =	sor.u32 $0x80, s7;
	[tilespmem:s17+$0x0] =	vst.add.f32.msk $0xffff, v3  }
0xc6: {  	s18 =	sor.u32 $0x80, s17;
	[tilespmem:s15+$0x0] =	vst.add.f32.msk $0xffff, v2  }
0xc7: {  	s9 =	sor.u32 s14, s13;
	s16 =	sor.u32 $0x100, s7;
	[tilespmem:s18+$0x0] =	vst.add.f32.msk $0xffff, v3  }
0xc8: {  	s11 =	sor.u32 $0x100, s9;
	s19 =	sor.u32 $0x100, s17;
	[tilespmem:s16+$0x0] =	vst.add.f32.msk $0xffff, v2  }
0xc9: {  	s10 =	sor.u32 s12, s13;
	s12 =	sor.u32 $0x80, s9;
	s7 =	sor.u32 $0x180, s7;
	[tilespmem:s19+$0x0] =	vst.add.f32.msk $0xffff, v3  }
0xca: {  	s13 =	sor.u32 $0x100, s10;
	s14 =	sor.u32 $0x180, s10;
	s16 =	sor.u32 $0x180, s17;
	[tilespmem:s7+$0x0] =	vst.add.f32.msk $0xffff, v2  }
0xcb: {  	s8 =	sor.u32 $0x180, s9;
	s15 =	sor.u32 $0x80, s10;
	s7 =	simm.s32 $0x0;
	[tilespmem:s16+$0x0] =	vst.add.f32.msk $0xffff, v3  }
.LBB2_6:
0xcc: {  	s7 =	sadd.s32 $0x4, s7;
	[tilespmem:s10+$0x0] =	vst.add.f32.msk $0xffff, v1  }
0xcd: {  	s6 =	sadd.s32 $0x40, s6;
	s10 =	sshrl.u32 s7, $0x3;
	[tilespmem:s15+$0x0] =	vst.add.f32.msk $0xffff, v1  }
0xce: {  	s15 =	sshll.u32 s7, $0x1;
	p0 =	slt.u32 s7, $0x1FC;
	s10 =	sand.u32 $0x7, s10;
	[tilespmem:s13+$0x0] =	vst.add.f32.msk $0xffff, v1  }
0xcf: {  	s15 =	sand.u32 $0x3FFFFF80, s15;
	s13 =	sshll.u32 s10, $0xA;
	[tilespmem:s14+$0x0] =	vst.add.f32.msk $0xffff, v1;
	s14 =	sand.u32 $0x40, s6  }
0xd0: {  	s10 =	sshll.u32 s10, $0x9;
	s13 =	sadd.s32 s15, s13;
	[tilespmem:s9+$0x0] =	vst.add.f32.msk $0xffff, v0;
	s15 =	sor.u32 $0x30, s14  }
0xd1: {  	s16 =	sor.u32 $0x20, s14;
	s9 =	sadd.s32 $0x1C000, s13;
	s13 =	sor.u32 $0x10, s14;
	[tilespmem:s12+$0x0] =	vst.add.f32.msk $0xffff, v0  }
0xd2: {  	s12 =	sor.u32 s14, s9;
	s17 =	sor.u32 s15, s9;
	[tilespmem:s11+$0x0] =	vst.add.f32.msk $0xffff, v0;
	s11 =	sshll.u32 s7, $0x6  }
0xd3: {  	s18 =	sor.u32 s13, s9;
	s9 =	sor.u32 s16, s9;
	v2 =	vld [tilespmem:s17+$0x0];
	s11 =	sand.u32 $0x3FFFF000, s11  }
0xd4: {  	v3 =	vld [tilespmem:s12+$0x0];
	s10 =	sor.u32 s10, s11  }
0xd5: {  	v1 =	vld [tilespmem:s18+$0x0];
	s11 =	sadd.s32 $0x10000, s10  }
0xd6: {  	v4 =	vld [tilespmem:s9+$0x0];
	s17 =	sor.u32 s14, s11  }
0xd7: {  	s10 =	sor.u32 s13, s11;
	s12 =	sor.u32 s15, s11;
	s9 =	sor.u32 s16, s11;
	[tilespmem:s8+$0x0] =	vst.add.f32.msk $0xffff, v0  }
0xd8: {  	s18 =	sor.u32 $0x80, s17;
	s8 =	sor.u32 $0x80, s12;
	s16 =	sor.u32 $0x100, s17;
	[tilespmem:s12+$0x0] =	vst.add.f32.msk $0xffff, v2  }
0xd9: {  	s19 =	sor.u32 $0x180, s17;
	s15 =	sor.u32 $0x80, s10;
	[tilespmem:s8+$0x0] =	vst.add.f32.msk $0xffff, v2;
	s8 =	sor.u32 $0x100, s12  }
0xda: {  	s13 =	sor.u32 $0x100, s10;
	s14 =	sor.u32 $0x180, s10;
	[tilespmem:s8+$0x0] =	vst.add.f32.msk $0xffff, v2;
	s8 =	sor.u32 $0x180, s12  }
.Ltmp2:
0xdb: {  	s11 =	sor.u32 $0x100, s9;
	s12 =	sor.u32 $0x80, s9;
	[tilespmem:s8+$0x0] =	vst.add.f32.msk $0xffff, v2;
	(pc) =	sbr.rel @p0 .LBB2_6-.Ltmp2, $4  }
0xdc: {  	s8 =	sor.u32 $0x180, s9;
	v0 =	vmov v4;
	[tilespmem:s17+$0x0] =	vst.add.f32.msk $0xffff, v3  }
0xdd: {  	[tilespmem:s18+$0x0] =	vst.add.f32.msk $0xffff, v3  }
0xde: {  	[tilespmem:s16+$0x0] =	vst.add.f32.msk $0xffff, v3  }
0xdf: {  	[tilespmem:s19+$0x0] =	vst.add.f32.msk $0xffff, v3  }
0xe0: {  	[tilespmem:s10+$0x0] =	vst.add.f32.msk $0xffff, v1  }
0xe1: {  	[tilespmem:s9+$0x0] =	vst.add.f32.msk $0xffff, v0  }
0xe2: {  	[tilespmem:s15+$0x0] =	vst.add.f32.msk $0xffff, v1  }
0xe3: {  	[tilespmem:s12+$0x0] =	vst.add.f32.msk $0xffff, v0  }
0xe4: {  	[tilespmem:s13+$0x0] =	vst.add.f32.msk $0xffff, v1  }
0xe5: {  	[tilespmem:s11+$0x0] =	vst.add.f32.msk $0xffff, v0  }
0xe6: {  	[tilespmem:s14+$0x0] =	vst.add.f32.msk $0xffff, v1  }
0xe7: {  	[tilespmem:s8+$0x0] =	vst.add.f32.msk $0xffff, v0  }
0xe8: {  	s6 =	simm.s32 $0x0;
	s7 =	rddreg [dreg:$0x19]  }
0xe9: {  	[hbm4b:s7+s6] =	stream.linear.scatter [tilespmem:s26], [sflag:$0x9], $0x8000, $0x38;
	[tilespmem:$0x1E000] =	vst v63  }
0xea: {  	_ =	swait.ge [sflag:s24], $0x8000  }
0xeb: {  	[sflag:s24] =	ssyncset.done $0x0  }
0xec: {  	[sflag:s24] =	ssyncadd.s32 $0xFFFF8000  }
0xed: {  	_ =	swait.ge [sflag:s25], $0x2000  }
0xee: {  	s10 =	sand.u32 $0x40, s6;
	s13 =	simm.s32 $0x0;
	[sflag:s25] =	ssyncset.done $0x0  }
0xef: {  	s14 =	simm.s32 $0x0;
	s7 =	sand.u32 $0x7, s13;
	[sflag:s25] =	ssyncadd.s32 $0xFFFFE000  }
0xf0: {  	s8 =	sand.u32 $0x3FFFFF80, s14;
	s15 =	sshll.u32 s7, $0xA;
	_ =	swait.ge [sflag:s4], $0x8000  }
0xf1: {  	s9 =	sor.u32 $0x30, s10;
	s8 =	sadd.s32 s8, s15;
	[sflag:s4] =	ssyncset.done $0x0  }
0xf2: {  	s8 =	sadd.s32 $0x18000, s8;
	s11 =	rddreg [dreg:$0x1e];
	[sflag:s4] =	ssyncadd.s32 $0xFFFF8000  }
0xf3: {  	[tilespmem:s26], [sflag:$0x3] =	stream.linear.gather [hbm4b:s11+s6], $0x8000, $0x38;
	[tilespmem:$0x1E000] =	vst v63  }
0xf4: {  	s16 =	sor.u32 s9, s8;
	s12 =	rddreg [dreg:$0x9]  }
0xf5: {  	[tilespmem:s28], [sflag:$0x6] =	stream.linear.gather [hbm4b:s12+s6], $0x2000, $0x38;
	[tilespmem:$0x1E000] =	vst v63  }
0xf6: {  	s18 =	simm.s32 $0x0;
	s17 =	sor.u32 s10, s8;
	v2 =	vld [tilespmem:s16+$0x0]  }
0xf7: {  	s14 =	sand.u32 $0x3FFFF000, s18;
	s12 =	sor.u32 $0x10, s10;
	v3 =	vld [tilespmem:s17+$0x0]  }
0xf8: {  	s13 =	sor.u32 $0x20, s10;
	s7 =	sshll.u32 s7, $0x9;
	s19 =	sor.u32 s12, s8  }
0xf9: {  	s11 =	sor.u32 s7, s14;
	s8 =	sor.u32 s13, s8;
	v1 =	vld [tilespmem:s19+$0x0]  }
0xfa: {  	s7 =	sor.u32 s9, s11;
	v0 =	vld [tilespmem:s8+$0x0]  }
0xfb: {  	s17 =	sor.u32 s10, s11;
	[tilespmem:s7+$0x0] =	vst.add.f32.msk $0xffff, v2  }
0xfc: {  	s15 =	sor.u32 $0x80, s7;
	[tilespmem:s17+$0x0] =	vst.add.f32.msk $0xffff, v3  }
0xfd: {  	s18 =	sor.u32 $0x80, s17;
	[tilespmem:s15+$0x0] =	vst.add.f32.msk $0xffff, v2  }
0xfe: {  	s16 =	sor.u32 $0x100, s7;
	[tilespmem:s18+$0x0] =	vst.add.f32.msk $0xffff, v3  }
0xff: {  	s9 =	sor.u32 s13, s11;
	s10 =	sor.u32 s12, s11;
	s19 =	sor.u32 $0x100, s17;
	[tilespmem:s16+$0x0] =	vst.add.f32.msk $0xffff, v2  }
0x100: {  	s12 =	sor.u32 $0x80, s9;
	s11 =	sor.u32 $0x100, s9;
	s7 =	sor.u32 $0x180, s7;
	[tilespmem:s19+$0x0] =	vst.add.f32.msk $0xffff, v3  }
0x101: {  	s13 =	sor.u32 $0x100, s10;
	s14 =	sor.u32 $0x180, s10;
	s16 =	sor.u32 $0x180, s17;
	[tilespmem:s7+$0x0] =	vst.add.f32.msk $0xffff, v2  }
0x102: {  	s8 =	sor.u32 $0x180, s9;
	s15 =	sor.u32 $0x80, s10;
	s7 =	simm.s32 $0x0;
	[tilespmem:s16+$0x0] =	vst.add.f32.msk $0xffff, v3  }
.LBB2_8:
0x103: {  	s7 =	sadd.s32 $0x4, s7;
	[tilespmem:s10+$0x0] =	vst.add.f32.msk $0xffff, v1  }
0x104: {  	s10 =	sshrl.u32 s7, $0x3;
	[tilespmem:s15+$0x0] =	vst.add.f32.msk $0xffff, v1  }
0x105: {  	s15 =	sshll.u32 s7, $0x1;
	s10 =	sand.u32 $0x7, s10;
	[tilespmem:s13+$0x0] =	vst.add.f32.msk $0xffff, v1  }
0x106: {  	s6 =	sadd.s32 $0x40, s6;
	s15 =	sand.u32 $0x3FFFFF80, s15;
	s13 =	sshll.u32 s10, $0xA;
	[tilespmem:s14+$0x0] =	vst.add.f32.msk $0xffff, v1  }
0x107: {  	p0 =	slt.u32 s7, $0x1FC;
	s14 =	sand.u32 $0x40, s6;
	s13 =	sadd.s32 s15, s13;
	[tilespmem:s9+$0x0] =	vst.add.f32.msk $0xffff, v0  }
0x108: {  	s15 =	sor.u32 $0x30, s14;
	s9 =	sadd.s32 $0x18000, s13;
	s13 =	sor.u32 $0x10, s14;
	[tilespmem:s12+$0x0] =	vst.add.f32.msk $0xffff, v0  }
0x109: {  	s16 =	sor.u32 $0x20, s14;
	s12 =	sor.u32 s14, s9;
	s17 =	sor.u32 s15, s9;
	[tilespmem:s11+$0x0] =	vst.add.f32.msk $0xffff, v0  }
0x10a: {  	s11 =	sor.u32 s13, s9;
	s9 =	sor.u32 s16, s9;
	v2 =	vld [tilespmem:s17+$0x0]  }
0x10b: {  	v3 =	vld [tilespmem:s12+$0x0];
	s12 =	sshll.u32 s7, $0x6  }
0x10c: {  	s10 =	sshll.u32 s10, $0x9;
	s12 =	sand.u32 $0x3FFFF000, s12  }
0x10d: {  	v1 =	vld [tilespmem:s11+$0x0];
	s11 =	sor.u32 s10, s12  }
0x10e: {  	v4 =	vld [tilespmem:s9+$0x0];
	s17 =	sor.u32 s14, s11  }
0x10f: {  	s10 =	sor.u32 s13, s11;
	s12 =	sor.u32 s15, s11;
	[tilespmem:s8+$0x0] =	vst.add.f32.msk $0xffff, v0;
	s9 =	sor.u32 s16, s11  }
0x110: {  	s18 =	sor.u32 $0x80, s17;
	[tilespmem:s12+$0x0] =	vst.add.f32.msk $0xffff, v2;
	s8 =	sor.u32 $0x80, s12;
	s16 =	sor.u32 $0x100, s17  }
0x111: {  	s19 =	sor.u32 $0x180, s17;
	s15 =	sor.u32 $0x80, s10;
	[tilespmem:s8+$0x0] =	vst.add.f32.msk $0xffff, v2;
	s8 =	sor.u32 $0x100, s12  }
0x112: {  	s13 =	sor.u32 $0x100, s10;
	s14 =	sor.u32 $0x180, s10;
	[tilespmem:s8+$0x0] =	vst.add.f32.msk $0xffff, v2;
	s8 =	sor.u32 $0x180, s12  }
.Ltmp3:
0x113: {  	s11 =	sor.u32 $0x100, s9;
	s12 =	sor.u32 $0x80, s9;
	[tilespmem:s8+$0x0] =	vst.add.f32.msk $0xffff, v2;
	(pc) =	sbr.rel @p0 .LBB2_8-.Ltmp3, $4  }
0x114: {  	s8 =	sor.u32 $0x180, s9;
	v0 =	vmov v4;
	[tilespmem:s17+$0x0] =	vst.add.f32.msk $0xffff, v3  }
0x115: {  	[tilespmem:s18+$0x0] =	vst.add.f32.msk $0xffff, v3  }
0x116: {  	[tilespmem:s16+$0x0] =	vst.add.f32.msk $0xffff, v3  }
0x117: {  	[tilespmem:s19+$0x0] =	vst.add.f32.msk $0xffff, v3  }
0x118: {  	[tilespmem:s10+$0x0] =	vst.add.f32.msk $0xffff, v1  }
0x119: {  	[tilespmem:s9+$0x0] =	vst.add.f32.msk $0xffff, v0  }
0x11a: {  	[tilespmem:s15+$0x0] =	vst.add.f32.msk $0xffff, v1  }
0x11b: {  	[tilespmem:s12+$0x0] =	vst.add.f32.msk $0xffff, v0  }
0x11c: {  	[tilespmem:s13+$0x0] =	vst.add.f32.msk $0xffff, v1  }
0x11d: {  	[tilespmem:s11+$0x0] =	vst.add.f32.msk $0xffff, v0  }
0x11e: {  	[tilespmem:s14+$0x0] =	vst.add.f32.msk $0xffff, v1  }
0x11f: {  	[tilespmem:s8+$0x0] =	vst.add.f32.msk $0xffff, v0  }
0x120: {  	s6 =	simm.s32 $0x0;
	s7 =	rddreg [dreg:$0x1b]  }
0x121: {  	[hbm4b:s7+s6] =	stream.linear.scatter [tilespmem:s6], [sflag:$0x7], $0x8000, $0x38;
	[tilespmem:$0x1E000] =	vst v63  }
0x122: {  	_ =	swait.ge [sflag:s29], $0x8000  }
0x123: {  	[sflag:s29] =	ssyncset.done $0x0  }
0x124: {  	[sflag:s29] =	ssyncadd.s32 $0xFFFF8000  }
0x125: {  	_ =	swait.ge [sflag:s30], $0x2000  }
0x126: {  	[sflag:s30] =	ssyncset.done $0x0  }
0x127: {  	s13 =	simm.s32 $0x0;
	[sflag:s30] =	ssyncadd.s32 $0xFFFFE000  }
0x128: {  	s14 =	simm.s32 $0x0;
	s7 =	sand.u32 $0x7, s13;
	_ =	swait.ge [sflag:s31], $0x8000  }
0x129: {  	s8 =	sand.u32 $0x3FFFFF80, s14;
	s15 =	sshll.u32 s7, $0xA;
	s11 =	sld [smem:$0x7EA]  }
0x12a: {  	s10 =	sand.u32 $0x40, s6;
	s8 =	sadd.s32 s8, s15;
	[sflag:s31] =	ssyncset.done $0x0  }
0x12b: {  	s9 =	sor.u32 $0x30, s10;
	s8 =	sadd.s32 $0x1A000, s8;
	[sflag:s31] =	ssyncadd.s32 $0xFFFF8000  }
0x12c: {  	[tilespmem:s6], [sflag:$0x1] =	stream.linear.gather [hbm4b:s11+s6], $0x8000, $0x38;
	[tilespmem:$0x1E000] =	vst v63  }
0x12d: {  	s16 =	sor.u32 s9, s8;
	s12 =	rddreg [dreg:$0xa]  }
0x12e: {  	[tilespmem:s21], [sflag:$0x4] =	stream.linear.gather [hbm4b:s12+s6], $0x2000, $0x38;
	[tilespmem:$0x1E000] =	vst v63  }
0x12f: {  	s17 =	simm.s32 $0x0;
	s18 =	sor.u32 s10, s8;
	v2 =	vld [tilespmem:s16+$0x0]  }
0x130: {  	s13 =	sand.u32 $0x3FFFF000, s17;
	s7 =	sshll.u32 s7, $0x9;
	s12 =	sor.u32 $0x10, s10;
	v3 =	vld [tilespmem:s18+$0x0]  }
0x131: {  	s14 =	sor.u32 $0x20, s10;
	s7 =	sor.u32 s7, s13;
	s19 =	sor.u32 s12, s8  }
0x132: {  	s13 =	sadd.s32 $0x8000, s7;
	s8 =	sor.u32 s14, s8;
	v1 =	vld [tilespmem:s19+$0x0]  }
0x133: {  	s7 =	sor.u32 s9, s13;
	v0 =	vld [tilespmem:s8+$0x0]  }
0x134: {  	s17 =	sor.u32 s10, s13;
	[tilespmem:s7+$0x0] =	vst.add.f32.msk $0xffff, v2  }
0x135: {  	s15 =	sor.u32 $0x80, s7;
	[tilespmem:s17+$0x0] =	vst.add.f32.msk $0xffff, v3  }
0x136: {  	s18 =	sor.u32 $0x80, s17;
	[tilespmem:s15+$0x0] =	vst.add.f32.msk $0xffff, v2  }
0x137: {  	s9 =	sor.u32 s14, s13;
	s16 =	sor.u32 $0x100, s7;
	[tilespmem:s18+$0x0] =	vst.add.f32.msk $0xffff, v3  }
0x138: {  	s11 =	sor.u32 $0x100, s9;
	s19 =	sor.u32 $0x100, s17;
	[tilespmem:s16+$0x0] =	vst.add.f32.msk $0xffff, v2  }
0x139: {  	s10 =	sor.u32 s12, s13;
	s12 =	sor.u32 $0x80, s9;
	s7 =	sor.u32 $0x180, s7;
	[tilespmem:s19+$0x0] =	vst.add.f32.msk $0xffff, v3  }
0x13a: {  	s13 =	sor.u32 $0x100, s10;
	s14 =	sor.u32 $0x180, s10;
	s16 =	sor.u32 $0x180, s17;
	[tilespmem:s7+$0x0] =	vst.add.f32.msk $0xffff, v2  }
0x13b: {  	s8 =	sor.u32 $0x180, s9;
	s15 =	sor.u32 $0x80, s10;
	s7 =	simm.s32 $0x0;
	[tilespmem:s16+$0x0] =	vst.add.f32.msk $0xffff, v3  }
.LBB2_10:
0x13c: {  	s7 =	sadd.s32 $0x4, s7;
	[tilespmem:s10+$0x0] =	vst.add.f32.msk $0xffff, v1  }
0x13d: {  	s6 =	sadd.s32 $0x40, s6;
	s10 =	sshrl.u32 s7, $0x3;
	[tilespmem:s15+$0x0] =	vst.add.f32.msk $0xffff, v1  }
0x13e: {  	s15 =	sshll.u32 s7, $0x1;
	p0 =	slt.u32 s7, $0x1FC;
	s10 =	sand.u32 $0x7, s10;
	[tilespmem:s13+$0x0] =	vst.add.f32.msk $0xffff, v1  }
0x13f: {  	s15 =	sand.u32 $0x3FFFFF80, s15;
	s13 =	sshll.u32 s10, $0xA;
	[tilespmem:s14+$0x0] =	vst.add.f32.msk $0xffff, v1;
	s14 =	sand.u32 $0x40, s6  }
0x140: {  	s10 =	sshll.u32 s10, $0x9;
	s13 =	sadd.s32 s15, s13;
	[tilespmem:s9+$0x0] =	vst.add.f32.msk $0xffff, v0;
	s15 =	sor.u32 $0x30, s14  }
0x141: {  	s16 =	sor.u32 $0x20, s14;
	s9 =	sadd.s32 $0x1A000, s13;
	s13 =	sor.u32 $0x10, s14;
	[tilespmem:s12+$0x0] =	vst.add.f32.msk $0xffff, v0  }
0x142: {  	s12 =	sor.u32 s14, s9;
	s17 =	sor.u32 s15, s9;
	[tilespmem:s11+$0x0] =	vst.add.f32.msk $0xffff, v0;
	s11 =	sshll.u32 s7, $0x6  }
0x143: {  	s18 =	sor.u32 s13, s9;
	s9 =	sor.u32 s16, s9;
	v2 =	vld [tilespmem:s17+$0x0];
	s11 =	sand.u32 $0x3FFFF000, s11  }
0x144: {  	v3 =	vld [tilespmem:s12+$0x0];
	s10 =	sor.u32 s10, s11  }
0x145: {  	v1 =	vld [tilespmem:s18+$0x0];
	s11 =	sadd.s32 $0x8000, s10  }
0x146: {  	v4 =	vld [tilespmem:s9+$0x0];
	s17 =	sor.u32 s14, s11  }
0x147: {  	s10 =	sor.u32 s13, s11;
	s12 =	sor.u32 s15, s11;
	s9 =	sor.u32 s16, s11;
	[tilespmem:s8+$0x0] =	vst.add.f32.msk $0xffff, v0  }
0x148: {  	s18 =	sor.u32 $0x80, s17;
	s8 =	sor.u32 $0x80, s12;
	s16 =	sor.u32 $0x100, s17;
	[tilespmem:s12+$0x0] =	vst.add.f32.msk $0xffff, v2  }
0x149: {  	s19 =	sor.u32 $0x180, s17;
	s15 =	sor.u32 $0x80, s10;
	[tilespmem:s8+$0x0] =	vst.add.f32.msk $0xffff, v2;
	s8 =	sor.u32 $0x100, s12  }
0x14a: {  	s13 =	sor.u32 $0x100, s10;
	s14 =	sor.u32 $0x180, s10;
	[tilespmem:s8+$0x0] =	vst.add.f32.msk $0xffff, v2;
	s8 =	sor.u32 $0x180, s12  }
.Ltmp4:
0x14b: {  	s11 =	sor.u32 $0x100, s9;
	s12 =	sor.u32 $0x80, s9;
	[tilespmem:s8+$0x0] =	vst.add.f32.msk $0xffff, v2;
	(pc) =	sbr.rel @p0 .LBB2_10-.Ltmp4, $4  }
0x14c: {  	s8 =	sor.u32 $0x180, s9;
	v0 =	vmov v4;
	[tilespmem:s17+$0x0] =	vst.add.f32.msk $0xffff, v3  }
0x14d: {  	[tilespmem:s18+$0x0] =	vst.add.f32.msk $0xffff, v3  }
0x14e: {  	[tilespmem:s16+$0x0] =	vst.add.f32.msk $0xffff, v3  }
0x14f: {  	[tilespmem:s19+$0x0] =	vst.add.f32.msk $0xffff, v3  }
0x150: {  	[tilespmem:s10+$0x0] =	vst.add.f32.msk $0xffff, v1  }
0x151: {  	[tilespmem:s9+$0x0] =	vst.add.f32.msk $0xffff, v0  }
0x152: {  	[tilespmem:s15+$0x0] =	vst.add.f32.msk $0xffff, v1  }
0x153: {  	[tilespmem:s12+$0x0] =	vst.add.f32.msk $0xffff, v0  }
0x154: {  	[tilespmem:s13+$0x0] =	vst.add.f32.msk $0xffff, v1  }
0x155: {  	[tilespmem:s11+$0x0] =	vst.add.f32.msk $0xffff, v0  }
0x156: {  	[tilespmem:s14+$0x0] =	vst.add.f32.msk $0xffff, v1  }
0x157: {  	[tilespmem:s8+$0x0] =	vst.add.f32.msk $0xffff, v0  }
0x158: {  	s6 =	simm.s32 $0x0;
	s7 =	rddreg [dreg:$0x1d]  }
0x159: {  	[hbm4b:s7+s6] =	stream.linear.scatter [tilespmem:s22], [sflag:$0x8], $0x8000, $0x38;
	[tilespmem:$0x1E000] =	vst v63  }
0x15a: {  	_ =	swait.ge [sflag:s0], $0x8000  }
0x15b: {  	[sflag:s0] =	ssyncset.done $0x0  }
0x15c: {  	[sflag:s0] =	ssyncadd.s32 $0xFFFF8000  }
0x15d: {  	_ =	swait.ge [sflag:s2], $0x2000  }
0x15e: {  	[sflag:s2] =	ssyncset.done $0x0  }
0x15f: {  	s13 =	simm.s32 $0x0;
	[sflag:s2] =	ssyncadd.s32 $0xFFFFE000  }
0x160: {  	s14 =	simm.s32 $0x0;
	s7 =	sand.u32 $0x7, s13;
	_ =	swait.ge [sflag:s3], $0x8000  }
0x161: {  	s8 =	sand.u32 $0x3FFFFF80, s14;
	s15 =	sshll.u32 s7, $0xA;
	s11 =	sld [smem:$0x7EC]  }
0x162: {  	s10 =	sand.u32 $0x40, s6;
	s8 =	sadd.s32 s8, s15;
	[sflag:s3] =	ssyncset.done $0x0  }
0x163: {  	s9 =	sor.u32 $0x30, s10;
	s8 =	sadd.s32 $0x1C000, s8;
	[sflag:s3] =	ssyncadd.s32 $0xFFFF8000  }
0x164: {  	[tilespmem:s22], [sflag:$0x2] =	stream.linear.gather [hbm4b:s11+s6], $0x8000, $0x38;
	[tilespmem:$0x1E000] =	vst v63  }
0x165: {  	s16 =	sor.u32 s9, s8;
	s12 =	rddreg [dreg:$0xb]  }
0x166: {  	[tilespmem:s23], [sflag:$0x5] =	stream.linear.gather [hbm4b:s12+s6], $0x2000, $0x38;
	[tilespmem:$0x1E000] =	vst v63  }
0x167: {  	s17 =	simm.s32 $0x0;
	s18 =	sor.u32 s10, s8;
	v2 =	vld [tilespmem:s16+$0x0]  }
0x168: {  	s13 =	sand.u32 $0x3FFFF000, s17;
	s7 =	sshll.u32 s7, $0x9;
	s12 =	sor.u32 $0x10, s10;
	v3 =	vld [tilespmem:s18+$0x0]  }
0x169: {  	s14 =	sor.u32 $0x20, s10;
	s7 =	sor.u32 s7, s13;
	s19 =	sor.u32 s12, s8  }
0x16a: {  	s13 =	sadd.s32 $0x10000, s7;
	s8 =	sor.u32 s14, s8;
	v1 =	vld [tilespmem:s19+$0x0]  }
0x16b: {  	s7 =	sor.u32 s9, s13;
	v0 =	vld [tilespmem:s8+$0x0]  }
0x16c: {  	s17 =	sor.u32 s10, s13;
	[tilespmem:s7+$0x0] =	vst.add.f32.msk $0xffff, v2  }
0x16d: {  	s15 =	sor.u32 $0x80, s7;
	[tilespmem:s17+$0x0] =	vst.add.f32.msk $0xffff, v3  }
0x16e: {  	s18 =	sor.u32 $0x80, s17;
	[tilespmem:s15+$0x0] =	vst.add.f32.msk $0xffff, v2  }
0x16f: {  	s9 =	sor.u32 s14, s13;
	s16 =	sor.u32 $0x100, s7;
	[tilespmem:s18+$0x0] =	vst.add.f32.msk $0xffff, v3  }
0x170: {  	s11 =	sor.u32 $0x100, s9;
	s19 =	sor.u32 $0x100, s17;
	[tilespmem:s16+$0x0] =	vst.add.f32.msk $0xffff, v2  }
0x171: {  	s10 =	sor.u32 s12, s13;
	s12 =	sor.u32 $0x80, s9;
	s7 =	sor.u32 $0x180, s7;
	[tilespmem:s19+$0x0] =	vst.add.f32.msk $0xffff, v3  }
0x172: {  	s13 =	sor.u32 $0x100, s10;
	s14 =	sor.u32 $0x180, s10;
	s16 =	sor.u32 $0x180, s17;
	[tilespmem:s7+$0x0] =	vst.add.f32.msk $0xffff, v2  }
0x173: {  	s8 =	sor.u32 $0x180, s9;
	s15 =	sor.u32 $0x80, s10;
	s7 =	simm.s32 $0x0;
	[tilespmem:s16+$0x0] =	vst.add.f32.msk $0xffff, v3  }
.LBB2_12:
0x174: {  	s7 =	sadd.s32 $0x4, s7;
	[tilespmem:s10+$0x0] =	vst.add.f32.msk $0xffff, v1  }
0x175: {  	s6 =	sadd.s32 $0x40, s6;
	s10 =	sshrl.u32 s7, $0x3;
	[tilespmem:s15+$0x0] =	vst.add.f32.msk $0xffff, v1  }
0x176: {  	s15 =	sshll.u32 s7, $0x1;
	p0 =	slt.u32 s7, $0x1FC;
	s10 =	sand.u32 $0x7, s10;
	[tilespmem:s13+$0x0] =	vst.add.f32.msk $0xffff, v1  }
0x177: {  	s15 =	sand.u32 $0x3FFFFF80, s15;
	s13 =	sshll.u32 s10, $0xA;
	[tilespmem:s14+$0x0] =	vst.add.f32.msk $0xffff, v1;
	s14 =	sand.u32 $0x40, s6  }
0x178: {  	s10 =	sshll.u32 s10, $0x9;
	s13 =	sadd.s32 s15, s13;
	[tilespmem:s9+$0x0] =	vst.add.f32.msk $0xffff, v0;
	s15 =	sor.u32 $0x30, s14  }
0x179: {  	s16 =	sor.u32 $0x20, s14;
	s9 =	sadd.s32 $0x1C000, s13;
	s13 =	sor.u32 $0x10, s14;
	[tilespmem:s12+$0x0] =	vst.add.f32.msk $0xffff, v0  }
0x17a: {  	s12 =	sor.u32 s14, s9;
	s17 =	sor.u32 s15, s9;
	[tilespmem:s11+$0x0] =	vst.add.f32.msk $0xffff, v0;
	s11 =	sshll.u32 s7, $0x6  }
0x17b: {  	s18 =	sor.u32 s13, s9;
	s9 =	sor.u32 s16, s9;
	v2 =	vld [tilespmem:s17+$0x0];
	s11 =	sand.u32 $0x3FFFF000, s11  }
0x17c: {  	v3 =	vld [tilespmem:s12+$0x0];
	s10 =	sor.u32 s10, s11  }
0x17d: {  	v1 =	vld [tilespmem:s18+$0x0];
	s11 =	sadd.s32 $0x10000, s10  }
0x17e: {  	v4 =	vld [tilespmem:s9+$0x0];
	s17 =	sor.u32 s14, s11  }
0x17f: {  	s10 =	sor.u32 s13, s11;
	s12 =	sor.u32 s15, s11;
	s9 =	sor.u32 s16, s11;
	[tilespmem:s8+$0x0] =	vst.add.f32.msk $0xffff, v0  }
0x180: {  	s18 =	sor.u32 $0x80, s17;
	s8 =	sor.u32 $0x80, s12;
	s16 =	sor.u32 $0x100, s17;
	[tilespmem:s12+$0x0] =	vst.add.f32.msk $0xffff, v2  }
0x181: {  	s19 =	sor.u32 $0x180, s17;
	s15 =	sor.u32 $0x80, s10;
	[tilespmem:s8+$0x0] =	vst.add.f32.msk $0xffff, v2;
	s8 =	sor.u32 $0x100, s12  }
0x182: {  	s13 =	sor.u32 $0x100, s10;
	s14 =	sor.u32 $0x180, s10;
	[tilespmem:s8+$0x0] =	vst.add.f32.msk $0xffff, v2;
	s8 =	sor.u32 $0x180, s12  }
.Ltmp5:
0x183: {  	s11 =	sor.u32 $0x100, s9;
	s12 =	sor.u32 $0x80, s9;
	[tilespmem:s8+$0x0] =	vst.add.f32.msk $0xffff, v2;
	(pc) =	sbr.rel @p0 .LBB2_12-.Ltmp5, $4  }
0x184: {  	s8 =	sor.u32 $0x180, s9;
	v0 =	vmov v4;
	[tilespmem:s17+$0x0] =	vst.add.f32.msk $0xffff, v3  }
0x185: {  	[tilespmem:s18+$0x0] =	vst.add.f32.msk $0xffff, v3  }
0x186: {  	[tilespmem:s16+$0x0] =	vst.add.f32.msk $0xffff, v3  }
0x187: {  	[tilespmem:s19+$0x0] =	vst.add.f32.msk $0xffff, v3  }
0x188: {  	[tilespmem:s10+$0x0] =	vst.add.f32.msk $0xffff, v1  }
0x189: {  	[tilespmem:s9+$0x0] =	vst.add.f32.msk $0xffff, v0  }
0x18a: {  	[tilespmem:s15+$0x0] =	vst.add.f32.msk $0xffff, v1  }
0x18b: {  	[tilespmem:s12+$0x0] =	vst.add.f32.msk $0xffff, v0  }
0x18c: {  	[tilespmem:s13+$0x0] =	vst.add.f32.msk $0xffff, v1  }
0x18d: {  	[tilespmem:s11+$0x0] =	vst.add.f32.msk $0xffff, v0  }
0x18e: {  	[tilespmem:s14+$0x0] =	vst.add.f32.msk $0xffff, v1  }
0x18f: {  	[tilespmem:s8+$0x0] =	vst.add.f32.msk $0xffff, v0  }
0x190: {  	s6 =	simm.s32 $0x0;
	s7 =	rddreg [dreg:$0x1f]  }
0x191: {  	[hbm4b:s7+s6] =	stream.linear.scatter [tilespmem:s26], [sflag:$0x9], $0x8000, $0x38;
	[tilespmem:$0x1E000] =	vst v63  }
0x192: {  	_ =	swait.ge [sflag:s24], $0x8000  }
0x193: {  	[sflag:s24] =	ssyncset.done $0x0  }
0x194: {  	[sflag:s24] =	ssyncadd.s32 $0xFFFF8000  }
0x195: {  	_ =	swait.ge [sflag:s25], $0x2000  }
0x196: {  	[sflag:s25] =	ssyncset.done $0x0  }
0x197: {  	s13 =	simm.s32 $0x0;
	[sflag:s25] =	ssyncadd.s32 $0xFFFFE000  }
0x198: {  	s14 =	simm.s32 $0x0;
	s7 =	sand.u32 $0x7, s13;
	_ =	swait.ge [sflag:s4], $0x8000  }
0x199: {  	s8 =	sand.u32 $0x3FFFFF80, s14;
	s15 =	sshll.u32 s7, $0xA;
	s11 =	sld [smem:$0x7EE]  }
0x19a: {  	s10 =	sand.u32 $0x40, s6;
	s8 =	sadd.s32 s8, s15;
	[sflag:s4] =	ssyncset.done $0x0  }
0x19b: {  	s9 =	sor.u32 $0x30, s10;
	s8 =	sadd.s32 $0x18000, s8;
	[sflag:s4] =	ssyncadd.s32 $0xFFFF8000  }
0x19c: {  	[tilespmem:s26], [sflag:$0x3] =	stream.linear.gather [hbm4b:s11+s6], $0x8000, $0x38;
	[tilespmem:$0x1E000] =	vst v63  }
0x19d: {  	s16 =	sor.u32 s9, s8;
	s12 =	rddreg [dreg:$0xc]  }
0x19e: {  	[tilespmem:s28], [sflag:$0x6] =	stream.linear.gather [hbm4b:s12+s6], $0x2000, $0x38;
	[tilespmem:$0x1E000] =	vst v63  }
0x19f: {  	s18 =	simm.s32 $0x0;
	s17 =	sor.u32 s10, s8;
	v2 =	vld [tilespmem:s16+$0x0]  }
0x1a0: {  	s14 =	sand.u32 $0x3FFFF000, s18;
	s12 =	sor.u32 $0x10, s10;
	v3 =	vld [tilespmem:s17+$0x0]  }
0x1a1: {  	s13 =	sor.u32 $0x20, s10;
	s7 =	sshll.u32 s7, $0x9;
	s19 =	sor.u32 s12, s8  }
0x1a2: {  	s11 =	sor.u32 s7, s14;
	s8 =	sor.u32 s13, s8;
	v1 =	vld [tilespmem:s19+$0x0]  }
0x1a3: {  	s7 =	sor.u32 s9, s11;
	v0 =	vld [tilespmem:s8+$0x0]  }
0x1a4: {  	s17 =	sor.u32 s10, s11;
	[tilespmem:s7+$0x0] =	vst.add.f32.msk $0xffff, v2  }
0x1a5: {  	s15 =	sor.u32 $0x80, s7;
	[tilespmem:s17+$0x0] =	vst.add.f32.msk $0xffff, v3  }
0x1a6: {  	s18 =	sor.u32 $0x80, s17;
	[tilespmem:s15+$0x0] =	vst.add.f32.msk $0xffff, v2  }
0x1a7: {  	s16 =	sor.u32 $0x100, s7;
	[tilespmem:s18+$0x0] =	vst.add.f32.msk $0xffff, v3  }
0x1a8: {  	s9 =	sor.u32 s13, s11;
	s10 =	sor.u32 s12, s11;
	s19 =	sor.u32 $0x100, s17;
	[tilespmem:s16+$0x0] =	vst.add.f32.msk $0xffff, v2  }
0x1a9: {  	s12 =	sor.u32 $0x80, s9;
	s11 =	sor.u32 $0x100, s9;
	s7 =	sor.u32 $0x180, s7;
	[tilespmem:s19+$0x0] =	vst.add.f32.msk $0xffff, v3  }
0x1aa: {  	s13 =	sor.u32 $0x100, s10;
	s14 =	sor.u32 $0x180, s10;
	s16 =	sor.u32 $0x180, s17;
	[tilespmem:s7+$0x0] =	vst.add.f32.msk $0xffff, v2  }
0x1ab: {  	s8 =	sor.u32 $0x180, s9;
	s15 =	sor.u32 $0x80, s10;
	s7 =	simm.s32 $0x0;
	[tilespmem:s16+$0x0] =	vst.add.f32.msk $0xffff, v3  }
.LBB2_14:
0x1ac: {  	s7 =	sadd.s32 $0x4, s7;
	[tilespmem:s10+$0x0] =	vst.add.f32.msk $0xffff, v1  }
0x1ad: {  	s10 =	sshrl.u32 s7, $0x3;
	[tilespmem:s15+$0x0] =	vst.add.f32.msk $0xffff, v1  }
0x1ae: {  	s15 =	sshll.u32 s7, $0x1;
	s10 =	sand.u32 $0x7, s10;
	[tilespmem:s13+$0x0] =	vst.add.f32.msk $0xffff, v1  }
0x1af: {  	s6 =	sadd.s32 $0x40, s6;
	s15 =	sand.u32 $0x3FFFFF80, s15;
	s13 =	sshll.u32 s10, $0xA;
	[tilespmem:s14+$0x0] =	vst.add.f32.msk $0xffff, v1  }
0x1b0: {  	p0 =	slt.u32 s7, $0x1FC;
	s14 =	sand.u32 $0x40, s6;
	s13 =	sadd.s32 s15, s13;
	[tilespmem:s9+$0x0] =	vst.add.f32.msk $0xffff, v0  }
0x1b1: {  	s15 =	sor.u32 $0x30, s14;
	s9 =	sadd.s32 $0x18000, s13;
	s13 =	sor.u32 $0x10, s14;
	[tilespmem:s12+$0x0] =	vst.add.f32.msk $0xffff, v0  }
0x1b2: {  	s16 =	sor.u32 $0x20, s14;
	s12 =	sor.u32 s14, s9;
	s17 =	sor.u32 s15, s9;
	[tilespmem:s11+$0x0] =	vst.add.f32.msk $0xffff, v0  }
0x1b3: {  	s11 =	sor.u32 s13, s9;
	s9 =	sor.u32 s16, s9;
	v2 =	vld [tilespmem:s17+$0x0]  }
0x1b4: {  	v3 =	vld [tilespmem:s12+$0x0];
	s12 =	sshll.u32 s7, $0x6  }
0x1b5: {  	s10 =	sshll.u32 s10, $0x9;
	s12 =	sand.u32 $0x3FFFF000, s12  }
0x1b6: {  	v1 =	vld [tilespmem:s11+$0x0];
	s11 =	sor.u32 s10, s12  }
0x1b7: {  	v4 =	vld [tilespmem:s9+$0x0];
	s17 =	sor.u32 s14, s11  }
0x1b8: {  	s10 =	sor.u32 s13, s11;
	s12 =	sor.u32 s15, s11;
	[tilespmem:s8+$0x0] =	vst.add.f32.msk $0xffff, v0;
	s9 =	sor.u32 s16, s11  }
0x1b9: {  	s18 =	sor.u32 $0x80, s17;
	[tilespmem:s12+$0x0] =	vst.add.f32.msk $0xffff, v2;
	s8 =	sor.u32 $0x80, s12;
	s16 =	sor.u32 $0x100, s17  }
0x1ba: {  	s19 =	sor.u32 $0x180, s17;
	s15 =	sor.u32 $0x80, s10;
	[tilespmem:s8+$0x0] =	vst.add.f32.msk $0xffff, v2;
	s8 =	sor.u32 $0x100, s12  }
0x1bb: {  	s13 =	sor.u32 $0x100, s10;
	s14 =	sor.u32 $0x180, s10;
	[tilespmem:s8+$0x0] =	vst.add.f32.msk $0xffff, v2;
	s8 =	sor.u32 $0x180, s12  }
.Ltmp6:
0x1bc: {  	s11 =	sor.u32 $0x100, s9;
	s12 =	sor.u32 $0x80, s9;
	[tilespmem:s8+$0x0] =	vst.add.f32.msk $0xffff, v2;
	(pc) =	sbr.rel @p0 .LBB2_14-.Ltmp6, $4  }
0x1bd: {  	s8 =	sor.u32 $0x180, s9;
	v0 =	vmov v4;
	[tilespmem:s17+$0x0] =	vst.add.f32.msk $0xffff, v3  }
0x1be: {  	[tilespmem:s18+$0x0] =	vst.add.f32.msk $0xffff, v3  }
0x1bf: {  	[tilespmem:s16+$0x0] =	vst.add.f32.msk $0xffff, v3  }
0x1c0: {  	[tilespmem:s19+$0x0] =	vst.add.f32.msk $0xffff, v3  }
0x1c1: {  	[tilespmem:s10+$0x0] =	vst.add.f32.msk $0xffff, v1  }
0x1c2: {  	[tilespmem:s9+$0x0] =	vst.add.f32.msk $0xffff, v0  }
0x1c3: {  	[tilespmem:s15+$0x0] =	vst.add.f32.msk $0xffff, v1  }
0x1c4: {  	[tilespmem:s12+$0x0] =	vst.add.f32.msk $0xffff, v0  }
0x1c5: {  	[tilespmem:s13+$0x0] =	vst.add.f32.msk $0xffff, v1  }
0x1c6: {  	[tilespmem:s11+$0x0] =	vst.add.f32.msk $0xffff, v0  }
0x1c7: {  	[tilespmem:s14+$0x0] =	vst.add.f32.msk $0xffff, v1  }
0x1c8: {  	[tilespmem:s8+$0x0] =	vst.add.f32.msk $0xffff, v0  }
0x1c9: {  	s7 =	sld [smem:$0x7EB];
	_ =	sdelay $0x1  }
0x1ca: {  	s6 =	simm.s32 $0x0  }
0x1cb: {  	[hbm4b:s7+s6] =	stream.linear.scatter [tilespmem:s6], [sflag:$0x7], $0x8000, $0x38;
	[tilespmem:$0x1E000] =	vst v63  }
0x1cc: {  	_ =	swait.ge [sflag:s29], $0x8000  }
0x1cd: {  	[sflag:s29] =	ssyncset.done $0x0  }
0x1ce: {  	[sflag:s29] =	ssyncadd.s32 $0xFFFF8000  }
0x1cf: {  	_ =	swait.ge [sflag:s30], $0x2000  }
0x1d0: {  	[sflag:s30] =	ssyncset.done $0x0  }
0x1d1: {  	s13 =	simm.s32 $0x0;
	[sflag:s30] =	ssyncadd.s32 $0xFFFFE000  }
0x1d2: {  	s14 =	simm.s32 $0x0;
	s7 =	sand.u32 $0x7, s13;
	_ =	swait.ge [sflag:s31], $0x8000  }
0x1d3: {  	s8 =	sand.u32 $0x3FFFFF80, s14;
	s15 =	sshll.u32 s7, $0xA;
	s11 =	sld [smem:$0x7F0]  }
0x1d4: {  	s10 =	sand.u32 $0x40, s6;
	s8 =	sadd.s32 s8, s15;
	[sflag:s31] =	ssyncset.done $0x0  }
0x1d5: {  	s9 =	sor.u32 $0x30, s10;
	s8 =	sadd.s32 $0x1A000, s8;
	[sflag:s31] =	ssyncadd.s32 $0xFFFF8000  }
0x1d6: {  	[tilespmem:s6], [sflag:$0x1] =	stream.linear.gather [hbm4b:s11+s6], $0x8000, $0x38;
	[tilespmem:$0x1E000] =	vst v63  }
0x1d7: {  	s16 =	sor.u32 s9, s8;
	s12 =	rddreg [dreg:$0xd]  }
0x1d8: {  	[tilespmem:s21], [sflag:$0x4] =	stream.linear.gather [hbm4b:s12+s6], $0x2000, $0x38;
	[tilespmem:$0x1E000] =	vst v63  }
0x1d9: {  	s17 =	simm.s32 $0x0;
	s18 =	sor.u32 s10, s8;
	v2 =	vld [tilespmem:s16+$0x0]  }
0x1da: {  	s13 =	sand.u32 $0x3FFFF000, s17;
	s7 =	sshll.u32 s7, $0x9;
	s12 =	sor.u32 $0x10, s10;
	v3 =	vld [tilespmem:s18+$0x0]  }
0x1db: {  	s14 =	sor.u32 $0x20, s10;
	s7 =	sor.u32 s7, s13;
	s19 =	sor.u32 s12, s8  }
0x1dc: {  	s13 =	sadd.s32 $0x8000, s7;
	s8 =	sor.u32 s14, s8;
	v1 =	vld [tilespmem:s19+$0x0]  }
0x1dd: {  	s7 =	sor.u32 s9, s13;
	v0 =	vld [tilespmem:s8+$0x0]  }
0x1de: {  	s17 =	sor.u32 s10, s13;
	[tilespmem:s7+$0x0] =	vst.add.f32.msk $0xffff, v2  }
0x1df: {  	s15 =	sor.u32 $0x80, s7;
	[tilespmem:s17+$0x0] =	vst.add.f32.msk $0xffff, v3  }
0x1e0: {  	s18 =	sor.u32 $0x80, s17;
	[tilespmem:s15+$0x0] =	vst.add.f32.msk $0xffff, v2  }
0x1e1: {  	s9 =	sor.u32 s14, s13;
	s16 =	sor.u32 $0x100, s7;
	[tilespmem:s18+$0x0] =	vst.add.f32.msk $0xffff, v3  }
0x1e2: {  	s11 =	sor.u32 $0x100, s9;
	s19 =	sor.u32 $0x100, s17;
	[tilespmem:s16+$0x0] =	vst.add.f32.msk $0xffff, v2  }
0x1e3: {  	s10 =	sor.u32 s12, s13;
	s12 =	sor.u32 $0x80, s9;
	s7 =	sor.u32 $0x180, s7;
	[tilespmem:s19+$0x0] =	vst.add.f32.msk $0xffff, v3  }
0x1e4: {  	s13 =	sor.u32 $0x100, s10;
	s14 =	sor.u32 $0x180, s10;
	s16 =	sor.u32 $0x180, s17;
	[tilespmem:s7+$0x0] =	vst.add.f32.msk $0xffff, v2  }
0x1e5: {  	s8 =	sor.u32 $0x180, s9;
	s15 =	sor.u32 $0x80, s10;
	s7 =	simm.s32 $0x0;
	[tilespmem:s16+$0x0] =	vst.add.f32.msk $0xffff, v3  }
.LBB2_16:
0x1e6: {  	s7 =	sadd.s32 $0x4, s7;
	[tilespmem:s10+$0x0] =	vst.add.f32.msk $0xffff, v1  }
0x1e7: {  	s6 =	sadd.s32 $0x40, s6;
	s10 =	sshrl.u32 s7, $0x3;
	[tilespmem:s15+$0x0] =	vst.add.f32.msk $0xffff, v1  }
0x1e8: {  	s15 =	sshll.u32 s7, $0x1;
	p0 =	slt.u32 s7, $0x1FC;
	s10 =	sand.u32 $0x7, s10;
	[tilespmem:s13+$0x0] =	vst.add.f32.msk $0xffff, v1  }
0x1e9: {  	s15 =	sand.u32 $0x3FFFFF80, s15;
	s13 =	sshll.u32 s10, $0xA;
	[tilespmem:s14+$0x0] =	vst.add.f32.msk $0xffff, v1;
	s14 =	sand.u32 $0x40, s6  }
0x1ea: {  	s10 =	sshll.u32 s10, $0x9;
	s13 =	sadd.s32 s15, s13;
	[tilespmem:s9+$0x0] =	vst.add.f32.msk $0xffff, v0;
	s15 =	sor.u32 $0x30, s14  }
0x1eb: {  	s16 =	sor.u32 $0x20, s14;
	s9 =	sadd.s32 $0x1A000, s13;
	s13 =	sor.u32 $0x10, s14;
	[tilespmem:s12+$0x0] =	vst.add.f32.msk $0xffff, v0  }
0x1ec: {  	s12 =	sor.u32 s14, s9;
	s17 =	sor.u32 s15, s9;
	[tilespmem:s11+$0x0] =	vst.add.f32.msk $0xffff, v0;
	s11 =	sshll.u32 s7, $0x6  }
0x1ed: {  	s18 =	sor.u32 s13, s9;
	s9 =	sor.u32 s16, s9;
	v2 =	vld [tilespmem:s17+$0x0];
	s11 =	sand.u32 $0x3FFFF000, s11  }
0x1ee: {  	v3 =	vld [tilespmem:s12+$0x0];
	s10 =	sor.u32 s10, s11  }
0x1ef: {  	v1 =	vld [tilespmem:s18+$0x0];
	s11 =	sadd.s32 $0x8000, s10  }
0x1f0: {  	v4 =	vld [tilespmem:s9+$0x0];
	s17 =	sor.u32 s14, s11  }
0x1f1: {  	s10 =	sor.u32 s13, s11;
	s12 =	sor.u32 s15, s11;
	s9 =	sor.u32 s16, s11;
	[tilespmem:s8+$0x0] =	vst.add.f32.msk $0xffff, v0  }
0x1f2: {  	s18 =	sor.u32 $0x80, s17;
	s8 =	sor.u32 $0x80, s12;
	s16 =	sor.u32 $0x100, s17;
	[tilespmem:s12+$0x0] =	vst.add.f32.msk $0xffff, v2  }
0x1f3: {  	s19 =	sor.u32 $0x180, s17;
	s15 =	sor.u32 $0x80, s10;
	[tilespmem:s8+$0x0] =	vst.add.f32.msk $0xffff, v2;
	s8 =	sor.u32 $0x100, s12  }
0x1f4: {  	s13 =	sor.u32 $0x100, s10;
	s14 =	sor.u32 $0x180, s10;
	[tilespmem:s8+$0x0] =	vst.add.f32.msk $0xffff, v2;
	s8 =	sor.u32 $0x180, s12  }
.Ltmp7:
0x1f5: {  	s11 =	sor.u32 $0x100, s9;
	s12 =	sor.u32 $0x80, s9;
	[tilespmem:s8+$0x0] =	vst.add.f32.msk $0xffff, v2;
	(pc) =	sbr.rel @p0 .LBB2_16-.Ltmp7, $4  }
0x1f6: {  	s8 =	sor.u32 $0x180, s9;
	v0 =	vmov v4;
	[tilespmem:s17+$0x0] =	vst.add.f32.msk $0xffff, v3  }
0x1f7: {  	[tilespmem:s18+$0x0] =	vst.add.f32.msk $0xffff, v3  }
0x1f8: {  	[tilespmem:s16+$0x0] =	vst.add.f32.msk $0xffff, v3  }
0x1f9: {  	[tilespmem:s19+$0x0] =	vst.add.f32.msk $0xffff, v3  }
0x1fa: {  	[tilespmem:s10+$0x0] =	vst.add.f32.msk $0xffff, v1  }
0x1fb: {  	[tilespmem:s9+$0x0] =	vst.add.f32.msk $0xffff, v0  }
0x1fc: {  	[tilespmem:s15+$0x0] =	vst.add.f32.msk $0xffff, v1  }
0x1fd: {  	[tilespmem:s12+$0x0] =	vst.add.f32.msk $0xffff, v0  }
0x1fe: {  	[tilespmem:s13+$0x0] =	vst.add.f32.msk $0xffff, v1  }
0x1ff: {  	[tilespmem:s11+$0x0] =	vst.add.f32.msk $0xffff, v0  }
0x200: {  	[tilespmem:s14+$0x0] =	vst.add.f32.msk $0xffff, v1  }
0x201: {  	[tilespmem:s8+$0x0] =	vst.add.f32.msk $0xffff, v0  }
0x202: {  	s7 =	sld [smem:$0x7ED];
	_ =	sdelay $0x1  }
0x203: {  	s6 =	simm.s32 $0x0  }
0x204: {  	[hbm4b:s7+s6] =	stream.linear.scatter [tilespmem:s22], [sflag:$0x8], $0x8000, $0x38;
	[tilespmem:$0x1E000] =	vst v63  }
0x205: {  	_ =	swait.ge [sflag:s0], $0x8000  }
0x206: {  	[sflag:s0] =	ssyncset.done $0x0  }
0x207: {  	[sflag:s0] =	ssyncadd.s32 $0xFFFF8000  }
0x208: {  	_ =	swait.ge [sflag:s2], $0x2000  }
0x209: {  	[sflag:s2] =	ssyncset.done $0x0  }
0x20a: {  	s13 =	simm.s32 $0x0;
	[sflag:s2] =	ssyncadd.s32 $0xFFFFE000  }
0x20b: {  	s14 =	simm.s32 $0x0;
	s7 =	sand.u32 $0x7, s13;
	_ =	swait.ge [sflag:s3], $0x8000  }
0x20c: {  	s8 =	sand.u32 $0x3FFFFF80, s14;
	s15 =	sshll.u32 s7, $0xA;
	s11 =	sld [smem:$0x7F2]  }
0x20d: {  	s10 =	sand.u32 $0x40, s6;
	s8 =	sadd.s32 s8, s15;
	[sflag:s3] =	ssyncset.done $0x0  }
0x20e: {  	s9 =	sor.u32 $0x30, s10;
	s8 =	sadd.s32 $0x1C000, s8;
	[sflag:s3] =	ssyncadd.s32 $0xFFFF8000  }
0x20f: {  	[tilespmem:s22], [sflag:$0x2] =	stream.linear.gather [hbm4b:s11+s6], $0x8000, $0x38;
	[tilespmem:$0x1E000] =	vst v63  }
0x210: {  	s16 =	sor.u32 s9, s8;
	s12 =	rddreg [dreg:$0xe]  }
0x211: {  	[tilespmem:s23], [sflag:$0x5] =	stream.linear.gather [hbm4b:s12+s6], $0x2000, $0x38;
	[tilespmem:$0x1E000] =	vst v63  }
0x212: {  	s17 =	simm.s32 $0x0;
	s18 =	sor.u32 s10, s8;
	v2 =	vld [tilespmem:s16+$0x0]  }
0x213: {  	s13 =	sand.u32 $0x3FFFF000, s17;
	s7 =	sshll.u32 s7, $0x9;
	s12 =	sor.u32 $0x10, s10;
	v3 =	vld [tilespmem:s18+$0x0]  }
0x214: {  	s14 =	sor.u32 $0x20, s10;
	s7 =	sor.u32 s7, s13;
	s19 =	sor.u32 s12, s8  }
0x215: {  	s13 =	sadd.s32 $0x10000, s7;
	s8 =	sor.u32 s14, s8;
	v1 =	vld [tilespmem:s19+$0x0]  }
0x216: {  	s7 =	sor.u32 s9, s13;
	v0 =	vld [tilespmem:s8+$0x0]  }
0x217: {  	s17 =	sor.u32 s10, s13;
	[tilespmem:s7+$0x0] =	vst.add.f32.msk $0xffff, v2  }
0x218: {  	s15 =	sor.u32 $0x80, s7;
	[tilespmem:s17+$0x0] =	vst.add.f32.msk $0xffff, v3  }
0x219: {  	s18 =	sor.u32 $0x80, s17;
	[tilespmem:s15+$0x0] =	vst.add.f32.msk $0xffff, v2  }
0x21a: {  	s9 =	sor.u32 s14, s13;
	s16 =	sor.u32 $0x100, s7;
	[tilespmem:s18+$0x0] =	vst.add.f32.msk $0xffff, v3  }
0x21b: {  	s11 =	sor.u32 $0x100, s9;
	s19 =	sor.u32 $0x100, s17;
	[tilespmem:s16+$0x0] =	vst.add.f32.msk $0xffff, v2  }
0x21c: {  	s10 =	sor.u32 s12, s13;
	s12 =	sor.u32 $0x80, s9;
	s7 =	sor.u32 $0x180, s7;
	[tilespmem:s19+$0x0] =	vst.add.f32.msk $0xffff, v3  }
0x21d: {  	s13 =	sor.u32 $0x100, s10;
	s14 =	sor.u32 $0x180, s10;
	s16 =	sor.u32 $0x180, s17;
	[tilespmem:s7+$0x0] =	vst.add.f32.msk $0xffff, v2  }
0x21e: {  	s8 =	sor.u32 $0x180, s9;
	s15 =	sor.u32 $0x80, s10;
	s7 =	simm.s32 $0x0;
	[tilespmem:s16+$0x0] =	vst.add.f32.msk $0xffff, v3  }
.LBB2_18:
0x21f: {  	s7 =	sadd.s32 $0x4, s7;
	[tilespmem:s10+$0x0] =	vst.add.f32.msk $0xffff, v1  }
0x220: {  	s6 =	sadd.s32 $0x40, s6;
	s10 =	sshrl.u32 s7, $0x3;
	[tilespmem:s15+$0x0] =	vst.add.f32.msk $0xffff, v1  }
0x221: {  	s15 =	sshll.u32 s7, $0x1;
	p0 =	slt.u32 s7, $0x1FC;
	s10 =	sand.u32 $0x7, s10;
	[tilespmem:s13+$0x0] =	vst.add.f32.msk $0xffff, v1  }
0x222: {  	s15 =	sand.u32 $0x3FFFFF80, s15;
	s13 =	sshll.u32 s10, $0xA;
	[tilespmem:s14+$0x0] =	vst.add.f32.msk $0xffff, v1;
	s14 =	sand.u32 $0x40, s6  }
0x223: {  	s10 =	sshll.u32 s10, $0x9;
	s13 =	sadd.s32 s15, s13;
	[tilespmem:s9+$0x0] =	vst.add.f32.msk $0xffff, v0;
	s15 =	sor.u32 $0x30, s14  }
0x224: {  	s16 =	sor.u32 $0x20, s14;
	s9 =	sadd.s32 $0x1C000, s13;
	s13 =	sor.u32 $0x10, s14;
	[tilespmem:s12+$0x0] =	vst.add.f32.msk $0xffff, v0  }
0x225: {  	s12 =	sor.u32 s14, s9;
	s17 =	sor.u32 s15, s9;
	[tilespmem:s11+$0x0] =	vst.add.f32.msk $0xffff, v0;
	s11 =	sshll.u32 s7, $0x6  }
0x226: {  	s18 =	sor.u32 s13, s9;
	s9 =	sor.u32 s16, s9;
	v2 =	vld [tilespmem:s17+$0x0];
	s11 =	sand.u32 $0x3FFFF000, s11  }
0x227: {  	v3 =	vld [tilespmem:s12+$0x0];
	s10 =	sor.u32 s10, s11  }
0x228: {  	v1 =	vld [tilespmem:s18+$0x0];
	s11 =	sadd.s32 $0x10000, s10  }
0x229: {  	v4 =	vld [tilespmem:s9+$0x0];
	s17 =	sor.u32 s14, s11  }
0x22a: {  	s10 =	sor.u32 s13, s11;
	s12 =	sor.u32 s15, s11;
	s9 =	sor.u32 s16, s11;
	[tilespmem:s8+$0x0] =	vst.add.f32.msk $0xffff, v0  }
0x22b: {  	s18 =	sor.u32 $0x80, s17;
	s8 =	sor.u32 $0x80, s12;
	s16 =	sor.u32 $0x100, s17;
	[tilespmem:s12+$0x0] =	vst.add.f32.msk $0xffff, v2  }
0x22c: {  	s19 =	sor.u32 $0x180, s17;
	s15 =	sor.u32 $0x80, s10;
	[tilespmem:s8+$0x0] =	vst.add.f32.msk $0xffff, v2;
	s8 =	sor.u32 $0x100, s12  }
0x22d: {  	s13 =	sor.u32 $0x100, s10;
	s14 =	sor.u32 $0x180, s10;
	[tilespmem:s8+$0x0] =	vst.add.f32.msk $0xffff, v2;
	s8 =	sor.u32 $0x180, s12  }
.Ltmp8:
0x22e: {  	s11 =	sor.u32 $0x100, s9;
	s12 =	sor.u32 $0x80, s9;
	[tilespmem:s8+$0x0] =	vst.add.f32.msk $0xffff, v2;
	(pc) =	sbr.rel @p0 .LBB2_18-.Ltmp8, $4  }
0x22f: {  	s8 =	sor.u32 $0x180, s9;
	v0 =	vmov v4;
	[tilespmem:s17+$0x0] =	vst.add.f32.msk $0xffff, v3  }
0x230: {  	[tilespmem:s18+$0x0] =	vst.add.f32.msk $0xffff, v3  }
0x231: {  	[tilespmem:s16+$0x0] =	vst.add.f32.msk $0xffff, v3  }
0x232: {  	[tilespmem:s19+$0x0] =	vst.add.f32.msk $0xffff, v3  }
0x233: {  	[tilespmem:s10+$0x0] =	vst.add.f32.msk $0xffff, v1  }
0x234: {  	[tilespmem:s9+$0x0] =	vst.add.f32.msk $0xffff, v0  }
0x235: {  	[tilespmem:s15+$0x0] =	vst.add.f32.msk $0xffff, v1  }
0x236: {  	[tilespmem:s12+$0x0] =	vst.add.f32.msk $0xffff, v0  }
0x237: {  	[tilespmem:s13+$0x0] =	vst.add.f32.msk $0xffff, v1  }
0x238: {  	[tilespmem:s11+$0x0] =	vst.add.f32.msk $0xffff, v0  }
0x239: {  	[tilespmem:s14+$0x0] =	vst.add.f32.msk $0xffff, v1  }
0x23a: {  	[tilespmem:s8+$0x0] =	vst.add.f32.msk $0xffff, v0  }
0x23b: {  	s7 =	sld [smem:$0x7EF];
	_ =	sdelay $0x1  }
0x23c: {  	s6 =	simm.s32 $0x0  }
0x23d: {  	[hbm4b:s7+s6] =	stream.linear.scatter [tilespmem:s26], [sflag:$0x9], $0x8000, $0x38;
	[tilespmem:$0x1E000] =	vst v63  }
0x23e: {  	_ =	swait.ge [sflag:s24], $0x8000  }
0x23f: {  	[sflag:s24] =	ssyncset.done $0x0  }
0x240: {  	[sflag:s24] =	ssyncadd.s32 $0xFFFF8000  }
0x241: {  	_ =	swait.ge [sflag:s25], $0x2000  }
0x242: {  	[sflag:s25] =	ssyncset.done $0x0  }
0x243: {  	s13 =	simm.s32 $0x0;
	[sflag:s25] =	ssyncadd.s32 $0xFFFFE000  }
0x244: {  	s14 =	simm.s32 $0x0;
	s7 =	sand.u32 $0x7, s13;
	_ =	swait.ge [sflag:s4], $0x8000  }
0x245: {  	s8 =	sand.u32 $0x3FFFFF80, s14;
	s15 =	sshll.u32 s7, $0xA;
	s11 =	sld [smem:$0x7F4]  }
0x246: {  	s10 =	sand.u32 $0x40, s6;
	s8 =	sadd.s32 s8, s15;
	[sflag:s4] =	ssyncset.done $0x0  }
0x247: {  	s9 =	sor.u32 $0x30, s10;
	s8 =	sadd.s32 $0x18000, s8;
	[sflag:s4] =	ssyncadd.s32 $0xFFFF8000  }
0x248: {  	[tilespmem:s26], [sflag:$0x3] =	stream.linear.gather [hbm4b:s11+s6], $0x8000, $0x38;
	[tilespmem:$0x1E000] =	vst v63  }
0x249: {  	s16 =	sor.u32 s9, s8;
	s12 =	rddreg [dreg:$0xf]  }
0x24a: {  	[tilespmem:s28], [sflag:$0x6] =	stream.linear.gather [hbm4b:s12+s6], $0x2000, $0x38;
	[tilespmem:$0x1E000] =	vst v63  }
0x24b: {  	s18 =	simm.s32 $0x0;
	s17 =	sor.u32 s10, s8;
	v2 =	vld [tilespmem:s16+$0x0]  }
0x24c: {  	s14 =	sand.u32 $0x3FFFF000, s18;
	s12 =	sor.u32 $0x10, s10;
	v3 =	vld [tilespmem:s17+$0x0]  }
0x24d: {  	s13 =	sor.u32 $0x20, s10;
	s7 =	sshll.u32 s7, $0x9;
	s19 =	sor.u32 s12, s8  }
0x24e: {  	s11 =	sor.u32 s7, s14;
	s8 =	sor.u32 s13, s8;
	v1 =	vld [tilespmem:s19+$0x0]  }
0x24f: {  	s7 =	sor.u32 s9, s11;
	v0 =	vld [tilespmem:s8+$0x0]  }
0x250: {  	s17 =	sor.u32 s10, s11;
	[tilespmem:s7+$0x0] =	vst.add.f32.msk $0xffff, v2  }
0x251: {  	s15 =	sor.u32 $0x80, s7;
	[tilespmem:s17+$0x0] =	vst.add.f32.msk $0xffff, v3  }
0x252: {  	s18 =	sor.u32 $0x80, s17;
	[tilespmem:s15+$0x0] =	vst.add.f32.msk $0xffff, v2  }
0x253: {  	s16 =	sor.u32 $0x100, s7;
	[tilespmem:s18+$0x0] =	vst.add.f32.msk $0xffff, v3  }
0x254: {  	s9 =	sor.u32 s13, s11;
	s10 =	sor.u32 s12, s11;
	s19 =	sor.u32 $0x100, s17;
	[tilespmem:s16+$0x0] =	vst.add.f32.msk $0xffff, v2  }
0x255: {  	s12 =	sor.u32 $0x80, s9;
	s11 =	sor.u32 $0x100, s9;
	s7 =	sor.u32 $0x180, s7;
	[tilespmem:s19+$0x0] =	vst.add.f32.msk $0xffff, v3  }
0x256: {  	s13 =	sor.u32 $0x100, s10;
	s14 =	sor.u32 $0x180, s10;
	s16 =	sor.u32 $0x180, s17;
	[tilespmem:s7+$0x0] =	vst.add.f32.msk $0xffff, v2  }
0x257: {  	s8 =	sor.u32 $0x180, s9;
	s15 =	sor.u32 $0x80, s10;
	s7 =	simm.s32 $0x0;
	[tilespmem:s16+$0x0] =	vst.add.f32.msk $0xffff, v3  }
.LBB2_20:
0x258: {  	s7 =	sadd.s32 $0x4, s7;
	[tilespmem:s10+$0x0] =	vst.add.f32.msk $0xffff, v1  }
0x259: {  	s10 =	sshrl.u32 s7, $0x3;
	[tilespmem:s15+$0x0] =	vst.add.f32.msk $0xffff, v1  }
0x25a: {  	s15 =	sshll.u32 s7, $0x1;
	s10 =	sand.u32 $0x7, s10;
	[tilespmem:s13+$0x0] =	vst.add.f32.msk $0xffff, v1  }
0x25b: {  	s6 =	sadd.s32 $0x40, s6;
	s15 =	sand.u32 $0x3FFFFF80, s15;
	s13 =	sshll.u32 s10, $0xA;
	[tilespmem:s14+$0x0] =	vst.add.f32.msk $0xffff, v1  }
0x25c: {  	p0 =	slt.u32 s7, $0x1FC;
	s14 =	sand.u32 $0x40, s6;
	s13 =	sadd.s32 s15, s13;
	[tilespmem:s9+$0x0] =	vst.add.f32.msk $0xffff, v0  }
0x25d: {  	s15 =	sor.u32 $0x30, s14;
	s9 =	sadd.s32 $0x18000, s13;
	s13 =	sor.u32 $0x10, s14;
	[tilespmem:s12+$0x0] =	vst.add.f32.msk $0xffff, v0  }
0x25e: {  	s16 =	sor.u32 $0x20, s14;
	s12 =	sor.u32 s14, s9;
	s17 =	sor.u32 s15, s9;
	[tilespmem:s11+$0x0] =	vst.add.f32.msk $0xffff, v0  }
0x25f: {  	s11 =	sor.u32 s13, s9;
	s9 =	sor.u32 s16, s9;
	v2 =	vld [tilespmem:s17+$0x0]  }
0x260: {  	v3 =	vld [tilespmem:s12+$0x0];
	s12 =	sshll.u32 s7, $0x6  }
0x261: {  	s10 =	sshll.u32 s10, $0x9;
	s12 =	sand.u32 $0x3FFFF000, s12  }
0x262: {  	v1 =	vld [tilespmem:s11+$0x0];
	s11 =	sor.u32 s10, s12  }
0x263: {  	v4 =	vld [tilespmem:s9+$0x0];
	s17 =	sor.u32 s14, s11  }
0x264: {  	s10 =	sor.u32 s13, s11;
	s12 =	sor.u32 s15, s11;
	[tilespmem:s8+$0x0] =	vst.add.f32.msk $0xffff, v0;
	s9 =	sor.u32 s16, s11  }
0x265: {  	s18 =	sor.u32 $0x80, s17;
	[tilespmem:s12+$0x0] =	vst.add.f32.msk $0xffff, v2;
	s8 =	sor.u32 $0x80, s12;
	s16 =	sor.u32 $0x100, s17  }
0x266: {  	s19 =	sor.u32 $0x180, s17;
	s15 =	sor.u32 $0x80, s10;
	[tilespmem:s8+$0x0] =	vst.add.f32.msk $0xffff, v2;
	s8 =	sor.u32 $0x100, s12  }
0x267: {  	s13 =	sor.u32 $0x100, s10;
	s14 =	sor.u32 $0x180, s10;
	[tilespmem:s8+$0x0] =	vst.add.f32.msk $0xffff, v2;
	s8 =	sor.u32 $0x180, s12  }
.Ltmp9:
0x268: {  	s11 =	sor.u32 $0x100, s9;
	s12 =	sor.u32 $0x80, s9;
	[tilespmem:s8+$0x0] =	vst.add.f32.msk $0xffff, v2;
	(pc) =	sbr.rel @p0 .LBB2_20-.Ltmp9, $4  }
0x269: {  	s8 =	sor.u32 $0x180, s9;
	v0 =	vmov v4;
	[tilespmem:s17+$0x0] =	vst.add.f32.msk $0xffff, v3  }
0x26a: {  	[tilespmem:s18+$0x0] =	vst.add.f32.msk $0xffff, v3  }
0x26b: {  	[tilespmem:s16+$0x0] =	vst.add.f32.msk $0xffff, v3  }
0x26c: {  	[tilespmem:s19+$0x0] =	vst.add.f32.msk $0xffff, v3  }
0x26d: {  	[tilespmem:s10+$0x0] =	vst.add.f32.msk $0xffff, v1  }
0x26e: {  	[tilespmem:s9+$0x0] =	vst.add.f32.msk $0xffff, v0  }
0x26f: {  	[tilespmem:s15+$0x0] =	vst.add.f32.msk $0xffff, v1  }
0x270: {  	[tilespmem:s12+$0x0] =	vst.add.f32.msk $0xffff, v0  }
0x271: {  	[tilespmem:s13+$0x0] =	vst.add.f32.msk $0xffff, v1  }
0x272: {  	[tilespmem:s11+$0x0] =	vst.add.f32.msk $0xffff, v0  }
0x273: {  	[tilespmem:s14+$0x0] =	vst.add.f32.msk $0xffff, v1  }
0x274: {  	[tilespmem:s8+$0x0] =	vst.add.f32.msk $0xffff, v0  }
0x275: {  	s7 =	sld [smem:$0x7F1];
	_ =	sdelay $0x1  }
0x276: {  	s6 =	simm.s32 $0x0  }
0x277: {  	[hbm4b:s7+s6] =	stream.linear.scatter [tilespmem:s6], [sflag:$0x7], $0x8000, $0x38;
	[tilespmem:$0x1E000] =	vst v63  }
0x278: {  	_ =	swait.ge [sflag:s29], $0x8000  }
0x279: {  	[sflag:s29] =	ssyncset.done $0x0  }
0x27a: {  	[sflag:s29] =	ssyncadd.s32 $0xFFFF8000  }
0x27b: {  	_ =	swait.ge [sflag:s30], $0x2000  }
0x27c: {  	[sflag:s30] =	ssyncset.done $0x0  }
0x27d: {  	s13 =	simm.s32 $0x0;
	[sflag:s30] =	ssyncadd.s32 $0xFFFFE000  }
0x27e: {  	s14 =	simm.s32 $0x0;
	s7 =	sand.u32 $0x7, s13;
	_ =	swait.ge [sflag:s31], $0x8000  }
0x27f: {  	s8 =	sand.u32 $0x3FFFFF80, s14;
	s15 =	sshll.u32 s7, $0xA;
	s11 =	sld [smem:$0x7F6]  }
0x280: {  	s10 =	sand.u32 $0x40, s6;
	s8 =	sadd.s32 s8, s15;
	[sflag:s31] =	ssyncset.done $0x0  }
0x281: {  	s9 =	sor.u32 $0x30, s10;
	s8 =	sadd.s32 $0x1A000, s8;
	[sflag:s31] =	ssyncadd.s32 $0xFFFF8000  }
0x282: {  	[tilespmem:s6], [sflag:$0x1] =	stream.linear.gather [hbm4b:s11+s6], $0x8000, $0x38;
	[tilespmem:$0x1E000] =	vst v63  }
0x283: {  	s16 =	sor.u32 s9, s8;
	s12 =	rddreg [dreg:$0x10]  }
0x284: {  	[tilespmem:s21], [sflag:$0x4] =	stream.linear.gather [hbm4b:s12+s6], $0x2000, $0x38;
	[tilespmem:$0x1E000] =	vst v63  }
0x285: {  	s17 =	simm.s32 $0x0;
	s18 =	sor.u32 s10, s8;
	v2 =	vld [tilespmem:s16+$0x0]  }
0x286: {  	s13 =	sand.u32 $0x3FFFF000, s17;
	s7 =	sshll.u32 s7, $0x9;
	s12 =	sor.u32 $0x10, s10;
	v3 =	vld [tilespmem:s18+$0x0]  }
0x287: {  	s14 =	sor.u32 $0x20, s10;
	s7 =	sor.u32 s7, s13;
	s19 =	sor.u32 s12, s8  }
0x288: {  	s13 =	sadd.s32 $0x8000, s7;
	s8 =	sor.u32 s14, s8;
	v1 =	vld [tilespmem:s19+$0x0]  }
0x289: {  	s7 =	sor.u32 s9, s13;
	v0 =	vld [tilespmem:s8+$0x0]  }
0x28a: {  	s17 =	sor.u32 s10, s13;
	[tilespmem:s7+$0x0] =	vst.add.f32.msk $0xffff, v2  }
0x28b: {  	s15 =	sor.u32 $0x80, s7;
	[tilespmem:s17+$0x0] =	vst.add.f32.msk $0xffff, v3  }
0x28c: {  	s18 =	sor.u32 $0x80, s17;
	[tilespmem:s15+$0x0] =	vst.add.f32.msk $0xffff, v2  }
0x28d: {  	s9 =	sor.u32 s14, s13;
	s16 =	sor.u32 $0x100, s7;
	[tilespmem:s18+$0x0] =	vst.add.f32.msk $0xffff, v3  }
0x28e: {  	s11 =	sor.u32 $0x100, s9;
	s19 =	sor.u32 $0x100, s17;
	[tilespmem:s16+$0x0] =	vst.add.f32.msk $0xffff, v2  }
0x28f: {  	s10 =	sor.u32 s12, s13;
	s12 =	sor.u32 $0x80, s9;
	s7 =	sor.u32 $0x180, s7;
	[tilespmem:s19+$0x0] =	vst.add.f32.msk $0xffff, v3  }
0x290: {  	s13 =	sor.u32 $0x100, s10;
	s14 =	sor.u32 $0x180, s10;
	s16 =	sor.u32 $0x180, s17;
	[tilespmem:s7+$0x0] =	vst.add.f32.msk $0xffff, v2  }
0x291: {  	s8 =	sor.u32 $0x180, s9;
	s15 =	sor.u32 $0x80, s10;
	s7 =	simm.s32 $0x0;
	[tilespmem:s16+$0x0] =	vst.add.f32.msk $0xffff, v3  }
.LBB2_22:
0x292: {  	s7 =	sadd.s32 $0x4, s7;
	[tilespmem:s10+$0x0] =	vst.add.f32.msk $0xffff, v1  }
0x293: {  	s6 =	sadd.s32 $0x40, s6;
	s10 =	sshrl.u32 s7, $0x3;
	[tilespmem:s15+$0x0] =	vst.add.f32.msk $0xffff, v1  }
0x294: {  	s15 =	sshll.u32 s7, $0x1;
	p0 =	slt.u32 s7, $0x1FC;
	s10 =	sand.u32 $0x7, s10;
	[tilespmem:s13+$0x0] =	vst.add.f32.msk $0xffff, v1  }
0x295: {  	s15 =	sand.u32 $0x3FFFFF80, s15;
	s13 =	sshll.u32 s10, $0xA;
	[tilespmem:s14+$0x0] =	vst.add.f32.msk $0xffff, v1;
	s14 =	sand.u32 $0x40, s6  }
0x296: {  	s10 =	sshll.u32 s10, $0x9;
	s13 =	sadd.s32 s15, s13;
	[tilespmem:s9+$0x0] =	vst.add.f32.msk $0xffff, v0;
	s15 =	sor.u32 $0x30, s14  }
0x297: {  	s16 =	sor.u32 $0x20, s14;
	s9 =	sadd.s32 $0x1A000, s13;
	s13 =	sor.u32 $0x10, s14;
	[tilespmem:s12+$0x0] =	vst.add.f32.msk $0xffff, v0  }
0x298: {  	s12 =	sor.u32 s14, s9;
	s17 =	sor.u32 s15, s9;
	[tilespmem:s11+$0x0] =	vst.add.f32.msk $0xffff, v0;
	s11 =	sshll.u32 s7, $0x6  }
0x299: {  	s18 =	sor.u32 s13, s9;
	s9 =	sor.u32 s16, s9;
	v2 =	vld [tilespmem:s17+$0x0];
	s11 =	sand.u32 $0x3FFFF000, s11  }
0x29a: {  	v3 =	vld [tilespmem:s12+$0x0];
	s10 =	sor.u32 s10, s11  }
0x29b: {  	v1 =	vld [tilespmem:s18+$0x0];
	s11 =	sadd.s32 $0x8000, s10  }
0x29c: {  	v4 =	vld [tilespmem:s9+$0x0];
	s17 =	sor.u32 s14, s11  }
0x29d: {  	s10 =	sor.u32 s13, s11;
	s12 =	sor.u32 s15, s11;
	s9 =	sor.u32 s16, s11;
	[tilespmem:s8+$0x0] =	vst.add.f32.msk $0xffff, v0  }
0x29e: {  	s18 =	sor.u32 $0x80, s17;
	s8 =	sor.u32 $0x80, s12;
	s16 =	sor.u32 $0x100, s17;
	[tilespmem:s12+$0x0] =	vst.add.f32.msk $0xffff, v2  }
0x29f: {  	s19 =	sor.u32 $0x180, s17;
	s15 =	sor.u32 $0x80, s10;
	[tilespmem:s8+$0x0] =	vst.add.f32.msk $0xffff, v2;
	s8 =	sor.u32 $0x100, s12  }
0x2a0: {  	s13 =	sor.u32 $0x100, s10;
	s14 =	sor.u32 $0x180, s10;
	[tilespmem:s8+$0x0] =	vst.add.f32.msk $0xffff, v2;
	s8 =	sor.u32 $0x180, s12  }
.Ltmp10:
0x2a1: {  	s11 =	sor.u32 $0x100, s9;
	s12 =	sor.u32 $0x80, s9;
	[tilespmem:s8+$0x0] =	vst.add.f32.msk $0xffff, v2;
	(pc) =	sbr.rel @p0 .LBB2_22-.Ltmp10, $4  }
0x2a2: {  	s8 =	sor.u32 $0x180, s9;
	v0 =	vmov v4;
	[tilespmem:s17+$0x0] =	vst.add.f32.msk $0xffff, v3  }
0x2a3: {  	[tilespmem:s18+$0x0] =	vst.add.f32.msk $0xffff, v3  }
0x2a4: {  	[tilespmem:s16+$0x0] =	vst.add.f32.msk $0xffff, v3  }
0x2a5: {  	[tilespmem:s19+$0x0] =	vst.add.f32.msk $0xffff, v3  }
0x2a6: {  	[tilespmem:s10+$0x0] =	vst.add.f32.msk $0xffff, v1  }
0x2a7: {  	[tilespmem:s9+$0x0] =	vst.add.f32.msk $0xffff, v0  }
0x2a8: {  	[tilespmem:s15+$0x0] =	vst.add.f32.msk $0xffff, v1  }
0x2a9: {  	[tilespmem:s12+$0x0] =	vst.add.f32.msk $0xffff, v0  }
0x2aa: {  	[tilespmem:s13+$0x0] =	vst.add.f32.msk $0xffff, v1  }
0x2ab: {  	[tilespmem:s11+$0x0] =	vst.add.f32.msk $0xffff, v0  }
0x2ac: {  	[tilespmem:s14+$0x0] =	vst.add.f32.msk $0xffff, v1  }
0x2ad: {  	[tilespmem:s8+$0x0] =	vst.add.f32.msk $0xffff, v0  }
0x2ae: {  	s7 =	sld [smem:$0x7F3];
	_ =	sdelay $0x1  }
0x2af: {  	s6 =	simm.s32 $0x0  }
0x2b0: {  	[hbm4b:s7+s6] =	stream.linear.scatter [tilespmem:s22], [sflag:$0x8], $0x8000, $0x38;
	[tilespmem:$0x1E000] =	vst v63  }
0x2b1: {  	_ =	swait.ge [sflag:s0], $0x8000  }
0x2b2: {  	[sflag:s0] =	ssyncset.done $0x0  }
0x2b3: {  	[sflag:s0] =	ssyncadd.s32 $0xFFFF8000  }
0x2b4: {  	_ =	swait.ge [sflag:s2], $0x2000  }
0x2b5: {  	[sflag:s2] =	ssyncset.done $0x0  }
0x2b6: {  	s13 =	simm.s32 $0x0;
	[sflag:s2] =	ssyncadd.s32 $0xFFFFE000  }
0x2b7: {  	s14 =	simm.s32 $0x0;
	s7 =	sand.u32 $0x7, s13;
	_ =	swait.ge [sflag:s3], $0x8000  }
0x2b8: {  	s8 =	sand.u32 $0x3FFFFF80, s14;
	s15 =	sshll.u32 s7, $0xA;
	s11 =	sld [smem:$0x7F8]  }
0x2b9: {  	s10 =	sand.u32 $0x40, s6;
	s8 =	sadd.s32 s8, s15;
	[sflag:s3] =	ssyncset.done $0x0  }
0x2ba: {  	s9 =	sor.u32 $0x30, s10;
	s8 =	sadd.s32 $0x1C000, s8;
	[sflag:s3] =	ssyncadd.s32 $0xFFFF8000  }
0x2bb: {  	[tilespmem:s22], [sflag:$0x2] =	stream.linear.gather [hbm4b:s11+s6], $0x8000, $0x38;
	[tilespmem:$0x1E000] =	vst v63  }
0x2bc: {  	s16 =	sor.u32 s9, s8;
	s12 =	rddreg [dreg:$0x11]  }
0x2bd: {  	[tilespmem:s23], [sflag:$0x5] =	stream.linear.gather [hbm4b:s12+s6], $0x2000, $0x38;
	[tilespmem:$0x1E000] =	vst v63  }
0x2be: {  	s17 =	simm.s32 $0x0;
	s18 =	sor.u32 s10, s8;
	v2 =	vld [tilespmem:s16+$0x0]  }
0x2bf: {  	s13 =	sand.u32 $0x3FFFF000, s17;
	s7 =	sshll.u32 s7, $0x9;
	s12 =	sor.u32 $0x10, s10;
	v3 =	vld [tilespmem:s18+$0x0]  }
0x2c0: {  	s14 =	sor.u32 $0x20, s10;
	s7 =	sor.u32 s7, s13;
	s19 =	sor.u32 s12, s8  }
0x2c1: {  	s13 =	sadd.s32 $0x10000, s7;
	s8 =	sor.u32 s14, s8;
	v1 =	vld [tilespmem:s19+$0x0]  }
0x2c2: {  	s7 =	sor.u32 s9, s13;
	v0 =	vld [tilespmem:s8+$0x0]  }
0x2c3: {  	s17 =	sor.u32 s10, s13;
	[tilespmem:s7+$0x0] =	vst.add.f32.msk $0xffff, v2  }
0x2c4: {  	s15 =	sor.u32 $0x80, s7;
	[tilespmem:s17+$0x0] =	vst.add.f32.msk $0xffff, v3  }
0x2c5: {  	s18 =	sor.u32 $0x80, s17;
	[tilespmem:s15+$0x0] =	vst.add.f32.msk $0xffff, v2  }
0x2c6: {  	s9 =	sor.u32 s14, s13;
	s16 =	sor.u32 $0x100, s7;
	[tilespmem:s18+$0x0] =	vst.add.f32.msk $0xffff, v3  }
0x2c7: {  	s11 =	sor.u32 $0x100, s9;
	s19 =	sor.u32 $0x100, s17;
	[tilespmem:s16+$0x0] =	vst.add.f32.msk $0xffff, v2  }
0x2c8: {  	s10 =	sor.u32 s12, s13;
	s12 =	sor.u32 $0x80, s9;
	s7 =	sor.u32 $0x180, s7;
	[tilespmem:s19+$0x0] =	vst.add.f32.msk $0xffff, v3  }
0x2c9: {  	s13 =	sor.u32 $0x100, s10;
	s14 =	sor.u32 $0x180, s10;
	s16 =	sor.u32 $0x180, s17;
	[tilespmem:s7+$0x0] =	vst.add.f32.msk $0xffff, v2  }
0x2ca: {  	s8 =	sor.u32 $0x180, s9;
	s15 =	sor.u32 $0x80, s10;
	s7 =	simm.s32 $0x0;
	[tilespmem:s16+$0x0] =	vst.add.f32.msk $0xffff, v3  }
.LBB2_24:
0x2cb: {  	s7 =	sadd.s32 $0x4, s7;
	[tilespmem:s10+$0x0] =	vst.add.f32.msk $0xffff, v1  }
0x2cc: {  	s6 =	sadd.s32 $0x40, s6;
	s10 =	sshrl.u32 s7, $0x3;
	[tilespmem:s15+$0x0] =	vst.add.f32.msk $0xffff, v1  }
0x2cd: {  	s15 =	sshll.u32 s7, $0x1;
	p0 =	slt.u32 s7, $0x1FC;
	s10 =	sand.u32 $0x7, s10;
	[tilespmem:s13+$0x0] =	vst.add.f32.msk $0xffff, v1  }
0x2ce: {  	s15 =	sand.u32 $0x3FFFFF80, s15;
	s13 =	sshll.u32 s10, $0xA;
	[tilespmem:s14+$0x0] =	vst.add.f32.msk $0xffff, v1;
	s14 =	sand.u32 $0x40, s6  }
0x2cf: {  	s10 =	sshll.u32 s10, $0x9;
	s13 =	sadd.s32 s15, s13;
	[tilespmem:s9+$0x0] =	vst.add.f32.msk $0xffff, v0;
	s15 =	sor.u32 $0x30, s14  }
0x2d0: {  	s16 =	sor.u32 $0x20, s14;
	s9 =	sadd.s32 $0x1C000, s13;
	s13 =	sor.u32 $0x10, s14;
	[tilespmem:s12+$0x0] =	vst.add.f32.msk $0xffff, v0  }
0x2d1: {  	s12 =	sor.u32 s14, s9;
	s17 =	sor.u32 s15, s9;
	[tilespmem:s11+$0x0] =	vst.add.f32.msk $0xffff, v0;
	s11 =	sshll.u32 s7, $0x6  }
0x2d2: {  	s18 =	sor.u32 s13, s9;
	s9 =	sor.u32 s16, s9;
	v2 =	vld [tilespmem:s17+$0x0];
	s11 =	sand.u32 $0x3FFFF000, s11  }
0x2d3: {  	v3 =	vld [tilespmem:s12+$0x0];
	s10 =	sor.u32 s10, s11  }
0x2d4: {  	v1 =	vld [tilespmem:s18+$0x0];
	s11 =	sadd.s32 $0x10000, s10  }
0x2d5: {  	v4 =	vld [tilespmem:s9+$0x0];
	s17 =	sor.u32 s14, s11  }
0x2d6: {  	s10 =	sor.u32 s13, s11;
	s12 =	sor.u32 s15, s11;
	s9 =	sor.u32 s16, s11;
	[tilespmem:s8+$0x0] =	vst.add.f32.msk $0xffff, v0  }
0x2d7: {  	s18 =	sor.u32 $0x80, s17;
	s8 =	sor.u32 $0x80, s12;
	s16 =	sor.u32 $0x100, s17;
	[tilespmem:s12+$0x0] =	vst.add.f32.msk $0xffff, v2  }
0x2d8: {  	s19 =	sor.u32 $0x180, s17;
	s15 =	sor.u32 $0x80, s10;
	[tilespmem:s8+$0x0] =	vst.add.f32.msk $0xffff, v2;
	s8 =	sor.u32 $0x100, s12  }
0x2d9: {  	s13 =	sor.u32 $0x100, s10;
	s14 =	sor.u32 $0x180, s10;
	[tilespmem:s8+$0x0] =	vst.add.f32.msk $0xffff, v2;
	s8 =	sor.u32 $0x180, s12  }
.Ltmp11:
0x2da: {  	s11 =	sor.u32 $0x100, s9;
	s12 =	sor.u32 $0x80, s9;
	[tilespmem:s8+$0x0] =	vst.add.f32.msk $0xffff, v2;
	(pc) =	sbr.rel @p0 .LBB2_24-.Ltmp11, $4  }
0x2db: {  	s8 =	sor.u32 $0x180, s9;
	v0 =	vmov v4;
	[tilespmem:s17+$0x0] =	vst.add.f32.msk $0xffff, v3  }
0x2dc: {  	[tilespmem:s18+$0x0] =	vst.add.f32.msk $0xffff, v3  }
0x2dd: {  	[tilespmem:s16+$0x0] =	vst.add.f32.msk $0xffff, v3  }
0x2de: {  	[tilespmem:s19+$0x0] =	vst.add.f32.msk $0xffff, v3  }
0x2df: {  	[tilespmem:s10+$0x0] =	vst.add.f32.msk $0xffff, v1  }
0x2e0: {  	[tilespmem:s9+$0x0] =	vst.add.f32.msk $0xffff, v0  }
0x2e1: {  	[tilespmem:s15+$0x0] =	vst.add.f32.msk $0xffff, v1  }
0x2e2: {  	[tilespmem:s12+$0x0] =	vst.add.f32.msk $0xffff, v0  }
0x2e3: {  	[tilespmem:s13+$0x0] =	vst.add.f32.msk $0xffff, v1  }
0x2e4: {  	[tilespmem:s11+$0x0] =	vst.add.f32.msk $0xffff, v0  }
0x2e5: {  	[tilespmem:s14+$0x0] =	vst.add.f32.msk $0xffff, v1  }
0x2e6: {  	[tilespmem:s8+$0x0] =	vst.add.f32.msk $0xffff, v0  }
0x2e7: {  	s7 =	sld [smem:$0x7F5];
	_ =	sdelay $0x1  }
0x2e8: {  	s6 =	simm.s32 $0x0  }
0x2e9: {  	[hbm4b:s7+s6] =	stream.linear.scatter [tilespmem:s26], [sflag:$0x9], $0x8000, $0x38;
	[tilespmem:$0x1E000] =	vst v63  }
0x2ea: {  	_ =	swait.ge [sflag:s24], $0x8000  }
0x2eb: {  	[sflag:s24] =	ssyncset.done $0x0  }
0x2ec: {  	[sflag:s24] =	ssyncadd.s32 $0xFFFF8000  }
0x2ed: {  	_ =	swait.ge [sflag:s25], $0x2000  }
0x2ee: {  	[sflag:s25] =	ssyncset.done $0x0  }
0x2ef: {  	s13 =	simm.s32 $0x0;
	[sflag:s25] =	ssyncadd.s32 $0xFFFFE000  }
0x2f0: {  	s14 =	simm.s32 $0x0;
	s7 =	sand.u32 $0x7, s13;
	_ =	swait.ge [sflag:s4], $0x8000  }
0x2f1: {  	s8 =	sand.u32 $0x3FFFFF80, s14;
	s15 =	sshll.u32 s7, $0xA;
	s11 =	sld [smem:$0x7F9]  }
0x2f2: {  	s10 =	sand.u32 $0x40, s6;
	s8 =	sadd.s32 s8, s15;
	[sflag:s4] =	ssyncset.done $0x0  }
0x2f3: {  	s9 =	sor.u32 $0x30, s10;
	s8 =	sadd.s32 $0x18000, s8;
	[sflag:s4] =	ssyncadd.s32 $0xFFFF8000  }
0x2f4: {  	[tilespmem:s26], [sflag:$0x3] =	stream.linear.gather [hbm4b:s11+s6], $0x8000, $0x38;
	[tilespmem:$0x1E000] =	vst v63  }
0x2f5: {  	s16 =	sor.u32 s9, s8;
	s12 =	rddreg [dreg:$0x12]  }
0x2f6: {  	[tilespmem:s28], [sflag:$0x6] =	stream.linear.gather [hbm4b:s12+s6], $0x2000, $0x38;
	[tilespmem:$0x1E000] =	vst v63  }
0x2f7: {  	s18 =	simm.s32 $0x0;
	s17 =	sor.u32 s10, s8;
	v2 =	vld [tilespmem:s16+$0x0]  }
0x2f8: {  	s14 =	sand.u32 $0x3FFFF000, s18;
	s12 =	sor.u32 $0x10, s10;
	v3 =	vld [tilespmem:s17+$0x0]  }
0x2f9: {  	s13 =	sor.u32 $0x20, s10;
	s7 =	sshll.u32 s7, $0x9;
	s19 =	sor.u32 s12, s8  }
0x2fa: {  	s11 =	sor.u32 s7, s14;
	s8 =	sor.u32 s13, s8;
	v1 =	vld [tilespmem:s19+$0x0]  }
0x2fb: {  	s7 =	sor.u32 s9, s11;
	v0 =	vld [tilespmem:s8+$0x0]  }
0x2fc: {  	s17 =	sor.u32 s10, s11;
	[tilespmem:s7+$0x0] =	vst.add.f32.msk $0xffff, v2  }
0x2fd: {  	s15 =	sor.u32 $0x80, s7;
	[tilespmem:s17+$0x0] =	vst.add.f32.msk $0xffff, v3  }
0x2fe: {  	s18 =	sor.u32 $0x80, s17;
	[tilespmem:s15+$0x0] =	vst.add.f32.msk $0xffff, v2  }
0x2ff: {  	s16 =	sor.u32 $0x100, s7;
	[tilespmem:s18+$0x0] =	vst.add.f32.msk $0xffff, v3  }
0x300: {  	s9 =	sor.u32 s13, s11;
	s10 =	sor.u32 s12, s11;
	s19 =	sor.u32 $0x100, s17;
	[tilespmem:s16+$0x0] =	vst.add.f32.msk $0xffff, v2  }
0x301: {  	s12 =	sor.u32 $0x80, s9;
	s11 =	sor.u32 $0x100, s9;
	s7 =	sor.u32 $0x180, s7;
	[tilespmem:s19+$0x0] =	vst.add.f32.msk $0xffff, v3  }
0x302: {  	s13 =	sor.u32 $0x100, s10;
	s14 =	sor.u32 $0x180, s10;
	s16 =	sor.u32 $0x180, s17;
	[tilespmem:s7+$0x0] =	vst.add.f32.msk $0xffff, v2  }
0x303: {  	s8 =	sor.u32 $0x180, s9;
	s15 =	sor.u32 $0x80, s10;
	s7 =	simm.s32 $0x0;
	[tilespmem:s16+$0x0] =	vst.add.f32.msk $0xffff, v3  }
.LBB2_26:
0x304: {  	s7 =	sadd.s32 $0x4, s7;
	[tilespmem:s10+$0x0] =	vst.add.f32.msk $0xffff, v1  }
0x305: {  	s10 =	sshrl.u32 s7, $0x3;
	[tilespmem:s15+$0x0] =	vst.add.f32.msk $0xffff, v1  }
0x306: {  	s15 =	sshll.u32 s7, $0x1;
	s10 =	sand.u32 $0x7, s10;
	[tilespmem:s13+$0x0] =	vst.add.f32.msk $0xffff, v1  }
0x307: {  	s6 =	sadd.s32 $0x40, s6;
	s15 =	sand.u32 $0x3FFFFF80, s15;
	s13 =	sshll.u32 s10, $0xA;
	[tilespmem:s14+$0x0] =	vst.add.f32.msk $0xffff, v1  }
0x308: {  	p0 =	slt.u32 s7, $0x1FC;
	s14 =	sand.u32 $0x40, s6;
	s13 =	sadd.s32 s15, s13;
	[tilespmem:s9+$0x0] =	vst.add.f32.msk $0xffff, v0  }
0x309: {  	s15 =	sor.u32 $0x30, s14;
	s9 =	sadd.s32 $0x18000, s13;
	s13 =	sor.u32 $0x10, s14;
	[tilespmem:s12+$0x0] =	vst.add.f32.msk $0xffff, v0  }
0x30a: {  	s16 =	sor.u32 $0x20, s14;
	s12 =	sor.u32 s14, s9;
	s17 =	sor.u32 s15, s9;
	[tilespmem:s11+$0x0] =	vst.add.f32.msk $0xffff, v0  }
0x30b: {  	s11 =	sor.u32 s13, s9;
	s9 =	sor.u32 s16, s9;
	v2 =	vld [tilespmem:s17+$0x0]  }
0x30c: {  	v3 =	vld [tilespmem:s12+$0x0];
	s12 =	sshll.u32 s7, $0x6  }
0x30d: {  	s10 =	sshll.u32 s10, $0x9;
	s12 =	sand.u32 $0x3FFFF000, s12  }
0x30e: {  	v1 =	vld [tilespmem:s11+$0x0];
	s11 =	sor.u32 s10, s12  }
0x30f: {  	v4 =	vld [tilespmem:s9+$0x0];
	s17 =	sor.u32 s14, s11  }
0x310: {  	s10 =	sor.u32 s13, s11;
	s12 =	sor.u32 s15, s11;
	[tilespmem:s8+$0x0] =	vst.add.f32.msk $0xffff, v0;
	s9 =	sor.u32 s16, s11  }
0x311: {  	s18 =	sor.u32 $0x80, s17;
	[tilespmem:s12+$0x0] =	vst.add.f32.msk $0xffff, v2;
	s8 =	sor.u32 $0x80, s12;
	s16 =	sor.u32 $0x100, s17  }
0x312: {  	s19 =	sor.u32 $0x180, s17;
	s15 =	sor.u32 $0x80, s10;
	[tilespmem:s8+$0x0] =	vst.add.f32.msk $0xffff, v2;
	s8 =	sor.u32 $0x100, s12  }
0x313: {  	s13 =	sor.u32 $0x100, s10;
	s14 =	sor.u32 $0x180, s10;
	[tilespmem:s8+$0x0] =	vst.add.f32.msk $0xffff, v2;
	s8 =	sor.u32 $0x180, s12  }
.Ltmp12:
0x314: {  	s11 =	sor.u32 $0x100, s9;
	s12 =	sor.u32 $0x80, s9;
	[tilespmem:s8+$0x0] =	vst.add.f32.msk $0xffff, v2;
	(pc) =	sbr.rel @p0 .LBB2_26-.Ltmp12, $4  }
0x315: {  	s8 =	sor.u32 $0x180, s9;
	v0 =	vmov v4;
	[tilespmem:s17+$0x0] =	vst.add.f32.msk $0xffff, v3  }
0x316: {  	[tilespmem:s18+$0x0] =	vst.add.f32.msk $0xffff, v3  }
0x317: {  	[tilespmem:s16+$0x0] =	vst.add.f32.msk $0xffff, v3  }
0x318: {  	[tilespmem:s19+$0x0] =	vst.add.f32.msk $0xffff, v3  }
0x319: {  	[tilespmem:s10+$0x0] =	vst.add.f32.msk $0xffff, v1  }
0x31a: {  	[tilespmem:s9+$0x0] =	vst.add.f32.msk $0xffff, v0  }
0x31b: {  	[tilespmem:s15+$0x0] =	vst.add.f32.msk $0xffff, v1  }
0x31c: {  	[tilespmem:s12+$0x0] =	vst.add.f32.msk $0xffff, v0  }
0x31d: {  	[tilespmem:s13+$0x0] =	vst.add.f32.msk $0xffff, v1  }
0x31e: {  	[tilespmem:s11+$0x0] =	vst.add.f32.msk $0xffff, v0  }
0x31f: {  	[tilespmem:s14+$0x0] =	vst.add.f32.msk $0xffff, v1  }
0x320: {  	[tilespmem:s8+$0x0] =	vst.add.f32.msk $0xffff, v0  }
0x321: {  	s7 =	sld [smem:$0x7F7];
	_ =	sdelay $0x1  }
0x322: {  	s6 =	simm.s32 $0x0  }
0x323: {  	[hbm4b:s7+s6] =	stream.linear.scatter [tilespmem:s6], [sflag:$0x7], $0x8000, $0x38;
	[tilespmem:$0x1E000] =	vst v63  }
0x324: {  	_ =	swait.ge [sflag:s29], $0x8000  }
0x325: {  	[sflag:s29] =	ssyncset.done $0x0  }
0x326: {  	[sflag:s29] =	ssyncadd.s32 $0xFFFF8000  }
0x327: {  	_ =	swait.ge [sflag:s30], $0x2000  }
0x328: {  	[sflag:s30] =	ssyncset.done $0x0  }
0x329: {  	s13 =	simm.s32 $0x0;
	[sflag:s30] =	ssyncadd.s32 $0xFFFFE000  }
0x32a: {  	s14 =	simm.s32 $0x0;
	s7 =	sand.u32 $0x7, s13;
	_ =	swait.ge [sflag:s31], $0x8000  }
0x32b: {  	s8 =	sand.u32 $0x3FFFFF80, s14;
	s15 =	sshll.u32 s7, $0xA;
	s11 =	sld [smem:$0x7FA]  }
0x32c: {  	s10 =	sand.u32 $0x40, s6;
	s8 =	sadd.s32 s8, s15;
	[sflag:s31] =	ssyncset.done $0x0  }
0x32d: {  	s9 =	sor.u32 $0x30, s10;
	s8 =	sadd.s32 $0x1A000, s8;
	[sflag:s31] =	ssyncadd.s32 $0xFFFF8000  }
0x32e: {  	[tilespmem:s6], [sflag:$0x1] =	stream.linear.gather [hbm4b:s11+s6], $0x8000, $0x38;
	[tilespmem:$0x1E000] =	vst v63  }
0x32f: {  	s16 =	sor.u32 s9, s8;
	s12 =	rddreg [dreg:$0x13]  }
0x330: {  	[tilespmem:s21], [sflag:$0x4] =	stream.linear.gather [hbm4b:s12+s6], $0x2000, $0x38;
	[tilespmem:$0x1E000] =	vst v63  }
0x331: {  	s17 =	simm.s32 $0x0;
	s18 =	sor.u32 s10, s8;
	v2 =	vld [tilespmem:s16+$0x0]  }
0x332: {  	s13 =	sand.u32 $0x3FFFF000, s17;
	s7 =	sshll.u32 s7, $0x9;
	s12 =	sor.u32 $0x10, s10;
	v3 =	vld [tilespmem:s18+$0x0]  }
0x333: {  	s14 =	sor.u32 $0x20, s10;
	s7 =	sor.u32 s7, s13;
	s19 =	sor.u32 s12, s8  }
0x334: {  	s13 =	sadd.s32 $0x8000, s7;
	s8 =	sor.u32 s14, s8;
	v1 =	vld [tilespmem:s19+$0x0]  }
0x335: {  	s7 =	sor.u32 s9, s13;
	v0 =	vld [tilespmem:s8+$0x0]  }
0x336: {  	s17 =	sor.u32 s10, s13;
	[tilespmem:s7+$0x0] =	vst.add.f32.msk $0xffff, v2  }
0x337: {  	s15 =	sor.u32 $0x80, s7;
	[tilespmem:s17+$0x0] =	vst.add.f32.msk $0xffff, v3  }
0x338: {  	s18 =	sor.u32 $0x80, s17;
	[tilespmem:s15+$0x0] =	vst.add.f32.msk $0xffff, v2  }
0x339: {  	s9 =	sor.u32 s14, s13;
	s16 =	sor.u32 $0x100, s7;
	[tilespmem:s18+$0x0] =	vst.add.f32.msk $0xffff, v3  }
0x33a: {  	s11 =	sor.u32 $0x100, s9;
	s19 =	sor.u32 $0x100, s17;
	[tilespmem:s16+$0x0] =	vst.add.f32.msk $0xffff, v2  }
0x33b: {  	s10 =	sor.u32 s12, s13;
	s12 =	sor.u32 $0x80, s9;
	s7 =	sor.u32 $0x180, s7;
	[tilespmem:s19+$0x0] =	vst.add.f32.msk $0xffff, v3  }
0x33c: {  	s13 =	sor.u32 $0x100, s10;
	s14 =	sor.u32 $0x180, s10;
	s16 =	sor.u32 $0x180, s17;
	[tilespmem:s7+$0x0] =	vst.add.f32.msk $0xffff, v2  }
0x33d: {  	s8 =	sor.u32 $0x180, s9;
	s15 =	sor.u32 $0x80, s10;
	s7 =	simm.s32 $0x0;
	[tilespmem:s16+$0x0] =	vst.add.f32.msk $0xffff, v3  }
.LBB2_28:
0x33e: {  	s7 =	sadd.s32 $0x4, s7;
	[tilespmem:s10+$0x0] =	vst.add.f32.msk $0xffff, v1  }
0x33f: {  	s6 =	sadd.s32 $0x40, s6;
	s10 =	sshrl.u32 s7, $0x3;
	[tilespmem:s15+$0x0] =	vst.add.f32.msk $0xffff, v1  }
0x340: {  	s15 =	sshll.u32 s7, $0x1;
	p0 =	slt.u32 s7, $0x1FC;
	s10 =	sand.u32 $0x7, s10;
	[tilespmem:s13+$0x0] =	vst.add.f32.msk $0xffff, v1  }
0x341: {  	s15 =	sand.u32 $0x3FFFFF80, s15;
	s13 =	sshll.u32 s10, $0xA;
	[tilespmem:s14+$0x0] =	vst.add.f32.msk $0xffff, v1;
	s14 =	sand.u32 $0x40, s6  }
0x342: {  	s10 =	sshll.u32 s10, $0x9;
	s13 =	sadd.s32 s15, s13;
	[tilespmem:s9+$0x0] =	vst.add.f32.msk $0xffff, v0;
	s15 =	sor.u32 $0x30, s14  }
0x343: {  	s16 =	sor.u32 $0x20, s14;
	s9 =	sadd.s32 $0x1A000, s13;
	s13 =	sor.u32 $0x10, s14;
	[tilespmem:s12+$0x0] =	vst.add.f32.msk $0xffff, v0  }
0x344: {  	s12 =	sor.u32 s14, s9;
	s17 =	sor.u32 s15, s9;
	[tilespmem:s11+$0x0] =	vst.add.f32.msk $0xffff, v0;
	s11 =	sshll.u32 s7, $0x6  }
0x345: {  	s18 =	sor.u32 s13, s9;
	s9 =	sor.u32 s16, s9;
	v2 =	vld [tilespmem:s17+$0x0];
	s11 =	sand.u32 $0x3FFFF000, s11  }
0x346: {  	v3 =	vld [tilespmem:s12+$0x0];
	s10 =	sor.u32 s10, s11  }
0x347: {  	v1 =	vld [tilespmem:s18+$0x0];
	s11 =	sadd.s32 $0x8000, s10  }
0x348: {  	v4 =	vld [tilespmem:s9+$0x0];
	s17 =	sor.u32 s14, s11  }
0x349: {  	s10 =	sor.u32 s13, s11;
	s12 =	sor.u32 s15, s11;
	s9 =	sor.u32 s16, s11;
	[tilespmem:s8+$0x0] =	vst.add.f32.msk $0xffff, v0  }
0x34a: {  	s18 =	sor.u32 $0x80, s17;
	s8 =	sor.u32 $0x80, s12;
	s16 =	sor.u32 $0x100, s17;
	[tilespmem:s12+$0x0] =	vst.add.f32.msk $0xffff, v2  }
0x34b: {  	s19 =	sor.u32 $0x180, s17;
	s15 =	sor.u32 $0x80, s10;
	[tilespmem:s8+$0x0] =	vst.add.f32.msk $0xffff, v2;
	s8 =	sor.u32 $0x100, s12  }
0x34c: {  	s13 =	sor.u32 $0x100, s10;
	s14 =	sor.u32 $0x180, s10;
	[tilespmem:s8+$0x0] =	vst.add.f32.msk $0xffff, v2;
	s8 =	sor.u32 $0x180, s12  }
.Ltmp13:
0x34d: {  	s11 =	sor.u32 $0x100, s9;
	s12 =	sor.u32 $0x80, s9;
	[tilespmem:s8+$0x0] =	vst.add.f32.msk $0xffff, v2;
	(pc) =	sbr.rel @p0 .LBB2_28-.Ltmp13, $4  }
0x34e: {  	s8 =	sor.u32 $0x180, s9;
	v0 =	vmov v4;
	[tilespmem:s17+$0x0] =	vst.add.f32.msk $0xffff, v3  }
0x34f: {  	[tilespmem:s18+$0x0] =	vst.add.f32.msk $0xffff, v3  }
0x350: {  	[tilespmem:s16+$0x0] =	vst.add.f32.msk $0xffff, v3  }
0x351: {  	[tilespmem:s19+$0x0] =	vst.add.f32.msk $0xffff, v3  }
0x352: {  	[tilespmem:s10+$0x0] =	vst.add.f32.msk $0xffff, v1  }
0x353: {  	[tilespmem:s9+$0x0] =	vst.add.f32.msk $0xffff, v0  }
0x354: {  	[tilespmem:s15+$0x0] =	vst.add.f32.msk $0xffff, v1  }
0x355: {  	[tilespmem:s12+$0x0] =	vst.add.f32.msk $0xffff, v0  }
0x356: {  	[tilespmem:s13+$0x0] =	vst.add.f32.msk $0xffff, v1  }
0x357: {  	[tilespmem:s11+$0x0] =	vst.add.f32.msk $0xffff, v0  }
0x358: {  	[tilespmem:s14+$0x0] =	vst.add.f32.msk $0xffff, v1  }
0x359: {  	[tilespmem:s8+$0x0] =	vst.add.f32.msk $0xffff, v0  }
0x35a: {  	s7 =	sld [smem:$0x7FB];
	_ =	sdelay $0x1  }
0x35b: {  	s6 =	simm.s32 $0x0  }
0x35c: {  	[hbm4b:s7+s6] =	stream.linear.scatter [tilespmem:s22], [sflag:$0x8], $0x8000, $0x38;
	[tilespmem:$0x1E000] =	vst v63  }
0x35d: {  	s13 =	simm.s32 $0x0;
	_ =	swait.ge [sflag:s0], $0x8000  }
0x35e: {  	s14 =	simm.s32 $0x0;
	s7 =	sand.u32 $0x7, s13;
	[sflag:s0] =	ssyncset.done $0x0  }
0x35f: {  	s8 =	sand.u32 $0x3FFFFF80, s14;
	s15 =	sshll.u32 s7, $0xA;
	[sflag:s0] =	ssyncadd.s32 $0xFFFF8000  }
0x360: {  	s10 =	sand.u32 $0x40, s6;
	s8 =	sadd.s32 s8, s15;
	_ =	swait.ge [sflag:s2], $0x2000  }
0x361: {  	s9 =	sor.u32 $0x30, s10;
	s8 =	sadd.s32 $0x1C000, s8;
	[sflag:s2] =	ssyncset.done $0x0  }
0x362: {  	s16 =	sor.u32 s9, s8;
	[sflag:s2] =	ssyncadd.s32 $0xFFFFE000  }
0x363: {  	s17 =	simm.s32 $0x0;
	s18 =	sor.u32 s10, s8;
	v2 =	vld [tilespmem:s16+$0x0]  }
0x364: {  	s12 =	sor.u32 $0x10, s10;
	s13 =	sand.u32 $0x3FFFF000, s17;
	s7 =	sshll.u32 s7, $0x9;
	v3 =	vld [tilespmem:s18+$0x0]  }
0x365: {  	s14 =	sor.u32 $0x20, s10;
	s7 =	sor.u32 s7, s13;
	s19 =	sor.u32 s12, s8  }
0x366: {  	s13 =	sadd.s32 $0x10000, s7;
	s8 =	sor.u32 s14, s8;
	v1 =	vld [tilespmem:s19+$0x0]  }
0x367: {  	s7 =	sor.u32 s9, s13;
	v0 =	vld [tilespmem:s8+$0x0]  }
0x368: {  	s17 =	sor.u32 s10, s13;
	[tilespmem:s7+$0x0] =	vst.add.f32.msk $0xffff, v2  }
0x369: {  	s15 =	sor.u32 $0x80, s7;
	[tilespmem:s17+$0x0] =	vst.add.f32.msk $0xffff, v3  }
0x36a: {  	s18 =	sor.u32 $0x80, s17;
	[tilespmem:s15+$0x0] =	vst.add.f32.msk $0xffff, v2  }
0x36b: {  	s16 =	sor.u32 $0x100, s7;
	[tilespmem:s18+$0x0] =	vst.add.f32.msk $0xffff, v3  }
0x36c: {  	s10 =	sor.u32 s12, s13;
	s9 =	sor.u32 s14, s13;
	s19 =	sor.u32 $0x100, s17;
	[tilespmem:s16+$0x0] =	vst.add.f32.msk $0xffff, v2  }
0x36d: {  	s13 =	sor.u32 $0x100, s10;
	s14 =	sor.u32 $0x180, s10;
	s7 =	sor.u32 $0x180, s7;
	[tilespmem:s19+$0x0] =	vst.add.f32.msk $0xffff, v3  }
0x36e: {  	s12 =	sor.u32 $0x80, s9;
	s11 =	sor.u32 $0x100, s9;
	s16 =	sor.u32 $0x180, s17;
	[tilespmem:s7+$0x0] =	vst.add.f32.msk $0xffff, v2  }
0x36f: {  	s8 =	sor.u32 $0x180, s9;
	s15 =	sor.u32 $0x80, s10;
	s7 =	simm.s32 $0x0;
	[tilespmem:s16+$0x0] =	vst.add.f32.msk $0xffff, v3  }
.LBB2_30:
0x370: {  	s7 =	sadd.s32 $0x4, s7;
	[tilespmem:s10+$0x0] =	vst.add.f32.msk $0xffff, v1  }
0x371: {  	s6 =	sadd.s32 $0x40, s6;
	s10 =	sshrl.u32 s7, $0x3;
	[tilespmem:s15+$0x0] =	vst.add.f32.msk $0xffff, v1  }
0x372: {  	s15 =	sshll.u32 s7, $0x1;
	p0 =	slt.u32 s7, $0x1FC;
	s10 =	sand.u32 $0x7, s10;
	[tilespmem:s13+$0x0] =	vst.add.f32.msk $0xffff, v1  }
0x373: {  	s15 =	sand.u32 $0x3FFFFF80, s15;
	s13 =	sshll.u32 s10, $0xA;
	[tilespmem:s14+$0x0] =	vst.add.f32.msk $0xffff, v1;
	s14 =	sand.u32 $0x40, s6  }
0x374: {  	s10 =	sshll.u32 s10, $0x9;
	s13 =	sadd.s32 s15, s13;
	[tilespmem:s9+$0x0] =	vst.add.f32.msk $0xffff, v0;
	s15 =	sor.u32 $0x30, s14  }
0x375: {  	s16 =	sor.u32 $0x20, s14;
	s9 =	sadd.s32 $0x1C000, s13;
	s13 =	sor.u32 $0x10, s14;
	[tilespmem:s12+$0x0] =	vst.add.f32.msk $0xffff, v0  }
0x376: {  	s12 =	sor.u32 s14, s9;
	s17 =	sor.u32 s15, s9;
	[tilespmem:s11+$0x0] =	vst.add.f32.msk $0xffff, v0;
	s11 =	sshll.u32 s7, $0x6  }
0x377: {  	s18 =	sor.u32 s13, s9;
	s9 =	sor.u32 s16, s9;
	v2 =	vld [tilespmem:s17+$0x0];
	s11 =	sand.u32 $0x3FFFF000, s11  }
0x378: {  	v3 =	vld [tilespmem:s12+$0x0];
	s10 =	sor.u32 s10, s11  }
0x379: {  	v1 =	vld [tilespmem:s18+$0x0];
	s11 =	sadd.s32 $0x10000, s10  }
0x37a: {  	v4 =	vld [tilespmem:s9+$0x0];
	s17 =	sor.u32 s14, s11  }
0x37b: {  	s10 =	sor.u32 s13, s11;
	s12 =	sor.u32 s15, s11;
	s9 =	sor.u32 s16, s11;
	[tilespmem:s8+$0x0] =	vst.add.f32.msk $0xffff, v0  }
0x37c: {  	s18 =	sor.u32 $0x80, s17;
	s8 =	sor.u32 $0x80, s12;
	s16 =	sor.u32 $0x100, s17;
	[tilespmem:s12+$0x0] =	vst.add.f32.msk $0xffff, v2  }
0x37d: {  	s19 =	sor.u32 $0x180, s17;
	s15 =	sor.u32 $0x80, s10;
	[tilespmem:s8+$0x0] =	vst.add.f32.msk $0xffff, v2;
	s8 =	sor.u32 $0x100, s12  }
0x37e: {  	s13 =	sor.u32 $0x100, s10;
	s14 =	sor.u32 $0x180, s10;
	[tilespmem:s8+$0x0] =	vst.add.f32.msk $0xffff, v2;
	s8 =	sor.u32 $0x180, s12  }
.Ltmp14:
0x37f: {  	s11 =	sor.u32 $0x100, s9;
	s12 =	sor.u32 $0x80, s9;
	[tilespmem:s8+$0x0] =	vst.add.f32.msk $0xffff, v2;
	(pc) =	sbr.rel @p0 .LBB2_30-.Ltmp14, $4  }
0x380: {  	s8 =	sor.u32 $0x180, s9;
	v0 =	vmov v4;
	[tilespmem:s17+$0x0] =	vst.add.f32.msk $0xffff, v3  }
0x381: {  	[tilespmem:s18+$0x0] =	vst.add.f32.msk $0xffff, v3  }
0x382: {  	[tilespmem:s16+$0x0] =	vst.add.f32.msk $0xffff, v3  }
0x383: {  	[tilespmem:s19+$0x0] =	vst.add.f32.msk $0xffff, v3  }
0x384: {  	[tilespmem:s10+$0x0] =	vst.add.f32.msk $0xffff, v1  }
0x385: {  	[tilespmem:s9+$0x0] =	vst.add.f32.msk $0xffff, v0  }
0x386: {  	[tilespmem:s15+$0x0] =	vst.add.f32.msk $0xffff, v1  }
0x387: {  	[tilespmem:s12+$0x0] =	vst.add.f32.msk $0xffff, v0  }
0x388: {  	[tilespmem:s13+$0x0] =	vst.add.f32.msk $0xffff, v1  }
0x389: {  	[tilespmem:s11+$0x0] =	vst.add.f32.msk $0xffff, v0  }
0x38a: {  	[tilespmem:s14+$0x0] =	vst.add.f32.msk $0xffff, v1  }
0x38b: {  	[tilespmem:s8+$0x0] =	vst.add.f32.msk $0xffff, v0  }
0x38c: {  	s7 =	sld [smem:$0x7FC];
	_ =	sdelay $0x1  }
0x38d: {  	s6 =	simm.s32 $0x0  }
0x38e: {  	[hbm4b:s7+s6] =	stream.linear.scatter [tilespmem:s26], [sflag:$0x9], $0x8000, $0x38;
	[tilespmem:$0x1E000] =	vst v63  }
0x38f: {  	s13 =	simm.s32 $0x0;
	_ =	swait.ge [sflag:s24], $0x8000  }
0x390: {  	s14 =	simm.s32 $0x0;
	s7 =	sand.u32 $0x7, s13;
	[sflag:s24] =	ssyncset.done $0x0  }
0x391: {  	s8 =	sand.u32 $0x3FFFFF80, s14;
	s15 =	sshll.u32 s7, $0xA;
	[sflag:s24] =	ssyncadd.s32 $0xFFFF8000  }
0x392: {  	s10 =	sand.u32 $0x40, s6;
	s8 =	sadd.s32 s8, s15;
	_ =	swait.ge [sflag:s25], $0x2000  }
0x393: {  	s9 =	sor.u32 $0x30, s10;
	s8 =	sadd.s32 $0x18000, s8;
	[sflag:s25] =	ssyncset.done $0x0  }
0x394: {  	s16 =	sor.u32 s9, s8;
	[sflag:s25] =	ssyncadd.s32 $0xFFFFE000  }
0x395: {  	s18 =	simm.s32 $0x0;
	s17 =	sor.u32 s10, s8;
	v2 =	vld [tilespmem:s16+$0x0]  }
0x396: {  	s12 =	sor.u32 $0x10, s10;
	s14 =	sand.u32 $0x3FFFF000, s18;
	v3 =	vld [tilespmem:s17+$0x0]  }
0x397: {  	s13 =	sor.u32 $0x20, s10;
	s7 =	sshll.u32 s7, $0x9;
	s19 =	sor.u32 s12, s8  }
0x398: {  	s11 =	sor.u32 s7, s14;
	s8 =	sor.u32 s13, s8;
	v1 =	vld [tilespmem:s19+$0x0]  }
0x399: {  	s7 =	sor.u32 s9, s11;
	v0 =	vld [tilespmem:s8+$0x0]  }
0x39a: {  	s17 =	sor.u32 s10, s11;
	[tilespmem:s7+$0x0] =	vst.add.f32.msk $0xffff, v2  }
0x39b: {  	s15 =	sor.u32 $0x80, s7;
	[tilespmem:s17+$0x0] =	vst.add.f32.msk $0xffff, v3  }
0x39c: {  	s18 =	sor.u32 $0x80, s17;
	[tilespmem:s15+$0x0] =	vst.add.f32.msk $0xffff, v2  }
0x39d: {  	s16 =	sor.u32 $0x100, s7;
	[tilespmem:s18+$0x0] =	vst.add.f32.msk $0xffff, v3  }
0x39e: {  	s9 =	sor.u32 s13, s11;
	s10 =	sor.u32 s12, s11;
	s19 =	sor.u32 $0x100, s17;
	[tilespmem:s16+$0x0] =	vst.add.f32.msk $0xffff, v2  }
0x39f: {  	s12 =	sor.u32 $0x80, s9;
	s11 =	sor.u32 $0x100, s9;
	s7 =	sor.u32 $0x180, s7;
	[tilespmem:s19+$0x0] =	vst.add.f32.msk $0xffff, v3  }
0x3a0: {  	s8 =	sor.u32 $0x180, s9;
	s13 =	sor.u32 $0x100, s10;
	s16 =	sor.u32 $0x180, s17;
	[tilespmem:s7+$0x0] =	vst.add.f32.msk $0xffff, v2  }
0x3a1: {  	s14 =	sor.u32 $0x180, s10;
	s15 =	sor.u32 $0x80, s10;
	s7 =	simm.s32 $0x0;
	[tilespmem:s16+$0x0] =	vst.add.f32.msk $0xffff, v3  }
.LBB2_32:
0x3a2: {  	s7 =	sadd.s32 $0x4, s7;
	[tilespmem:s10+$0x0] =	vst.add.f32.msk $0xffff, v1  }
0x3a3: {  	s10 =	sshrl.u32 s7, $0x3;
	[tilespmem:s15+$0x0] =	vst.add.f32.msk $0xffff, v1  }
0x3a4: {  	s15 =	sshll.u32 s7, $0x1;
	s10 =	sand.u32 $0x7, s10;
	[tilespmem:s13+$0x0] =	vst.add.f32.msk $0xffff, v1  }
0x3a5: {  	s6 =	sadd.s32 $0x40, s6;
	s15 =	sand.u32 $0x3FFFFF80, s15;
	s13 =	sshll.u32 s10, $0xA;
	[tilespmem:s14+$0x0] =	vst.add.f32.msk $0xffff, v1  }
0x3a6: {  	p0 =	slt.u32 s7, $0x1FC;
	s14 =	sand.u32 $0x40, s6;
	s13 =	sadd.s32 s15, s13;
	[tilespmem:s9+$0x0] =	vst.add.f32.msk $0xffff, v0  }
0x3a7: {  	s15 =	sor.u32 $0x30, s14;
	s9 =	sadd.s32 $0x18000, s13;
	s13 =	sor.u32 $0x10, s14;
	[tilespmem:s12+$0x0] =	vst.add.f32.msk $0xffff, v0  }
0x3a8: {  	s16 =	sor.u32 $0x20, s14;
	s12 =	sor.u32 s14, s9;
	s17 =	sor.u32 s15, s9;
	[tilespmem:s11+$0x0] =	vst.add.f32.msk $0xffff, v0  }
0x3a9: {  	s11 =	sor.u32 s13, s9;
	s9 =	sor.u32 s16, s9;
	v2 =	vld [tilespmem:s17+$0x0]  }
0x3aa: {  	v3 =	vld [tilespmem:s12+$0x0];
	s12 =	sshll.u32 s7, $0x6  }
0x3ab: {  	s10 =	sshll.u32 s10, $0x9;
	s12 =	sand.u32 $0x3FFFF000, s12  }
0x3ac: {  	v1 =	vld [tilespmem:s11+$0x0];
	s11 =	sor.u32 s10, s12  }
0x3ad: {  	v4 =	vld [tilespmem:s9+$0x0];
	s17 =	sor.u32 s14, s11  }
0x3ae: {  	s10 =	sor.u32 s13, s11;
	s12 =	sor.u32 s15, s11;
	[tilespmem:s8+$0x0] =	vst.add.f32.msk $0xffff, v0;
	s9 =	sor.u32 s16, s11  }
0x3af: {  	s18 =	sor.u32 $0x80, s17;
	[tilespmem:s12+$0x0] =	vst.add.f32.msk $0xffff, v2;
	s8 =	sor.u32 $0x80, s12;
	s16 =	sor.u32 $0x100, s17  }
0x3b0: {  	s19 =	sor.u32 $0x180, s17;
	s15 =	sor.u32 $0x80, s10;
	[tilespmem:s8+$0x0] =	vst.add.f32.msk $0xffff, v2;
	s8 =	sor.u32 $0x100, s12  }
0x3b1: {  	s13 =	sor.u32 $0x100, s10;
	s14 =	sor.u32 $0x180, s10;
	[tilespmem:s8+$0x0] =	vst.add.f32.msk $0xffff, v2;
	s8 =	sor.u32 $0x180, s12  }
.Ltmp15:
0x3b2: {  	s11 =	sor.u32 $0x100, s9;
	s12 =	sor.u32 $0x80, s9;
	[tilespmem:s8+$0x0] =	vst.add.f32.msk $0xffff, v2;
	(pc) =	sbr.rel @p0 .LBB2_32-.Ltmp15, $4  }
0x3b3: {  	s8 =	sor.u32 $0x180, s9;
	v0 =	vmov v4;
	[tilespmem:s17+$0x0] =	vst.add.f32.msk $0xffff, v3  }
0x3b4: {  	[tilespmem:s18+$0x0] =	vst.add.f32.msk $0xffff, v3  }
0x3b5: {  	[tilespmem:s16+$0x0] =	vst.add.f32.msk $0xffff, v3  }
0x3b6: {  	[tilespmem:s19+$0x0] =	vst.add.f32.msk $0xffff, v3  }
0x3b7: {  	[tilespmem:s10+$0x0] =	vst.add.f32.msk $0xffff, v1  }
0x3b8: {  	[tilespmem:s9+$0x0] =	vst.add.f32.msk $0xffff, v0  }
0x3b9: {  	[tilespmem:s15+$0x0] =	vst.add.f32.msk $0xffff, v1  }
0x3ba: {  	[tilespmem:s12+$0x0] =	vst.add.f32.msk $0xffff, v0  }
0x3bb: {  	[tilespmem:s13+$0x0] =	vst.add.f32.msk $0xffff, v1  }
0x3bc: {  	[tilespmem:s11+$0x0] =	vst.add.f32.msk $0xffff, v0  }
0x3bd: {  	[tilespmem:s14+$0x0] =	vst.add.f32.msk $0xffff, v1  }
0x3be: {  	[tilespmem:s8+$0x0] =	vst.add.f32.msk $0xffff, v0  }
0x3bf: {  	s6 =	sld [smem:$0x7FD];
	_ =	sdelay $0x2  }
0x3c0: {  	[hbm4b:s6+s1] =	stream.linear.scatter [tilespmem:s1], [sflag:$0x7], $0x8000, $0x38;
	[tilespmem:$0x1E000] =	vst v63  }
0x3c1: {  	_ =	swait.ge [sflag:s31], $0x8000  }
0x3c2: {  	[sflag:s31] =	ssyncset.done $0x0  }
0x3c3: {  	s5 =	sadd.s32 $0x1, s5;
	[sflag:s31] =	ssyncadd.s32 $0xFFFF8000  }
0x3c4: {  	p0 =	sne.s32 s5, s20;
	_ =	swait.ge [sflag:s3], $0x8000  }
.Ltmp16:
0x3c5: {  	[sflag:s3] =	ssyncset.done $0x0;
	(pc) =	sbr.rel @p0 .LBB2_1-.Ltmp16, $4  }
0x3c6: {  	[sflag:s3] =	ssyncadd.s32 $0xFFFF8000  }
0x3c7: {  	_ =	swait.ge [sflag:s4], $0x8000  }
0x3c8: {  	[sflag:s4] =	ssyncset.done $0x0  }
0x3c9: {  	[sflag:s4] =	ssyncadd.s32 $0xFFFF8000  }
0x3ca: {  	_ =	sfence.sel $0x180000  }
0x3cb: {  	[bflag:$0x0] =	sbarrier.arrive $0xFFFF  }
0x3cc: {  	_ =	strace $0x90000047  }
0x3cd: {  	s0 =	stileid.u32;
	[bflag:$0x2] =	sbarrier.arrive $0xFFFF  }
0x3ce: {  	p0 =	sne.s32 s0, $0x0;
	s0 =	rddreg [dreg:$0x3]  }
0x3cf: {  	s0 =	sadd.s32 @!p0 $0x100000, s0  }
0x3d0: {  	[sflag:s0] =	ssyncadd.tile.s32 @!p0 $0x1;
	_ =	shalt  }
.Lfunc_end2:
_tile_overlayer_lowered:
.L_overlay_start_2:
0x3d1: {  	(tag) =	ssettag $0x2  }
0x3d2: {  	s0 =	rddreg [dreg:$0x0];
	s2 =	stileid.u32  }
0x3d3: {  	s1 =	rddreg [dreg:$0x1];
	p0 =	sne.s32 s2, $0x0  }
0x3d4: {  	s3 =	rddreg [dreg:$0x2];
	[bflag:$0x3] =	sbarrier.arrive $0xFFFF;
	s2 =	simm.s32 @!p0 $0x1C0A  }
0x3d5: {  	[timem:s3], [sflag:s2] =	dma.local @!p0 [hbm:s0], s1  }
0x3d6: {  	s0 =	simm.s32 @!p0 $0xA  }
0x3d7: {  	_ =	swait.ge @!p0 [sflag:s0], s1  }
0x3d8: {  	s1 =	ssub.s32 @!p0 $0x0, s1;
	[sflag:s0] =	ssyncset.done @!p0 $0x0  }
0x3d9: {  	[sflag:s0] =	ssyncadd.s32 @!p0 s1  }
0x3da: {  	[bflag:$0x3] =	sbarrier.arrive $0xFFFF  }
0x3db: {  	_ =	shalt  }

</sc_bundles>
